<compile_context>
chip_gen: v7x
topology: tpu7x:2x2x1
jax: 0.10.2.dev20260603
libtpu: 0.0.44.dev20260713+nightly
codegen_flags: <defaults>
</compile_context>

<pallas_src>
import functools

import jax
import jax.numpy as jnp
from jax import lax
from jax.experimental import pallas as pl
from jax.experimental.pallas import tpu as pltpu
from jax.experimental.pallas import tpu_sc as plsc

NW = 32
CH = 2048
GB = 128
NG = CH // GB
LANES = 16


def _sc_body(ppw, nch, pairs_hbm, packed_hbm, af_hbm, bf_hbm,
             consts_hbm, out_hbm, idx_bufs, rows_bufs, ene_bufs,
             consts_v, a_v, b_v, tab_sh, sem_x, sem_g, sem_o):
    wid = lax.axis_index("s") * 2 + lax.axis_index("c")
    base = wid * ppw

    @pl.when(lax.axis_index("s") == 0)
    def _():
        pltpu.sync_copy(packed_hbm, tab_sh)

    plsc.subcore_barrier()

    pltpu.sync_copy(consts_hbm, consts_v)
    pltpu.sync_copy(af_hbm, a_v)
    pltpu.sync_copy(bf_hbm, b_v)

    ibx = consts_v[pl.ds(0, LANES)]
    iby = consts_v[pl.ds(16, LANES)]
    ibz = consts_v[pl.ds(32, LANES)]
    lbx = consts_v[pl.ds(48, LANES)]
    lby = consts_v[pl.ds(64, LANES)]
    lbz = consts_v[pl.ds(80, LANES)]
    cut = consts_v[pl.ds(96, LANES)]
    zero = jnp.zeros((LANES,), jnp.float32)
    half = zero + 0.5
    one = zero + 1.0

    iota = lax.iota(jnp.int32, LANES)
    col0 = jnp.zeros((LANES,), jnp.int32)
    col1 = col0 + 1
    col2 = col0 + 2
    col3 = col0 + 3

    def bf16r(v):
        b = plsc.bitcast(v, jnp.int32)
        lsb = lax.shift_right_logical(b, 16) & 1
        b = b + lsb + jnp.int32(0x7FFF)
        b = b & jnp.int32(-65536)
        return plsc.bitcast(b, jnp.float32)

    def wrap(d, ib, lb):
        f = bf16r(d) * ib
        g = (f + 12582912.0) - 12582912.0
        return bf16r(f - g) * lb

    def issue_idx(c, q):
        row_off = (base + c * CH) // GB
        pltpu.async_copy(pairs_hbm.at[pl.ds(row_off, NG)],
                         idx_bufs[q], sem_x[q])

    def issue_gather(q, rp):
        idx_b = idx_bufs[q]
        rows_i, rows_j = rows_bufs[rp]
        pltpu.make_async_copy(pairs_hbm.at[pl.ds(0, NG)], idx_b,
                              sem_x[q]).wait()
        for g in range(NG):
            pltpu.async_copy(tab_sh.at[idx_b.at[g, 0]],
                             rows_i.at[pl.ds(g * GB, GB)], sem_g[2 * rp])
            pltpu.async_copy(tab_sh.at[idx_b.at[g, 1]],
                             rows_j.at[pl.ds(g * GB, GB)], sem_g[2 * rp + 1])

    def compute(c, rp, ep):
        rows_i, rows_j = rows_bufs[rp]
        ene_b = ene_bufs[ep]
        dummy = packed_hbm.at[pl.ds(0, CH)]
        pltpu.make_async_copy(dummy, rows_i, sem_g[2 * rp]).wait()
        pltpu.make_async_copy(dummy, rows_j, sem_g[2 * rp + 1]).wait()

        @pl.when(c >= 2)
        def _():
            pltpu.make_async_copy(ene_b, out_hbm.at[pl.ds(0, CH)],
                                  sem_o[ep]).wait()

        @plsc.parallel_loop(0, CH // LANES, unroll=4)
        def _step(k):
            s = k * LANES
            ridx = iota + s
            xi = plsc.load_gather(rows_i, [ridx, col0])
            yi = plsc.load_gather(rows_i, [ridx, col1])
            zi = plsc.load_gather(rows_i, [ridx, col2])
            ti = plsc.load_gather(rows_i, [ridx, col3])
            xj = plsc.load_gather(rows_j, [ridx, col0])
            yj = plsc.load_gather(rows_j, [ridx, col1])
            zj = plsc.load_gather(rows_j, [ridx, col2])
            tj = plsc.load_gather(rows_j, [ridx, col3])

            dx = wrap(xj - xi, ibx, lbx)
            dy = wrap(yj - yi, iby, lby)
            dz = wrap(zj - zi, ibz, lbz)
            d2 = dx * dx + (dy * dy + dz * dz)

            bits = plsc.bitcast(d2, jnp.int32)
            seed = jnp.int32(0x5F3759DF) - lax.shift_right_logical(bits, 1)
            y = plsc.bitcast(seed, jnp.float32)
            hd = 0.5 * d2
            y = y * (1.5 - hd * y * y)
            y = y * (1.5 - hd * y * y)
            r = d2 * y

            tcomb = (ti * 16.0 + tj).astype(jnp.int32)
            a = plsc.load_gather(a_v, [tcomb])
            b = plsc.load_gather(b_v, [tcomb])

            x = b * r
            poly = x * (x * (1.0 / 3.0) + 1.0) + 1.0
            e = a * poly * jnp.exp(-x)
            e = jnp.where(r <= cut, e, zero)
            ene_b[pl.ds(s, LANES)] = e

        pltpu.async_copy(ene_b, out_hbm.at[pl.ds(base + c * CH, CH)],
                         sem_o[ep])

    issue_idx(0, 0)
    issue_gather(0, 0)
    issue_idx(1, 1)

    @pl.loop(0, nch // 2)
    def _it(it):
        c0 = it * 2
        c1 = c0 + 1
        issue_gather(1, 1)
        compute(c0, 0, 0)

        @pl.when(c0 + 2 < nch)
        def _():
            issue_idx(c0 + 2, 0)
            issue_gather(0, 0)
            issue_idx(c1 + 2, 1)

        compute(c1, 1, 1)

    pltpu.make_async_copy(ene_bufs[0], out_hbm.at[pl.ds(0, CH)],
                          sem_o[0]).wait()
    pltpu.make_async_copy(ene_bufs[1], out_hbm.at[pl.ds(0, CH)],
                          sem_o[1]).wait()


def _body_wrapper(ppw, nch, pairs_hbm, packed_hbm, af_hbm, bf_hbm,
                  consts_hbm, out_hbm,
                  ix0, ix1, ri0, rj0, ri1, rj1, eb0, eb1,
                  consts_v, a_v, b_v, tab_sh,
                  sx0, sx1, sg0, sg1, sg2, sg3, so0, so1):
    _sc_body(ppw, nch, pairs_hbm, packed_hbm, af_hbm, bf_hbm,
             consts_hbm, out_hbm,
             [ix0, ix1], [(ri0, rj0), (ri1, rj1)], [eb0, eb1],
             consts_v, a_v, b_v, tab_sh,
             [sx0, sx1], [sg0, sg1, sg2, sg3], [so0, so1])


def kernel(coords, pairs, box, A, B, cutoff, atom_types):
    n = coords.shape[0]
    p = pairs.shape[0]
    nch = -(-p // (NW * CH))
    if nch % 2:
        nch += 1
    ppw = nch * CH
    p_pad = NW * ppw

    pairs_i = pairs[:, 0]
    pairs_j = pairs[:, 1]
    pad = p_pad - p
    if pad:
        zpad = jnp.zeros((pad,), jnp.int32)
        pairs_i = jnp.concatenate([pairs_i, zpad])
        pairs_j = jnp.concatenate([pairs_j, zpad])
    pairs_blk = jnp.stack([pairs_i.reshape(-1, GB),
                           pairs_j.reshape(-1, GB)], axis=1)

    packed = jnp.concatenate(
        [coords.astype(jnp.float32),
         atom_types.astype(jnp.float32).reshape(n, 1),
         jnp.zeros((n, 4), jnp.float32)], axis=1)
    a_flat = A.astype(jnp.float32).reshape(-1)
    b_flat = B.astype(jnp.float32).reshape(-1)

    inv_box = jnp.linalg.inv(box)
    ib = jnp.diagonal(inv_box).astype(jnp.bfloat16).astype(jnp.float32)
    lb = jnp.diagonal(box).astype(jnp.bfloat16).astype(jnp.float32)
    cutf = jnp.asarray(cutoff, jnp.float32)
    vals = jnp.stack([ib[0], ib[1], ib[2], lb[0], lb[1], lb[2],
                      cutf, jnp.float32(0.0)])
    consts = jnp.repeat(vals, LANES)

    mesh = plsc.VectorSubcoreMesh(core_axis_name="c", subcore_axis_name="s")
    run = pl.kernel(
        functools.partial(_body_wrapper, ppw, nch),
        out_type=jax.ShapeDtypeStruct((p_pad,), jnp.float32),
        mesh=mesh,
        compiler_params=pltpu.CompilerParams(
            needs_layout_passes=False, use_tc_tiling_on_sc=False),
        scratch_types=(
            [pltpu.VMEM((NG, 2, GB), jnp.int32)] * 2
            + [pltpu.VMEM((CH, 8), jnp.float32)] * 4
            + [pltpu.VMEM((CH,), jnp.float32)] * 2
            + [pltpu.VMEM((128,), jnp.float32),
               pltpu.VMEM((256,), jnp.float32),
               pltpu.VMEM((256,), jnp.float32),
               pltpu.VMEM_SHARED((100000, 8), jnp.float32)]
            + [pltpu.SemaphoreType.DMA] * 8
        ),
    )
    out = run(pairs_blk, packed, a_flat, b_flat, consts)
    return out[:p]

# --- scband reference (transcript-rebuilt; emitter-appended) ---
"""Pipeline reference for scband-slater-21285857919324 (READ-ONLY COPY).

The authoritative reference and input builder live on the scoring server;
editing this copy changes nothing except your own understanding.
"""

import jax, jax.numpy as jnp
import numpy as np

N = 100000
P = 6400000
T = 16
L = 60.0

def setup_inputs(seed: int = 0) -> dict:
    key = jax.random.key(seed)
    k1, k2, k3, k4, k5 = jax.random.split(key, 5)
    coords = jax.random.uniform(k1, (N, 3), dtype=jnp.float32) * L
    pairs = jax.random.randint(k2, (P, 2), 0, N, dtype=jnp.int32)
    box = jnp.eye(3, dtype=jnp.float32) * L
    A = jax.random.uniform(k3, (T, T), dtype=jnp.float32) * 10.0
    B = jax.random.uniform(k4, (T, T), dtype=jnp.float32) * 2.0 + 1.0
    atom_types = jax.random.randint(k5, (N,), 0, T, dtype=jnp.int32)
    return {"coords": coords, "pairs": pairs, "box": box, "A": A, "B": B, "cutoff": 12, "atom_types": atom_types}

def reference(coords, pairs, box, A, B, cutoff, atom_types):
    # gather endpoint coordinates (SparseCore gather)
    src = jnp.take(coords, pairs[:, 0], axis=0)
    dst = jnp.take(coords, pairs[:, 1], axis=0)
    dr = dst - src
    # minimum-image PBC: wrap displacement via fractional coordinates
    inv_box = jnp.linalg.inv(box)
    frac = dr @ inv_box
    frac = frac - jnp.round(frac)
    dr_vecs = frac @ box
    # type-pair expansion: gather atom types then index (T, T) tables
    atypes_i = jnp.take(atom_types, pairs[:, 0], axis=0)
    atypes_j = jnp.take(atom_types, pairs[:, 1], axis=0)
    A_ij = A[atypes_i, atypes_j]
    B_ij = B[atypes_i, atypes_j]
    dr_norm = jnp.linalg.norm(dr_vecs, axis=1)
    # Slater reference energy: E_ij = A_ij * (x^2/3 + x + 1) * exp(-x), x = B_ij * r
    x = B_ij * dr_norm
    Ppoly = x * x / 3.0 + x + 1.0
    ene_pairs = A_ij * Ppoly * jnp.exp(-x)
    # cuda_graph_compat=True path: cutoff applied with where (shape-stable)
    ene_pairs = jnp.where(dr_norm <= cutoff, ene_pairs, 0.0)
    return ene_pairs

if __name__ == "__main__":
    import jax
    _d = setup_inputs()
    print(jax.jit(kernel)(*tuple(_d.values())))

</pallas_src>

<mosaic_0001>
#map = affine_map<(d0, d1) -> (0, 0, 0)>
#map1 = affine_map<(d0, d1) -> (0, 0)>
#map2 = affine_map<(d0, d1) -> (0)>
module attributes {stable_mosaic.version = 14 : i64} {
  func.func @_body_wrapper(%arg0: i32, %arg1: i32, %arg2: memref<50176x2x128xi32, #tpu.memory_space<hbm>>, %arg3: memref<100000x8xf32, #tpu.memory_space<hbm>>, %arg4: memref<256xf32, #tpu.memory_space<hbm>>, %arg5: memref<256xf32, #tpu.memory_space<hbm>>, %arg6: memref<128xf32, #tpu.memory_space<hbm>>, %arg7: memref<6422528xf32, #tpu.memory_space<hbm>>, %arg8: memref<16x2x128xi32, #tpu.memory_space<vmem>>, %arg9: memref<16x2x128xi32, #tpu.memory_space<vmem>>, %arg10: memref<2048x8xf32, #tpu.memory_space<vmem>>, %arg11: memref<2048x8xf32, #tpu.memory_space<vmem>>, %arg12: memref<2048x8xf32, #tpu.memory_space<vmem>>, %arg13: memref<2048x8xf32, #tpu.memory_space<vmem>>, %arg14: memref<2048xf32, #tpu.memory_space<vmem>>, %arg15: memref<2048xf32, #tpu.memory_space<vmem>>, %arg16: memref<128xf32, #tpu.memory_space<vmem>>, %arg17: memref<256xf32, #tpu.memory_space<vmem>>, %arg18: memref<256xf32, #tpu.memory_space<vmem>>, %arg19: memref<100000x8xf32, #tpu.memory_space<vmem_shared>>, %arg20: memref<!tpu.dma_semaphore, #tpu.memory_space<semaphore_mem>>, %arg21: memref<!tpu.dma_semaphore, #tpu.memory_space<semaphore_mem>>, %arg22: memref<!tpu.dma_semaphore, #tpu.memory_space<semaphore_mem>>, %arg23: memref<!tpu.dma_semaphore, #tpu.memory_space<semaphore_mem>>, %arg24: memref<!tpu.dma_semaphore, #tpu.memory_space<semaphore_mem>>, %arg25: memref<!tpu.dma_semaphore, #tpu.memory_space<semaphore_mem>>, %arg26: memref<!tpu.dma_semaphore, #tpu.memory_space<semaphore_mem>>, %arg27: memref<!tpu.dma_semaphore, #tpu.memory_space<semaphore_mem>>) attributes {dimension_semantics = [#tpu.dimension_semantics<core_parallel>, #tpu.dimension_semantics<subcore_parallel>], iteration_bounds = array<i64: 2, 16>, scalar_prefetch = 0 : i64, scratch_operands = 20 : i64, tpu.core_type = #tpu.core_type<sc_vector_subcore>, window_params = [{transform_indices = #map}, {transform_indices = #map1}, {transform_indices = #map2}, {transform_indices = #map2}, {transform_indices = #map2}, {transform_indices = #map2}]} {
    %mul3A = arith.constant 2 : i32
    %mul3A_0 = arith.muli %arg1, %mul3A : i32
    %add3A = arith.addi %mul3A_0, %arg0 : i32
    %mul3A_1 = arith.constant 200704 : i32
    %mul3A_2 = arith.muli %add3A, %mul3A_1 : i32
    %eq3A = arith.constant 0 : i32
    %eq3A_3 = arith.cmpi eq, %arg1, %eq3A : i32
    %convert_element_type3A = arith.extui %eq3A_3 : i1 to i32
    %cond3A = arith.constant 0 : i32
    %cond3A_4 = arith.cmpi ne, %convert_element_type3A, %cond3A : i32
    scf.if %cond3A_4 {
      "tpu.region"() ({
        %run_scoped3A = tpu.sem_alloc : memref<!tpu.dma_semaphore, #tpu.memory_space<semaphore_mem>>
        tpu.enqueue_dma source(%arg3 : memref<100000x8xf32, #tpu.memory_space<hbm>>) target(%arg19 : memref<100000x8xf32, #tpu.memory_space<vmem_shared>>) target_semaphore(%run_scoped3A : memref<!tpu.dma_semaphore, #tpu.memory_space<semaphore_mem>>)
        tpu.wait_dma2 semaphore(%run_scoped3A : memref<!tpu.dma_semaphore, #tpu.memory_space<semaphore_mem>>) src(%arg3 : memref<100000x8xf32, #tpu.memory_space<hbm>>) dst(%arg19 : memref<100000x8xf32, #tpu.memory_space<vmem_shared>>)
        tpu.yield
      }) : () -> ()
    } else {
    }
    %barrier3A = arith.constant 0 : index
    tpu.barrier barrier_id(%barrier3A)
    "tpu.region"() ({
      %run_scoped3A = tpu.sem_alloc : memref<!tpu.dma_semaphore, #tpu.memory_space<semaphore_mem>>
      tpu.enqueue_dma source(%arg6 : memref<128xf32, #tpu.memory_space<hbm>>) target(%arg16 : memref<128xf32, #tpu.memory_space<vmem>>) target_semaphore(%run_scoped3A : memref<!tpu.dma_semaphore, #tpu.memory_space<semaphore_mem>>)
      tpu.wait_dma2 semaphore(%run_scoped3A : memref<!tpu.dma_semaphore, #tpu.memory_space<semaphore_mem>>) src(%arg6 : memref<128xf32, #tpu.memory_space<hbm>>) dst(%arg16 : memref<128xf32, #tpu.memory_space<vmem>>)
      tpu.yield
    }) : () -> ()
    "tpu.region"() ({
      %run_scoped3A = tpu.sem_alloc : memref<!tpu.dma_semaphore, #tpu.memory_space<semaphore_mem>>
      tpu.enqueue_dma source(%arg4 : memref<256xf32, #tpu.memory_space<hbm>>) target(%arg17 : memref<256xf32, #tpu.memory_space<vmem>>) target_semaphore(%run_scoped3A : memref<!tpu.dma_semaphore, #tpu.memory_space<semaphore_mem>>)
      tpu.wait_dma2 semaphore(%run_scoped3A : memref<!tpu.dma_semaphore, #tpu.memory_space<semaphore_mem>>) src(%arg4 : memref<256xf32, #tpu.memory_space<hbm>>) dst(%arg17 : memref<256xf32, #tpu.memory_space<vmem>>)
      tpu.yield
    }) : () -> ()
    "tpu.region"() ({
      %run_scoped3A = tpu.sem_alloc : memref<!tpu.dma_semaphore, #tpu.memory_space<semaphore_mem>>
      tpu.enqueue_dma source(%arg5 : memref<256xf32, #tpu.memory_space<hbm>>) target(%arg18 : memref<256xf32, #tpu.memory_space<vmem>>) target_semaphore(%run_scoped3A : memref<!tpu.dma_semaphore, #tpu.memory_space<semaphore_mem>>)
      tpu.wait_dma2 semaphore(%run_scoped3A : memref<!tpu.dma_semaphore, #tpu.memory_space<semaphore_mem>>) src(%arg5 : memref<256xf32, #tpu.memory_space<hbm>>) dst(%arg18 : memref<256xf32, #tpu.memory_space<vmem>>)
      tpu.yield
    }) : () -> ()
    %get3A = arith.constant 0 : index
    %get3A_5 = tpu.vector_load %arg16[%get3A] {strides = array<i32>} : memref<128xf32, #tpu.memory_space<vmem>>, vector<16xf32>,
    %get3A_6 = arith.constant 16 : index
    %get3A_7 = tpu.vector_load %arg16[%get3A_6] {strides = array<i32>} : memref<128xf32, #tpu.memory_space<vmem>>, vector<16xf32>,
    %get3A_8 = arith.constant 32 : index
    %get3A_9 = tpu.vector_load %arg16[%get3A_8] {strides = array<i32>} : memref<128xf32, #tpu.memory_space<vmem>>, vector<16xf32>,
    %get3A_10 = arith.constant 48 : index
    %get3A_11 = tpu.vector_load %arg16[%get3A_10] {strides = array<i32>} : memref<128xf32, #tpu.memory_space<vmem>>, vector<16xf32>,
    %get3A_12 = arith.constant 64 : index
    %get3A_13 = tpu.vector_load %arg16[%get3A_12] {strides = array<i32>} : memref<128xf32, #tpu.memory_space<vmem>>, vector<16xf32>,
    %get3A_14 = arith.constant 80 : index
    %get3A_15 = tpu.vector_load %arg16[%get3A_14] {strides = array<i32>} : memref<128xf32, #tpu.memory_space<vmem>>, vector<16xf32>,
    %get3A_16 = arith.constant 96 : index
    %get3A_17 = tpu.vector_load %arg16[%get3A_16] {strides = array<i32>} : memref<128xf32, #tpu.memory_space<vmem>>, vector<16xf32>,
    %broadcast_in_dim3A = arith.constant 0.000000e+00 : f32
    %broadcast_in_dim3A_18 = vector.broadcast %broadcast_in_dim3A : f32 to vector<16xf32>
    %add3A_19 = arith.constant 5.000000e-01 : f32
    %add3A_20 = vector.broadcast %add3A_19 : f32 to vector<16xf32>
    %add3A_21 = arith.addf %broadcast_in_dim3A_18, %add3A_20 : vector<16xf32>
    %add3A_22 = arith.constant 1.000000e+00 : f32
    %add3A_23 = vector.broadcast %add3A_22 : f32 to vector<16xf32>
    %add3A_24 = arith.addf %broadcast_in_dim3A_18, %add3A_23 : vector<16xf32>
    %iota3A = tpu.iota {dimensions = array<i32: 0>} : vector<16xi32>
    %broadcast_in_dim3A_25 = arith.constant 0 : i32
    %broadcast_in_dim3A_26 = vector.broadcast %broadcast_in_dim3A_25 : i32 to vector<16xi32>
    %add3A_27 = arith.constant 1 : i32
    %add3A_28 = vector.broadcast %add3A_27 : i32 to vector<16xi32>
    %add3A_29 = arith.addi %broadcast_in_dim3A_26, %add3A_28 : vector<16xi32>
    %add3A_30 = arith.constant 2 : i32
    %add3A_31 = vector.broadcast %add3A_30 : i32 to vector<16xi32>
    %add3A_32 = arith.addi %broadcast_in_dim3A_26, %add3A_31 : vector<16xi32>
    %add3A_33 = arith.constant 3 : i32
    %add3A_34 = vector.broadcast %add3A_33 : i32 to vector<16xi32>
    %add3A_35 = arith.addi %broadcast_in_dim3A_26, %add3A_34 : vector<16xi32>
    %add3A_36 = arith.constant 0 : i32
    %add3A_37 = arith.addi %mul3A_2, %add3A_36 : i32
    %jit3A = arith.constant 128 : i32
    %div3A = arith.divsi %add3A_37, %jit3A : i32
    %sign3A = arith.constant 0 : i32
    %sign3A_38 = arith.cmpi sgt, %add3A_37, %sign3A : i32
    %sign3A_39 = arith.extui %sign3A_38 : i1 to i32
    %sign3A_40 = arith.constant 0 : i32
    %sign3A_41 = arith.cmpi slt, %add3A_37, %sign3A_40 : i32
    %sign3A_42 = arith.extui %sign3A_41 : i1 to i32
    %sign3A_43 = arith.subi %sign3A_39, %sign3A_42 : i32
    %sign3A_44 = arith.constant 0 : i32
    %sign3A_45 = arith.cmpi sgt, %jit3A, %sign3A_44 : i32
    %sign3A_46 = arith.extui %sign3A_45 : i1 to i32
    %sign3A_47 = arith.constant 0 : i32
    %sign3A_48 = arith.cmpi slt, %jit3A, %sign3A_47 : i32
    %sign3A_49 = arith.extui %sign3A_48 : i1 to i32
    %sign3A_50 = arith.subi %sign3A_46, %sign3A_49 : i32
    %ne3A = arith.cmpi ne, %sign3A_43, %sign3A_50 : i32
    %rem3A = arith.remsi %add3A_37, %jit3A : i32
    %ne3A_51 = arith.constant 0 : i32
    %ne3A_52 = arith.cmpi ne, %rem3A, %ne3A_51 : i32
    %and3A = arith.andi %ne3A, %ne3A_52 : i1
    %sub3A = arith.constant 1 : i32
    %sub3A_53 = arith.subi %div3A, %sub3A : i32
    %select_n3A = arith.select %and3A, %sub3A_53, %div3A : i32
    %dma_start3A = arith.constant 0 : i32
    %dma_start3A_54 = arith.constant 0 : i32
    %dma_start3A_55 = tpu.memref_slice %arg2[%select_n3A, %dma_start3A, %dma_start3A_54] : memref<50176x2x128xi32, #tpu.memory_space<hbm>> -> memref<16x2x128xi32, #tpu.memory_space<hbm>>
    %dma_start3A_56 = arith.constant 0 : i32
    %dma_start3A_57 = arith.constant 0 : i32
    %dma_start3A_58 = tpu.memref_slice %arg2[%select_n3A, %dma_start3A_56, %dma_start3A_57] : memref<50176x2x128xi32, #tpu.memory_space<hbm>> -> memref<16x2x128xi32, #tpu.memory_space<hbm>>
    tpu.enqueue_dma source(%dma_start3A_58 : memref<16x2x128xi32, #tpu.memory_space<hbm>>) target(%arg8 : memref<16x2x128xi32, #tpu.memory_space<vmem>>) target_semaphore(%arg20 : memref<!tpu.dma_semaphore, #tpu.memory_space<semaphore_mem>>)
    %dma_wait3A = arith.constant 0 : i32
    %dma_wait3A_59 = arith.constant 0 : i32
    %dma_wait3A_60 = arith.constant 0 : i32
    %dma_wait3A_61 = tpu.memref_slice %arg2[%dma_wait3A, %dma_wait3A_59, %dma_wait3A_60] : memref<50176x2x128xi32, #tpu.memory_space<hbm>> -> memref<16x2x128xi32, #tpu.memory_space<hbm>>
    %dma_wait3A_62 = arith.constant 0 : i32
    %dma_wait3A_63 = arith.constant 0 : i32
    %dma_wait3A_64 = arith.constant 0 : i32
    %dma_wait3A_65 = tpu.memref_slice %arg2[%dma_wait3A_62, %dma_wait3A_63, %dma_wait3A_64] : memref<50176x2x128xi32, #tpu.memory_space<hbm>> -> memref<16x2x128xi32, #tpu.memory_space<hbm>>
    tpu.wait_dma2 semaphore(%arg20 : memref<!tpu.dma_semaphore, #tpu.memory_space<semaphore_mem>>) src(%dma_wait3A_65 : memref<16x2x128xi32, #tpu.memory_space<hbm>>) dst(%arg8 : memref<16x2x128xi32, #tpu.memory_space<vmem>>)
    %dma_start3A_66 = arith.constant 0 : i32
    %dma_start3A_67 = arith.constant 0 : i32
    %dma_start3A_68 = arith.constant 0 : i32
    %dma_start3A_69 = arith.constant 0 : i32
    %dma_start3A_70 = tpu.memref_slice %arg10[%dma_start3A_68, %dma_start3A_69] : memref<2048x8xf32, #tpu.memory_space<vmem>> -> memref<128x8xf32, #tpu.memory_space<vmem>>
    %dma_start3A_71 = arith.constant 0 : i32
    %dma_start3A_72 = tpu.memref_slice %arg8[%dma_start3A_66, %dma_start3A_67, %dma_start3A_71] : memref<16x2x128xi32, #tpu.memory_space<vmem>> -> memref<1x1x128xi32, #tpu.memory_space<vmem>>
    %dma_start3A_73 = tpu.memref_squeeze %dma_start3A_72 : memref<1x1x128xi32, #tpu.memory_space<vmem>> -> memref<128xi32, #tpu.memory_space<vmem>>
    %dma_start3A_74 = arith.constant 0 : i32
    %dma_start3A_75 = arith.constant 0 : i32
    %dma_start3A_76 = tpu.memref_slice %arg19[%dma_start3A_74, %dma_start3A_75] : memref<100000x8xf32, #tpu.memory_space<vmem_shared>> -> memref<100000x8xf32, #tpu.memory_space<vmem_shared>>
    tpu.enqueue_indirect_dma source(%dma_start3A_76 : memref<100000x8xf32, #tpu.memory_space<vmem_shared>>) target(%dma_start3A_70 : memref<128x8xf32, #tpu.memory_space<vmem>>) offsets(%dma_start3A_73 : memref<128xi32, #tpu.memory_space<vmem>>) semaphore(%arg22 : memref<!tpu.dma_semaphore, #tpu.memory_space<semaphore_mem>>)
    %dma_start3A_77 = arith.constant 0 : i32
    %dma_start3A_78 = arith.constant 1 : i32
    %dma_start3A_79 = arith.constant 0 : i32
    %dma_start3A_80 = arith.constant 0 : i32
    %dma_start3A_81 = tpu.memref_slice %arg11[%dma_start3A_79, %dma_start3A_80] : memref<2048x8xf32, #tpu.memory_space<vmem>> -> memref<128x8xf32, #tpu.memory_space<vmem>>
    %dma_start3A_82 = arith.constant 0 : i32
    %dma_start3A_83 = tpu.memref_slice %arg8[%dma_start3A_77, %dma_start3A_78, %dma_start3A_82] : memref<16x2x128xi32, #tpu.memory_space<vmem>> -> memref<1x1x128xi32, #tpu.memory_space<vmem>>
    %dma_start3A_84 = tpu.memref_squeeze %dma_start3A_83 : memref<1x1x128xi32, #tpu.memory_space<vmem>> -> memref<128xi32, #tpu.memory_space<vmem>>
    %dma_start3A_85 = arith.constant 0 : i32
    %dma_start3A_86 = arith.constant 0 : i32
    %dma_start3A_87 = tpu.memref_slice %arg19[%dma_start3A_85, %dma_start3A_86] : memref<100000x8xf32, #tpu.memory_space<vmem_shared>> -> memref<100000x8xf32, #tpu.memory_space<vmem_shared>>
    tpu.enqueue_indirect_dma source(%dma_start3A_87 : memref<100000x8xf32, #tpu.memory_space<vmem_shared>>) target(%dma_start3A_81 : memref<128x8xf32, #tpu.memory_space<vmem>>) offsets(%dma_start3A_84 : memref<128xi32, #tpu.memory_space<vmem>>) semaphore(%arg23 : memref<!tpu.dma_semaphore, #tpu.memory_space<semaphore_mem>>)
    %dma_start3A_88 = arith.constant 1 : i32
    %dma_start3A_89 = arith.constant 0 : i32
    %dma_start3A_90 = arith.constant 128 : i32
    %dma_start3A_91 = arith.constant 0 : i32
    %dma_start3A_92 = tpu.memref_slice %arg10[%dma_start3A_90, %dma_start3A_91] : memref<2048x8xf32, #tpu.memory_space<vmem>> -> memref<128x8xf32, #tpu.memory_space<vmem>>
    %dma_start3A_93 = arith.constant 0 : i32
    %dma_start3A_94 = tpu.memref_slice %arg8[%dma_start3A_88, %dma_start3A_89, %dma_start3A_93] : memref<16x2x128xi32, #tpu.memory_space<vmem>> -> memref<1x1x128xi32, #tpu.memory_space<vmem>>
    %dma_start3A_95 = tpu.memref_squeeze %dma_start3A_94 : memref<1x1x128xi32, #tpu.memory_space<vmem>> -> memref<128xi32, #tpu.memory_space<vmem>>
    %dma_start3A_96 = arith.constant 0 : i32
    %dma_start3A_97 = arith.constant 0 : i32
    %dma_start3A_98 = tpu.memref_slice %arg19[%dma_start3A_96, %dma_start3A_97] : memref<100000x8xf32, #tpu.memory_space<vmem_shared>> -> memref<100000x8xf32, #tpu.memory_space<vmem_shared>>
    tpu.enqueue_indirect_dma source(%dma_start3A_98 : memref<100000x8xf32, #tpu.memory_space<vmem_shared>>) target(%dma_start3A_92 : memref<128x8xf32, #tpu.memory_space<vmem>>) offsets(%dma_start3A_95 : memref<128xi32, #tpu.memory_space<vmem>>) semaphore(%arg22 : memref<!tpu.dma_semaphore, #tpu.memory_space<semaphore_mem>>)
    %dma_start3A_99 = arith.constant 1 : i32
    %dma_start3A_100 = arith.constant 1 : i32
    %dma_start3A_101 = arith.constant 128 : i32
    %dma_start3A_102 = arith.constant 0 : i32
    %dma_start3A_103 = tpu.memref_slice %arg11[%dma_start3A_101, %dma_start3A_102] : memref<2048x8xf32, #tpu.memory_space<vmem>> -> memref<128x8xf32, #tpu.memory_space<vmem>>
    %dma_start3A_104 = arith.constant 0 : i32
    %dma_start3A_105 = tpu.memref_slice %arg8[%dma_start3A_99, %dma_start3A_100, %dma_start3A_104] : memref<16x2x128xi32, #tpu.memory_space<vmem>> -> memref<1x1x128xi32, #tpu.memory_space<vmem>>
    %dma_start3A_106 = tpu.memref_squeeze %dma_start3A_105 : memref<1x1x128xi32, #tpu.memory_space<vmem>> -> memref<128xi32, #tpu.memory_space<vmem>>
    %dma_start3A_107 = arith.constant 0 : i32
    %dma_start3A_108 = arith.constant 0 : i32
    %dma_start3A_109 = tpu.memref_slice %arg19[%dma_start3A_107, %dma_start3A_108] : memref<100000x8xf32, #tpu.memory_space<vmem_shared>> -> memref<100000x8xf32, #tpu.memory_space<vmem_shared>>
    tpu.enqueue_indirect_dma source(%dma_start3A_109 : memref<100000x8xf32, #tpu.memory_space<vmem_shared>>) target(%dma_start3A_103 : memref<128x8xf32, #tpu.memory_space<vmem>>) offsets(%dma_start3A_106 : memref<128xi32, #tpu.memory_space<vmem>>) semaphore(%arg23 : memref<!tpu.dma_semaphore, #tpu.memory_space<semaphore_mem>>)
    %dma_start3A_110 = arith.constant 2 : i32
    %dma_start3A_111 = arith.constant 0 : i32
    %dma_start3A_112 = arith.constant 256 : i32
    %dma_start3A_113 = arith.constant 0 : i32
    %dma_start3A_114 = tpu.memref_slice %arg10[%dma_start3A_112, %dma_start3A_113] : memref<2048x8xf32, #tpu.memory_space<vmem>> -> memref<128x8xf32, #tpu.memory_space<vmem>>
    %dma_start3A_115 = arith.constant 0 : i32
    %dma_start3A_116 = tpu.memref_slice %arg8[%dma_start3A_110, %dma_start3A_111, %dma_start3A_115] : memref<16x2x128xi32, #tpu.memory_space<vmem>> -> memref<1x1x128xi32, #tpu.memory_space<vmem>>
    %dma_start3A_117 = tpu.memref_squeeze %dma_start3A_116 : memref<1x1x128xi32, #tpu.memory_space<vmem>> -> memref<128xi32, #tpu.memory_space<vmem>>
    %dma_start3A_118 = arith.constant 0 : i32
    %dma_start3A_119 = arith.constant 0 : i32
    %dma_start3A_120 = tpu.memref_slice %arg19[%dma_start3A_118, %dma_start3A_119] : memref<100000x8xf32, #tpu.memory_space<vmem_shared>> -> memref<100000x8xf32, #tpu.memory_space<vmem_shared>>
    tpu.enqueue_indirect_dma source(%dma_start3A_120 : memref<100000x8xf32, #tpu.memory_space<vmem_shared>>) target(%dma_start3A_114 : memref<128x8xf32, #tpu.memory_space<vmem>>) offsets(%dma_start3A_117 : memref<128xi32, #tpu.memory_space<vmem>>) semaphore(%arg22 : memref<!tpu.dma_semaphore, #tpu.memory_space<semaphore_mem>>)
    %dma_start3A_121 = arith.constant 2 : i32
    %dma_start3A_122 = arith.constant 1 : i32
    %dma_start3A_123 = arith.constant 256 : i32
    %dma_start3A_124 = arith.constant 0 : i32
    %dma_start3A_125 = tpu.memref_slice %arg11[%dma_start3A_123, %dma_start3A_124] : memref<2048x8xf32, #tpu.memory_space<vmem>> -> memref<128x8xf32, #tpu.memory_space<vmem>>
    %dma_start3A_126 = arith.constant 0 : i32
    %dma_start3A_127 = tpu.memref_slice %arg8[%dma_start3A_121, %dma_start3A_122, %dma_start3A_126] : memref<16x2x128xi32, #tpu.memory_space<vmem>> -> memref<1x1x128xi32, #tpu.memory_space<vmem>>
    %dma_start3A_128 = tpu.memref_squeeze %dma_start3A_127 : memref<1x1x128xi32, #tpu.memory_space<vmem>> -> memref<128xi32, #tpu.memory_space<vmem>>
    %dma_start3A_129 = arith.constant 0 : i32
    %dma_start3A_130 = arith.constant 0 : i32
    %dma_start3A_131 = tpu.memref_slice %arg19[%dma_start3A_129, %dma_start3A_130] : memref<100000x8xf32, #tpu.memory_space<vmem_shared>> -> memref<100000x8xf32, #tpu.memory_space<vmem_shared>>
    tpu.enqueue_indirect_dma source(%dma_start3A_131 : memref<100000x8xf32, #tpu.memory_space<vmem_shared>>) target(%dma_start3A_125 : memref<128x8xf32, #tpu.memory_space<vmem>>) offsets(%dma_start3A_128 : memref<128xi32, #tpu.memory_space<vmem>>) semaphore(%arg23 : memref<!tpu.dma_semaphore, #tpu.memory_space<semaphore_mem>>)
    %dma_start3A_132 = arith.constant 3 : i32
    %dma_start3A_133 = arith.constant 0 : i32
    %dma_start3A_134 = arith.constant 384 : i32
    %dma_start3A_135 = arith.constant 0 : i32
    %dma_start3A_136 = tpu.memref_slice %arg10[%dma_start3A_134, %dma_start3A_135] : memref<2048x8xf32, #tpu.memory_space<vmem>> -> memref<128x8xf32, #tpu.memory_space<vmem>>
    %dma_start3A_137 = arith.constant 0 : i32
    %dma_start3A_138 = tpu.memref_slice %arg8[%dma_start3A_132, %dma_start3A_133, %dma_start3A_137] : memref<16x2x128xi32, #tpu.memory_space<vmem>> -> memref<1x1x128xi32, #tpu.memory_space<vmem>>
    %dma_start3A_139 = tpu.memref_squeeze %dma_start3A_138 : memref<1x1x128xi32, #tpu.memory_space<vmem>> -> memref<128xi32, #tpu.memory_space<vmem>>
    %dma_start3A_140 = arith.constant 0 : i32
    %dma_start3A_141 = arith.constant 0 : i32
    %dma_start3A_142 = tpu.memref_slice %arg19[%dma_start3A_140, %dma_start3A_141] : memref<100000x8xf32, #tpu.memory_space<vmem_shared>> -> memref<100000x8xf32, #tpu.memory_space<vmem_shared>>
    tpu.enqueue_indirect_dma source(%dma_start3A_142 : memref<100000x8xf32, #tpu.memory_space<vmem_shared>>) target(%dma_start3A_136 : memref<128x8xf32, #tpu.memory_space<vmem>>) offsets(%dma_start3A_139 : memref<128xi32, #tpu.memory_space<vmem>>) semaphore(%arg22 : memref<!tpu.dma_semaphore, #tpu.memory_space<semaphore_mem>>)
    %dma_start3A_143 = arith.constant 3 : i32
    %dma_start3A_144 = arith.constant 1 : i32
    %dma_start3A_145 = arith.constant 384 : i32
    %dma_start3A_146 = arith.constant 0 : i32
    %dma_start3A_147 = tpu.memref_slice %arg11[%dma_start3A_145, %dma_start3A_146] : memref<2048x8xf32, #tpu.memory_space<vmem>> -> memref<128x8xf32, #tpu.memory_space<vmem>>
    %dma_start3A_148 = arith.constant 0 : i32
    %dma_start3A_149 = tpu.memref_slice %arg8[%dma_start3A_143, %dma_start3A_144, %dma_start3A_148] : memref<16x2x128xi32, #tpu.memory_space<vmem>> -> memref<1x1x128xi32, #tpu.memory_space<vmem>>
    %dma_start3A_150 = tpu.memref_squeeze %dma_start3A_149 : memref<1x1x128xi32, #tpu.memory_space<vmem>> -> memref<128xi32, #tpu.memory_space<vmem>>
    %dma_start3A_151 = arith.constant 0 : i32
    %dma_start3A_152 = arith.constant 0 : i32
    %dma_start3A_153 = tpu.memref_slice %arg19[%dma_start3A_151, %dma_start3A_152] : memref<100000x8xf32, #tpu.memory_space<vmem_shared>> -> memref<100000x8xf32, #tpu.memory_space<vmem_shared>>
    tpu.enqueue_indirect_dma source(%dma_start3A_153 : memref<100000x8xf32, #tpu.memory_space<vmem_shared>>) target(%dma_start3A_147 : memref<128x8xf32, #tpu.memory_space<vmem>>) offsets(%dma_start3A_150 : memref<128xi32, #tpu.memory_space<vmem>>) semaphore(%arg23 : memref<!tpu.dma_semaphore, #tpu.memory_space<semaphore_mem>>)
    %dma_start3A_154 = arith.constant 4 : i32
    %dma_start3A_155 = arith.constant 0 : i32
    %dma_start3A_156 = arith.constant 512 : i32
    %dma_start3A_157 = arith.constant 0 : i32
    %dma_start3A_158 = tpu.memref_slice %arg10[%dma_start3A_156, %dma_start3A_157] : memref<2048x8xf32, #tpu.memory_space<vmem>> -> memref<128x8xf32, #tpu.memory_space<vmem>>
    %dma_start3A_159 = arith.constant 0 : i32
    %dma_start3A_160 = tpu.memref_slice %arg8[%dma_start3A_154, %dma_start3A_155, %dma_start3A_159] : memref<16x2x128xi32, #tpu.memory_space<vmem>> -> memref<1x1x128xi32, #tpu.memory_space<vmem>>
    %dma_start3A_161 = tpu.memref_squeeze %dma_start3A_160 : memref<1x1x128xi32, #tpu.memory_space<vmem>> -> memref<128xi32, #tpu.memory_space<vmem>>
    %dma_start3A_162 = arith.constant 0 : i32
    %dma_start3A_163 = arith.constant 0 : i32
    %dma_start3A_164 = tpu.memref_slice %arg19[%dma_start3A_162, %dma_start3A_163] : memref<100000x8xf32, #tpu.memory_space<vmem_shared>> -> memref<100000x8xf32, #tpu.memory_space<vmem_shared>>
    tpu.enqueue_indirect_dma source(%dma_start3A_164 : memref<100000x8xf32, #tpu.memory_space<vmem_shared>>) target(%dma_start3A_158 : memref<128x8xf32, #tpu.memory_space<vmem>>) offsets(%dma_start3A_161 : memref<128xi32, #tpu.memory_space<vmem>>) semaphore(%arg22 : memref<!tpu.dma_semaphore, #tpu.memory_space<semaphore_mem>>)
    %dma_start3A_165 = arith.constant 4 : i32
    %dma_start3A_166 = arith.constant 1 : i32
    %dma_start3A_167 = arith.constant 512 : i32
    %dma_start3A_168 = arith.constant 0 : i32
    %dma_start3A_169 = tpu.memref_slice %arg11[%dma_start3A_167, %dma_start3A_168] : memref<2048x8xf32, #tpu.memory_space<vmem>> -> memref<128x8xf32, #tpu.memory_space<vmem>>
    %dma_start3A_170 = arith.constant 0 : i32
    %dma_start3A_171 = tpu.memref_slice %arg8[%dma_start3A_165, %dma_start3A_166, %dma_start3A_170] : memref<16x2x128xi32, #tpu.memory_space<vmem>> -> memref<1x1x128xi32, #tpu.memory_space<vmem>>
    %dma_start3A_172 = tpu.memref_squeeze %dma_start3A_171 : memref<1x1x128xi32, #tpu.memory_space<vmem>> -> memref<128xi32, #tpu.memory_space<vmem>>
    %dma_start3A_173 = arith.constant 0 : i32
    %dma_start3A_174 = arith.constant 0 : i32
    %dma_start3A_175 = tpu.memref_slice %arg19[%dma_start3A_173, %dma_start3A_174] : memref<100000x8xf32, #tpu.memory_space<vmem_shared>> -> memref<100000x8xf32, #tpu.memory_space<vmem_shared>>
    tpu.enqueue_indirect_dma source(%dma_start3A_175 : memref<100000x8xf32, #tpu.memory_space<vmem_shared>>) target(%dma_start3A_169 : memref<128x8xf32, #tpu.memory_space<vmem>>) offsets(%dma_start3A_172 : memref<128xi32, #tpu.memory_space<vmem>>) semaphore(%arg23 : memref<!tpu.dma_semaphore, #tpu.memory_space<semaphore_mem>>)
    %dma_start3A_176 = arith.constant 5 : i32
    %dma_start3A_177 = arith.constant 0 : i32
    %dma_start3A_178 = arith.constant 640 : i32
    %dma_start3A_179 = arith.constant 0 : i32
    %dma_start3A_180 = tpu.memref_slice %arg10[%dma_start3A_178, %dma_start3A_179] : memref<2048x8xf32, #tpu.memory_space<vmem>> -> memref<128x8xf32, #tpu.memory_space<vmem>>
    %dma_start3A_181 = arith.constant 0 : i32
    %dma_start3A_182 = tpu.memref_slice %arg8[%dma_start3A_176, %dma_start3A_177, %dma_start3A_181] : memref<16x2x128xi32, #tpu.memory_space<vmem>> -> memref<1x1x128xi32, #tpu.memory_space<vmem>>
    %dma_start3A_183 = tpu.memref_squeeze %dma_start3A_182 : memref<1x1x128xi32, #tpu.memory_space<vmem>> -> memref<128xi32, #tpu.memory_space<vmem>>
    %dma_start3A_184 = arith.constant 0 : i32
    %dma_start3A_185 = arith.constant 0 : i32
    %dma_start3A_186 = tpu.memref_slice %arg19[%dma_start3A_184, %dma_start3A_185] : memref<100000x8xf32, #tpu.memory_space<vmem_shared>> -> memref<100000x8xf32, #tpu.memory_space<vmem_shared>>
    tpu.enqueue_indirect_dma source(%dma_start3A_186 : memref<100000x8xf32, #tpu.memory_space<vmem_shared>>) target(%dma_start3A_180 : memref<128x8xf32, #tpu.memory_space<vmem>>) offsets(%dma_start3A_183 : memref<128xi32, #tpu.memory_space<vmem>>) semaphore(%arg22 : memref<!tpu.dma_semaphore, #tpu.memory_space<semaphore_mem>>)
    %dma_start3A_187 = arith.constant 5 : i32
    %dma_start3A_188 = arith.constant 1 : i32
    %dma_start3A_189 = arith.constant 640 : i32
    %dma_start3A_190 = arith.constant 0 : i32
    %dma_start3A_191 = tpu.memref_slice %arg11[%dma_start3A_189, %dma_start3A_190] : memref<2048x8xf32, #tpu.memory_space<vmem>> -> memref<128x8xf32, #tpu.memory_space<vmem>>
    %dma_start3A_192 = arith.constant 0 : i32
    %dma_start3A_193 = tpu.memref_slice %arg8[%dma_start3A_187, %dma_start3A_188, %dma_start3A_192] : memref<16x2x128xi32, #tpu.memory_space<vmem>> -> memref<1x1x128xi32, #tpu.memory_space<vmem>>
    %dma_start3A_194 = tpu.memref_squeeze %dma_start3A_193 : memref<1x1x128xi32, #tpu.memory_space<vmem>> -> memref<128xi32, #tpu.memory_space<vmem>>
    %dma_start3A_195 = arith.constant 0 : i32
    %dma_start3A_196 = arith.constant 0 : i32
    %dma_start3A_197 = tpu.memref_slice %arg19[%dma_start3A_195, %dma_start3A_196] : memref<100000x8xf32, #tpu.memory_space<vmem_shared>> -> memref<100000x8xf32, #tpu.memory_space<vmem_shared>>
    tpu.enqueue_indirect_dma source(%dma_start3A_197 : memref<100000x8xf32, #tpu.memory_space<vmem_shared>>) target(%dma_start3A_191 : memref<128x8xf32, #tpu.memory_space<vmem>>) offsets(%dma_start3A_194 : memref<128xi32, #tpu.memory_space<vmem>>) semaphore(%arg23 : memref<!tpu.dma_semaphore, #tpu.memory_space<semaphore_mem>>)
    %dma_start3A_198 = arith.constant 6 : i32
    %dma_start3A_199 = arith.constant 0 : i32
    %dma_start3A_200 = arith.constant 768 : i32
    %dma_start3A_201 = arith.constant 0 : i32
    %dma_start3A_202 = tpu.memref_slice %arg10[%dma_start3A_200, %dma_start3A_201] : memref<2048x8xf32, #tpu.memory_space<vmem>> -> memref<128x8xf32, #tpu.memory_space<vmem>>
    %dma_start3A_203 = arith.constant 0 : i32
    %dma_start3A_204 = tpu.memref_slice %arg8[%dma_start3A_198, %dma_start3A_199, %dma_start3A_203] : memref<16x2x128xi32, #tpu.memory_space<vmem>> -> memref<1x1x128xi32, #tpu.memory_space<vmem>>
    %dma_start3A_205 = tpu.memref_squeeze %dma_start3A_204 : memref<1x1x128xi32, #tpu.memory_space<vmem>> -> memref<128xi32, #tpu.memory_space<vmem>>
    %dma_start3A_206 = arith.constant 0 : i32
    %dma_start3A_207 = arith.constant 0 : i32
    %dma_start3A_208 = tpu.memref_slice %arg19[%dma_start3A_206, %dma_start3A_207] : memref<100000x8xf32, #tpu.memory_space<vmem_shared>> -> memref<100000x8xf32, #tpu.memory_space<vmem_shared>>
    tpu.enqueue_indirect_dma source(%dma_start3A_208 : memref<100000x8xf32, #tpu.memory_space<vmem_shared>>) target(%dma_start3A_202 : memref<128x8xf32, #tpu.memory_space<vmem>>) offsets(%dma_start3A_205 : memref<128xi32, #tpu.memory_space<vmem>>) semaphore(%arg22 : memref<!tpu.dma_semaphore, #tpu.memory_space<semaphore_mem>>)
    %dma_start3A_209 = arith.constant 6 : i32
    %dma_start3A_210 = arith.constant 1 : i32
    %dma_start3A_211 = arith.constant 768 : i32
    %dma_start3A_212 = arith.constant 0 : i32
    %dma_start3A_213 = tpu.memref_slice %arg11[%dma_start3A_211, %dma_start3A_212] : memref<2048x8xf32, #tpu.memory_space<vmem>> -> memref<128x8xf32, #tpu.memory_space<vmem>>
    %dma_start3A_214 = arith.constant 0 : i32
    %dma_start3A_215 = tpu.memref_slice %arg8[%dma_start3A_209, %dma_start3A_210, %dma_start3A_214] : memref<16x2x128xi32, #tpu.memory_space<vmem>> -> memref<1x1x128xi32, #tpu.memory_space<vmem>>
    %dma_start3A_216 = tpu.memref_squeeze %dma_start3A_215 : memref<1x1x128xi32, #tpu.memory_space<vmem>> -> memref<128xi32, #tpu.memory_space<vmem>>
    %dma_start3A_217 = arith.constant 0 : i32
    %dma_start3A_218 = arith.constant 0 : i32
    %dma_start3A_219 = tpu.memref_slice %arg19[%dma_start3A_217, %dma_start3A_218] : memref<100000x8xf32, #tpu.memory_space<vmem_shared>> -> memref<100000x8xf32, #tpu.memory_space<vmem_shared>>
    tpu.enqueue_indirect_dma source(%dma_start3A_219 : memref<100000x8xf32, #tpu.memory_space<vmem_shared>>) target(%dma_start3A_213 : memref<128x8xf32, #tpu.memory_space<vmem>>) offsets(%dma_start3A_216 : memref<128xi32, #tpu.memory_space<vmem>>) semaphore(%arg23 : memref<!tpu.dma_semaphore, #tpu.memory_space<semaphore_mem>>)
    %dma_start3A_220 = arith.constant 7 : i32
    %dma_start3A_221 = arith.constant 0 : i32
    %dma_start3A_222 = arith.constant 896 : i32
    %dma_start3A_223 = arith.constant 0 : i32
    %dma_start3A_224 = tpu.memref_slice %arg10[%dma_start3A_222, %dma_start3A_223] : memref<2048x8xf32, #tpu.memory_space<vmem>> -> memref<128x8xf32, #tpu.memory_space<vmem>>
    %dma_start3A_225 = arith.constant 0 : i32
    %dma_start3A_226 = tpu.memref_slice %arg8[%dma_start3A_220, %dma_start3A_221, %dma_start3A_225] : memref<16x2x128xi32, #tpu.memory_space<vmem>> -> memref<1x1x128xi32, #tpu.memory_space<vmem>>
    %dma_start3A_227 = tpu.memref_squeeze %dma_start3A_226 : memref<1x1x128xi32, #tpu.memory_space<vmem>> -> memref<128xi32, #tpu.memory_space<vmem>>
    %dma_start3A_228 = arith.constant 0 : i32
    %dma_start3A_229 = arith.constant 0 : i32
    %dma_start3A_230 = tpu.memref_slice %arg19[%dma_start3A_228, %dma_start3A_229] : memref<100000x8xf32, #tpu.memory_space<vmem_shared>> -> memref<100000x8xf32, #tpu.memory_space<vmem_shared>>
    tpu.enqueue_indirect_dma source(%dma_start3A_230 : memref<100000x8xf32, #tpu.memory_space<vmem_shared>>) target(%dma_start3A_224 : memref<128x8xf32, #tpu.memory_space<vmem>>) offsets(%dma_start3A_227 : memref<128xi32, #tpu.memory_space<vmem>>) semaphore(%arg22 : memref<!tpu.dma_semaphore, #tpu.memory_space<semaphore_mem>>)
    %dma_start3A_231 = arith.constant 7 : i32
    %dma_start3A_232 = arith.constant 1 : i32
    %dma_start3A_233 = arith.constant 896 : i32
    %dma_start3A_234 = arith.constant 0 : i32
    %dma_start3A_235 = tpu.memref_slice %arg11[%dma_start3A_233, %dma_start3A_234] : memref<2048x8xf32, #tpu.memory_space<vmem>> -> memref<128x8xf32, #tpu.memory_space<vmem>>
    %dma_start3A_236 = arith.constant 0 : i32
    %dma_start3A_237 = tpu.memref_slice %arg8[%dma_start3A_231, %dma_start3A_232, %dma_start3A_236] : memref<16x2x128xi32, #tpu.memory_space<vmem>> -> memref<1x1x128xi32, #tpu.memory_space<vmem>>
    %dma_start3A_238 = tpu.memref_squeeze %dma_start3A_237 : memref<1x1x128xi32, #tpu.memory_space<vmem>> -> memref<128xi32, #tpu.memory_space<vmem>>
    %dma_start3A_239 = arith.constant 0 : i32
    %dma_start3A_240 = arith.constant 0 : i32
    %dma_start3A_241 = tpu.memref_slice %arg19[%dma_start3A_239, %dma_start3A_240] : memref<100000x8xf32, #tpu.memory_space<vmem_shared>> -> memref<100000x8xf32, #tpu.memory_space<vmem_shared>>
    tpu.enqueue_indirect_dma source(%dma_start3A_241 : memref<100000x8xf32, #tpu.memory_space<vmem_shared>>) target(%dma_start3A_235 : memref<128x8xf32, #tpu.memory_space<vmem>>) offsets(%dma_start3A_238 : memref<128xi32, #tpu.memory_space<vmem>>) semaphore(%arg23 : memref<!tpu.dma_semaphore, #tpu.memory_space<semaphore_mem>>)
    %dma_start3A_242 = arith.constant 8 : i32
    %dma_start3A_243 = arith.constant 0 : i32
    %dma_start3A_244 = arith.constant 1024 : i32
    %dma_start3A_245 = arith.constant 0 : i32
    %dma_start3A_246 = tpu.memref_slice %arg10[%dma_start3A_244, %dma_start3A_245] : memref<2048x8xf32, #tpu.memory_space<vmem>> -> memref<128x8xf32, #tpu.memory_space<vmem>>
    %dma_start3A_247 = arith.constant 0 : i32
    %dma_start3A_248 = tpu.memref_slice %arg8[%dma_start3A_242, %dma_start3A_243, %dma_start3A_247] : memref<16x2x128xi32, #tpu.memory_space<vmem>> -> memref<1x1x128xi32, #tpu.memory_space<vmem>>
    %dma_start3A_249 = tpu.memref_squeeze %dma_start3A_248 : memref<1x1x128xi32, #tpu.memory_space<vmem>> -> memref<128xi32, #tpu.memory_space<vmem>>
    %dma_start3A_250 = arith.constant 0 : i32
    %dma_start3A_251 = arith.constant 0 : i32
    %dma_start3A_252 = tpu.memref_slice %arg19[%dma_start3A_250, %dma_start3A_251] : memref<100000x8xf32, #tpu.memory_space<vmem_shared>> -> memref<100000x8xf32, #tpu.memory_space<vmem_shared>>
    tpu.enqueue_indirect_dma source(%dma_start3A_252 : memref<100000x8xf32, #tpu.memory_space<vmem_shared>>) target(%dma_start3A_246 : memref<128x8xf32, #tpu.memory_space<vmem>>) offsets(%dma_start3A_249 : memref<128xi32, #tpu.memory_space<vmem>>) semaphore(%arg22 : memref<!tpu.dma_semaphore, #tpu.memory_space<semaphore_mem>>)
    %dma_start3A_253 = arith.constant 8 : i32
    %dma_start3A_254 = arith.constant 1 : i32
    %dma_start3A_255 = arith.constant 1024 : i32
    %dma_start3A_256 = arith.constant 0 : i32
    %dma_start3A_257 = tpu.memref_slice %arg11[%dma_start3A_255, %dma_start3A_256] : memref<2048x8xf32, #tpu.memory_space<vmem>> -> memref<128x8xf32, #tpu.memory_space<vmem>>
    %dma_start3A_258 = arith.constant 0 : i32
    %dma_start3A_259 = tpu.memref_slice %arg8[%dma_start3A_253, %dma_start3A_254, %dma_start3A_258] : memref<16x2x128xi32, #tpu.memory_space<vmem>> -> memref<1x1x128xi32, #tpu.memory_space<vmem>>
    %dma_start3A_260 = tpu.memref_squeeze %dma_start3A_259 : memref<1x1x128xi32, #tpu.memory_space<vmem>> -> memref<128xi32, #tpu.memory_space<vmem>>
    %dma_start3A_261 = arith.constant 0 : i32
    %dma_start3A_262 = arith.constant 0 : i32
    %dma_start3A_263 = tpu.memref_slice %arg19[%dma_start3A_261, %dma_start3A_262] : memref<100000x8xf32, #tpu.memory_space<vmem_shared>> -> memref<100000x8xf32, #tpu.memory_space<vmem_shared>>
    tpu.enqueue_indirect_dma source(%dma_start3A_263 : memref<100000x8xf32, #tpu.memory_space<vmem_shared>>) target(%dma_start3A_257 : memref<128x8xf32, #tpu.memory_space<vmem>>) offsets(%dma_start3A_260 : memref<128xi32, #tpu.memory_space<vmem>>) semaphore(%arg23 : memref<!tpu.dma_semaphore, #tpu.memory_space<semaphore_mem>>)
    %dma_start3A_264 = arith.constant 9 : i32
    %dma_start3A_265 = arith.constant 0 : i32
    %dma_start3A_266 = arith.constant 1152 : i32
    %dma_start3A_267 = arith.constant 0 : i32
    %dma_start3A_268 = tpu.memref_slice %arg10[%dma_start3A_266, %dma_start3A_267] : memref<2048x8xf32, #tpu.memory_space<vmem>> -> memref<128x8xf32, #tpu.memory_space<vmem>>
    %dma_start3A_269 = arith.constant 0 : i32
    %dma_start3A_270 = tpu.memref_slice %arg8[%dma_start3A_264, %dma_start3A_265, %dma_start3A_269] : memref<16x2x128xi32, #tpu.memory_space<vmem>> -> memref<1x1x128xi32, #tpu.memory_space<vmem>>
    %dma_start3A_271 = tpu.memref_squeeze %dma_start3A_270 : memref<1x1x128xi32, #tpu.memory_space<vmem>> -> memref<128xi32, #tpu.memory_space<vmem>>
    %dma_start3A_272 = arith.constant 0 : i32
    %dma_start3A_273 = arith.constant 0 : i32
    %dma_start3A_274 = tpu.memref_slice %arg19[%dma_start3A_272, %dma_start3A_273] : memref<100000x8xf32, #tpu.memory_space<vmem_shared>> -> memref<100000x8xf32, #tpu.memory_space<vmem_shared>>
    tpu.enqueue_indirect_dma source(%dma_start3A_274 : memref<100000x8xf32, #tpu.memory_space<vmem_shared>>) target(%dma_start3A_268 : memref<128x8xf32, #tpu.memory_space<vmem>>) offsets(%dma_start3A_271 : memref<128xi32, #tpu.memory_space<vmem>>) semaphore(%arg22 : memref<!tpu.dma_semaphore, #tpu.memory_space<semaphore_mem>>)
    %dma_start3A_275 = arith.constant 9 : i32
    %dma_start3A_276 = arith.constant 1 : i32
    %dma_start3A_277 = arith.constant 1152 : i32
    %dma_start3A_278 = arith.constant 0 : i32
    %dma_start3A_279 = tpu.memref_slice %arg11[%dma_start3A_277, %dma_start3A_278] : memref<2048x8xf32, #tpu.memory_space<vmem>> -> memref<128x8xf32, #tpu.memory_space<vmem>>
    %dma_start3A_280 = arith.constant 0 : i32
    %dma_start3A_281 = tpu.memref_slice %arg8[%dma_start3A_275, %dma_start3A_276, %dma_start3A_280] : memref<16x2x128xi32, #tpu.memory_space<vmem>> -> memref<1x1x128xi32, #tpu.memory_space<vmem>>
    %dma_start3A_282 = tpu.memref_squeeze %dma_start3A_281 : memref<1x1x128xi32, #tpu.memory_space<vmem>> -> memref<128xi32, #tpu.memory_space<vmem>>
    %dma_start3A_283 = arith.constant 0 : i32
    %dma_start3A_284 = arith.constant 0 : i32
    %dma_start3A_285 = tpu.memref_slice %arg19[%dma_start3A_283, %dma_start3A_284] : memref<100000x8xf32, #tpu.memory_space<vmem_shared>> -> memref<100000x8xf32, #tpu.memory_space<vmem_shared>>
    tpu.enqueue_indirect_dma source(%dma_start3A_285 : memref<100000x8xf32, #tpu.memory_space<vmem_shared>>) target(%dma_start3A_279 : memref<128x8xf32, #tpu.memory_space<vmem>>) offsets(%dma_start3A_282 : memref<128xi32, #tpu.memory_space<vmem>>) semaphore(%arg23 : memref<!tpu.dma_semaphore, #tpu.memory_space<semaphore_mem>>)
    %dma_start3A_286 = arith.constant 10 : i32
    %dma_start3A_287 = arith.constant 0 : i32
    %dma_start3A_288 = arith.constant 1280 : i32
    %dma_start3A_289 = arith.constant 0 : i32
    %dma_start3A_290 = tpu.memref_slice %arg10[%dma_start3A_288, %dma_start3A_289] : memref<2048x8xf32, #tpu.memory_space<vmem>> -> memref<128x8xf32, #tpu.memory_space<vmem>>
    %dma_start3A_291 = arith.constant 0 : i32
    %dma_start3A_292 = tpu.memref_slice %arg8[%dma_start3A_286, %dma_start3A_287, %dma_start3A_291] : memref<16x2x128xi32, #tpu.memory_space<vmem>> -> memref<1x1x128xi32, #tpu.memory_space<vmem>>
    %dma_start3A_293 = tpu.memref_squeeze %dma_start3A_292 : memref<1x1x128xi32, #tpu.memory_space<vmem>> -> memref<128xi32, #tpu.memory_space<vmem>>
    %dma_start3A_294 = arith.constant 0 : i32
    %dma_start3A_295 = arith.constant 0 : i32
    %dma_start3A_296 = tpu.memref_slice %arg19[%dma_start3A_294, %dma_start3A_295] : memref<100000x8xf32, #tpu.memory_space<vmem_shared>> -> memref<100000x8xf32, #tpu.memory_space<vmem_shared>>
    tpu.enqueue_indirect_dma source(%dma_start3A_296 : memref<100000x8xf32, #tpu.memory_space<vmem_shared>>) target(%dma_start3A_290 : memref<128x8xf32, #tpu.memory_space<vmem>>) offsets(%dma_start3A_293 : memref<128xi32, #tpu.memory_space<vmem>>) semaphore(%arg22 : memref<!tpu.dma_semaphore, #tpu.memory_space<semaphore_mem>>)
    %dma_start3A_297 = arith.constant 10 : i32
    %dma_start3A_298 = arith.constant 1 : i32
    %dma_start3A_299 = arith.constant 1280 : i32
    %dma_start3A_300 = arith.constant 0 : i32
    %dma_start3A_301 = tpu.memref_slice %arg11[%dma_start3A_299, %dma_start3A_300] : memref<2048x8xf32, #tpu.memory_space<vmem>> -> memref<128x8xf32, #tpu.memory_space<vmem>>
    %dma_start3A_302 = arith.constant 0 : i32
    %dma_start3A_303 = tpu.memref_slice %arg8[%dma_start3A_297, %dma_start3A_298, %dma_start3A_302] : memref<16x2x128xi32, #tpu.memory_space<vmem>> -> memref<1x1x128xi32, #tpu.memory_space<vmem>>
    %dma_start3A_304 = tpu.memref_squeeze %dma_start3A_303 : memref<1x1x128xi32, #tpu.memory_space<vmem>> -> memref<128xi32, #tpu.memory_space<vmem>>
    %dma_start3A_305 = arith.constant 0 : i32
    %dma_start3A_306 = arith.constant 0 : i32
    %dma_start3A_307 = tpu.memref_slice %arg19[%dma_start3A_305, %dma_start3A_306] : memref<100000x8xf32, #tpu.memory_space<vmem_shared>> -> memref<100000x8xf32, #tpu.memory_space<vmem_shared>>
    tpu.enqueue_indirect_dma source(%dma_start3A_307 : memref<100000x8xf32, #tpu.memory_space<vmem_shared>>) target(%dma_start3A_301 : memref<128x8xf32, #tpu.memory_space<vmem>>) offsets(%dma_start3A_304 : memref<128xi32, #tpu.memory_space<vmem>>) semaphore(%arg23 : memref<!tpu.dma_semaphore, #tpu.memory_space<semaphore_mem>>)
    %dma_start3A_308 = arith.constant 11 : i32
    %dma_start3A_309 = arith.constant 0 : i32
    %dma_start3A_310 = arith.constant 1408 : i32
    %dma_start3A_311 = arith.constant 0 : i32
    %dma_start3A_312 = tpu.memref_slice %arg10[%dma_start3A_310, %dma_start3A_311] : memref<2048x8xf32, #tpu.memory_space<vmem>> -> memref<128x8xf32, #tpu.memory_space<vmem>>
    %dma_start3A_313 = arith.constant 0 : i32
    %dma_start3A_314 = tpu.memref_slice %arg8[%dma_start3A_308, %dma_start3A_309, %dma_start3A_313] : memref<16x2x128xi32, #tpu.memory_space<vmem>> -> memref<1x1x128xi32, #tpu.memory_space<vmem>>
    %dma_start3A_315 = tpu.memref_squeeze %dma_start3A_314 : memref<1x1x128xi32, #tpu.memory_space<vmem>> -> memref<128xi32, #tpu.memory_space<vmem>>
    %dma_start3A_316 = arith.constant 0 : i32
    %dma_start3A_317 = arith.constant 0 : i32
    %dma_start3A_318 = tpu.memref_slice %arg19[%dma_start3A_316, %dma_start3A_317] : memref<100000x8xf32, #tpu.memory_space<vmem_shared>> -> memref<100000x8xf32, #tpu.memory_space<vmem_shared>>
    tpu.enqueue_indirect_dma source(%dma_start3A_318 : memref<100000x8xf32, #tpu.memory_space<vmem_shared>>) target(%dma_start3A_312 : memref<128x8xf32, #tpu.memory_space<vmem>>) offsets(%dma_start3A_315 : memref<128xi32, #tpu.memory_space<vmem>>) semaphore(%arg22 : memref<!tpu.dma_semaphore, #tpu.memory_space<semaphore_mem>>)
    %dma_start3A_319 = arith.constant 11 : i32
    %dma_start3A_320 = arith.constant 1 : i32
    %dma_start3A_321 = arith.constant 1408 : i32
    %dma_start3A_322 = arith.constant 0 : i32
    %dma_start3A_323 = tpu.memref_slice %arg11[%dma_start3A_321, %dma_start3A_322] : memref<2048x8xf32, #tpu.memory_space<vmem>> -> memref<128x8xf32, #tpu.memory_space<vmem>>
    %dma_start3A_324 = arith.constant 0 : i32
    %dma_start3A_325 = tpu.memref_slice %arg8[%dma_start3A_319, %dma_start3A_320, %dma_start3A_324] : memref<16x2x128xi32, #tpu.memory_space<vmem>> -> memref<1x1x128xi32, #tpu.memory_space<vmem>>
    %dma_start3A_326 = tpu.memref_squeeze %dma_start3A_325 : memref<1x1x128xi32, #tpu.memory_space<vmem>> -> memref<128xi32, #tpu.memory_space<vmem>>
    %dma_start3A_327 = arith.constant 0 : i32
    %dma_start3A_328 = arith.constant 0 : i32
    %dma_start3A_329 = tpu.memref_slice %arg19[%dma_start3A_327, %dma_start3A_328] : memref<100000x8xf32, #tpu.memory_space<vmem_shared>> -> memref<100000x8xf32, #tpu.memory_space<vmem_shared>>
    tpu.enqueue_indirect_dma source(%dma_start3A_329 : memref<100000x8xf32, #tpu.memory_space<vmem_shared>>) target(%dma_start3A_323 : memref<128x8xf32, #tpu.memory_space<vmem>>) offsets(%dma_start3A_326 : memref<128xi32, #tpu.memory_space<vmem>>) semaphore(%arg23 : memref<!tpu.dma_semaphore, #tpu.memory_space<semaphore_mem>>)
    %dma_start3A_330 = arith.constant 12 : i32
    %dma_start3A_331 = arith.constant 0 : i32
    %dma_start3A_332 = arith.constant 1536 : i32
    %dma_start3A_333 = arith.constant 0 : i32
    %dma_start3A_334 = tpu.memref_slice %arg10[%dma_start3A_332, %dma_start3A_333] : memref<2048x8xf32, #tpu.memory_space<vmem>> -> memref<128x8xf32, #tpu.memory_space<vmem>>
    %dma_start3A_335 = arith.constant 0 : i32
    %dma_start3A_336 = tpu.memref_slice %arg8[%dma_start3A_330, %dma_start3A_331, %dma_start3A_335] : memref<16x2x128xi32, #tpu.memory_space<vmem>> -> memref<1x1x128xi32, #tpu.memory_space<vmem>>
    %dma_start3A_337 = tpu.memref_squeeze %dma_start3A_336 : memref<1x1x128xi32, #tpu.memory_space<vmem>> -> memref<128xi32, #tpu.memory_space<vmem>>
    %dma_start3A_338 = arith.constant 0 : i32
    %dma_start3A_339 = arith.constant 0 : i32
    %dma_start3A_340 = tpu.memref_slice %arg19[%dma_start3A_338, %dma_start3A_339] : memref<100000x8xf32, #tpu.memory_space<vmem_shared>> -> memref<100000x8xf32, #tpu.memory_space<vmem_shared>>
    tpu.enqueue_indirect_dma source(%dma_start3A_340 : memref<100000x8xf32, #tpu.memory_space<vmem_shared>>) target(%dma_start3A_334 : memref<128x8xf32, #tpu.memory_space<vmem>>) offsets(%dma_start3A_337 : memref<128xi32, #tpu.memory_space<vmem>>) semaphore(%arg22 : memref<!tpu.dma_semaphore, #tpu.memory_space<semaphore_mem>>)
    %dma_start3A_341 = arith.constant 12 : i32
    %dma_start3A_342 = arith.constant 1 : i32
    %dma_start3A_343 = arith.constant 1536 : i32
    %dma_start3A_344 = arith.constant 0 : i32
    %dma_start3A_345 = tpu.memref_slice %arg11[%dma_start3A_343, %dma_start3A_344] : memref<2048x8xf32, #tpu.memory_space<vmem>> -> memref<128x8xf32, #tpu.memory_space<vmem>>
    %dma_start3A_346 = arith.constant 0 : i32
    %dma_start3A_347 = tpu.memref_slice %arg8[%dma_start3A_341, %dma_start3A_342, %dma_start3A_346] : memref<16x2x128xi32, #tpu.memory_space<vmem>> -> memref<1x1x128xi32, #tpu.memory_space<vmem>>
    %dma_start3A_348 = tpu.memref_squeeze %dma_start3A_347 : memref<1x1x128xi32, #tpu.memory_space<vmem>> -> memref<128xi32, #tpu.memory_space<vmem>>
    %dma_start3A_349 = arith.constant 0 : i32
    %dma_start3A_350 = arith.constant 0 : i32
    %dma_start3A_351 = tpu.memref_slice %arg19[%dma_start3A_349, %dma_start3A_350] : memref<100000x8xf32, #tpu.memory_space<vmem_shared>> -> memref<100000x8xf32, #tpu.memory_space<vmem_shared>>
    tpu.enqueue_indirect_dma source(%dma_start3A_351 : memref<100000x8xf32, #tpu.memory_space<vmem_shared>>) target(%dma_start3A_345 : memref<128x8xf32, #tpu.memory_space<vmem>>) offsets(%dma_start3A_348 : memref<128xi32, #tpu.memory_space<vmem>>) semaphore(%arg23 : memref<!tpu.dma_semaphore, #tpu.memory_space<semaphore_mem>>)
    %dma_start3A_352 = arith.constant 13 : i32
    %dma_start3A_353 = arith.constant 0 : i32
    %dma_start3A_354 = arith.constant 1664 : i32
    %dma_start3A_355 = arith.constant 0 : i32
    %dma_start3A_356 = tpu.memref_slice %arg10[%dma_start3A_354, %dma_start3A_355] : memref<2048x8xf32, #tpu.memory_space<vmem>> -> memref<128x8xf32, #tpu.memory_space<vmem>>
    %dma_start3A_357 = arith.constant 0 : i32
    %dma_start3A_358 = tpu.memref_slice %arg8[%dma_start3A_352, %dma_start3A_353, %dma_start3A_357] : memref<16x2x128xi32, #tpu.memory_space<vmem>> -> memref<1x1x128xi32, #tpu.memory_space<vmem>>
    %dma_start3A_359 = tpu.memref_squeeze %dma_start3A_358 : memref<1x1x128xi32, #tpu.memory_space<vmem>> -> memref<128xi32, #tpu.memory_space<vmem>>
    %dma_start3A_360 = arith.constant 0 : i32
    %dma_start3A_361 = arith.constant 0 : i32
    %dma_start3A_362 = tpu.memref_slice %arg19[%dma_start3A_360, %dma_start3A_361] : memref<100000x8xf32, #tpu.memory_space<vmem_shared>> -> memref<100000x8xf32, #tpu.memory_space<vmem_shared>>
    tpu.enqueue_indirect_dma source(%dma_start3A_362 : memref<100000x8xf32, #tpu.memory_space<vmem_shared>>) target(%dma_start3A_356 : memref<128x8xf32, #tpu.memory_space<vmem>>) offsets(%dma_start3A_359 : memref<128xi32, #tpu.memory_space<vmem>>) semaphore(%arg22 : memref<!tpu.dma_semaphore, #tpu.memory_space<semaphore_mem>>)
    %dma_start3A_363 = arith.constant 13 : i32
    %dma_start3A_364 = arith.constant 1 : i32
    %dma_start3A_365 = arith.constant 1664 : i32
    %dma_start3A_366 = arith.constant 0 : i32
    %dma_start3A_367 = tpu.memref_slice %arg11[%dma_start3A_365, %dma_start3A_366] : memref<2048x8xf32, #tpu.memory_space<vmem>> -> memref<128x8xf32, #tpu.memory_space<vmem>>
    %dma_start3A_368 = arith.constant 0 : i32
    %dma_start3A_369 = tpu.memref_slice %arg8[%dma_start3A_363, %dma_start3A_364, %dma_start3A_368] : memref<16x2x128xi32, #tpu.memory_space<vmem>> -> memref<1x1x128xi32, #tpu.memory_space<vmem>>
    %dma_start3A_370 = tpu.memref_squeeze %dma_start3A_369 : memref<1x1x128xi32, #tpu.memory_space<vmem>> -> memref<128xi32, #tpu.memory_space<vmem>>
    %dma_start3A_371 = arith.constant 0 : i32
    %dma_start3A_372 = arith.constant 0 : i32
    %dma_start3A_373 = tpu.memref_slice %arg19[%dma_start3A_371, %dma_start3A_372] : memref<100000x8xf32, #tpu.memory_space<vmem_shared>> -> memref<100000x8xf32, #tpu.memory_space<vmem_shared>>
    tpu.enqueue_indirect_dma source(%dma_start3A_373 : memref<100000x8xf32, #tpu.memory_space<vmem_shared>>) target(%dma_start3A_367 : memref<128x8xf32, #tpu.memory_space<vmem>>) offsets(%dma_start3A_370 : memref<128xi32, #tpu.memory_space<vmem>>) semaphore(%arg23 : memref<!tpu.dma_semaphore, #tpu.memory_space<semaphore_mem>>)
    %dma_start3A_374 = arith.constant 14 : i32
    %dma_start3A_375 = arith.constant 0 : i32
    %dma_start3A_376 = arith.constant 1792 : i32
    %dma_start3A_377 = arith.constant 0 : i32
    %dma_start3A_378 = tpu.memref_slice %arg10[%dma_start3A_376, %dma_start3A_377] : memref<2048x8xf32, #tpu.memory_space<vmem>> -> memref<128x8xf32, #tpu.memory_space<vmem>>
    %dma_start3A_379 = arith.constant 0 : i32
    %dma_start3A_380 = tpu.memref_slice %arg8[%dma_start3A_374, %dma_start3A_375, %dma_start3A_379] : memref<16x2x128xi32, #tpu.memory_space<vmem>> -> memref<1x1x128xi32, #tpu.memory_space<vmem>>
    %dma_start3A_381 = tpu.memref_squeeze %dma_start3A_380 : memref<1x1x128xi32, #tpu.memory_space<vmem>> -> memref<128xi32, #tpu.memory_space<vmem>>
    %dma_start3A_382 = arith.constant 0 : i32
    %dma_start3A_383 = arith.constant 0 : i32
    %dma_start3A_384 = tpu.memref_slice %arg19[%dma_start3A_382, %dma_start3A_383] : memref<100000x8xf32, #tpu.memory_space<vmem_shared>> -> memref<100000x8xf32, #tpu.memory_space<vmem_shared>>
    tpu.enqueue_indirect_dma source(%dma_start3A_384 : memref<100000x8xf32, #tpu.memory_space<vmem_shared>>) target(%dma_start3A_378 : memref<128x8xf32, #tpu.memory_space<vmem>>) offsets(%dma_start3A_381 : memref<128xi32, #tpu.memory_space<vmem>>) semaphore(%arg22 : memref<!tpu.dma_semaphore, #tpu.memory_space<semaphore_mem>>)
    %dma_start3A_385 = arith.constant 14 : i32
    %dma_start3A_386 = arith.constant 1 : i32
    %dma_start3A_387 = arith.constant 1792 : i32
    %dma_start3A_388 = arith.constant 0 : i32
    %dma_start3A_389 = tpu.memref_slice %arg11[%dma_start3A_387, %dma_start3A_388] : memref<2048x8xf32, #tpu.memory_space<vmem>> -> memref<128x8xf32, #tpu.memory_space<vmem>>
    %dma_start3A_390 = arith.constant 0 : i32
    %dma_start3A_391 = tpu.memref_slice %arg8[%dma_start3A_385, %dma_start3A_386, %dma_start3A_390] : memref<16x2x128xi32, #tpu.memory_space<vmem>> -> memref<1x1x128xi32, #tpu.memory_space<vmem>>
    %dma_start3A_392 = tpu.memref_squeeze %dma_start3A_391 : memref<1x1x128xi32, #tpu.memory_space<vmem>> -> memref<128xi32, #tpu.memory_space<vmem>>
    %dma_start3A_393 = arith.constant 0 : i32
    %dma_start3A_394 = arith.constant 0 : i32
    %dma_start3A_395 = tpu.memref_slice %arg19[%dma_start3A_393, %dma_start3A_394] : memref<100000x8xf32, #tpu.memory_space<vmem_shared>> -> memref<100000x8xf32, #tpu.memory_space<vmem_shared>>
    tpu.enqueue_indirect_dma source(%dma_start3A_395 : memref<100000x8xf32, #tpu.memory_space<vmem_shared>>) target(%dma_start3A_389 : memref<128x8xf32, #tpu.memory_space<vmem>>) offsets(%dma_start3A_392 : memref<128xi32, #tpu.memory_space<vmem>>) semaphore(%arg23 : memref<!tpu.dma_semaphore, #tpu.memory_space<semaphore_mem>>)
    %dma_start3A_396 = arith.constant 15 : i32
    %dma_start3A_397 = arith.constant 0 : i32
    %dma_start3A_398 = arith.constant 1920 : i32
    %dma_start3A_399 = arith.constant 0 : i32
    %dma_start3A_400 = tpu.memref_slice %arg10[%dma_start3A_398, %dma_start3A_399] : memref<2048x8xf32, #tpu.memory_space<vmem>> -> memref<128x8xf32, #tpu.memory_space<vmem>>
    %dma_start3A_401 = arith.constant 0 : i32
    %dma_start3A_402 = tpu.memref_slice %arg8[%dma_start3A_396, %dma_start3A_397, %dma_start3A_401] : memref<16x2x128xi32, #tpu.memory_space<vmem>> -> memref<1x1x128xi32, #tpu.memory_space<vmem>>
    %dma_start3A_403 = tpu.memref_squeeze %dma_start3A_402 : memref<1x1x128xi32, #tpu.memory_space<vmem>> -> memref<128xi32, #tpu.memory_space<vmem>>
    %dma_start3A_404 = arith.constant 0 : i32
    %dma_start3A_405 = arith.constant 0 : i32
    %dma_start3A_406 = tpu.memref_slice %arg19[%dma_start3A_404, %dma_start3A_405] : memref<100000x8xf32, #tpu.memory_space<vmem_shared>> -> memref<100000x8xf32, #tpu.memory_space<vmem_shared>>
    tpu.enqueue_indirect_dma source(%dma_start3A_406 : memref<100000x8xf32, #tpu.memory_space<vmem_shared>>) target(%dma_start3A_400 : memref<128x8xf32, #tpu.memory_space<vmem>>) offsets(%dma_start3A_403 : memref<128xi32, #tpu.memory_space<vmem>>) semaphore(%arg22 : memref<!tpu.dma_semaphore, #tpu.memory_space<semaphore_mem>>)
    %dma_start3A_407 = arith.constant 15 : i32
    %dma_start3A_408 = arith.constant 1 : i32
    %dma_start3A_409 = arith.constant 1920 : i32
    %dma_start3A_410 = arith.constant 0 : i32
    %dma_start3A_411 = tpu.memref_slice %arg11[%dma_start3A_409, %dma_start3A_410] : memref<2048x8xf32, #tpu.memory_space<vmem>> -> memref<128x8xf32, #tpu.memory_space<vmem>>
    %dma_start3A_412 = arith.constant 0 : i32
    %dma_start3A_413 = tpu.memref_slice %arg8[%dma_start3A_407, %dma_start3A_408, %dma_start3A_412] : memref<16x2x128xi32, #tpu.memory_space<vmem>> -> memref<1x1x128xi32, #tpu.memory_space<vmem>>
    %dma_start3A_414 = tpu.memref_squeeze %dma_start3A_413 : memref<1x1x128xi32, #tpu.memory_space<vmem>> -> memref<128xi32, #tpu.memory_space<vmem>>
    %dma_start3A_415 = arith.constant 0 : i32
    %dma_start3A_416 = arith.constant 0 : i32
    %dma_start3A_417 = tpu.memref_slice %arg19[%dma_start3A_415, %dma_start3A_416] : memref<100000x8xf32, #tpu.memory_space<vmem_shared>> -> memref<100000x8xf32, #tpu.memory_space<vmem_shared>>
    tpu.enqueue_indirect_dma source(%dma_start3A_417 : memref<100000x8xf32, #tpu.memory_space<vmem_shared>>) target(%dma_start3A_411 : memref<128x8xf32, #tpu.memory_space<vmem>>) offsets(%dma_start3A_414 : memref<128xi32, #tpu.memory_space<vmem>>) semaphore(%arg23 : memref<!tpu.dma_semaphore, #tpu.memory_space<semaphore_mem>>)
    %add3A_418 = arith.constant 2048 : i32
    %add3A_419 = arith.addi %mul3A_2, %add3A_418 : i32
    %jit3A_420 = arith.constant 128 : i32
    %div3A_421 = arith.divsi %add3A_419, %jit3A_420 : i32
    %sign3A_422 = arith.constant 0 : i32
    %sign3A_423 = arith.cmpi sgt, %add3A_419, %sign3A_422 : i32
    %sign3A_424 = arith.extui %sign3A_423 : i1 to i32
    %sign3A_425 = arith.constant 0 : i32
    %sign3A_426 = arith.cmpi slt, %add3A_419, %sign3A_425 : i32
    %sign3A_427 = arith.extui %sign3A_426 : i1 to i32
    %sign3A_428 = arith.subi %sign3A_424, %sign3A_427 : i32
    %sign3A_429 = arith.constant 0 : i32
    %sign3A_430 = arith.cmpi sgt, %jit3A_420, %sign3A_429 : i32
    %sign3A_431 = arith.extui %sign3A_430 : i1 to i32
    %sign3A_432 = arith.constant 0 : i32
    %sign3A_433 = arith.cmpi slt, %jit3A_420, %sign3A_432 : i32
    %sign3A_434 = arith.extui %sign3A_433 : i1 to i32
    %sign3A_435 = arith.subi %sign3A_431, %sign3A_434 : i32
    %ne3A_436 = arith.cmpi ne, %sign3A_428, %sign3A_435 : i32
    %rem3A_437 = arith.remsi %add3A_419, %jit3A_420 : i32
    %ne3A_438 = arith.constant 0 : i32
    %ne3A_439 = arith.cmpi ne, %rem3A_437, %ne3A_438 : i32
    %and3A_440 = arith.andi %ne3A_436, %ne3A_439 : i1
    %sub3A_441 = arith.constant 1 : i32
    %sub3A_442 = arith.subi %div3A_421, %sub3A_441 : i32
    %select_n3A_443 = arith.select %and3A_440, %sub3A_442, %div3A_421 : i32
    %dma_start3A_444 = arith.constant 0 : i32
    %dma_start3A_445 = arith.constant 0 : i32
    %dma_start3A_446 = tpu.memref_slice %arg2[%select_n3A_443, %dma_start3A_444, %dma_start3A_445] : memref<50176x2x128xi32, #tpu.memory_space<hbm>> -> memref<16x2x128xi32, #tpu.memory_space<hbm>>
    %dma_start3A_447 = arith.constant 0 : i32
    %dma_start3A_448 = arith.constant 0 : i32
    %dma_start3A_449 = tpu.memref_slice %arg2[%select_n3A_443, %dma_start3A_447, %dma_start3A_448] : memref<50176x2x128xi32, #tpu.memory_space<hbm>> -> memref<16x2x128xi32, #tpu.memory_space<hbm>>
    tpu.enqueue_dma source(%dma_start3A_449 : memref<16x2x128xi32, #tpu.memory_space<hbm>>) target(%arg9 : memref<16x2x128xi32, #tpu.memory_space<vmem>>) target_semaphore(%arg21 : memref<!tpu.dma_semaphore, #tpu.memory_space<semaphore_mem>>)
    %scan3A = arith.constant 0 : i32
    %scan3A_450 = arith.constant 49 : i32
    %scan3A_451 = arith.addi %scan3A, %scan3A_450 : i32
    %scan3A_452 = arith.constant 1 : i32
    scf.for %scan3A_462 = %scan3A to %scan3A_451 step %scan3A_452  : i32 {
      %mul3A_463 = arith.constant 1 : i32
      %mul3A_464 = arith.muli %scan3A_462, %mul3A_463 : i32
      %add3A_465 = arith.constant 0 : i32
      %add3A_466 = arith.addi %add3A_465, %mul3A_464 : i32
      %mul3A_467 = arith.constant 2 : i32
      %mul3A_468 = arith.muli %add3A_466, %mul3A_467 : i32
      %add3A_469 = arith.constant 1 : i32
      %add3A_470 = arith.addi %mul3A_468, %add3A_469 : i32
      %dma_wait3A_471 = arith.constant 0 : i32
      %dma_wait3A_472 = arith.constant 0 : i32
      %dma_wait3A_473 = arith.constant 0 : i32
      %dma_wait3A_474 = tpu.memref_slice %arg2[%dma_wait3A_471, %dma_wait3A_472, %dma_wait3A_473] : memref<50176x2x128xi32, #tpu.memory_space<hbm>> -> memref<16x2x128xi32, #tpu.memory_space<hbm>>
      %dma_wait3A_475 = arith.constant 0 : i32
      %dma_wait3A_476 = arith.constant 0 : i32
      %dma_wait3A_477 = arith.constant 0 : i32
      %dma_wait3A_478 = tpu.memref_slice %arg2[%dma_wait3A_475, %dma_wait3A_476, %dma_wait3A_477] : memref<50176x2x128xi32, #tpu.memory_space<hbm>> -> memref<16x2x128xi32, #tpu.memory_space<hbm>>
      tpu.wait_dma2 semaphore(%arg21 : memref<!tpu.dma_semaphore, #tpu.memory_space<semaphore_mem>>) src(%dma_wait3A_478 : memref<16x2x128xi32, #tpu.memory_space<hbm>>) dst(%arg9 : memref<16x2x128xi32, #tpu.memory_space<vmem>>)
      %dma_start3A_479 = arith.constant 0 : i32
      %dma_start3A_480 = arith.constant 0 : i32
      %dma_start3A_481 = arith.constant 0 : i32
      %dma_start3A_482 = arith.constant 0 : i32
      %dma_start3A_483 = tpu.memref_slice %arg12[%dma_start3A_481, %dma_start3A_482] : memref<2048x8xf32, #tpu.memory_space<vmem>> -> memref<128x8xf32, #tpu.memory_space<vmem>>
      %dma_start3A_484 = arith.constant 0 : i32
      %dma_start3A_485 = tpu.memref_slice %arg9[%dma_start3A_479, %dma_start3A_480, %dma_start3A_484] : memref<16x2x128xi32, #tpu.memory_space<vmem>> -> memref<1x1x128xi32, #tpu.memory_space<vmem>>
      %dma_start3A_486 = tpu.memref_squeeze %dma_start3A_485 : memref<1x1x128xi32, #tpu.memory_space<vmem>> -> memref<128xi32, #tpu.memory_space<vmem>>
      %dma_start3A_487 = arith.constant 0 : i32
      %dma_start3A_488 = arith.constant 0 : i32
      %dma_start3A_489 = tpu.memref_slice %arg19[%dma_start3A_487, %dma_start3A_488] : memref<100000x8xf32, #tpu.memory_space<vmem_shared>> -> memref<100000x8xf32, #tpu.memory_space<vmem_shared>>
      tpu.enqueue_indirect_dma source(%dma_start3A_489 : memref<100000x8xf32, #tpu.memory_space<vmem_shared>>) target(%dma_start3A_483 : memref<128x8xf32, #tpu.memory_space<vmem>>) offsets(%dma_start3A_486 : memref<128xi32, #tpu.memory_space<vmem>>) semaphore(%arg24 : memref<!tpu.dma_semaphore, #tpu.memory_space<semaphore_mem>>)
      %dma_start3A_490 = arith.constant 0 : i32
      %dma_start3A_491 = arith.constant 1 : i32
      %dma_start3A_492 = arith.constant 0 : i32
      %dma_start3A_493 = arith.constant 0 : i32
      %dma_start3A_494 = tpu.memref_slice %arg13[%dma_start3A_492, %dma_start3A_493] : memref<2048x8xf32, #tpu.memory_space<vmem>> -> memref<128x8xf32, #tpu.memory_space<vmem>>
      %dma_start3A_495 = arith.constant 0 : i32
      %dma_start3A_496 = tpu.memref_slice %arg9[%dma_start3A_490, %dma_start3A_491, %dma_start3A_495] : memref<16x2x128xi32, #tpu.memory_space<vmem>> -> memref<1x1x128xi32, #tpu.memory_space<vmem>>
      %dma_start3A_497 = tpu.memref_squeeze %dma_start3A_496 : memref<1x1x128xi32, #tpu.memory_space<vmem>> -> memref<128xi32, #tpu.memory_space<vmem>>
      %dma_start3A_498 = arith.constant 0 : i32
      %dma_start3A_499 = arith.constant 0 : i32
      %dma_start3A_500 = tpu.memref_slice %arg19[%dma_start3A_498, %dma_start3A_499] : memref<100000x8xf32, #tpu.memory_space<vmem_shared>> -> memref<100000x8xf32, #tpu.memory_space<vmem_shared>>
      tpu.enqueue_indirect_dma source(%dma_start3A_500 : memref<100000x8xf32, #tpu.memory_space<vmem_shared>>) target(%dma_start3A_494 : memref<128x8xf32, #tpu.memory_space<vmem>>) offsets(%dma_start3A_497 : memref<128xi32, #tpu.memory_space<vmem>>) semaphore(%arg25 : memref<!tpu.dma_semaphore, #tpu.memory_space<semaphore_mem>>)
      %dma_start3A_501 = arith.constant 1 : i32
      %dma_start3A_502 = arith.constant 0 : i32
      %dma_start3A_503 = arith.constant 128 : i32
      %dma_start3A_504 = arith.constant 0 : i32
      %dma_start3A_505 = tpu.memref_slice %arg12[%dma_start3A_503, %dma_start3A_504] : memref<2048x8xf32, #tpu.memory_space<vmem>> -> memref<128x8xf32, #tpu.memory_space<vmem>>
      %dma_start3A_506 = arith.constant 0 : i32
      %dma_start3A_507 = tpu.memref_slice %arg9[%dma_start3A_501, %dma_start3A_502, %dma_start3A_506] : memref<16x2x128xi32, #tpu.memory_space<vmem>> -> memref<1x1x128xi32, #tpu.memory_space<vmem>>
      %dma_start3A_508 = tpu.memref_squeeze %dma_start3A_507 : memref<1x1x128xi32, #tpu.memory_space<vmem>> -> memref<128xi32, #tpu.memory_space<vmem>>
      %dma_start3A_509 = arith.constant 0 : i32
      %dma_start3A_510 = arith.constant 0 : i32
      %dma_start3A_511 = tpu.memref_slice %arg19[%dma_start3A_509, %dma_start3A_510] : memref<100000x8xf32, #tpu.memory_space<vmem_shared>> -> memref<100000x8xf32, #tpu.memory_space<vmem_shared>>
      tpu.enqueue_indirect_dma source(%dma_start3A_511 : memref<100000x8xf32, #tpu.memory_space<vmem_shared>>) target(%dma_start3A_505 : memref<128x8xf32, #tpu.memory_space<vmem>>) offsets(%dma_start3A_508 : memref<128xi32, #tpu.memory_space<vmem>>) semaphore(%arg24 : memref<!tpu.dma_semaphore, #tpu.memory_space<semaphore_mem>>)
      %dma_start3A_512 = arith.constant 1 : i32
      %dma_start3A_513 = arith.constant 1 : i32
      %dma_start3A_514 = arith.constant 128 : i32
      %dma_start3A_515 = arith.constant 0 : i32
      %dma_start3A_516 = tpu.memref_slice %arg13[%dma_start3A_514, %dma_start3A_515] : memref<2048x8xf32, #tpu.memory_space<vmem>> -> memref<128x8xf32, #tpu.memory_space<vmem>>
      %dma_start3A_517 = arith.constant 0 : i32
      %dma_start3A_518 = tpu.memref_slice %arg9[%dma_start3A_512, %dma_start3A_513, %dma_start3A_517] : memref<16x2x128xi32, #tpu.memory_space<vmem>> -> memref<1x1x128xi32, #tpu.memory_space<vmem>>
      %dma_start3A_519 = tpu.memref_squeeze %dma_start3A_518 : memref<1x1x128xi32, #tpu.memory_space<vmem>> -> memref<128xi32, #tpu.memory_space<vmem>>
      %dma_start3A_520 = arith.constant 0 : i32
      %dma_start3A_521 = arith.constant 0 : i32
      %dma_start3A_522 = tpu.memref_slice %arg19[%dma_start3A_520, %dma_start3A_521] : memref<100000x8xf32, #tpu.memory_space<vmem_shared>> -> memref<100000x8xf32, #tpu.memory_space<vmem_shared>>
      tpu.enqueue_indirect_dma source(%dma_start3A_522 : memref<100000x8xf32, #tpu.memory_space<vmem_shared>>) target(%dma_start3A_516 : memref<128x8xf32, #tpu.memory_space<vmem>>) offsets(%dma_start3A_519 : memref<128xi32, #tpu.memory_space<vmem>>) semaphore(%arg25 : memref<!tpu.dma_semaphore, #tpu.memory_space<semaphore_mem>>)
      %dma_start3A_523 = arith.constant 2 : i32
      %dma_start3A_524 = arith.constant 0 : i32
      %dma_start3A_525 = arith.constant 256 : i32
      %dma_start3A_526 = arith.constant 0 : i32
      %dma_start3A_527 = tpu.memref_slice %arg12[%dma_start3A_525, %dma_start3A_526] : memref<2048x8xf32, #tpu.memory_space<vmem>> -> memref<128x8xf32, #tpu.memory_space<vmem>>
      %dma_start3A_528 = arith.constant 0 : i32
      %dma_start3A_529 = tpu.memref_slice %arg9[%dma_start3A_523, %dma_start3A_524, %dma_start3A_528] : memref<16x2x128xi32, #tpu.memory_space<vmem>> -> memref<1x1x128xi32, #tpu.memory_space<vmem>>
      %dma_start3A_530 = tpu.memref_squeeze %dma_start3A_529 : memref<1x1x128xi32, #tpu.memory_space<vmem>> -> memref<128xi32, #tpu.memory_space<vmem>>
      %dma_start3A_531 = arith.constant 0 : i32
      %dma_start3A_532 = arith.constant 0 : i32
      %dma_start3A_533 = tpu.memref_slice %arg19[%dma_start3A_531, %dma_start3A_532] : memref<100000x8xf32, #tpu.memory_space<vmem_shared>> -> memref<100000x8xf32, #tpu.memory_space<vmem_shared>>
      tpu.enqueue_indirect_dma source(%dma_start3A_533 : memref<100000x8xf32, #tpu.memory_space<vmem_shared>>) target(%dma_start3A_527 : memref<128x8xf32, #tpu.memory_space<vmem>>) offsets(%dma_start3A_530 : memref<128xi32, #tpu.memory_space<vmem>>) semaphore(%arg24 : memref<!tpu.dma_semaphore, #tpu.memory_space<semaphore_mem>>)
      %dma_start3A_534 = arith.constant 2 : i32
      %dma_start3A_535 = arith.constant 1 : i32
      %dma_start3A_536 = arith.constant 256 : i32
      %dma_start3A_537 = arith.constant 0 : i32
      %dma_start3A_538 = tpu.memref_slice %arg13[%dma_start3A_536, %dma_start3A_537] : memref<2048x8xf32, #tpu.memory_space<vmem>> -> memref<128x8xf32, #tpu.memory_space<vmem>>
      %dma_start3A_539 = arith.constant 0 : i32
      %dma_start3A_540 = tpu.memref_slice %arg9[%dma_start3A_534, %dma_start3A_535, %dma_start3A_539] : memref<16x2x128xi32, #tpu.memory_space<vmem>> -> memref<1x1x128xi32, #tpu.memory_space<vmem>>
      %dma_start3A_541 = tpu.memref_squeeze %dma_start3A_540 : memref<1x1x128xi32, #tpu.memory_space<vmem>> -> memref<128xi32, #tpu.memory_space<vmem>>
      %dma_start3A_542 = arith.constant 0 : i32
      %dma_start3A_543 = arith.constant 0 : i32
      %dma_start3A_544 = tpu.memref_slice %arg19[%dma_start3A_542, %dma_start3A_543] : memref<100000x8xf32, #tpu.memory_space<vmem_shared>> -> memref<100000x8xf32, #tpu.memory_space<vmem_shared>>
      tpu.enqueue_indirect_dma source(%dma_start3A_544 : memref<100000x8xf32, #tpu.memory_space<vmem_shared>>) target(%dma_start3A_538 : memref<128x8xf32, #tpu.memory_space<vmem>>) offsets(%dma_start3A_541 : memref<128xi32, #tpu.memory_space<vmem>>) semaphore(%arg25 : memref<!tpu.dma_semaphore, #tpu.memory_space<semaphore_mem>>)
      %dma_start3A_545 = arith.constant 3 : i32
      %dma_start3A_546 = arith.constant 0 : i32
      %dma_start3A_547 = arith.constant 384 : i32
      %dma_start3A_548 = arith.constant 0 : i32
      %dma_start3A_549 = tpu.memref_slice %arg12[%dma_start3A_547, %dma_start3A_548] : memref<2048x8xf32, #tpu.memory_space<vmem>> -> memref<128x8xf32, #tpu.memory_space<vmem>>
      %dma_start3A_550 = arith.constant 0 : i32
      %dma_start3A_551 = tpu.memref_slice %arg9[%dma_start3A_545, %dma_start3A_546, %dma_start3A_550] : memref<16x2x128xi32, #tpu.memory_space<vmem>> -> memref<1x1x128xi32, #tpu.memory_space<vmem>>
      %dma_start3A_552 = tpu.memref_squeeze %dma_start3A_551 : memref<1x1x128xi32, #tpu.memory_space<vmem>> -> memref<128xi32, #tpu.memory_space<vmem>>
      %dma_start3A_553 = arith.constant 0 : i32
      %dma_start3A_554 = arith.constant 0 : i32
      %dma_start3A_555 = tpu.memref_slice %arg19[%dma_start3A_553, %dma_start3A_554] : memref<100000x8xf32, #tpu.memory_space<vmem_shared>> -> memref<100000x8xf32, #tpu.memory_space<vmem_shared>>
      tpu.enqueue_indirect_dma source(%dma_start3A_555 : memref<100000x8xf32, #tpu.memory_space<vmem_shared>>) target(%dma_start3A_549 : memref<128x8xf32, #tpu.memory_space<vmem>>) offsets(%dma_start3A_552 : memref<128xi32, #tpu.memory_space<vmem>>) semaphore(%arg24 : memref<!tpu.dma_semaphore, #tpu.memory_space<semaphore_mem>>)
      %dma_start3A_556 = arith.constant 3 : i32
      %dma_start3A_557 = arith.constant 1 : i32
      %dma_start3A_558 = arith.constant 384 : i32
      %dma_start3A_559 = arith.constant 0 : i32
      %dma_start3A_560 = tpu.memref_slice %arg13[%dma_start3A_558, %dma_start3A_559] : memref<2048x8xf32, #tpu.memory_space<vmem>> -> memref<128x8xf32, #tpu.memory_space<vmem>>
      %dma_start3A_561 = arith.constant 0 : i32
      %dma_start3A_562 = tpu.memref_slice %arg9[%dma_start3A_556, %dma_start3A_557, %dma_start3A_561] : memref<16x2x128xi32, #tpu.memory_space<vmem>> -> memref<1x1x128xi32, #tpu.memory_space<vmem>>
      %dma_start3A_563 = tpu.memref_squeeze %dma_start3A_562 : memref<1x1x128xi32, #tpu.memory_space<vmem>> -> memref<128xi32, #tpu.memory_space<vmem>>
      %dma_start3A_564 = arith.constant 0 : i32
      %dma_start3A_565 = arith.constant 0 : i32
      %dma_start3A_566 = tpu.memref_slice %arg19[%dma_start3A_564, %dma_start3A_565] : memref<100000x8xf32, #tpu.memory_space<vmem_shared>> -> memref<100000x8xf32, #tpu.memory_space<vmem_shared>>
      tpu.enqueue_indirect_dma source(%dma_start3A_566 : memref<100000x8xf32, #tpu.memory_space<vmem_shared>>) target(%dma_start3A_560 : memref<128x8xf32, #tpu.memory_space<vmem>>) offsets(%dma_start3A_563 : memref<128xi32, #tpu.memory_space<vmem>>) semaphore(%arg25 : memref<!tpu.dma_semaphore, #tpu.memory_space<semaphore_mem>>)
      %dma_start3A_567 = arith.constant 4 : i32
      %dma_start3A_568 = arith.constant 0 : i32
      %dma_start3A_569 = arith.constant 512 : i32
      %dma_start3A_570 = arith.constant 0 : i32
      %dma_start3A_571 = tpu.memref_slice %arg12[%dma_start3A_569, %dma_start3A_570] : memref<2048x8xf32, #tpu.memory_space<vmem>> -> memref<128x8xf32, #tpu.memory_space<vmem>>
      %dma_start3A_572 = arith.constant 0 : i32
      %dma_start3A_573 = tpu.memref_slice %arg9[%dma_start3A_567, %dma_start3A_568, %dma_start3A_572] : memref<16x2x128xi32, #tpu.memory_space<vmem>> -> memref<1x1x128xi32, #tpu.memory_space<vmem>>
      %dma_start3A_574 = tpu.memref_squeeze %dma_start3A_573 : memref<1x1x128xi32, #tpu.memory_space<vmem>> -> memref<128xi32, #tpu.memory_space<vmem>>
      %dma_start3A_575 = arith.constant 0 : i32
      %dma_start3A_576 = arith.constant 0 : i32
      %dma_start3A_577 = tpu.memref_slice %arg19[%dma_start3A_575, %dma_start3A_576] : memref<100000x8xf32, #tpu.memory_space<vmem_shared>> -> memref<100000x8xf32, #tpu.memory_space<vmem_shared>>
      tpu.enqueue_indirect_dma source(%dma_start3A_577 : memref<100000x8xf32, #tpu.memory_space<vmem_shared>>) target(%dma_start3A_571 : memref<128x8xf32, #tpu.memory_space<vmem>>) offsets(%dma_start3A_574 : memref<128xi32, #tpu.memory_space<vmem>>) semaphore(%arg24 : memref<!tpu.dma_semaphore, #tpu.memory_space<semaphore_mem>>)
      %dma_start3A_578 = arith.constant 4 : i32
      %dma_start3A_579 = arith.constant 1 : i32
      %dma_start3A_580 = arith.constant 512 : i32
      %dma_start3A_581 = arith.constant 0 : i32
      %dma_start3A_582 = tpu.memref_slice %arg13[%dma_start3A_580, %dma_start3A_581] : memref<2048x8xf32, #tpu.memory_space<vmem>> -> memref<128x8xf32, #tpu.memory_space<vmem>>
      %dma_start3A_583 = arith.constant 0 : i32
      %dma_start3A_584 = tpu.memref_slice %arg9[%dma_start3A_578, %dma_start3A_579, %dma_start3A_583] : memref<16x2x128xi32, #tpu.memory_space<vmem>> -> memref<1x1x128xi32, #tpu.memory_space<vmem>>
      %dma_start3A_585 = tpu.memref_squeeze %dma_start3A_584 : memref<1x1x128xi32, #tpu.memory_space<vmem>> -> memref<128xi32, #tpu.memory_space<vmem>>
      %dma_start3A_586 = arith.constant 0 : i32
      %dma_start3A_587 = arith.constant 0 : i32
      %dma_start3A_588 = tpu.memref_slice %arg19[%dma_start3A_586, %dma_start3A_587] : memref<100000x8xf32, #tpu.memory_space<vmem_shared>> -> memref<100000x8xf32, #tpu.memory_space<vmem_shared>>
      tpu.enqueue_indirect_dma source(%dma_start3A_588 : memref<100000x8xf32, #tpu.memory_space<vmem_shared>>) target(%dma_start3A_582 : memref<128x8xf32, #tpu.memory_space<vmem>>) offsets(%dma_start3A_585 : memref<128xi32, #tpu.memory_space<vmem>>) semaphore(%arg25 : memref<!tpu.dma_semaphore, #tpu.memory_space<semaphore_mem>>)
      %dma_start3A_589 = arith.constant 5 : i32
      %dma_start3A_590 = arith.constant 0 : i32
      %dma_start3A_591 = arith.constant 640 : i32
      %dma_start3A_592 = arith.constant 0 : i32
      %dma_start3A_593 = tpu.memref_slice %arg12[%dma_start3A_591, %dma_start3A_592] : memref<2048x8xf32, #tpu.memory_space<vmem>> -> memref<128x8xf32, #tpu.memory_space<vmem>>
      %dma_start3A_594 = arith.constant 0 : i32
      %dma_start3A_595 = tpu.memref_slice %arg9[%dma_start3A_589, %dma_start3A_590, %dma_start3A_594] : memref<16x2x128xi32, #tpu.memory_space<vmem>> -> memref<1x1x128xi32, #tpu.memory_space<vmem>>
      %dma_start3A_596 = tpu.memref_squeeze %dma_start3A_595 : memref<1x1x128xi32, #tpu.memory_space<vmem>> -> memref<128xi32, #tpu.memory_space<vmem>>
      %dma_start3A_597 = arith.constant 0 : i32
      %dma_start3A_598 = arith.constant 0 : i32
      %dma_start3A_599 = tpu.memref_slice %arg19[%dma_start3A_597, %dma_start3A_598] : memref<100000x8xf32, #tpu.memory_space<vmem_shared>> -> memref<100000x8xf32, #tpu.memory_space<vmem_shared>>
      tpu.enqueue_indirect_dma source(%dma_start3A_599 : memref<100000x8xf32, #tpu.memory_space<vmem_shared>>) target(%dma_start3A_593 : memref<128x8xf32, #tpu.memory_space<vmem>>) offsets(%dma_start3A_596 : memref<128xi32, #tpu.memory_space<vmem>>) semaphore(%arg24 : memref<!tpu.dma_semaphore, #tpu.memory_space<semaphore_mem>>)
      %dma_start3A_600 = arith.constant 5 : i32
      %dma_start3A_601 = arith.constant 1 : i32
      %dma_start3A_602 = arith.constant 640 : i32
      %dma_start3A_603 = arith.constant 0 : i32
      %dma_start3A_604 = tpu.memref_slice %arg13[%dma_start3A_602, %dma_start3A_603] : memref<2048x8xf32, #tpu.memory_space<vmem>> -> memref<128x8xf32, #tpu.memory_space<vmem>>
      %dma_start3A_605 = arith.constant 0 : i32
      %dma_start3A_606 = tpu.memref_slice %arg9[%dma_start3A_600, %dma_start3A_601, %dma_start3A_605] : memref<16x2x128xi32, #tpu.memory_space<vmem>> -> memref<1x1x128xi32, #tpu.memory_space<vmem>>
      %dma_start3A_607 = tpu.memref_squeeze %dma_start3A_606 : memref<1x1x128xi32, #tpu.memory_space<vmem>> -> memref<128xi32, #tpu.memory_space<vmem>>
      %dma_start3A_608 = arith.constant 0 : i32
      %dma_start3A_609 = arith.constant 0 : i32
      %dma_start3A_610 = tpu.memref_slice %arg19[%dma_start3A_608, %dma_start3A_609] : memref<100000x8xf32, #tpu.memory_space<vmem_shared>> -> memref<100000x8xf32, #tpu.memory_space<vmem_shared>>
      tpu.enqueue_indirect_dma source(%dma_start3A_610 : memref<100000x8xf32, #tpu.memory_space<vmem_shared>>) target(%dma_start3A_604 : memref<128x8xf32, #tpu.memory_space<vmem>>) offsets(%dma_start3A_607 : memref<128xi32, #tpu.memory_space<vmem>>) semaphore(%arg25 : memref<!tpu.dma_semaphore, #tpu.memory_space<semaphore_mem>>)
      %dma_start3A_611 = arith.constant 6 : i32
      %dma_start3A_612 = arith.constant 0 : i32
      %dma_start3A_613 = arith.constant 768 : i32
      %dma_start3A_614 = arith.constant 0 : i32
      %dma_start3A_615 = tpu.memref_slice %arg12[%dma_start3A_613, %dma_start3A_614] : memref<2048x8xf32, #tpu.memory_space<vmem>> -> memref<128x8xf32, #tpu.memory_space<vmem>>
      %dma_start3A_616 = arith.constant 0 : i32
      %dma_start3A_617 = tpu.memref_slice %arg9[%dma_start3A_611, %dma_start3A_612, %dma_start3A_616] : memref<16x2x128xi32, #tpu.memory_space<vmem>> -> memref<1x1x128xi32, #tpu.memory_space<vmem>>
      %dma_start3A_618 = tpu.memref_squeeze %dma_start3A_617 : memref<1x1x128xi32, #tpu.memory_space<vmem>> -> memref<128xi32, #tpu.memory_space<vmem>>
      %dma_start3A_619 = arith.constant 0 : i32
      %dma_start3A_620 = arith.constant 0 : i32
      %dma_start3A_621 = tpu.memref_slice %arg19[%dma_start3A_619, %dma_start3A_620] : memref<100000x8xf32, #tpu.memory_space<vmem_shared>> -> memref<100000x8xf32, #tpu.memory_space<vmem_shared>>
      tpu.enqueue_indirect_dma source(%dma_start3A_621 : memref<100000x8xf32, #tpu.memory_space<vmem_shared>>) target(%dma_start3A_615 : memref<128x8xf32, #tpu.memory_space<vmem>>) offsets(%dma_start3A_618 : memref<128xi32, #tpu.memory_space<vmem>>) semaphore(%arg24 : memref<!tpu.dma_semaphore, #tpu.memory_space<semaphore_mem>>)
      %dma_start3A_622 = arith.constant 6 : i32
      %dma_start3A_623 = arith.constant 1 : i32
      %dma_start3A_624 = arith.constant 768 : i32
      %dma_start3A_625 = arith.constant 0 : i32
      %dma_start3A_626 = tpu.memref_slice %arg13[%dma_start3A_624, %dma_start3A_625] : memref<2048x8xf32, #tpu.memory_space<vmem>> -> memref<128x8xf32, #tpu.memory_space<vmem>>
      %dma_start3A_627 = arith.constant 0 : i32
      %dma_start3A_628 = tpu.memref_slice %arg9[%dma_start3A_622, %dma_start3A_623, %dma_start3A_627] : memref<16x2x128xi32, #tpu.memory_space<vmem>> -> memref<1x1x128xi32, #tpu.memory_space<vmem>>
      %dma_start3A_629 = tpu.memref_squeeze %dma_start3A_628 : memref<1x1x128xi32, #tpu.memory_space<vmem>> -> memref<128xi32, #tpu.memory_space<vmem>>
      %dma_start3A_630 = arith.constant 0 : i32
      %dma_start3A_631 = arith.constant 0 : i32
      %dma_start3A_632 = tpu.memref_slice %arg19[%dma_start3A_630, %dma_start3A_631] : memref<100000x8xf32, #tpu.memory_space<vmem_shared>> -> memref<100000x8xf32, #tpu.memory_space<vmem_shared>>
      tpu.enqueue_indirect_dma source(%dma_start3A_632 : memref<100000x8xf32, #tpu.memory_space<vmem_shared>>) target(%dma_start3A_626 : memref<128x8xf32, #tpu.memory_space<vmem>>) offsets(%dma_start3A_629 : memref<128xi32, #tpu.memory_space<vmem>>) semaphore(%arg25 : memref<!tpu.dma_semaphore, #tpu.memory_space<semaphore_mem>>)
      %dma_start3A_633 = arith.constant 7 : i32
      %dma_start3A_634 = arith.constant 0 : i32
      %dma_start3A_635 = arith.constant 896 : i32
      %dma_start3A_636 = arith.constant 0 : i32
      %dma_start3A_637 = tpu.memref_slice %arg12[%dma_start3A_635, %dma_start3A_636] : memref<2048x8xf32, #tpu.memory_space<vmem>> -> memref<128x8xf32, #tpu.memory_space<vmem>>
      %dma_start3A_638 = arith.constant 0 : i32
      %dma_start3A_639 = tpu.memref_slice %arg9[%dma_start3A_633, %dma_start3A_634, %dma_start3A_638] : memref<16x2x128xi32, #tpu.memory_space<vmem>> -> memref<1x1x128xi32, #tpu.memory_space<vmem>>
      %dma_start3A_640 = tpu.memref_squeeze %dma_start3A_639 : memref<1x1x128xi32, #tpu.memory_space<vmem>> -> memref<128xi32, #tpu.memory_space<vmem>>
      %dma_start3A_641 = arith.constant 0 : i32
      %dma_start3A_642 = arith.constant 0 : i32
      %dma_start3A_643 = tpu.memref_slice %arg19[%dma_start3A_641, %dma_start3A_642] : memref<100000x8xf32, #tpu.memory_space<vmem_shared>> -> memref<100000x8xf32, #tpu.memory_space<vmem_shared>>
      tpu.enqueue_indirect_dma source(%dma_start3A_643 : memref<100000x8xf32, #tpu.memory_space<vmem_shared>>) target(%dma_start3A_637 : memref<128x8xf32, #tpu.memory_space<vmem>>) offsets(%dma_start3A_640 : memref<128xi32, #tpu.memory_space<vmem>>) semaphore(%arg24 : memref<!tpu.dma_semaphore, #tpu.memory_space<semaphore_mem>>)
      %dma_start3A_644 = arith.constant 7 : i32
      %dma_start3A_645 = arith.constant 1 : i32
      %dma_start3A_646 = arith.constant 896 : i32
      %dma_start3A_647 = arith.constant 0 : i32
      %dma_start3A_648 = tpu.memref_slice %arg13[%dma_start3A_646, %dma_start3A_647] : memref<2048x8xf32, #tpu.memory_space<vmem>> -> memref<128x8xf32, #tpu.memory_space<vmem>>
      %dma_start3A_649 = arith.constant 0 : i32
      %dma_start3A_650 = tpu.memref_slice %arg9[%dma_start3A_644, %dma_start3A_645, %dma_start3A_649] : memref<16x2x128xi32, #tpu.memory_space<vmem>> -> memref<1x1x128xi32, #tpu.memory_space<vmem>>
      %dma_start3A_651 = tpu.memref_squeeze %dma_start3A_650 : memref<1x1x128xi32, #tpu.memory_space<vmem>> -> memref<128xi32, #tpu.memory_space<vmem>>
      %dma_start3A_652 = arith.constant 0 : i32
      %dma_start3A_653 = arith.constant 0 : i32
      %dma_start3A_654 = tpu.memref_slice %arg19[%dma_start3A_652, %dma_start3A_653] : memref<100000x8xf32, #tpu.memory_space<vmem_shared>> -> memref<100000x8xf32, #tpu.memory_space<vmem_shared>>
      tpu.enqueue_indirect_dma source(%dma_start3A_654 : memref<100000x8xf32, #tpu.memory_space<vmem_shared>>) target(%dma_start3A_648 : memref<128x8xf32, #tpu.memory_space<vmem>>) offsets(%dma_start3A_651 : memref<128xi32, #tpu.memory_space<vmem>>) semaphore(%arg25 : memref<!tpu.dma_semaphore, #tpu.memory_space<semaphore_mem>>)
      %dma_start3A_655 = arith.constant 8 : i32
      %dma_start3A_656 = arith.constant 0 : i32
      %dma_start3A_657 = arith.constant 1024 : i32
      %dma_start3A_658 = arith.constant 0 : i32
      %dma_start3A_659 = tpu.memref_slice %arg12[%dma_start3A_657, %dma_start3A_658] : memref<2048x8xf32, #tpu.memory_space<vmem>> -> memref<128x8xf32, #tpu.memory_space<vmem>>
      %dma_start3A_660 = arith.constant 0 : i32
      %dma_start3A_661 = tpu.memref_slice %arg9[%dma_start3A_655, %dma_start3A_656, %dma_start3A_660] : memref<16x2x128xi32, #tpu.memory_space<vmem>> -> memref<1x1x128xi32, #tpu.memory_space<vmem>>
      %dma_start3A_662 = tpu.memref_squeeze %dma_start3A_661 : memref<1x1x128xi32, #tpu.memory_space<vmem>> -> memref<128xi32, #tpu.memory_space<vmem>>
      %dma_start3A_663 = arith.constant 0 : i32
      %dma_start3A_664 = arith.constant 0 : i32
      %dma_start3A_665 = tpu.memref_slice %arg19[%dma_start3A_663, %dma_start3A_664] : memref<100000x8xf32, #tpu.memory_space<vmem_shared>> -> memref<100000x8xf32, #tpu.memory_space<vmem_shared>>
      tpu.enqueue_indirect_dma source(%dma_start3A_665 : memref<100000x8xf32, #tpu.memory_space<vmem_shared>>) target(%dma_start3A_659 : memref<128x8xf32, #tpu.memory_space<vmem>>) offsets(%dma_start3A_662 : memref<128xi32, #tpu.memory_space<vmem>>) semaphore(%arg24 : memref<!tpu.dma_semaphore, #tpu.memory_space<semaphore_mem>>)
      %dma_start3A_666 = arith.constant 8 : i32
      %dma_start3A_667 = arith.constant 1 : i32
      %dma_start3A_668 = arith.constant 1024 : i32
      %dma_start3A_669 = arith.constant 0 : i32
      %dma_start3A_670 = tpu.memref_slice %arg13[%dma_start3A_668, %dma_start3A_669] : memref<2048x8xf32, #tpu.memory_space<vmem>> -> memref<128x8xf32, #tpu.memory_space<vmem>>
      %dma_start3A_671 = arith.constant 0 : i32
      %dma_start3A_672 = tpu.memref_slice %arg9[%dma_start3A_666, %dma_start3A_667, %dma_start3A_671] : memref<16x2x128xi32, #tpu.memory_space<vmem>> -> memref<1x1x128xi32, #tpu.memory_space<vmem>>
      %dma_start3A_673 = tpu.memref_squeeze %dma_start3A_672 : memref<1x1x128xi32, #tpu.memory_space<vmem>> -> memref<128xi32, #tpu.memory_space<vmem>>
      %dma_start3A_674 = arith.constant 0 : i32
      %dma_start3A_675 = arith.constant 0 : i32
      %dma_start3A_676 = tpu.memref_slice %arg19[%dma_start3A_674, %dma_start3A_675] : memref<100000x8xf32, #tpu.memory_space<vmem_shared>> -> memref<100000x8xf32, #tpu.memory_space<vmem_shared>>
      tpu.enqueue_indirect_dma source(%dma_start3A_676 : memref<100000x8xf32, #tpu.memory_space<vmem_shared>>) target(%dma_start3A_670 : memref<128x8xf32, #tpu.memory_space<vmem>>) offsets(%dma_start3A_673 : memref<128xi32, #tpu.memory_space<vmem>>) semaphore(%arg25 : memref<!tpu.dma_semaphore, #tpu.memory_space<semaphore_mem>>)
      %dma_start3A_677 = arith.constant 9 : i32
      %dma_start3A_678 = arith.constant 0 : i32
      %dma_start3A_679 = arith.constant 1152 : i32
      %dma_start3A_680 = arith.constant 0 : i32
      %dma_start3A_681 = tpu.memref_slice %arg12[%dma_start3A_679, %dma_start3A_680] : memref<2048x8xf32, #tpu.memory_space<vmem>> -> memref<128x8xf32, #tpu.memory_space<vmem>>
      %dma_start3A_682 = arith.constant 0 : i32
      %dma_start3A_683 = tpu.memref_slice %arg9[%dma_start3A_677, %dma_start3A_678, %dma_start3A_682] : memref<16x2x128xi32, #tpu.memory_space<vmem>> -> memref<1x1x128xi32, #tpu.memory_space<vmem>>
      %dma_start3A_684 = tpu.memref_squeeze %dma_start3A_683 : memref<1x1x128xi32, #tpu.memory_space<vmem>> -> memref<128xi32, #tpu.memory_space<vmem>>
      %dma_start3A_685 = arith.constant 0 : i32
      %dma_start3A_686 = arith.constant 0 : i32
      %dma_start3A_687 = tpu.memref_slice %arg19[%dma_start3A_685, %dma_start3A_686] : memref<100000x8xf32, #tpu.memory_space<vmem_shared>> -> memref<100000x8xf32, #tpu.memory_space<vmem_shared>>
      tpu.enqueue_indirect_dma source(%dma_start3A_687 : memref<100000x8xf32, #tpu.memory_space<vmem_shared>>) target(%dma_start3A_681 : memref<128x8xf32, #tpu.memory_space<vmem>>) offsets(%dma_start3A_684 : memref<128xi32, #tpu.memory_space<vmem>>) semaphore(%arg24 : memref<!tpu.dma_semaphore, #tpu.memory_space<semaphore_mem>>)
      %dma_start3A_688 = arith.constant 9 : i32
      %dma_start3A_689 = arith.constant 1 : i32
      %dma_start3A_690 = arith.constant 1152 : i32
      %dma_start3A_691 = arith.constant 0 : i32
      %dma_start3A_692 = tpu.memref_slice %arg13[%dma_start3A_690, %dma_start3A_691] : memref<2048x8xf32, #tpu.memory_space<vmem>> -> memref<128x8xf32, #tpu.memory_space<vmem>>
      %dma_start3A_693 = arith.constant 0 : i32
      %dma_start3A_694 = tpu.memref_slice %arg9[%dma_start3A_688, %dma_start3A_689, %dma_start3A_693] : memref<16x2x128xi32, #tpu.memory_space<vmem>> -> memref<1x1x128xi32, #tpu.memory_space<vmem>>
      %dma_start3A_695 = tpu.memref_squeeze %dma_start3A_694 : memref<1x1x128xi32, #tpu.memory_space<vmem>> -> memref<128xi32, #tpu.memory_space<vmem>>
      %dma_start3A_696 = arith.constant 0 : i32
      %dma_start3A_697 = arith.constant 0 : i32
      %dma_start3A_698 = tpu.memref_slice %arg19[%dma_start3A_696, %dma_start3A_697] : memref<100000x8xf32, #tpu.memory_space<vmem_shared>> -> memref<100000x8xf32, #tpu.memory_space<vmem_shared>>
      tpu.enqueue_indirect_dma source(%dma_start3A_698 : memref<100000x8xf32, #tpu.memory_space<vmem_shared>>) target(%dma_start3A_692 : memref<128x8xf32, #tpu.memory_space<vmem>>) offsets(%dma_start3A_695 : memref<128xi32, #tpu.memory_space<vmem>>) semaphore(%arg25 : memref<!tpu.dma_semaphore, #tpu.memory_space<semaphore_mem>>)
      %dma_start3A_699 = arith.constant 10 : i32
      %dma_start3A_700 = arith.constant 0 : i32
      %dma_start3A_701 = arith.constant 1280 : i32
      %dma_start3A_702 = arith.constant 0 : i32
      %dma_start3A_703 = tpu.memref_slice %arg12[%dma_start3A_701, %dma_start3A_702] : memref<2048x8xf32, #tpu.memory_space<vmem>> -> memref<128x8xf32, #tpu.memory_space<vmem>>
      %dma_start3A_704 = arith.constant 0 : i32
      %dma_start3A_705 = tpu.memref_slice %arg9[%dma_start3A_699, %dma_start3A_700, %dma_start3A_704] : memref<16x2x128xi32, #tpu.memory_space<vmem>> -> memref<1x1x128xi32, #tpu.memory_space<vmem>>
      %dma_start3A_706 = tpu.memref_squeeze %dma_start3A_705 : memref<1x1x128xi32, #tpu.memory_space<vmem>> -> memref<128xi32, #tpu.memory_space<vmem>>
      %dma_start3A_707 = arith.constant 0 : i32
      %dma_start3A_708 = arith.constant 0 : i32
      %dma_start3A_709 = tpu.memref_slice %arg19[%dma_start3A_707, %dma_start3A_708] : memref<100000x8xf32, #tpu.memory_space<vmem_shared>> -> memref<100000x8xf32, #tpu.memory_space<vmem_shared>>
      tpu.enqueue_indirect_dma source(%dma_start3A_709 : memref<100000x8xf32, #tpu.memory_space<vmem_shared>>) target(%dma_start3A_703 : memref<128x8xf32, #tpu.memory_space<vmem>>) offsets(%dma_start3A_706 : memref<128xi32, #tpu.memory_space<vmem>>) semaphore(%arg24 : memref<!tpu.dma_semaphore, #tpu.memory_space<semaphore_mem>>)
      %dma_start3A_710 = arith.constant 10 : i32
      %dma_start3A_711 = arith.constant 1 : i32
      %dma_start3A_712 = arith.constant 1280 : i32
      %dma_start3A_713 = arith.constant 0 : i32
      %dma_start3A_714 = tpu.memref_slice %arg13[%dma_start3A_712, %dma_start3A_713] : memref<2048x8xf32, #tpu.memory_space<vmem>> -> memref<128x8xf32, #tpu.memory_space<vmem>>
      %dma_start3A_715 = arith.constant 0 : i32
      %dma_start3A_716 = tpu.memref_slice %arg9[%dma_start3A_710, %dma_start3A_711, %dma_start3A_715] : memref<16x2x128xi32, #tpu.memory_space<vmem>> -> memref<1x1x128xi32, #tpu.memory_space<vmem>>
      %dma_start3A_717 = tpu.memref_squeeze %dma_start3A_716 : memref<1x1x128xi32, #tpu.memory_space<vmem>> -> memref<128xi32, #tpu.memory_space<vmem>>
      %dma_start3A_718 = arith.constant 0 : i32
      %dma_start3A_719 = arith.constant 0 : i32
      %dma_start3A_720 = tpu.memref_slice %arg19[%dma_start3A_718, %dma_start3A_719] : memref<100000x8xf32, #tpu.memory_space<vmem_shared>> -> memref<100000x8xf32, #tpu.memory_space<vmem_shared>>
      tpu.enqueue_indirect_dma source(%dma_start3A_720 : memref<100000x8xf32, #tpu.memory_space<vmem_shared>>) target(%dma_start3A_714 : memref<128x8xf32, #tpu.memory_space<vmem>>) offsets(%dma_start3A_717 : memref<128xi32, #tpu.memory_space<vmem>>) semaphore(%arg25 : memref<!tpu.dma_semaphore, #tpu.memory_space<semaphore_mem>>)
      %dma_start3A_721 = arith.constant 11 : i32
      %dma_start3A_722 = arith.constant 0 : i32
      %dma_start3A_723 = arith.constant 1408 : i32
      %dma_start3A_724 = arith.constant 0 : i32
      %dma_start3A_725 = tpu.memref_slice %arg12[%dma_start3A_723, %dma_start3A_724] : memref<2048x8xf32, #tpu.memory_space<vmem>> -> memref<128x8xf32, #tpu.memory_space<vmem>>
      %dma_start3A_726 = arith.constant 0 : i32
      %dma_start3A_727 = tpu.memref_slice %arg9[%dma_start3A_721, %dma_start3A_722, %dma_start3A_726] : memref<16x2x128xi32, #tpu.memory_space<vmem>> -> memref<1x1x128xi32, #tpu.memory_space<vmem>>
      %dma_start3A_728 = tpu.memref_squeeze %dma_start3A_727 : memref<1x1x128xi32, #tpu.memory_space<vmem>> -> memref<128xi32, #tpu.memory_space<vmem>>
      %dma_start3A_729 = arith.constant 0 : i32
      %dma_start3A_730 = arith.constant 0 : i32
      %dma_start3A_731 = tpu.memref_slice %arg19[%dma_start3A_729, %dma_start3A_730] : memref<100000x8xf32, #tpu.memory_space<vmem_shared>> -> memref<100000x8xf32, #tpu.memory_space<vmem_shared>>
      tpu.enqueue_indirect_dma source(%dma_start3A_731 : memref<100000x8xf32, #tpu.memory_space<vmem_shared>>) target(%dma_start3A_725 : memref<128x8xf32, #tpu.memory_space<vmem>>) offsets(%dma_start3A_728 : memref<128xi32, #tpu.memory_space<vmem>>) semaphore(%arg24 : memref<!tpu.dma_semaphore, #tpu.memory_space<semaphore_mem>>)
      %dma_start3A_732 = arith.constant 11 : i32
      %dma_start3A_733 = arith.constant 1 : i32
      %dma_start3A_734 = arith.constant 1408 : i32
      %dma_start3A_735 = arith.constant 0 : i32
      %dma_start3A_736 = tpu.memref_slice %arg13[%dma_start3A_734, %dma_start3A_735] : memref<2048x8xf32, #tpu.memory_space<vmem>> -> memref<128x8xf32, #tpu.memory_space<vmem>>
      %dma_start3A_737 = arith.constant 0 : i32
      %dma_start3A_738 = tpu.memref_slice %arg9[%dma_start3A_732, %dma_start3A_733, %dma_start3A_737] : memref<16x2x128xi32, #tpu.memory_space<vmem>> -> memref<1x1x128xi32, #tpu.memory_space<vmem>>
      %dma_start3A_739 = tpu.memref_squeeze %dma_start3A_738 : memref<1x1x128xi32, #tpu.memory_space<vmem>> -> memref<128xi32, #tpu.memory_space<vmem>>
      %dma_start3A_740 = arith.constant 0 : i32
      %dma_start3A_741 = arith.constant 0 : i32
      %dma_start3A_742 = tpu.memref_slice %arg19[%dma_start3A_740, %dma_start3A_741] : memref<100000x8xf32, #tpu.memory_space<vmem_shared>> -> memref<100000x8xf32, #tpu.memory_space<vmem_shared>>
      tpu.enqueue_indirect_dma source(%dma_start3A_742 : memref<100000x8xf32, #tpu.memory_space<vmem_shared>>) target(%dma_start3A_736 : memref<128x8xf32, #tpu.memory_space<vmem>>) offsets(%dma_start3A_739 : memref<128xi32, #tpu.memory_space<vmem>>) semaphore(%arg25 : memref<!tpu.dma_semaphore, #tpu.memory_space<semaphore_mem>>)
      %dma_start3A_743 = arith.constant 12 : i32
      %dma_start3A_744 = arith.constant 0 : i32
      %dma_start3A_745 = arith.constant 1536 : i32
      %dma_start3A_746 = arith.constant 0 : i32
      %dma_start3A_747 = tpu.memref_slice %arg12[%dma_start3A_745, %dma_start3A_746] : memref<2048x8xf32, #tpu.memory_space<vmem>> -> memref<128x8xf32, #tpu.memory_space<vmem>>
      %dma_start3A_748 = arith.constant 0 : i32
      %dma_start3A_749 = tpu.memref_slice %arg9[%dma_start3A_743, %dma_start3A_744, %dma_start3A_748] : memref<16x2x128xi32, #tpu.memory_space<vmem>> -> memref<1x1x128xi32, #tpu.memory_space<vmem>>
      %dma_start3A_750 = tpu.memref_squeeze %dma_start3A_749 : memref<1x1x128xi32, #tpu.memory_space<vmem>> -> memref<128xi32, #tpu.memory_space<vmem>>
      %dma_start3A_751 = arith.constant 0 : i32
      %dma_start3A_752 = arith.constant 0 : i32
      %dma_start3A_753 = tpu.memref_slice %arg19[%dma_start3A_751, %dma_start3A_752] : memref<100000x8xf32, #tpu.memory_space<vmem_shared>> -> memref<100000x8xf32, #tpu.memory_space<vmem_shared>>
      tpu.enqueue_indirect_dma source(%dma_start3A_753 : memref<100000x8xf32, #tpu.memory_space<vmem_shared>>) target(%dma_start3A_747 : memref<128x8xf32, #tpu.memory_space<vmem>>) offsets(%dma_start3A_750 : memref<128xi32, #tpu.memory_space<vmem>>) semaphore(%arg24 : memref<!tpu.dma_semaphore, #tpu.memory_space<semaphore_mem>>)
      %dma_start3A_754 = arith.constant 12 : i32
      %dma_start3A_755 = arith.constant 1 : i32
      %dma_start3A_756 = arith.constant 1536 : i32
      %dma_start3A_757 = arith.constant 0 : i32
      %dma_start3A_758 = tpu.memref_slice %arg13[%dma_start3A_756, %dma_start3A_757] : memref<2048x8xf32, #tpu.memory_space<vmem>> -> memref<128x8xf32, #tpu.memory_space<vmem>>
      %dma_start3A_759 = arith.constant 0 : i32
      %dma_start3A_760 = tpu.memref_slice %arg9[%dma_start3A_754, %dma_start3A_755, %dma_start3A_759] : memref<16x2x128xi32, #tpu.memory_space<vmem>> -> memref<1x1x128xi32, #tpu.memory_space<vmem>>
      %dma_start3A_761 = tpu.memref_squeeze %dma_start3A_760 : memref<1x1x128xi32, #tpu.memory_space<vmem>> -> memref<128xi32, #tpu.memory_space<vmem>>
      %dma_start3A_762 = arith.constant 0 : i32
      %dma_start3A_763 = arith.constant 0 : i32
      %dma_start3A_764 = tpu.memref_slice %arg19[%dma_start3A_762, %dma_start3A_763] : memref<100000x8xf32, #tpu.memory_space<vmem_shared>> -> memref<100000x8xf32, #tpu.memory_space<vmem_shared>>
      tpu.enqueue_indirect_dma source(%dma_start3A_764 : memref<100000x8xf32, #tpu.memory_space<vmem_shared>>) target(%dma_start3A_758 : memref<128x8xf32, #tpu.memory_space<vmem>>) offsets(%dma_start3A_761 : memref<128xi32, #tpu.memory_space<vmem>>) semaphore(%arg25 : memref<!tpu.dma_semaphore, #tpu.memory_space<semaphore_mem>>)
      %dma_start3A_765 = arith.constant 13 : i32
      %dma_start3A_766 = arith.constant 0 : i32
      %dma_start3A_767 = arith.constant 1664 : i32
      %dma_start3A_768 = arith.constant 0 : i32
      %dma_start3A_769 = tpu.memref_slice %arg12[%dma_start3A_767, %dma_start3A_768] : memref<2048x8xf32, #tpu.memory_space<vmem>> -> memref<128x8xf32, #tpu.memory_space<vmem>>
      %dma_start3A_770 = arith.constant 0 : i32
      %dma_start3A_771 = tpu.memref_slice %arg9[%dma_start3A_765, %dma_start3A_766, %dma_start3A_770] : memref<16x2x128xi32, #tpu.memory_space<vmem>> -> memref<1x1x128xi32, #tpu.memory_space<vmem>>
      %dma_start3A_772 = tpu.memref_squeeze %dma_start3A_771 : memref<1x1x128xi32, #tpu.memory_space<vmem>> -> memref<128xi32, #tpu.memory_space<vmem>>
      %dma_start3A_773 = arith.constant 0 : i32
      %dma_start3A_774 = arith.constant 0 : i32
      %dma_start3A_775 = tpu.memref_slice %arg19[%dma_start3A_773, %dma_start3A_774] : memref<100000x8xf32, #tpu.memory_space<vmem_shared>> -> memref<100000x8xf32, #tpu.memory_space<vmem_shared>>
      tpu.enqueue_indirect_dma source(%dma_start3A_775 : memref<100000x8xf32, #tpu.memory_space<vmem_shared>>) target(%dma_start3A_769 : memref<128x8xf32, #tpu.memory_space<vmem>>) offsets(%dma_start3A_772 : memref<128xi32, #tpu.memory_space<vmem>>) semaphore(%arg24 : memref<!tpu.dma_semaphore, #tpu.memory_space<semaphore_mem>>)
      %dma_start3A_776 = arith.constant 13 : i32
      %dma_start3A_777 = arith.constant 1 : i32
      %dma_start3A_778 = arith.constant 1664 : i32
      %dma_start3A_779 = arith.constant 0 : i32
      %dma_start3A_780 = tpu.memref_slice %arg13[%dma_start3A_778, %dma_start3A_779] : memref<2048x8xf32, #tpu.memory_space<vmem>> -> memref<128x8xf32, #tpu.memory_space<vmem>>
      %dma_start3A_781 = arith.constant 0 : i32
      %dma_start3A_782 = tpu.memref_slice %arg9[%dma_start3A_776, %dma_start3A_777, %dma_start3A_781] : memref<16x2x128xi32, #tpu.memory_space<vmem>> -> memref<1x1x128xi32, #tpu.memory_space<vmem>>
      %dma_start3A_783 = tpu.memref_squeeze %dma_start3A_782 : memref<1x1x128xi32, #tpu.memory_space<vmem>> -> memref<128xi32, #tpu.memory_space<vmem>>
      %dma_start3A_784 = arith.constant 0 : i32
      %dma_start3A_785 = arith.constant 0 : i32
      %dma_start3A_786 = tpu.memref_slice %arg19[%dma_start3A_784, %dma_start3A_785] : memref<100000x8xf32, #tpu.memory_space<vmem_shared>> -> memref<100000x8xf32, #tpu.memory_space<vmem_shared>>
      tpu.enqueue_indirect_dma source(%dma_start3A_786 : memref<100000x8xf32, #tpu.memory_space<vmem_shared>>) target(%dma_start3A_780 : memref<128x8xf32, #tpu.memory_space<vmem>>) offsets(%dma_start3A_783 : memref<128xi32, #tpu.memory_space<vmem>>) semaphore(%arg25 : memref<!tpu.dma_semaphore, #tpu.memory_space<semaphore_mem>>)
      %dma_start3A_787 = arith.constant 14 : i32
      %dma_start3A_788 = arith.constant 0 : i32
      %dma_start3A_789 = arith.constant 1792 : i32
      %dma_start3A_790 = arith.constant 0 : i32
      %dma_start3A_791 = tpu.memref_slice %arg12[%dma_start3A_789, %dma_start3A_790] : memref<2048x8xf32, #tpu.memory_space<vmem>> -> memref<128x8xf32, #tpu.memory_space<vmem>>
      %dma_start3A_792 = arith.constant 0 : i32
      %dma_start3A_793 = tpu.memref_slice %arg9[%dma_start3A_787, %dma_start3A_788, %dma_start3A_792] : memref<16x2x128xi32, #tpu.memory_space<vmem>> -> memref<1x1x128xi32, #tpu.memory_space<vmem>>
      %dma_start3A_794 = tpu.memref_squeeze %dma_start3A_793 : memref<1x1x128xi32, #tpu.memory_space<vmem>> -> memref<128xi32, #tpu.memory_space<vmem>>
      %dma_start3A_795 = arith.constant 0 : i32
      %dma_start3A_796 = arith.constant 0 : i32
      %dma_start3A_797 = tpu.memref_slice %arg19[%dma_start3A_795, %dma_start3A_796] : memref<100000x8xf32, #tpu.memory_space<vmem_shared>> -> memref<100000x8xf32, #tpu.memory_space<vmem_shared>>
      tpu.enqueue_indirect_dma source(%dma_start3A_797 : memref<100000x8xf32, #tpu.memory_space<vmem_shared>>) target(%dma_start3A_791 : memref<128x8xf32, #tpu.memory_space<vmem>>) offsets(%dma_start3A_794 : memref<128xi32, #tpu.memory_space<vmem>>) semaphore(%arg24 : memref<!tpu.dma_semaphore, #tpu.memory_space<semaphore_mem>>)
      %dma_start3A_798 = arith.constant 14 : i32
      %dma_start3A_799 = arith.constant 1 : i32
      %dma_start3A_800 = arith.constant 1792 : i32
      %dma_start3A_801 = arith.constant 0 : i32
      %dma_start3A_802 = tpu.memref_slice %arg13[%dma_start3A_800, %dma_start3A_801] : memref<2048x8xf32, #tpu.memory_space<vmem>> -> memref<128x8xf32, #tpu.memory_space<vmem>>
      %dma_start3A_803 = arith.constant 0 : i32
      %dma_start3A_804 = tpu.memref_slice %arg9[%dma_start3A_798, %dma_start3A_799, %dma_start3A_803] : memref<16x2x128xi32, #tpu.memory_space<vmem>> -> memref<1x1x128xi32, #tpu.memory_space<vmem>>
      %dma_start3A_805 = tpu.memref_squeeze %dma_start3A_804 : memref<1x1x128xi32, #tpu.memory_space<vmem>> -> memref<128xi32, #tpu.memory_space<vmem>>
      %dma_start3A_806 = arith.constant 0 : i32
      %dma_start3A_807 = arith.constant 0 : i32
      %dma_start3A_808 = tpu.memref_slice %arg19[%dma_start3A_806, %dma_start3A_807] : memref<100000x8xf32, #tpu.memory_space<vmem_shared>> -> memref<100000x8xf32, #tpu.memory_space<vmem_shared>>
      tpu.enqueue_indirect_dma source(%dma_start3A_808 : memref<100000x8xf32, #tpu.memory_space<vmem_shared>>) target(%dma_start3A_802 : memref<128x8xf32, #tpu.memory_space<vmem>>) offsets(%dma_start3A_805 : memref<128xi32, #tpu.memory_space<vmem>>) semaphore(%arg25 : memref<!tpu.dma_semaphore, #tpu.memory_space<semaphore_mem>>)
      %dma_start3A_809 = arith.constant 15 : i32
      %dma_start3A_810 = arith.constant 0 : i32
      %dma_start3A_811 = arith.constant 1920 : i32
      %dma_start3A_812 = arith.constant 0 : i32
      %dma_start3A_813 = tpu.memref_slice %arg12[%dma_start3A_811, %dma_start3A_812] : memref<2048x8xf32, #tpu.memory_space<vmem>> -> memref<128x8xf32, #tpu.memory_space<vmem>>
      %dma_start3A_814 = arith.constant 0 : i32
      %dma_start3A_815 = tpu.memref_slice %arg9[%dma_start3A_809, %dma_start3A_810, %dma_start3A_814] : memref<16x2x128xi32, #tpu.memory_space<vmem>> -> memref<1x1x128xi32, #tpu.memory_space<vmem>>
      %dma_start3A_816 = tpu.memref_squeeze %dma_start3A_815 : memref<1x1x128xi32, #tpu.memory_space<vmem>> -> memref<128xi32, #tpu.memory_space<vmem>>
      %dma_start3A_817 = arith.constant 0 : i32
      %dma_start3A_818 = arith.constant 0 : i32
      %dma_start3A_819 = tpu.memref_slice %arg19[%dma_start3A_817, %dma_start3A_818] : memref<100000x8xf32, #tpu.memory_space<vmem_shared>> -> memref<100000x8xf32, #tpu.memory_space<vmem_shared>>
      tpu.enqueue_indirect_dma source(%dma_start3A_819 : memref<100000x8xf32, #tpu.memory_space<vmem_shared>>) target(%dma_start3A_813 : memref<128x8xf32, #tpu.memory_space<vmem>>) offsets(%dma_start3A_816 : memref<128xi32, #tpu.memory_space<vmem>>) semaphore(%arg24 : memref<!tpu.dma_semaphore, #tpu.memory_space<semaphore_mem>>)
      %dma_start3A_820 = arith.constant 15 : i32
      %dma_start3A_821 = arith.constant 1 : i32
      %dma_start3A_822 = arith.constant 1920 : i32
      %dma_start3A_823 = arith.constant 0 : i32
      %dma_start3A_824 = tpu.memref_slice %arg13[%dma_start3A_822, %dma_start3A_823] : memref<2048x8xf32, #tpu.memory_space<vmem>> -> memref<128x8xf32, #tpu.memory_space<vmem>>
      %dma_start3A_825 = arith.constant 0 : i32
      %dma_start3A_826 = tpu.memref_slice %arg9[%dma_start3A_820, %dma_start3A_821, %dma_start3A_825] : memref<16x2x128xi32, #tpu.memory_space<vmem>> -> memref<1x1x128xi32, #tpu.memory_space<vmem>>
      %dma_start3A_827 = tpu.memref_squeeze %dma_start3A_826 : memref<1x1x128xi32, #tpu.memory_space<vmem>> -> memref<128xi32, #tpu.memory_space<vmem>>
      %dma_start3A_828 = arith.constant 0 : i32
      %dma_start3A_829 = arith.constant 0 : i32
      %dma_start3A_830 = tpu.memref_slice %arg19[%dma_start3A_828, %dma_start3A_829] : memref<100000x8xf32, #tpu.memory_space<vmem_shared>> -> memref<100000x8xf32, #tpu.memory_space<vmem_shared>>
      tpu.enqueue_indirect_dma source(%dma_start3A_830 : memref<100000x8xf32, #tpu.memory_space<vmem_shared>>) target(%dma_start3A_824 : memref<128x8xf32, #tpu.memory_space<vmem>>) offsets(%dma_start3A_827 : memref<128xi32, #tpu.memory_space<vmem>>) semaphore(%arg25 : memref<!tpu.dma_semaphore, #tpu.memory_space<semaphore_mem>>)
      %dma_wait3A_831 = arith.constant 0 : i32
      %dma_wait3A_832 = arith.constant 0 : i32
      %dma_wait3A_833 = tpu.memref_slice %arg3[%dma_wait3A_831, %dma_wait3A_832] : memref<100000x8xf32, #tpu.memory_space<hbm>> -> memref<2048x8xf32, #tpu.memory_space<hbm>>
      %dma_wait3A_834 = arith.constant 0 : i32
      %dma_wait3A_835 = arith.constant 0 : i32
      %dma_wait3A_836 = tpu.memref_slice %arg3[%dma_wait3A_834, %dma_wait3A_835] : memref<100000x8xf32, #tpu.memory_space<hbm>> -> memref<2048x8xf32, #tpu.memory_space<hbm>>
      tpu.wait_dma2 semaphore(%arg22 : memref<!tpu.dma_semaphore, #tpu.memory_space<semaphore_mem>>) src(%dma_wait3A_836 : memref<2048x8xf32, #tpu.memory_space<hbm>>) dst(%arg10 : memref<2048x8xf32, #tpu.memory_space<vmem>>)
      %dma_wait3A_837 = arith.constant 0 : i32
      %dma_wait3A_838 = arith.constant 0 : i32
      %dma_wait3A_839 = tpu.memref_slice %arg3[%dma_wait3A_837, %dma_wait3A_838] : memref<100000x8xf32, #tpu.memory_space<hbm>> -> memref<2048x8xf32, #tpu.memory_space<hbm>>
      %dma_wait3A_840 = arith.constant 0 : i32
      %dma_wait3A_841 = arith.constant 0 : i32
      %dma_wait3A_842 = tpu.memref_slice %arg3[%dma_wait3A_840, %dma_wait3A_841] : memref<100000x8xf32, #tpu.memory_space<hbm>> -> memref<2048x8xf32, #tpu.memory_space<hbm>>
      tpu.wait_dma2 semaphore(%arg23 : memref<!tpu.dma_semaphore, #tpu.memory_space<semaphore_mem>>) src(%dma_wait3A_842 : memref<2048x8xf32, #tpu.memory_space<hbm>>) dst(%arg11 : memref<2048x8xf32, #tpu.memory_space<vmem>>)
      %ge3A = arith.constant 2 : i32
      %ge3A_843 = arith.cmpi sge, %mul3A_468, %ge3A : i32
      %convert_element_type3A_844 = arith.extui %ge3A_843 : i1 to i32
      %cond3A_845 = arith.constant 0 : i32
      %cond3A_846 = arith.cmpi ne, %convert_element_type3A_844, %cond3A_845 : i32
      scf.if %cond3A_846 {
        %dma_wait3A_885 = arith.constant 0 : i32
        %dma_wait3A_886 = tpu.memref_slice %arg7[%dma_wait3A_885] : memref<6422528xf32, #tpu.memory_space<hbm>> -> memref<2048xf32, #tpu.memory_space<hbm>>
        %dma_wait3A_887 = arith.constant 0 : i32
        %dma_wait3A_888 = tpu.memref_slice %arg7[%dma_wait3A_887] : memref<6422528xf32, #tpu.memory_space<hbm>> -> memref<2048xf32, #tpu.memory_space<hbm>>
        tpu.wait_dma2 semaphore(%arg26 : memref<!tpu.dma_semaphore, #tpu.memory_space<semaphore_mem>>) src(%arg14 : memref<2048xf32, #tpu.memory_space<vmem>>) dst(%dma_wait3A_888 : memref<2048xf32, #tpu.memory_space<hbm>>)
      } else {
      }
      %parallel_loop3A = arith.constant 0 : i32
      %parallel_loop3A_847 = arith.constant 128 : i32
      %parallel_loop3A_848 = arith.constant 1 : i32
      scf.for %parallel_loop3A_885 = %parallel_loop3A to %parallel_loop3A_847 step %parallel_loop3A_848  : i32 {
        %parallel_loop3A_886 = arith.constant 16 : i32
        %parallel_loop3A_887 = arith.muli %parallel_loop3A_885, %parallel_loop3A_886 : i32
        %parallel_loop3A_888 = vector.broadcast %parallel_loop3A_887 : i32 to vector<16xi32>
        %parallel_loop3A_889 = arith.addi %iota3A, %parallel_loop3A_888 : vector<16xi32>
        %parallel_loop3A_890 = tpu.vector_load_idx %arg10[%parallel_loop3A_889, %broadcast_in_dim3A_26] : memref<2048x8xf32, #tpu.memory_space<vmem>>[vector<16xi32>, vector<16xi32>], vector<16xf32>,
        %parallel_loop3A_891 = tpu.vector_load_idx %arg10[%parallel_loop3A_889, %add3A_29] : memref<2048x8xf32, #tpu.memory_space<vmem>>[vector<16xi32>, vector<16xi32>], vector<16xf32>,
        %parallel_loop3A_892 = tpu.vector_load_idx %arg10[%parallel_loop3A_889, %add3A_32] : memref<2048x8xf32, #tpu.memory_space<vmem>>[vector<16xi32>, vector<16xi32>], vector<16xf32>,
        %parallel_loop3A_893 = tpu.vector_load_idx %arg10[%parallel_loop3A_889, %add3A_35] : memref<2048x8xf32, #tpu.memory_space<vmem>>[vector<16xi32>, vector<16xi32>], vector<16xf32>,
        %parallel_loop3A_894 = tpu.vector_load_idx %arg11[%parallel_loop3A_889, %broadcast_in_dim3A_26] : memref<2048x8xf32, #tpu.memory_space<vmem>>[vector<16xi32>, vector<16xi32>], vector<16xf32>,
        %parallel_loop3A_895 = tpu.vector_load_idx %arg11[%parallel_loop3A_889, %add3A_29] : memref<2048x8xf32, #tpu.memory_space<vmem>>[vector<16xi32>, vector<16xi32>], vector<16xf32>,
        %parallel_loop3A_896 = tpu.vector_load_idx %arg11[%parallel_loop3A_889, %add3A_32] : memref<2048x8xf32, #tpu.memory_space<vmem>>[vector<16xi32>, vector<16xi32>], vector<16xf32>,
        %parallel_loop3A_897 = tpu.vector_load_idx %arg11[%parallel_loop3A_889, %add3A_35] : memref<2048x8xf32, #tpu.memory_space<vmem>>[vector<16xi32>, vector<16xi32>], vector<16xf32>,
        %parallel_loop3A_898 = arith.subf %parallel_loop3A_894, %parallel_loop3A_890 : vector<16xf32>
        %parallel_loop3A_899 = vector.bitcast %parallel_loop3A_898 : vector<16xf32> to vector<16xi32>
        %parallel_loop3A_900 = arith.constant 16 : i32
        %parallel_loop3A_901 = vector.broadcast %parallel_loop3A_900 : i32 to vector<16xi32>
        %parallel_loop3A_902 = arith.shrui %parallel_loop3A_899, %parallel_loop3A_901 : vector<16xi32>
        %parallel_loop3A_903 = arith.constant 1 : i32
        %parallel_loop3A_904 = vector.broadcast %parallel_loop3A_903 : i32 to vector<16xi32>
        %parallel_loop3A_905 = arith.andi %parallel_loop3A_902, %parallel_loop3A_904 : vector<16xi32>
        %parallel_loop3A_906 = arith.addi %parallel_loop3A_899, %parallel_loop3A_905 : vector<16xi32>
        %parallel_loop3A_907 = arith.constant 32767 : i32
        %parallel_loop3A_908 = vector.broadcast %parallel_loop3A_907 : i32 to vector<16xi32>
        %parallel_loop3A_909 = arith.addi %parallel_loop3A_906, %parallel_loop3A_908 : vector<16xi32>
        %parallel_loop3A_910 = arith.constant -65536 : i32
        %parallel_loop3A_911 = vector.broadcast %parallel_loop3A_910 : i32 to vector<16xi32>
        %parallel_loop3A_912 = arith.andi %parallel_loop3A_909, %parallel_loop3A_911 : vector<16xi32>
        %parallel_loop3A_913 = vector.bitcast %parallel_loop3A_912 : vector<16xi32> to vector<16xf32>
        %parallel_loop3A_914 = arith.mulf %parallel_loop3A_913, %get3A_5 : vector<16xf32>
        %parallel_loop3A_915 = arith.constant 0x4B400000 : f32
        %parallel_loop3A_916 = vector.broadcast %parallel_loop3A_915 : f32 to vector<16xf32>
        %parallel_loop3A_917 = arith.addf %parallel_loop3A_914, %parallel_loop3A_916 : vector<16xf32>
        %parallel_loop3A_918 = arith.constant 0x4B400000 : f32
        %parallel_loop3A_919 = vector.broadcast %parallel_loop3A_918 : f32 to vector<16xf32>
        %parallel_loop3A_920 = arith.subf %parallel_loop3A_917, %parallel_loop3A_919 : vector<16xf32>
        %parallel_loop3A_921 = arith.subf %parallel_loop3A_914, %parallel_loop3A_920 : vector<16xf32>
        %parallel_loop3A_922 = vector.bitcast %parallel_loop3A_921 : vector<16xf32> to vector<16xi32>
        %parallel_loop3A_923 = arith.constant 16 : i32
        %parallel_loop3A_924 = vector.broadcast %parallel_loop3A_923 : i32 to vector<16xi32>
        %parallel_loop3A_925 = arith.shrui %parallel_loop3A_922, %parallel_loop3A_924 : vector<16xi32>
        %parallel_loop3A_926 = arith.constant 1 : i32
        %parallel_loop3A_927 = vector.broadcast %parallel_loop3A_926 : i32 to vector<16xi32>
        %parallel_loop3A_928 = arith.andi %parallel_loop3A_925, %parallel_loop3A_927 : vector<16xi32>
        %parallel_loop3A_929 = arith.addi %parallel_loop3A_922, %parallel_loop3A_928 : vector<16xi32>
        %parallel_loop3A_930 = arith.constant 32767 : i32
        %parallel_loop3A_931 = vector.broadcast %parallel_loop3A_930 : i32 to vector<16xi32>
        %parallel_loop3A_932 = arith.addi %parallel_loop3A_929, %parallel_loop3A_931 : vector<16xi32>
        %parallel_loop3A_933 = arith.constant -65536 : i32
        %parallel_loop3A_934 = vector.broadcast %parallel_loop3A_933 : i32 to vector<16xi32>
        %parallel_loop3A_935 = arith.andi %parallel_loop3A_932, %parallel_loop3A_934 : vector<16xi32>
        %parallel_loop3A_936 = vector.bitcast %parallel_loop3A_935 : vector<16xi32> to vector<16xf32>
        %parallel_loop3A_937 = arith.mulf %parallel_loop3A_936, %get3A_11 : vector<16xf32>
        %parallel_loop3A_938 = arith.subf %parallel_loop3A_895, %parallel_loop3A_891 : vector<16xf32>
        %parallel_loop3A_939 = vector.bitcast %parallel_loop3A_938 : vector<16xf32> to vector<16xi32>
        %parallel_loop3A_940 = arith.constant 16 : i32
        %parallel_loop3A_941 = vector.broadcast %parallel_loop3A_940 : i32 to vector<16xi32>
        %parallel_loop3A_942 = arith.shrui %parallel_loop3A_939, %parallel_loop3A_941 : vector<16xi32>
        %parallel_loop3A_943 = arith.constant 1 : i32
        %parallel_loop3A_944 = vector.broadcast %parallel_loop3A_943 : i32 to vector<16xi32>
        %parallel_loop3A_945 = arith.andi %parallel_loop3A_942, %parallel_loop3A_944 : vector<16xi32>
        %parallel_loop3A_946 = arith.addi %parallel_loop3A_939, %parallel_loop3A_945 : vector<16xi32>
        %parallel_loop3A_947 = arith.constant 32767 : i32
        %parallel_loop3A_948 = vector.broadcast %parallel_loop3A_947 : i32 to vector<16xi32>
        %parallel_loop3A_949 = arith.addi %parallel_loop3A_946, %parallel_loop3A_948 : vector<16xi32>
        %parallel_loop3A_950 = arith.constant -65536 : i32
        %parallel_loop3A_951 = vector.broadcast %parallel_loop3A_950 : i32 to vector<16xi32>
        %parallel_loop3A_952 = arith.andi %parallel_loop3A_949, %parallel_loop3A_951 : vector<16xi32>
        %parallel_loop3A_953 = vector.bitcast %parallel_loop3A_952 : vector<16xi32> to vector<16xf32>
        %parallel_loop3A_954 = arith.mulf %parallel_loop3A_953, %get3A_7 : vector<16xf32>
        %parallel_loop3A_955 = arith.constant 0x4B400000 : f32
        %parallel_loop3A_956 = vector.broadcast %parallel_loop3A_955 : f32 to vector<16xf32>
        %parallel_loop3A_957 = arith.addf %parallel_loop3A_954, %parallel_loop3A_956 : vector<16xf32>
        %parallel_loop3A_958 = arith.constant 0x4B400000 : f32
        %parallel_loop3A_959 = vector.broadcast %parallel_loop3A_958 : f32 to vector<16xf32>
        %parallel_loop3A_960 = arith.subf %parallel_loop3A_957, %parallel_loop3A_959 : vector<16xf32>
        %parallel_loop3A_961 = arith.subf %parallel_loop3A_954, %parallel_loop3A_960 : vector<16xf32>
        %parallel_loop3A_962 = vector.bitcast %parallel_loop3A_961 : vector<16xf32> to vector<16xi32>
        %parallel_loop3A_963 = arith.constant 16 : i32
        %parallel_loop3A_964 = vector.broadcast %parallel_loop3A_963 : i32 to vector<16xi32>
        %parallel_loop3A_965 = arith.shrui %parallel_loop3A_962, %parallel_loop3A_964 : vector<16xi32>
        %parallel_loop3A_966 = arith.constant 1 : i32
        %parallel_loop3A_967 = vector.broadcast %parallel_loop3A_966 : i32 to vector<16xi32>
        %parallel_loop3A_968 = arith.andi %parallel_loop3A_965, %parallel_loop3A_967 : vector<16xi32>
        %parallel_loop3A_969 = arith.addi %parallel_loop3A_962, %parallel_loop3A_968 : vector<16xi32>
        %parallel_loop3A_970 = arith.constant 32767 : i32
        %parallel_loop3A_971 = vector.broadcast %parallel_loop3A_970 : i32 to vector<16xi32>
        %parallel_loop3A_972 = arith.addi %parallel_loop3A_969, %parallel_loop3A_971 : vector<16xi32>
        %parallel_loop3A_973 = arith.constant -65536 : i32
        %parallel_loop3A_974 = vector.broadcast %parallel_loop3A_973 : i32 to vector<16xi32>
        %parallel_loop3A_975 = arith.andi %parallel_loop3A_972, %parallel_loop3A_974 : vector<16xi32>
        %parallel_loop3A_976 = vector.bitcast %parallel_loop3A_975 : vector<16xi32> to vector<16xf32>
        %parallel_loop3A_977 = arith.mulf %parallel_loop3A_976, %get3A_13 : vector<16xf32>
        %parallel_loop3A_978 = arith.subf %parallel_loop3A_896, %parallel_loop3A_892 : vector<16xf32>
        %parallel_loop3A_979 = vector.bitcast %parallel_loop3A_978 : vector<16xf32> to vector<16xi32>
        %parallel_loop3A_980 = arith.constant 16 : i32
        %parallel_loop3A_981 = vector.broadcast %parallel_loop3A_980 : i32 to vector<16xi32>
        %parallel_loop3A_982 = arith.shrui %parallel_loop3A_979, %parallel_loop3A_981 : vector<16xi32>
        %parallel_loop3A_983 = arith.constant 1 : i32
        %parallel_loop3A_984 = vector.broadcast %parallel_loop3A_983 : i32 to vector<16xi32>
        %parallel_loop3A_985 = arith.andi %parallel_loop3A_982, %parallel_loop3A_984 : vector<16xi32>
        %parallel_loop3A_986 = arith.addi %parallel_loop3A_979, %parallel_loop3A_985 : vector<16xi32>
        %parallel_loop3A_987 = arith.constant 32767 : i32
        %parallel_loop3A_988 = vector.broadcast %parallel_loop3A_987 : i32 to vector<16xi32>
        %parallel_loop3A_989 = arith.addi %parallel_loop3A_986, %parallel_loop3A_988 : vector<16xi32>
        %parallel_loop3A_990 = arith.constant -65536 : i32
        %parallel_loop3A_991 = vector.broadcast %parallel_loop3A_990 : i32 to vector<16xi32>
        %parallel_loop3A_992 = arith.andi %parallel_loop3A_989, %parallel_loop3A_991 : vector<16xi32>
        %parallel_loop3A_993 = vector.bitcast %parallel_loop3A_992 : vector<16xi32> to vector<16xf32>
        %parallel_loop3A_994 = arith.mulf %parallel_loop3A_993, %get3A_9 : vector<16xf32>
        %parallel_loop3A_995 = arith.constant 0x4B400000 : f32
        %parallel_loop3A_996 = vector.broadcast %parallel_loop3A_995 : f32 to vector<16xf32>
        %parallel_loop3A_997 = arith.addf %parallel_loop3A_994, %parallel_loop3A_996 : vector<16xf32>
        %parallel_loop3A_998 = arith.constant 0x4B400000 : f32
        %parallel_loop3A_999 = vector.broadcast %parallel_loop3A_998 : f32 to vector<16xf32>
        %parallel_loop3A_1000 = arith.subf %parallel_loop3A_997, %parallel_loop3A_999 : vector<16xf32>
        %parallel_loop3A_1001 = arith.subf %parallel_loop3A_994, %parallel_loop3A_1000 : vector<16xf32>
        %parallel_loop3A_1002 = vector.bitcast %parallel_loop3A_1001 : vector<16xf32> to vector<16xi32>
        %parallel_loop3A_1003 = arith.constant 16 : i32
        %parallel_loop3A_1004 = vector.broadcast %parallel_loop3A_1003 : i32 to vector<16xi32>
        %parallel_loop3A_1005 = arith.shrui %parallel_loop3A_1002, %parallel_loop3A_1004 : vector<16xi32>
        %parallel_loop3A_1006 = arith.constant 1 : i32
        %parallel_loop3A_1007 = vector.broadcast %parallel_loop3A_1006 : i32 to vector<16xi32>
        %parallel_loop3A_1008 = arith.andi %parallel_loop3A_1005, %parallel_loop3A_1007 : vector<16xi32>
        %parallel_loop3A_1009 = arith.addi %parallel_loop3A_1002, %parallel_loop3A_1008 : vector<16xi32>
        %parallel_loop3A_1010 = arith.constant 32767 : i32
        %parallel_loop3A_1011 = vector.broadcast %parallel_loop3A_1010 : i32 to vector<16xi32>
        %parallel_loop3A_1012 = arith.addi %parallel_loop3A_1009, %parallel_loop3A_1011 : vector<16xi32>
        %parallel_loop3A_1013 = arith.constant -65536 : i32
        %parallel_loop3A_1014 = vector.broadcast %parallel_loop3A_1013 : i32 to vector<16xi32>
        %parallel_loop3A_1015 = arith.andi %parallel_loop3A_1012, %parallel_loop3A_1014 : vector<16xi32>
        %parallel_loop3A_1016 = vector.bitcast %parallel_loop3A_1015 : vector<16xi32> to vector<16xf32>
        %parallel_loop3A_1017 = arith.mulf %parallel_loop3A_1016, %get3A_15 : vector<16xf32>
        %parallel_loop3A_1018 = arith.mulf %parallel_loop3A_937, %parallel_loop3A_937 : vector<16xf32>
        %parallel_loop3A_1019 = arith.mulf %parallel_loop3A_977, %parallel_loop3A_977 : vector<16xf32>
        %parallel_loop3A_1020 = arith.mulf %parallel_loop3A_1017, %parallel_loop3A_1017 : vector<16xf32>
        %parallel_loop3A_1021 = arith.addf %parallel_loop3A_1019, %parallel_loop3A_1020 : vector<16xf32>
        %parallel_loop3A_1022 = arith.addf %parallel_loop3A_1018, %parallel_loop3A_1021 : vector<16xf32>
        %parallel_loop3A_1023 = vector.bitcast %parallel_loop3A_1022 : vector<16xf32> to vector<16xi32>
        %parallel_loop3A_1024 = arith.constant 1 : i32
        %parallel_loop3A_1025 = vector.broadcast %parallel_loop3A_1024 : i32 to vector<16xi32>
        %parallel_loop3A_1026 = arith.shrui %parallel_loop3A_1023, %parallel_loop3A_1025 : vector<16xi32>
        %parallel_loop3A_1027 = arith.constant 1597463007 : i32
        %parallel_loop3A_1028 = vector.broadcast %parallel_loop3A_1027 : i32 to vector<16xi32>
        %parallel_loop3A_1029 = arith.subi %parallel_loop3A_1028, %parallel_loop3A_1026 : vector<16xi32>
        %parallel_loop3A_1030 = vector.bitcast %parallel_loop3A_1029 : vector<16xi32> to vector<16xf32>
        %parallel_loop3A_1031 = arith.constant 5.000000e-01 : f32
        %parallel_loop3A_1032 = vector.broadcast %parallel_loop3A_1031 : f32 to vector<16xf32>
        %parallel_loop3A_1033 = arith.mulf %parallel_loop3A_1032, %parallel_loop3A_1022 : vector<16xf32>
        %parallel_loop3A_1034 = arith.mulf %parallel_loop3A_1033, %parallel_loop3A_1030 : vector<16xf32>
        %parallel_loop3A_1035 = arith.mulf %parallel_loop3A_1034, %parallel_loop3A_1030 : vector<16xf32>
        %parallel_loop3A_1036 = arith.constant 1.500000e+00 : f32
        %parallel_loop3A_1037 = vector.broadcast %parallel_loop3A_1036 : f32 to vector<16xf32>
        %parallel_loop3A_1038 = arith.subf %parallel_loop3A_1037, %parallel_loop3A_1035 : vector<16xf32>
        %parallel_loop3A_1039 = arith.mulf %parallel_loop3A_1030, %parallel_loop3A_1038 : vector<16xf32>
        %parallel_loop3A_1040 = arith.mulf %parallel_loop3A_1033, %parallel_loop3A_1039 : vector<16xf32>
        %parallel_loop3A_1041 = arith.mulf %parallel_loop3A_1040, %parallel_loop3A_1039 : vector<16xf32>
        %parallel_loop3A_1042 = arith.constant 1.500000e+00 : f32
        %parallel_loop3A_1043 = vector.broadcast %parallel_loop3A_1042 : f32 to vector<16xf32>
        %parallel_loop3A_1044 = arith.subf %parallel_loop3A_1043, %parallel_loop3A_1041 : vector<16xf32>
        %parallel_loop3A_1045 = arith.mulf %parallel_loop3A_1039, %parallel_loop3A_1044 : vector<16xf32>
        %parallel_loop3A_1046 = arith.mulf %parallel_loop3A_1022, %parallel_loop3A_1045 : vector<16xf32>
        %parallel_loop3A_1047 = arith.constant 1.600000e+01 : f32
        %parallel_loop3A_1048 = vector.broadcast %parallel_loop3A_1047 : f32 to vector<16xf32>
        %parallel_loop3A_1049 = arith.mulf %parallel_loop3A_893, %parallel_loop3A_1048 : vector<16xf32>
        %parallel_loop3A_1050 = arith.addf %parallel_loop3A_1049, %parallel_loop3A_897 : vector<16xf32>
        %parallel_loop3A_1051 = arith.fptosi %parallel_loop3A_1050 : vector<16xf32> to vector<16xi32>
        %parallel_loop3A_1052 = tpu.vector_load_idx %arg17[%parallel_loop3A_1051] : memref<256xf32, #tpu.memory_space<vmem>>[vector<16xi32>], vector<16xf32>,
        %parallel_loop3A_1053 = tpu.vector_load_idx %arg18[%parallel_loop3A_1051] : memref<256xf32, #tpu.memory_space<vmem>>[vector<16xi32>], vector<16xf32>,
        %parallel_loop3A_1054 = arith.mulf %parallel_loop3A_1053, %parallel_loop3A_1046 : vector<16xf32>
        %parallel_loop3A_1055 = arith.constant 0.333333343 : f32
        %parallel_loop3A_1056 = vector.broadcast %parallel_loop3A_1055 : f32 to vector<16xf32>
        %parallel_loop3A_1057 = arith.mulf %parallel_loop3A_1054, %parallel_loop3A_1056 : vector<16xf32>
        %parallel_loop3A_1058 = arith.constant 1.000000e+00 : f32
        %parallel_loop3A_1059 = vector.broadcast %parallel_loop3A_1058 : f32 to vector<16xf32>
        %parallel_loop3A_1060 = arith.addf %parallel_loop3A_1057, %parallel_loop3A_1059 : vector<16xf32>
        %parallel_loop3A_1061 = arith.mulf %parallel_loop3A_1054, %parallel_loop3A_1060 : vector<16xf32>
        %parallel_loop3A_1062 = arith.constant 1.000000e+00 : f32
        %parallel_loop3A_1063 = vector.broadcast %parallel_loop3A_1062 : f32 to vector<16xf32>
        %parallel_loop3A_1064 = arith.addf %parallel_loop3A_1061, %parallel_loop3A_1063 : vector<16xf32>
        %parallel_loop3A_1065 = arith.mulf %parallel_loop3A_1052, %parallel_loop3A_1064 : vector<16xf32>
        %parallel_loop3A_1066 = arith.constant 0.000000e+00 : f32
        %parallel_loop3A_1067 = vector.broadcast %parallel_loop3A_1066 : f32 to vector<16xf32>
        %parallel_loop3A_1068 = arith.subf %parallel_loop3A_1067, %parallel_loop3A_1054 : vector<16xf32>
        %parallel_loop3A_1069 = math.exp %parallel_loop3A_1068 : vector<16xf32>
        %parallel_loop3A_1070 = arith.mulf %parallel_loop3A_1065, %parallel_loop3A_1069 : vector<16xf32>
        %parallel_loop3A_1071 = arith.cmpf ole, %parallel_loop3A_1046, %get3A_17 : vector<16xf32>
        %parallel_loop3A_1072 = arith.select %parallel_loop3A_1071, %parallel_loop3A_1070, %broadcast_in_dim3A_18 : vector<16xi1>, vector<16xf32>
        %parallel_loop3A_1073 = arith.index_cast %parallel_loop3A_887 : i32 to index
        %parallel_loop3A_1074 = tpu.vector_load %arg14[%parallel_loop3A_1073] {strides = array<i32>} : memref<2048xf32, #tpu.memory_space<vmem>>, vector<16xf32>,
        tpu.vector_store %arg14[%parallel_loop3A_1073], %parallel_loop3A_1072 {strides = array<i32>} : memref<2048xf32, #tpu.memory_space<vmem>>, vector<16xf32>,
      } {sc.loop_unroll_factor = 4 : i64, sc.parallel_access}
      %mul3A_849 = arith.constant 2048 : i32
      %mul3A_850 = arith.muli %mul3A_468, %mul3A_849 : i32
      %add3A_851 = arith.addi %mul3A_2, %mul3A_850 : i32
      %dma_start3A_852 = tpu.memref_slice %arg7[%add3A_851] : memref<6422528xf32, #tpu.memory_space<hbm>> -> memref<2048xf32, #tpu.memory_space<hbm>>
      %dma_start3A_853 = tpu.memref_slice %arg7[%add3A_851] : memref<6422528xf32, #tpu.memory_space<hbm>> -> memref<2048xf32, #tpu.memory_space<hbm>>
      tpu.enqueue_dma source(%arg14 : memref<2048xf32, #tpu.memory_space<vmem>>) target(%dma_start3A_853 : memref<2048xf32, #tpu.memory_space<hbm>>) target_semaphore(%arg26 : memref<!tpu.dma_semaphore, #tpu.memory_space<semaphore_mem>>)
      %add3A_854 = arith.constant 2 : i32
      %add3A_855 = arith.addi %mul3A_468, %add3A_854 : i32
      %lt3A = arith.constant 98 : i32
      %lt3A_856 = arith.cmpi slt, %add3A_855, %lt3A : i32
      %convert_element_type3A_857 = arith.extui %lt3A_856 : i1 to i32
      %cond3A_858 = arith.constant 0 : i32
      %cond3A_859 = arith.cmpi ne, %convert_element_type3A_857, %cond3A_858 : i32
      scf.if %cond3A_859 {
        %add3A_885 = arith.constant 2 : i32
        %add3A_886 = arith.addi %mul3A_468, %add3A_885 : i32
        %mul3A_887 = arith.constant 2048 : i32
        %mul3A_888 = arith.muli %add3A_886, %mul3A_887 : i32
        %add3A_889 = arith.addi %mul3A_2, %mul3A_888 : i32
        %jit3A_890 = arith.constant 128 : i32
        %div3A_891 = arith.divsi %add3A_889, %jit3A_890 : i32
        %sign3A_892 = arith.constant 0 : i32
        %sign3A_893 = arith.cmpi sgt, %add3A_889, %sign3A_892 : i32
        %sign3A_894 = arith.extui %sign3A_893 : i1 to i32
        %sign3A_895 = arith.constant 0 : i32
        %sign3A_896 = arith.cmpi slt, %add3A_889, %sign3A_895 : i32
        %sign3A_897 = arith.extui %sign3A_896 : i1 to i32
        %sign3A_898 = arith.subi %sign3A_894, %sign3A_897 : i32
        %sign3A_899 = arith.constant 0 : i32
        %sign3A_900 = arith.cmpi sgt, %jit3A_890, %sign3A_899 : i32
        %sign3A_901 = arith.extui %sign3A_900 : i1 to i32
        %sign3A_902 = arith.constant 0 : i32
        %sign3A_903 = arith.cmpi slt, %jit3A_890, %sign3A_902 : i32
        %sign3A_904 = arith.extui %sign3A_903 : i1 to i32
        %sign3A_905 = arith.subi %sign3A_901, %sign3A_904 : i32
        %ne3A_906 = arith.cmpi ne, %sign3A_898, %sign3A_905 : i32
        %rem3A_907 = arith.remsi %add3A_889, %jit3A_890 : i32
        %ne3A_908 = arith.constant 0 : i32
        %ne3A_909 = arith.cmpi ne, %rem3A_907, %ne3A_908 : i32
        %and3A_910 = arith.andi %ne3A_906, %ne3A_909 : i1
        %sub3A_911 = arith.constant 1 : i32
        %sub3A_912 = arith.subi %div3A_891, %sub3A_911 : i32
        %select_n3A_913 = arith.select %and3A_910, %sub3A_912, %div3A_891 : i32
        %dma_start3A_914 = arith.constant 0 : i32
        %dma_start3A_915 = arith.constant 0 : i32
        %dma_start3A_916 = tpu.memref_slice %arg2[%select_n3A_913, %dma_start3A_914, %dma_start3A_915] : memref<50176x2x128xi32, #tpu.memory_space<hbm>> -> memref<16x2x128xi32, #tpu.memory_space<hbm>>
        %dma_start3A_917 = arith.constant 0 : i32
        %dma_start3A_918 = arith.constant 0 : i32
        %dma_start3A_919 = tpu.memref_slice %arg2[%select_n3A_913, %dma_start3A_917, %dma_start3A_918] : memref<50176x2x128xi32, #tpu.memory_space<hbm>> -> memref<16x2x128xi32, #tpu.memory_space<hbm>>
        tpu.enqueue_dma source(%dma_start3A_919 : memref<16x2x128xi32, #tpu.memory_space<hbm>>) target(%arg8 : memref<16x2x128xi32, #tpu.memory_space<vmem>>) target_semaphore(%arg20 : memref<!tpu.dma_semaphore, #tpu.memory_space<semaphore_mem>>)
        %dma_wait3A_920 = arith.constant 0 : i32
        %dma_wait3A_921 = arith.constant 0 : i32
        %dma_wait3A_922 = arith.constant 0 : i32
        %dma_wait3A_923 = tpu.memref_slice %arg2[%dma_wait3A_920, %dma_wait3A_921, %dma_wait3A_922] : memref<50176x2x128xi32, #tpu.memory_space<hbm>> -> memref<16x2x128xi32, #tpu.memory_space<hbm>>
        %dma_wait3A_924 = arith.constant 0 : i32
        %dma_wait3A_925 = arith.constant 0 : i32
        %dma_wait3A_926 = arith.constant 0 : i32
        %dma_wait3A_927 = tpu.memref_slice %arg2[%dma_wait3A_924, %dma_wait3A_925, %dma_wait3A_926] : memref<50176x2x128xi32, #tpu.memory_space<hbm>> -> memref<16x2x128xi32, #tpu.memory_space<hbm>>
        tpu.wait_dma2 semaphore(%arg20 : memref<!tpu.dma_semaphore, #tpu.memory_space<semaphore_mem>>) src(%dma_wait3A_927 : memref<16x2x128xi32, #tpu.memory_space<hbm>>) dst(%arg8 : memref<16x2x128xi32, #tpu.memory_space<vmem>>)
        %dma_start3A_928 = arith.constant 0 : i32
        %dma_start3A_929 = arith.constant 0 : i32
        %dma_start3A_930 = arith.constant 0 : i32
        %dma_start3A_931 = arith.constant 0 : i32
        %dma_start3A_932 = tpu.memref_slice %arg10[%dma_start3A_930, %dma_start3A_931] : memref<2048x8xf32, #tpu.memory_space<vmem>> -> memref<128x8xf32, #tpu.memory_space<vmem>>
        %dma_start3A_933 = arith.constant 0 : i32
        %dma_start3A_934 = tpu.memref_slice %arg8[%dma_start3A_928, %dma_start3A_929, %dma_start3A_933] : memref<16x2x128xi32, #tpu.memory_space<vmem>> -> memref<1x1x128xi32, #tpu.memory_space<vmem>>
        %dma_start3A_935 = tpu.memref_squeeze %dma_start3A_934 : memref<1x1x128xi32, #tpu.memory_space<vmem>> -> memref<128xi32, #tpu.memory_space<vmem>>
        %dma_start3A_936 = arith.constant 0 : i32
        %dma_start3A_937 = arith.constant 0 : i32
        %dma_start3A_938 = tpu.memref_slice %arg19[%dma_start3A_936, %dma_start3A_937] : memref<100000x8xf32, #tpu.memory_space<vmem_shared>> -> memref<100000x8xf32, #tpu.memory_space<vmem_shared>>
        tpu.enqueue_indirect_dma source(%dma_start3A_938 : memref<100000x8xf32, #tpu.memory_space<vmem_shared>>) target(%dma_start3A_932 : memref<128x8xf32, #tpu.memory_space<vmem>>) offsets(%dma_start3A_935 : memref<128xi32, #tpu.memory_space<vmem>>) semaphore(%arg22 : memref<!tpu.dma_semaphore, #tpu.memory_space<semaphore_mem>>)
        %dma_start3A_939 = arith.constant 0 : i32
        %dma_start3A_940 = arith.constant 1 : i32
        %dma_start3A_941 = arith.constant 0 : i32
        %dma_start3A_942 = arith.constant 0 : i32
        %dma_start3A_943 = tpu.memref_slice %arg11[%dma_start3A_941, %dma_start3A_942] : memref<2048x8xf32, #tpu.memory_space<vmem>> -> memref<128x8xf32, #tpu.memory_space<vmem>>
        %dma_start3A_944 = arith.constant 0 : i32
        %dma_start3A_945 = tpu.memref_slice %arg8[%dma_start3A_939, %dma_start3A_940, %dma_start3A_944] : memref<16x2x128xi32, #tpu.memory_space<vmem>> -> memref<1x1x128xi32, #tpu.memory_space<vmem>>
        %dma_start3A_946 = tpu.memref_squeeze %dma_start3A_945 : memref<1x1x128xi32, #tpu.memory_space<vmem>> -> memref<128xi32, #tpu.memory_space<vmem>>
        %dma_start3A_947 = arith.constant 0 : i32
        %dma_start3A_948 = arith.constant 0 : i32
        %dma_start3A_949 = tpu.memref_slice %arg19[%dma_start3A_947, %dma_start3A_948] : memref<100000x8xf32, #tpu.memory_space<vmem_shared>> -> memref<100000x8xf32, #tpu.memory_space<vmem_shared>>
        tpu.enqueue_indirect_dma source(%dma_start3A_949 : memref<100000x8xf32, #tpu.memory_space<vmem_shared>>) target(%dma_start3A_943 : memref<128x8xf32, #tpu.memory_space<vmem>>) offsets(%dma_start3A_946 : memref<128xi32, #tpu.memory_space<vmem>>) semaphore(%arg23 : memref<!tpu.dma_semaphore, #tpu.memory_space<semaphore_mem>>)
        %dma_start3A_950 = arith.constant 1 : i32
        %dma_start3A_951 = arith.constant 0 : i32
        %dma_start3A_952 = arith.constant 128 : i32
        %dma_start3A_953 = arith.constant 0 : i32
        %dma_start3A_954 = tpu.memref_slice %arg10[%dma_start3A_952, %dma_start3A_953] : memref<2048x8xf32, #tpu.memory_space<vmem>> -> memref<128x8xf32, #tpu.memory_space<vmem>>
        %dma_start3A_955 = arith.constant 0 : i32
        %dma_start3A_956 = tpu.memref_slice %arg8[%dma_start3A_950, %dma_start3A_951, %dma_start3A_955] : memref<16x2x128xi32, #tpu.memory_space<vmem>> -> memref<1x1x128xi32, #tpu.memory_space<vmem>>
        %dma_start3A_957 = tpu.memref_squeeze %dma_start3A_956 : memref<1x1x128xi32, #tpu.memory_space<vmem>> -> memref<128xi32, #tpu.memory_space<vmem>>
        %dma_start3A_958 = arith.constant 0 : i32
        %dma_start3A_959 = arith.constant 0 : i32
        %dma_start3A_960 = tpu.memref_slice %arg19[%dma_start3A_958, %dma_start3A_959] : memref<100000x8xf32, #tpu.memory_space<vmem_shared>> -> memref<100000x8xf32, #tpu.memory_space<vmem_shared>>
        tpu.enqueue_indirect_dma source(%dma_start3A_960 : memref<100000x8xf32, #tpu.memory_space<vmem_shared>>) target(%dma_start3A_954 : memref<128x8xf32, #tpu.memory_space<vmem>>) offsets(%dma_start3A_957 : memref<128xi32, #tpu.memory_space<vmem>>) semaphore(%arg22 : memref<!tpu.dma_semaphore, #tpu.memory_space<semaphore_mem>>)
        %dma_start3A_961 = arith.constant 1 : i32
        %dma_start3A_962 = arith.constant 1 : i32
        %dma_start3A_963 = arith.constant 128 : i32
        %dma_start3A_964 = arith.constant 0 : i32
        %dma_start3A_965 = tpu.memref_slice %arg11[%dma_start3A_963, %dma_start3A_964] : memref<2048x8xf32, #tpu.memory_space<vmem>> -> memref<128x8xf32, #tpu.memory_space<vmem>>
        %dma_start3A_966 = arith.constant 0 : i32
        %dma_start3A_967 = tpu.memref_slice %arg8[%dma_start3A_961, %dma_start3A_962, %dma_start3A_966] : memref<16x2x128xi32, #tpu.memory_space<vmem>> -> memref<1x1x128xi32, #tpu.memory_space<vmem>>
        %dma_start3A_968 = tpu.memref_squeeze %dma_start3A_967 : memref<1x1x128xi32, #tpu.memory_space<vmem>> -> memref<128xi32, #tpu.memory_space<vmem>>
        %dma_start3A_969 = arith.constant 0 : i32
        %dma_start3A_970 = arith.constant 0 : i32
        %dma_start3A_971 = tpu.memref_slice %arg19[%dma_start3A_969, %dma_start3A_970] : memref<100000x8xf32, #tpu.memory_space<vmem_shared>> -> memref<100000x8xf32, #tpu.memory_space<vmem_shared>>
        tpu.enqueue_indirect_dma source(%dma_start3A_971 : memref<100000x8xf32, #tpu.memory_space<vmem_shared>>) target(%dma_start3A_965 : memref<128x8xf32, #tpu.memory_space<vmem>>) offsets(%dma_start3A_968 : memref<128xi32, #tpu.memory_space<vmem>>) semaphore(%arg23 : memref<!tpu.dma_semaphore, #tpu.memory_space<semaphore_mem>>)
        %dma_start3A_972 = arith.constant 2 : i32
        %dma_start3A_973 = arith.constant 0 : i32
        %dma_start3A_974 = arith.constant 256 : i32
        %dma_start3A_975 = arith.constant 0 : i32
        %dma_start3A_976 = tpu.memref_slice %arg10[%dma_start3A_974, %dma_start3A_975] : memref<2048x8xf32, #tpu.memory_space<vmem>> -> memref<128x8xf32, #tpu.memory_space<vmem>>
        %dma_start3A_977 = arith.constant 0 : i32
        %dma_start3A_978 = tpu.memref_slice %arg8[%dma_start3A_972, %dma_start3A_973, %dma_start3A_977] : memref<16x2x128xi32, #tpu.memory_space<vmem>> -> memref<1x1x128xi32, #tpu.memory_space<vmem>>
        %dma_start3A_979 = tpu.memref_squeeze %dma_start3A_978 : memref<1x1x128xi32, #tpu.memory_space<vmem>> -> memref<128xi32, #tpu.memory_space<vmem>>
        %dma_start3A_980 = arith.constant 0 : i32
        %dma_start3A_981 = arith.constant 0 : i32
        %dma_start3A_982 = tpu.memref_slice %arg19[%dma_start3A_980, %dma_start3A_981] : memref<100000x8xf32, #tpu.memory_space<vmem_shared>> -> memref<100000x8xf32, #tpu.memory_space<vmem_shared>>
        tpu.enqueue_indirect_dma source(%dma_start3A_982 : memref<100000x8xf32, #tpu.memory_space<vmem_shared>>) target(%dma_start3A_976 : memref<128x8xf32, #tpu.memory_space<vmem>>) offsets(%dma_start3A_979 : memref<128xi32, #tpu.memory_space<vmem>>) semaphore(%arg22 : memref<!tpu.dma_semaphore, #tpu.memory_space<semaphore_mem>>)
        %dma_start3A_983 = arith.constant 2 : i32
        %dma_start3A_984 = arith.constant 1 : i32
        %dma_start3A_985 = arith.constant 256 : i32
        %dma_start3A_986 = arith.constant 0 : i32
        %dma_start3A_987 = tpu.memref_slice %arg11[%dma_start3A_985, %dma_start3A_986] : memref<2048x8xf32, #tpu.memory_space<vmem>> -> memref<128x8xf32, #tpu.memory_space<vmem>>
        %dma_start3A_988 = arith.constant 0 : i32
        %dma_start3A_989 = tpu.memref_slice %arg8[%dma_start3A_983, %dma_start3A_984, %dma_start3A_988] : memref<16x2x128xi32, #tpu.memory_space<vmem>> -> memref<1x1x128xi32, #tpu.memory_space<vmem>>
        %dma_start3A_990 = tpu.memref_squeeze %dma_start3A_989 : memref<1x1x128xi32, #tpu.memory_space<vmem>> -> memref<128xi32, #tpu.memory_space<vmem>>
        %dma_start3A_991 = arith.constant 0 : i32
        %dma_start3A_992 = arith.constant 0 : i32
        %dma_start3A_993 = tpu.memref_slice %arg19[%dma_start3A_991, %dma_start3A_992] : memref<100000x8xf32, #tpu.memory_space<vmem_shared>> -> memref<100000x8xf32, #tpu.memory_space<vmem_shared>>
        tpu.enqueue_indirect_dma source(%dma_start3A_993 : memref<100000x8xf32, #tpu.memory_space<vmem_shared>>) target(%dma_start3A_987 : memref<128x8xf32, #tpu.memory_space<vmem>>) offsets(%dma_start3A_990 : memref<128xi32, #tpu.memory_space<vmem>>) semaphore(%arg23 : memref<!tpu.dma_semaphore, #tpu.memory_space<semaphore_mem>>)
        %dma_start3A_994 = arith.constant 3 : i32
        %dma_start3A_995 = arith.constant 0 : i32
        %dma_start3A_996 = arith.constant 384 : i32
        %dma_start3A_997 = arith.constant 0 : i32
        %dma_start3A_998 = tpu.memref_slice %arg10[%dma_start3A_996, %dma_start3A_997] : memref<2048x8xf32, #tpu.memory_space<vmem>> -> memref<128x8xf32, #tpu.memory_space<vmem>>
        %dma_start3A_999 = arith.constant 0 : i32
        %dma_start3A_1000 = tpu.memref_slice %arg8[%dma_start3A_994, %dma_start3A_995, %dma_start3A_999] : memref<16x2x128xi32, #tpu.memory_space<vmem>> -> memref<1x1x128xi32, #tpu.memory_space<vmem>>
        %dma_start3A_1001 = tpu.memref_squeeze %dma_start3A_1000 : memref<1x1x128xi32, #tpu.memory_space<vmem>> -> memref<128xi32, #tpu.memory_space<vmem>>
        %dma_start3A_1002 = arith.constant 0 : i32
        %dma_start3A_1003 = arith.constant 0 : i32
        %dma_start3A_1004 = tpu.memref_slice %arg19[%dma_start3A_1002, %dma_start3A_1003] : memref<100000x8xf32, #tpu.memory_space<vmem_shared>> -> memref<100000x8xf32, #tpu.memory_space<vmem_shared>>
        tpu.enqueue_indirect_dma source(%dma_start3A_1004 : memref<100000x8xf32, #tpu.memory_space<vmem_shared>>) target(%dma_start3A_998 : memref<128x8xf32, #tpu.memory_space<vmem>>) offsets(%dma_start3A_1001 : memref<128xi32, #tpu.memory_space<vmem>>) semaphore(%arg22 : memref<!tpu.dma_semaphore, #tpu.memory_space<semaphore_mem>>)
        %dma_start3A_1005 = arith.constant 3 : i32
        %dma_start3A_1006 = arith.constant 1 : i32
        %dma_start3A_1007 = arith.constant 384 : i32
        %dma_start3A_1008 = arith.constant 0 : i32
        %dma_start3A_1009 = tpu.memref_slice %arg11[%dma_start3A_1007, %dma_start3A_1008] : memref<2048x8xf32, #tpu.memory_space<vmem>> -> memref<128x8xf32, #tpu.memory_space<vmem>>
        %dma_start3A_1010 = arith.constant 0 : i32
        %dma_start3A_1011 = tpu.memref_slice %arg8[%dma_start3A_1005, %dma_start3A_1006, %dma_start3A_1010] : memref<16x2x128xi32, #tpu.memory_space<vmem>> -> memref<1x1x128xi32, #tpu.memory_space<vmem>>
        %dma_start3A_1012 = tpu.memref_squeeze %dma_start3A_1011 : memref<1x1x128xi32, #tpu.memory_space<vmem>> -> memref<128xi32, #tpu.memory_space<vmem>>
        %dma_start3A_1013 = arith.constant 0 : i32
        %dma_start3A_1014 = arith.constant 0 : i32
        %dma_start3A_1015 = tpu.memref_slice %arg19[%dma_start3A_1013, %dma_start3A_1014] : memref<100000x8xf32, #tpu.memory_space<vmem_shared>> -> memref<100000x8xf32, #tpu.memory_space<vmem_shared>>
        tpu.enqueue_indirect_dma source(%dma_start3A_1015 : memref<100000x8xf32, #tpu.memory_space<vmem_shared>>) target(%dma_start3A_1009 : memref<128x8xf32, #tpu.memory_space<vmem>>) offsets(%dma_start3A_1012 : memref<128xi32, #tpu.memory_space<vmem>>) semaphore(%arg23 : memref<!tpu.dma_semaphore, #tpu.memory_space<semaphore_mem>>)
        %dma_start3A_1016 = arith.constant 4 : i32
        %dma_start3A_1017 = arith.constant 0 : i32
        %dma_start3A_1018 = arith.constant 512 : i32
        %dma_start3A_1019 = arith.constant 0 : i32
        %dma_start3A_1020 = tpu.memref_slice %arg10[%dma_start3A_1018, %dma_start3A_1019] : memref<2048x8xf32, #tpu.memory_space<vmem>> -> memref<128x8xf32, #tpu.memory_space<vmem>>
        %dma_start3A_1021 = arith.constant 0 : i32
        %dma_start3A_1022 = tpu.memref_slice %arg8[%dma_start3A_1016, %dma_start3A_1017, %dma_start3A_1021] : memref<16x2x128xi32, #tpu.memory_space<vmem>> -> memref<1x1x128xi32, #tpu.memory_space<vmem>>
        %dma_start3A_1023 = tpu.memref_squeeze %dma_start3A_1022 : memref<1x1x128xi32, #tpu.memory_space<vmem>> -> memref<128xi32, #tpu.memory_space<vmem>>
        %dma_start3A_1024 = arith.constant 0 : i32
        %dma_start3A_1025 = arith.constant 0 : i32
        %dma_start3A_1026 = tpu.memref_slice %arg19[%dma_start3A_1024, %dma_start3A_1025] : memref<100000x8xf32, #tpu.memory_space<vmem_shared>> -> memref<100000x8xf32, #tpu.memory_space<vmem_shared>>
        tpu.enqueue_indirect_dma source(%dma_start3A_1026 : memref<100000x8xf32, #tpu.memory_space<vmem_shared>>) target(%dma_start3A_1020 : memref<128x8xf32, #tpu.memory_space<vmem>>) offsets(%dma_start3A_1023 : memref<128xi32, #tpu.memory_space<vmem>>) semaphore(%arg22 : memref<!tpu.dma_semaphore, #tpu.memory_space<semaphore_mem>>)
        %dma_start3A_1027 = arith.constant 4 : i32
        %dma_start3A_1028 = arith.constant 1 : i32
        %dma_start3A_1029 = arith.constant 512 : i32
        %dma_start3A_1030 = arith.constant 0 : i32
        %dma_start3A_1031 = tpu.memref_slice %arg11[%dma_start3A_1029, %dma_start3A_1030] : memref<2048x8xf32, #tpu.memory_space<vmem>> -> memref<128x8xf32, #tpu.memory_space<vmem>>
        %dma_start3A_1032 = arith.constant 0 : i32
        %dma_start3A_1033 = tpu.memref_slice %arg8[%dma_start3A_1027, %dma_start3A_1028, %dma_start3A_1032] : memref<16x2x128xi32, #tpu.memory_space<vmem>> -> memref<1x1x128xi32, #tpu.memory_space<vmem>>
        %dma_start3A_1034 = tpu.memref_squeeze %dma_start3A_1033 : memref<1x1x128xi32, #tpu.memory_space<vmem>> -> memref<128xi32, #tpu.memory_space<vmem>>
        %dma_start3A_1035 = arith.constant 0 : i32
        %dma_start3A_1036 = arith.constant 0 : i32
        %dma_start3A_1037 = tpu.memref_slice %arg19[%dma_start3A_1035, %dma_start3A_1036] : memref<100000x8xf32, #tpu.memory_space<vmem_shared>> -> memref<100000x8xf32, #tpu.memory_space<vmem_shared>>
        tpu.enqueue_indirect_dma source(%dma_start3A_1037 : memref<100000x8xf32, #tpu.memory_space<vmem_shared>>) target(%dma_start3A_1031 : memref<128x8xf32, #tpu.memory_space<vmem>>) offsets(%dma_start3A_1034 : memref<128xi32, #tpu.memory_space<vmem>>) semaphore(%arg23 : memref<!tpu.dma_semaphore, #tpu.memory_space<semaphore_mem>>)
        %dma_start3A_1038 = arith.constant 5 : i32
        %dma_start3A_1039 = arith.constant 0 : i32
        %dma_start3A_1040 = arith.constant 640 : i32
        %dma_start3A_1041 = arith.constant 0 : i32
        %dma_start3A_1042 = tpu.memref_slice %arg10[%dma_start3A_1040, %dma_start3A_1041] : memref<2048x8xf32, #tpu.memory_space<vmem>> -> memref<128x8xf32, #tpu.memory_space<vmem>>
        %dma_start3A_1043 = arith.constant 0 : i32
        %dma_start3A_1044 = tpu.memref_slice %arg8[%dma_start3A_1038, %dma_start3A_1039, %dma_start3A_1043] : memref<16x2x128xi32, #tpu.memory_space<vmem>> -> memref<1x1x128xi32, #tpu.memory_space<vmem>>
        %dma_start3A_1045 = tpu.memref_squeeze %dma_start3A_1044 : memref<1x1x128xi32, #tpu.memory_space<vmem>> -> memref<128xi32, #tpu.memory_space<vmem>>
        %dma_start3A_1046 = arith.constant 0 : i32
        %dma_start3A_1047 = arith.constant 0 : i32
        %dma_start3A_1048 = tpu.memref_slice %arg19[%dma_start3A_1046, %dma_start3A_1047] : memref<100000x8xf32, #tpu.memory_space<vmem_shared>> -> memref<100000x8xf32, #tpu.memory_space<vmem_shared>>
        tpu.enqueue_indirect_dma source(%dma_start3A_1048 : memref<100000x8xf32, #tpu.memory_space<vmem_shared>>) target(%dma_start3A_1042 : memref<128x8xf32, #tpu.memory_space<vmem>>) offsets(%dma_start3A_1045 : memref<128xi32, #tpu.memory_space<vmem>>) semaphore(%arg22 : memref<!tpu.dma_semaphore, #tpu.memory_space<semaphore_mem>>)
        %dma_start3A_1049 = arith.constant 5 : i32
        %dma_start3A_1050 = arith.constant 1 : i32
        %dma_start3A_1051 = arith.constant 640 : i32
        %dma_start3A_1052 = arith.constant 0 : i32
        %dma_start3A_1053 = tpu.memref_slice %arg11[%dma_start3A_1051, %dma_start3A_1052] : memref<2048x8xf32, #tpu.memory_space<vmem>> -> memref<128x8xf32, #tpu.memory_space<vmem>>
        %dma_start3A_1054 = arith.constant 0 : i32
        %dma_start3A_1055 = tpu.memref_slice %arg8[%dma_start3A_1049, %dma_start3A_1050, %dma_start3A_1054] : memref<16x2x128xi32, #tpu.memory_space<vmem>> -> memref<1x1x128xi32, #tpu.memory_space<vmem>>
        %dma_start3A_1056 = tpu.memref_squeeze %dma_start3A_1055 : memref<1x1x128xi32, #tpu.memory_space<vmem>> -> memref<128xi32, #tpu.memory_space<vmem>>
        %dma_start3A_1057 = arith.constant 0 : i32
        %dma_start3A_1058 = arith.constant 0 : i32
        %dma_start3A_1059 = tpu.memref_slice %arg19[%dma_start3A_1057, %dma_start3A_1058] : memref<100000x8xf32, #tpu.memory_space<vmem_shared>> -> memref<100000x8xf32, #tpu.memory_space<vmem_shared>>
        tpu.enqueue_indirect_dma source(%dma_start3A_1059 : memref<100000x8xf32, #tpu.memory_space<vmem_shared>>) target(%dma_start3A_1053 : memref<128x8xf32, #tpu.memory_space<vmem>>) offsets(%dma_start3A_1056 : memref<128xi32, #tpu.memory_space<vmem>>) semaphore(%arg23 : memref<!tpu.dma_semaphore, #tpu.memory_space<semaphore_mem>>)
        %dma_start3A_1060 = arith.constant 6 : i32
        %dma_start3A_1061 = arith.constant 0 : i32
        %dma_start3A_1062 = arith.constant 768 : i32
        %dma_start3A_1063 = arith.constant 0 : i32
        %dma_start3A_1064 = tpu.memref_slice %arg10[%dma_start3A_1062, %dma_start3A_1063] : memref<2048x8xf32, #tpu.memory_space<vmem>> -> memref<128x8xf32, #tpu.memory_space<vmem>>
        %dma_start3A_1065 = arith.constant 0 : i32
        %dma_start3A_1066 = tpu.memref_slice %arg8[%dma_start3A_1060, %dma_start3A_1061, %dma_start3A_1065] : memref<16x2x128xi32, #tpu.memory_space<vmem>> -> memref<1x1x128xi32, #tpu.memory_space<vmem>>
        %dma_start3A_1067 = tpu.memref_squeeze %dma_start3A_1066 : memref<1x1x128xi32, #tpu.memory_space<vmem>> -> memref<128xi32, #tpu.memory_space<vmem>>
        %dma_start3A_1068 = arith.constant 0 : i32
        %dma_start3A_1069 = arith.constant 0 : i32
        %dma_start3A_1070 = tpu.memref_slice %arg19[%dma_start3A_1068, %dma_start3A_1069] : memref<100000x8xf32, #tpu.memory_space<vmem_shared>> -> memref<100000x8xf32, #tpu.memory_space<vmem_shared>>
        tpu.enqueue_indirect_dma source(%dma_start3A_1070 : memref<100000x8xf32, #tpu.memory_space<vmem_shared>>) target(%dma_start3A_1064 : memref<128x8xf32, #tpu.memory_space<vmem>>) offsets(%dma_start3A_1067 : memref<128xi32, #tpu.memory_space<vmem>>) semaphore(%arg22 : memref<!tpu.dma_semaphore, #tpu.memory_space<semaphore_mem>>)
        %dma_start3A_1071 = arith.constant 6 : i32
        %dma_start3A_1072 = arith.constant 1 : i32
        %dma_start3A_1073 = arith.constant 768 : i32
        %dma_start3A_1074 = arith.constant 0 : i32
        %dma_start3A_1075 = tpu.memref_slice %arg11[%dma_start3A_1073, %dma_start3A_1074] : memref<2048x8xf32, #tpu.memory_space<vmem>> -> memref<128x8xf32, #tpu.memory_space<vmem>>
        %dma_start3A_1076 = arith.constant 0 : i32
        %dma_start3A_1077 = tpu.memref_slice %arg8[%dma_start3A_1071, %dma_start3A_1072, %dma_start3A_1076] : memref<16x2x128xi32, #tpu.memory_space<vmem>> -> memref<1x1x128xi32, #tpu.memory_space<vmem>>
        %dma_start3A_1078 = tpu.memref_squeeze %dma_start3A_1077 : memref<1x1x128xi32, #tpu.memory_space<vmem>> -> memref<128xi32, #tpu.memory_space<vmem>>
        %dma_start3A_1079 = arith.constant 0 : i32
        %dma_start3A_1080 = arith.constant 0 : i32
        %dma_start3A_1081 = tpu.memref_slice %arg19[%dma_start3A_1079, %dma_start3A_1080] : memref<100000x8xf32, #tpu.memory_space<vmem_shared>> -> memref<100000x8xf32, #tpu.memory_space<vmem_shared>>
        tpu.enqueue_indirect_dma source(%dma_start3A_1081 : memref<100000x8xf32, #tpu.memory_space<vmem_shared>>) target(%dma_start3A_1075 : memref<128x8xf32, #tpu.memory_space<vmem>>) offsets(%dma_start3A_1078 : memref<128xi32, #tpu.memory_space<vmem>>) semaphore(%arg23 : memref<!tpu.dma_semaphore, #tpu.memory_space<semaphore_mem>>)
        %dma_start3A_1082 = arith.constant 7 : i32
        %dma_start3A_1083 = arith.constant 0 : i32
        %dma_start3A_1084 = arith.constant 896 : i32
        %dma_start3A_1085 = arith.constant 0 : i32
        %dma_start3A_1086 = tpu.memref_slice %arg10[%dma_start3A_1084, %dma_start3A_1085] : memref<2048x8xf32, #tpu.memory_space<vmem>> -> memref<128x8xf32, #tpu.memory_space<vmem>>
        %dma_start3A_1087 = arith.constant 0 : i32
        %dma_start3A_1088 = tpu.memref_slice %arg8[%dma_start3A_1082, %dma_start3A_1083, %dma_start3A_1087] : memref<16x2x128xi32, #tpu.memory_space<vmem>> -> memref<1x1x128xi32, #tpu.memory_space<vmem>>
        %dma_start3A_1089 = tpu.memref_squeeze %dma_start3A_1088 : memref<1x1x128xi32, #tpu.memory_space<vmem>> -> memref<128xi32, #tpu.memory_space<vmem>>
        %dma_start3A_1090 = arith.constant 0 : i32
        %dma_start3A_1091 = arith.constant 0 : i32
        %dma_start3A_1092 = tpu.memref_slice %arg19[%dma_start3A_1090, %dma_start3A_1091] : memref<100000x8xf32, #tpu.memory_space<vmem_shared>> -> memref<100000x8xf32, #tpu.memory_space<vmem_shared>>
        tpu.enqueue_indirect_dma source(%dma_start3A_1092 : memref<100000x8xf32, #tpu.memory_space<vmem_shared>>) target(%dma_start3A_1086 : memref<128x8xf32, #tpu.memory_space<vmem>>) offsets(%dma_start3A_1089 : memref<128xi32, #tpu.memory_space<vmem>>) semaphore(%arg22 : memref<!tpu.dma_semaphore, #tpu.memory_space<semaphore_mem>>)
        %dma_start3A_1093 = arith.constant 7 : i32
        %dma_start3A_1094 = arith.constant 1 : i32
        %dma_start3A_1095 = arith.constant 896 : i32
        %dma_start3A_1096 = arith.constant 0 : i32
        %dma_start3A_1097 = tpu.memref_slice %arg11[%dma_start3A_1095, %dma_start3A_1096] : memref<2048x8xf32, #tpu.memory_space<vmem>> -> memref<128x8xf32, #tpu.memory_space<vmem>>
        %dma_start3A_1098 = arith.constant 0 : i32
        %dma_start3A_1099 = tpu.memref_slice %arg8[%dma_start3A_1093, %dma_start3A_1094, %dma_start3A_1098] : memref<16x2x128xi32, #tpu.memory_space<vmem>> -> memref<1x1x128xi32, #tpu.memory_space<vmem>>
        %dma_start3A_1100 = tpu.memref_squeeze %dma_start3A_1099 : memref<1x1x128xi32, #tpu.memory_space<vmem>> -> memref<128xi32, #tpu.memory_space<vmem>>
        %dma_start3A_1101 = arith.constant 0 : i32
        %dma_start3A_1102 = arith.constant 0 : i32
        %dma_start3A_1103 = tpu.memref_slice %arg19[%dma_start3A_1101, %dma_start3A_1102] : memref<100000x8xf32, #tpu.memory_space<vmem_shared>> -> memref<100000x8xf32, #tpu.memory_space<vmem_shared>>
        tpu.enqueue_indirect_dma source(%dma_start3A_1103 : memref<100000x8xf32, #tpu.memory_space<vmem_shared>>) target(%dma_start3A_1097 : memref<128x8xf32, #tpu.memory_space<vmem>>) offsets(%dma_start3A_1100 : memref<128xi32, #tpu.memory_space<vmem>>) semaphore(%arg23 : memref<!tpu.dma_semaphore, #tpu.memory_space<semaphore_mem>>)
        %dma_start3A_1104 = arith.constant 8 : i32
        %dma_start3A_1105 = arith.constant 0 : i32
        %dma_start3A_1106 = arith.constant 1024 : i32
        %dma_start3A_1107 = arith.constant 0 : i32
        %dma_start3A_1108 = tpu.memref_slice %arg10[%dma_start3A_1106, %dma_start3A_1107] : memref<2048x8xf32, #tpu.memory_space<vmem>> -> memref<128x8xf32, #tpu.memory_space<vmem>>
        %dma_start3A_1109 = arith.constant 0 : i32
        %dma_start3A_1110 = tpu.memref_slice %arg8[%dma_start3A_1104, %dma_start3A_1105, %dma_start3A_1109] : memref<16x2x128xi32, #tpu.memory_space<vmem>> -> memref<1x1x128xi32, #tpu.memory_space<vmem>>
        %dma_start3A_1111 = tpu.memref_squeeze %dma_start3A_1110 : memref<1x1x128xi32, #tpu.memory_space<vmem>> -> memref<128xi32, #tpu.memory_space<vmem>>
        %dma_start3A_1112 = arith.constant 0 : i32
        %dma_start3A_1113 = arith.constant 0 : i32
        %dma_start3A_1114 = tpu.memref_slice %arg19[%dma_start3A_1112, %dma_start3A_1113] : memref<100000x8xf32, #tpu.memory_space<vmem_shared>> -> memref<100000x8xf32, #tpu.memory_space<vmem_shared>>
        tpu.enqueue_indirect_dma source(%dma_start3A_1114 : memref<100000x8xf32, #tpu.memory_space<vmem_shared>>) target(%dma_start3A_1108 : memref<128x8xf32, #tpu.memory_space<vmem>>) offsets(%dma_start3A_1111 : memref<128xi32, #tpu.memory_space<vmem>>) semaphore(%arg22 : memref<!tpu.dma_semaphore, #tpu.memory_space<semaphore_mem>>)
        %dma_start3A_1115 = arith.constant 8 : i32
        %dma_start3A_1116 = arith.constant 1 : i32
        %dma_start3A_1117 = arith.constant 1024 : i32
        %dma_start3A_1118 = arith.constant 0 : i32
        %dma_start3A_1119 = tpu.memref_slice %arg11[%dma_start3A_1117, %dma_start3A_1118] : memref<2048x8xf32, #tpu.memory_space<vmem>> -> memref<128x8xf32, #tpu.memory_space<vmem>>
        %dma_start3A_1120 = arith.constant 0 : i32
        %dma_start3A_1121 = tpu.memref_slice %arg8[%dma_start3A_1115, %dma_start3A_1116, %dma_start3A_1120] : memref<16x2x128xi32, #tpu.memory_space<vmem>> -> memref<1x1x128xi32, #tpu.memory_space<vmem>>
        %dma_start3A_1122 = tpu.memref_squeeze %dma_start3A_1121 : memref<1x1x128xi32, #tpu.memory_space<vmem>> -> memref<128xi32, #tpu.memory_space<vmem>>
        %dma_start3A_1123 = arith.constant 0 : i32
        %dma_start3A_1124 = arith.constant 0 : i32
        %dma_start3A_1125 = tpu.memref_slice %arg19[%dma_start3A_1123, %dma_start3A_1124] : memref<100000x8xf32, #tpu.memory_space<vmem_shared>> -> memref<100000x8xf32, #tpu.memory_space<vmem_shared>>
        tpu.enqueue_indirect_dma source(%dma_start3A_1125 : memref<100000x8xf32, #tpu.memory_space<vmem_shared>>) target(%dma_start3A_1119 : memref<128x8xf32, #tpu.memory_space<vmem>>) offsets(%dma_start3A_1122 : memref<128xi32, #tpu.memory_space<vmem>>) semaphore(%arg23 : memref<!tpu.dma_semaphore, #tpu.memory_space<semaphore_mem>>)
        %dma_start3A_1126 = arith.constant 9 : i32
        %dma_start3A_1127 = arith.constant 0 : i32
        %dma_start3A_1128 = arith.constant 1152 : i32
        %dma_start3A_1129 = arith.constant 0 : i32
        %dma_start3A_1130 = tpu.memref_slice %arg10[%dma_start3A_1128, %dma_start3A_1129] : memref<2048x8xf32, #tpu.memory_space<vmem>> -> memref<128x8xf32, #tpu.memory_space<vmem>>
        %dma_start3A_1131 = arith.constant 0 : i32
        %dma_start3A_1132 = tpu.memref_slice %arg8[%dma_start3A_1126, %dma_start3A_1127, %dma_start3A_1131] : memref<16x2x128xi32, #tpu.memory_space<vmem>> -> memref<1x1x128xi32, #tpu.memory_space<vmem>>
        %dma_start3A_1133 = tpu.memref_squeeze %dma_start3A_1132 : memref<1x1x128xi32, #tpu.memory_space<vmem>> -> memref<128xi32, #tpu.memory_space<vmem>>
        %dma_start3A_1134 = arith.constant 0 : i32
        %dma_start3A_1135 = arith.constant 0 : i32
        %dma_start3A_1136 = tpu.memref_slice %arg19[%dma_start3A_1134, %dma_start3A_1135] : memref<100000x8xf32, #tpu.memory_space<vmem_shared>> -> memref<100000x8xf32, #tpu.memory_space<vmem_shared>>
        tpu.enqueue_indirect_dma source(%dma_start3A_1136 : memref<100000x8xf32, #tpu.memory_space<vmem_shared>>) target(%dma_start3A_1130 : memref<128x8xf32, #tpu.memory_space<vmem>>) offsets(%dma_start3A_1133 : memref<128xi32, #tpu.memory_space<vmem>>) semaphore(%arg22 : memref<!tpu.dma_semaphore, #tpu.memory_space<semaphore_mem>>)
        %dma_start3A_1137 = arith.constant 9 : i32
        %dma_start3A_1138 = arith.constant 1 : i32
        %dma_start3A_1139 = arith.constant 1152 : i32
        %dma_start3A_1140 = arith.constant 0 : i32
        %dma_start3A_1141 = tpu.memref_slice %arg11[%dma_start3A_1139, %dma_start3A_1140] : memref<2048x8xf32, #tpu.memory_space<vmem>> -> memref<128x8xf32, #tpu.memory_space<vmem>>
        %dma_start3A_1142 = arith.constant 0 : i32
        %dma_start3A_1143 = tpu.memref_slice %arg8[%dma_start3A_1137, %dma_start3A_1138, %dma_start3A_1142] : memref<16x2x128xi32, #tpu.memory_space<vmem>> -> memref<1x1x128xi32, #tpu.memory_space<vmem>>
        %dma_start3A_1144 = tpu.memref_squeeze %dma_start3A_1143 : memref<1x1x128xi32, #tpu.memory_space<vmem>> -> memref<128xi32, #tpu.memory_space<vmem>>
        %dma_start3A_1145 = arith.constant 0 : i32
        %dma_start3A_1146 = arith.constant 0 : i32
        %dma_start3A_1147 = tpu.memref_slice %arg19[%dma_start3A_1145, %dma_start3A_1146] : memref<100000x8xf32, #tpu.memory_space<vmem_shared>> -> memref<100000x8xf32, #tpu.memory_space<vmem_shared>>
        tpu.enqueue_indirect_dma source(%dma_start3A_1147 : memref<100000x8xf32, #tpu.memory_space<vmem_shared>>) target(%dma_start3A_1141 : memref<128x8xf32, #tpu.memory_space<vmem>>) offsets(%dma_start3A_1144 : memref<128xi32, #tpu.memory_space<vmem>>) semaphore(%arg23 : memref<!tpu.dma_semaphore, #tpu.memory_space<semaphore_mem>>)
        %dma_start3A_1148 = arith.constant 10 : i32
        %dma_start3A_1149 = arith.constant 0 : i32
        %dma_start3A_1150 = arith.constant 1280 : i32
        %dma_start3A_1151 = arith.constant 0 : i32
        %dma_start3A_1152 = tpu.memref_slice %arg10[%dma_start3A_1150, %dma_start3A_1151] : memref<2048x8xf32, #tpu.memory_space<vmem>> -> memref<128x8xf32, #tpu.memory_space<vmem>>
        %dma_start3A_1153 = arith.constant 0 : i32
        %dma_start3A_1154 = tpu.memref_slice %arg8[%dma_start3A_1148, %dma_start3A_1149, %dma_start3A_1153] : memref<16x2x128xi32, #tpu.memory_space<vmem>> -> memref<1x1x128xi32, #tpu.memory_space<vmem>>
        %dma_start3A_1155 = tpu.memref_squeeze %dma_start3A_1154 : memref<1x1x128xi32, #tpu.memory_space<vmem>> -> memref<128xi32, #tpu.memory_space<vmem>>
        %dma_start3A_1156 = arith.constant 0 : i32
        %dma_start3A_1157 = arith.constant 0 : i32
        %dma_start3A_1158 = tpu.memref_slice %arg19[%dma_start3A_1156, %dma_start3A_1157] : memref<100000x8xf32, #tpu.memory_space<vmem_shared>> -> memref<100000x8xf32, #tpu.memory_space<vmem_shared>>
        tpu.enqueue_indirect_dma source(%dma_start3A_1158 : memref<100000x8xf32, #tpu.memory_space<vmem_shared>>) target(%dma_start3A_1152 : memref<128x8xf32, #tpu.memory_space<vmem>>) offsets(%dma_start3A_1155 : memref<128xi32, #tpu.memory_space<vmem>>) semaphore(%arg22 : memref<!tpu.dma_semaphore, #tpu.memory_space<semaphore_mem>>)
        %dma_start3A_1159 = arith.constant 10 : i32
        %dma_start3A_1160 = arith.constant 1 : i32
        %dma_start3A_1161 = arith.constant 1280 : i32
        %dma_start3A_1162 = arith.constant 0 : i32
        %dma_start3A_1163 = tpu.memref_slice %arg11[%dma_start3A_1161, %dma_start3A_1162] : memref<2048x8xf32, #tpu.memory_space<vmem>> -> memref<128x8xf32, #tpu.memory_space<vmem>>
        %dma_start3A_1164 = arith.constant 0 : i32
        %dma_start3A_1165 = tpu.memref_slice %arg8[%dma_start3A_1159, %dma_start3A_1160, %dma_start3A_1164] : memref<16x2x128xi32, #tpu.memory_space<vmem>> -> memref<1x1x128xi32, #tpu.memory_space<vmem>>
        %dma_start3A_1166 = tpu.memref_squeeze %dma_start3A_1165 : memref<1x1x128xi32, #tpu.memory_space<vmem>> -> memref<128xi32, #tpu.memory_space<vmem>>
        %dma_start3A_1167 = arith.constant 0 : i32
        %dma_start3A_1168 = arith.constant 0 : i32
        %dma_start3A_1169 = tpu.memref_slice %arg19[%dma_start3A_1167, %dma_start3A_1168] : memref<100000x8xf32, #tpu.memory_space<vmem_shared>> -> memref<100000x8xf32, #tpu.memory_space<vmem_shared>>
        tpu.enqueue_indirect_dma source(%dma_start3A_1169 : memref<100000x8xf32, #tpu.memory_space<vmem_shared>>) target(%dma_start3A_1163 : memref<128x8xf32, #tpu.memory_space<vmem>>) offsets(%dma_start3A_1166 : memref<128xi32, #tpu.memory_space<vmem>>) semaphore(%arg23 : memref<!tpu.dma_semaphore, #tpu.memory_space<semaphore_mem>>)
        %dma_start3A_1170 = arith.constant 11 : i32
        %dma_start3A_1171 = arith.constant 0 : i32
        %dma_start3A_1172 = arith.constant 1408 : i32
        %dma_start3A_1173 = arith.constant 0 : i32
        %dma_start3A_1174 = tpu.memref_slice %arg10[%dma_start3A_1172, %dma_start3A_1173] : memref<2048x8xf32, #tpu.memory_space<vmem>> -> memref<128x8xf32, #tpu.memory_space<vmem>>
        %dma_start3A_1175 = arith.constant 0 : i32
        %dma_start3A_1176 = tpu.memref_slice %arg8[%dma_start3A_1170, %dma_start3A_1171, %dma_start3A_1175] : memref<16x2x128xi32, #tpu.memory_space<vmem>> -> memref<1x1x128xi32, #tpu.memory_space<vmem>>
        %dma_start3A_1177 = tpu.memref_squeeze %dma_start3A_1176 : memref<1x1x128xi32, #tpu.memory_space<vmem>> -> memref<128xi32, #tpu.memory_space<vmem>>
        %dma_start3A_1178 = arith.constant 0 : i32
        %dma_start3A_1179 = arith.constant 0 : i32
        %dma_start3A_1180 = tpu.memref_slice %arg19[%dma_start3A_1178, %dma_start3A_1179] : memref<100000x8xf32, #tpu.memory_space<vmem_shared>> -> memref<100000x8xf32, #tpu.memory_space<vmem_shared>>
        tpu.enqueue_indirect_dma source(%dma_start3A_1180 : memref<100000x8xf32, #tpu.memory_space<vmem_shared>>) target(%dma_start3A_1174 : memref<128x8xf32, #tpu.memory_space<vmem>>) offsets(%dma_start3A_1177 : memref<128xi32, #tpu.memory_space<vmem>>) semaphore(%arg22 : memref<!tpu.dma_semaphore, #tpu.memory_space<semaphore_mem>>)
        %dma_start3A_1181 = arith.constant 11 : i32
        %dma_start3A_1182 = arith.constant 1 : i32
        %dma_start3A_1183 = arith.constant 1408 : i32
        %dma_start3A_1184 = arith.constant 0 : i32
        %dma_start3A_1185 = tpu.memref_slice %arg11[%dma_start3A_1183, %dma_start3A_1184] : memref<2048x8xf32, #tpu.memory_space<vmem>> -> memref<128x8xf32, #tpu.memory_space<vmem>>
        %dma_start3A_1186 = arith.constant 0 : i32
        %dma_start3A_1187 = tpu.memref_slice %arg8[%dma_start3A_1181, %dma_start3A_1182, %dma_start3A_1186] : memref<16x2x128xi32, #tpu.memory_space<vmem>> -> memref<1x1x128xi32, #tpu.memory_space<vmem>>
        %dma_start3A_1188 = tpu.memref_squeeze %dma_start3A_1187 : memref<1x1x128xi32, #tpu.memory_space<vmem>> -> memref<128xi32, #tpu.memory_space<vmem>>
        %dma_start3A_1189 = arith.constant 0 : i32
        %dma_start3A_1190 = arith.constant 0 : i32
        %dma_start3A_1191 = tpu.memref_slice %arg19[%dma_start3A_1189, %dma_start3A_1190] : memref<100000x8xf32, #tpu.memory_space<vmem_shared>> -> memref<100000x8xf32, #tpu.memory_space<vmem_shared>>
        tpu.enqueue_indirect_dma source(%dma_start3A_1191 : memref<100000x8xf32, #tpu.memory_space<vmem_shared>>) target(%dma_start3A_1185 : memref<128x8xf32, #tpu.memory_space<vmem>>) offsets(%dma_start3A_1188 : memref<128xi32, #tpu.memory_space<vmem>>) semaphore(%arg23 : memref<!tpu.dma_semaphore, #tpu.memory_space<semaphore_mem>>)
        %dma_start3A_1192 = arith.constant 12 : i32
        %dma_start3A_1193 = arith.constant 0 : i32
        %dma_start3A_1194 = arith.constant 1536 : i32
        %dma_start3A_1195 = arith.constant 0 : i32
        %dma_start3A_1196 = tpu.memref_slice %arg10[%dma_start3A_1194, %dma_start3A_1195] : memref<2048x8xf32, #tpu.memory_space<vmem>> -> memref<128x8xf32, #tpu.memory_space<vmem>>
        %dma_start3A_1197 = arith.constant 0 : i32
        %dma_start3A_1198 = tpu.memref_slice %arg8[%dma_start3A_1192, %dma_start3A_1193, %dma_start3A_1197] : memref<16x2x128xi32, #tpu.memory_space<vmem>> -> memref<1x1x128xi32, #tpu.memory_space<vmem>>
        %dma_start3A_1199 = tpu.memref_squeeze %dma_start3A_1198 : memref<1x1x128xi32, #tpu.memory_space<vmem>> -> memref<128xi32, #tpu.memory_space<vmem>>
        %dma_start3A_1200 = arith.constant 0 : i32
        %dma_start3A_1201 = arith.constant 0 : i32
        %dma_start3A_1202 = tpu.memref_slice %arg19[%dma_start3A_1200, %dma_start3A_1201] : memref<100000x8xf32, #tpu.memory_space<vmem_shared>> -> memref<100000x8xf32, #tpu.memory_space<vmem_shared>>
        tpu.enqueue_indirect_dma source(%dma_start3A_1202 : memref<100000x8xf32, #tpu.memory_space<vmem_shared>>) target(%dma_start3A_1196 : memref<128x8xf32, #tpu.memory_space<vmem>>) offsets(%dma_start3A_1199 : memref<128xi32, #tpu.memory_space<vmem>>) semaphore(%arg22 : memref<!tpu.dma_semaphore, #tpu.memory_space<semaphore_mem>>)
        %dma_start3A_1203 = arith.constant 12 : i32
        %dma_start3A_1204 = arith.constant 1 : i32
        %dma_start3A_1205 = arith.constant 1536 : i32
        %dma_start3A_1206 = arith.constant 0 : i32
        %dma_start3A_1207 = tpu.memref_slice %arg11[%dma_start3A_1205, %dma_start3A_1206] : memref<2048x8xf32, #tpu.memory_space<vmem>> -> memref<128x8xf32, #tpu.memory_space<vmem>>
        %dma_start3A_1208 = arith.constant 0 : i32
        %dma_start3A_1209 = tpu.memref_slice %arg8[%dma_start3A_1203, %dma_start3A_1204, %dma_start3A_1208] : memref<16x2x128xi32, #tpu.memory_space<vmem>> -> memref<1x1x128xi32, #tpu.memory_space<vmem>>
        %dma_start3A_1210 = tpu.memref_squeeze %dma_start3A_1209 : memref<1x1x128xi32, #tpu.memory_space<vmem>> -> memref<128xi32, #tpu.memory_space<vmem>>
        %dma_start3A_1211 = arith.constant 0 : i32
        %dma_start3A_1212 = arith.constant 0 : i32
        %dma_start3A_1213 = tpu.memref_slice %arg19[%dma_start3A_1211, %dma_start3A_1212] : memref<100000x8xf32, #tpu.memory_space<vmem_shared>> -> memref<100000x8xf32, #tpu.memory_space<vmem_shared>>
        tpu.enqueue_indirect_dma source(%dma_start3A_1213 : memref<100000x8xf32, #tpu.memory_space<vmem_shared>>) target(%dma_start3A_1207 : memref<128x8xf32, #tpu.memory_space<vmem>>) offsets(%dma_start3A_1210 : memref<128xi32, #tpu.memory_space<vmem>>) semaphore(%arg23 : memref<!tpu.dma_semaphore, #tpu.memory_space<semaphore_mem>>)
        %dma_start3A_1214 = arith.constant 13 : i32
        %dma_start3A_1215 = arith.constant 0 : i32
        %dma_start3A_1216 = arith.constant 1664 : i32
        %dma_start3A_1217 = arith.constant 0 : i32
        %dma_start3A_1218 = tpu.memref_slice %arg10[%dma_start3A_1216, %dma_start3A_1217] : memref<2048x8xf32, #tpu.memory_space<vmem>> -> memref<128x8xf32, #tpu.memory_space<vmem>>
        %dma_start3A_1219 = arith.constant 0 : i32
        %dma_start3A_1220 = tpu.memref_slice %arg8[%dma_start3A_1214, %dma_start3A_1215, %dma_start3A_1219] : memref<16x2x128xi32, #tpu.memory_space<vmem>> -> memref<1x1x128xi32, #tpu.memory_space<vmem>>
        %dma_start3A_1221 = tpu.memref_squeeze %dma_start3A_1220 : memref<1x1x128xi32, #tpu.memory_space<vmem>> -> memref<128xi32, #tpu.memory_space<vmem>>
        %dma_start3A_1222 = arith.constant 0 : i32
        %dma_start3A_1223 = arith.constant 0 : i32
        %dma_start3A_1224 = tpu.memref_slice %arg19[%dma_start3A_1222, %dma_start3A_1223] : memref<100000x8xf32, #tpu.memory_space<vmem_shared>> -> memref<100000x8xf32, #tpu.memory_space<vmem_shared>>
        tpu.enqueue_indirect_dma source(%dma_start3A_1224 : memref<100000x8xf32, #tpu.memory_space<vmem_shared>>) target(%dma_start3A_1218 : memref<128x8xf32, #tpu.memory_space<vmem>>) offsets(%dma_start3A_1221 : memref<128xi32, #tpu.memory_space<vmem>>) semaphore(%arg22 : memref<!tpu.dma_semaphore, #tpu.memory_space<semaphore_mem>>)
        %dma_start3A_1225 = arith.constant 13 : i32
        %dma_start3A_1226 = arith.constant 1 : i32
        %dma_start3A_1227 = arith.constant 1664 : i32
        %dma_start3A_1228 = arith.constant 0 : i32
        %dma_start3A_1229 = tpu.memref_slice %arg11[%dma_start3A_1227, %dma_start3A_1228] : memref<2048x8xf32, #tpu.memory_space<vmem>> -> memref<128x8xf32, #tpu.memory_space<vmem>>
        %dma_start3A_1230 = arith.constant 0 : i32
        %dma_start3A_1231 = tpu.memref_slice %arg8[%dma_start3A_1225, %dma_start3A_1226, %dma_start3A_1230] : memref<16x2x128xi32, #tpu.memory_space<vmem>> -> memref<1x1x128xi32, #tpu.memory_space<vmem>>
        %dma_start3A_1232 = tpu.memref_squeeze %dma_start3A_1231 : memref<1x1x128xi32, #tpu.memory_space<vmem>> -> memref<128xi32, #tpu.memory_space<vmem>>
        %dma_start3A_1233 = arith.constant 0 : i32
        %dma_start3A_1234 = arith.constant 0 : i32
        %dma_start3A_1235 = tpu.memref_slice %arg19[%dma_start3A_1233, %dma_start3A_1234] : memref<100000x8xf32, #tpu.memory_space<vmem_shared>> -> memref<100000x8xf32, #tpu.memory_space<vmem_shared>>
        tpu.enqueue_indirect_dma source(%dma_start3A_1235 : memref<100000x8xf32, #tpu.memory_space<vmem_shared>>) target(%dma_start3A_1229 : memref<128x8xf32, #tpu.memory_space<vmem>>) offsets(%dma_start3A_1232 : memref<128xi32, #tpu.memory_space<vmem>>) semaphore(%arg23 : memref<!tpu.dma_semaphore, #tpu.memory_space<semaphore_mem>>)
        %dma_start3A_1236 = arith.constant 14 : i32
        %dma_start3A_1237 = arith.constant 0 : i32
        %dma_start3A_1238 = arith.constant 1792 : i32
        %dma_start3A_1239 = arith.constant 0 : i32
        %dma_start3A_1240 = tpu.memref_slice %arg10[%dma_start3A_1238, %dma_start3A_1239] : memref<2048x8xf32, #tpu.memory_space<vmem>> -> memref<128x8xf32, #tpu.memory_space<vmem>>
        %dma_start3A_1241 = arith.constant 0 : i32
        %dma_start3A_1242 = tpu.memref_slice %arg8[%dma_start3A_1236, %dma_start3A_1237, %dma_start3A_1241] : memref<16x2x128xi32, #tpu.memory_space<vmem>> -> memref<1x1x128xi32, #tpu.memory_space<vmem>>
        %dma_start3A_1243 = tpu.memref_squeeze %dma_start3A_1242 : memref<1x1x128xi32, #tpu.memory_space<vmem>> -> memref<128xi32, #tpu.memory_space<vmem>>
        %dma_start3A_1244 = arith.constant 0 : i32
        %dma_start3A_1245 = arith.constant 0 : i32
        %dma_start3A_1246 = tpu.memref_slice %arg19[%dma_start3A_1244, %dma_start3A_1245] : memref<100000x8xf32, #tpu.memory_space<vmem_shared>> -> memref<100000x8xf32, #tpu.memory_space<vmem_shared>>
        tpu.enqueue_indirect_dma source(%dma_start3A_1246 : memref<100000x8xf32, #tpu.memory_space<vmem_shared>>) target(%dma_start3A_1240 : memref<128x8xf32, #tpu.memory_space<vmem>>) offsets(%dma_start3A_1243 : memref<128xi32, #tpu.memory_space<vmem>>) semaphore(%arg22 : memref<!tpu.dma_semaphore, #tpu.memory_space<semaphore_mem>>)
        %dma_start3A_1247 = arith.constant 14 : i32
        %dma_start3A_1248 = arith.constant 1 : i32
        %dma_start3A_1249 = arith.constant 1792 : i32
        %dma_start3A_1250 = arith.constant 0 : i32
        %dma_start3A_1251 = tpu.memref_slice %arg11[%dma_start3A_1249, %dma_start3A_1250] : memref<2048x8xf32, #tpu.memory_space<vmem>> -> memref<128x8xf32, #tpu.memory_space<vmem>>
        %dma_start3A_1252 = arith.constant 0 : i32
        %dma_start3A_1253 = tpu.memref_slice %arg8[%dma_start3A_1247, %dma_start3A_1248, %dma_start3A_1252] : memref<16x2x128xi32, #tpu.memory_space<vmem>> -> memref<1x1x128xi32, #tpu.memory_space<vmem>>
        %dma_start3A_1254 = tpu.memref_squeeze %dma_start3A_1253 : memref<1x1x128xi32, #tpu.memory_space<vmem>> -> memref<128xi32, #tpu.memory_space<vmem>>
        %dma_start3A_1255 = arith.constant 0 : i32
        %dma_start3A_1256 = arith.constant 0 : i32
        %dma_start3A_1257 = tpu.memref_slice %arg19[%dma_start3A_1255, %dma_start3A_1256] : memref<100000x8xf32, #tpu.memory_space<vmem_shared>> -> memref<100000x8xf32, #tpu.memory_space<vmem_shared>>
        tpu.enqueue_indirect_dma source(%dma_start3A_1257 : memref<100000x8xf32, #tpu.memory_space<vmem_shared>>) target(%dma_start3A_1251 : memref<128x8xf32, #tpu.memory_space<vmem>>) offsets(%dma_start3A_1254 : memref<128xi32, #tpu.memory_space<vmem>>) semaphore(%arg23 : memref<!tpu.dma_semaphore, #tpu.memory_space<semaphore_mem>>)
        %dma_start3A_1258 = arith.constant 15 : i32
        %dma_start3A_1259 = arith.constant 0 : i32
        %dma_start3A_1260 = arith.constant 1920 : i32
        %dma_start3A_1261 = arith.constant 0 : i32
        %dma_start3A_1262 = tpu.memref_slice %arg10[%dma_start3A_1260, %dma_start3A_1261] : memref<2048x8xf32, #tpu.memory_space<vmem>> -> memref<128x8xf32, #tpu.memory_space<vmem>>
        %dma_start3A_1263 = arith.constant 0 : i32
        %dma_start3A_1264 = tpu.memref_slice %arg8[%dma_start3A_1258, %dma_start3A_1259, %dma_start3A_1263] : memref<16x2x128xi32, #tpu.memory_space<vmem>> -> memref<1x1x128xi32, #tpu.memory_space<vmem>>
        %dma_start3A_1265 = tpu.memref_squeeze %dma_start3A_1264 : memref<1x1x128xi32, #tpu.memory_space<vmem>> -> memref<128xi32, #tpu.memory_space<vmem>>
        %dma_start3A_1266 = arith.constant 0 : i32
        %dma_start3A_1267 = arith.constant 0 : i32
        %dma_start3A_1268 = tpu.memref_slice %arg19[%dma_start3A_1266, %dma_start3A_1267] : memref<100000x8xf32, #tpu.memory_space<vmem_shared>> -> memref<100000x8xf32, #tpu.memory_space<vmem_shared>>
        tpu.enqueue_indirect_dma source(%dma_start3A_1268 : memref<100000x8xf32, #tpu.memory_space<vmem_shared>>) target(%dma_start3A_1262 : memref<128x8xf32, #tpu.memory_space<vmem>>) offsets(%dma_start3A_1265 : memref<128xi32, #tpu.memory_space<vmem>>) semaphore(%arg22 : memref<!tpu.dma_semaphore, #tpu.memory_space<semaphore_mem>>)
        %dma_start3A_1269 = arith.constant 15 : i32
        %dma_start3A_1270 = arith.constant 1 : i32
        %dma_start3A_1271 = arith.constant 1920 : i32
        %dma_start3A_1272 = arith.constant 0 : i32
        %dma_start3A_1273 = tpu.memref_slice %arg11[%dma_start3A_1271, %dma_start3A_1272] : memref<2048x8xf32, #tpu.memory_space<vmem>> -> memref<128x8xf32, #tpu.memory_space<vmem>>
        %dma_start3A_1274 = arith.constant 0 : i32
        %dma_start3A_1275 = tpu.memref_slice %arg8[%dma_start3A_1269, %dma_start3A_1270, %dma_start3A_1274] : memref<16x2x128xi32, #tpu.memory_space<vmem>> -> memref<1x1x128xi32, #tpu.memory_space<vmem>>
        %dma_start3A_1276 = tpu.memref_squeeze %dma_start3A_1275 : memref<1x1x128xi32, #tpu.memory_space<vmem>> -> memref<128xi32, #tpu.memory_space<vmem>>
        %dma_start3A_1277 = arith.constant 0 : i32
        %dma_start3A_1278 = arith.constant 0 : i32
        %dma_start3A_1279 = tpu.memref_slice %arg19[%dma_start3A_1277, %dma_start3A_1278] : memref<100000x8xf32, #tpu.memory_space<vmem_shared>> -> memref<100000x8xf32, #tpu.memory_space<vmem_shared>>
        tpu.enqueue_indirect_dma source(%dma_start3A_1279 : memref<100000x8xf32, #tpu.memory_space<vmem_shared>>) target(%dma_start3A_1273 : memref<128x8xf32, #tpu.memory_space<vmem>>) offsets(%dma_start3A_1276 : memref<128xi32, #tpu.memory_space<vmem>>) semaphore(%arg23 : memref<!tpu.dma_semaphore, #tpu.memory_space<semaphore_mem>>)
        %add3A_1280 = arith.constant 2 : i32
        %add3A_1281 = arith.addi %add3A_470, %add3A_1280 : i32
        %mul3A_1282 = arith.constant 2048 : i32
        %mul3A_1283 = arith.muli %add3A_1281, %mul3A_1282 : i32
        %add3A_1284 = arith.addi %mul3A_2, %mul3A_1283 : i32
        %jit3A_1285 = arith.constant 128 : i32
        %div3A_1286 = arith.divsi %add3A_1284, %jit3A_1285 : i32
        %sign3A_1287 = arith.constant 0 : i32
        %sign3A_1288 = arith.cmpi sgt, %add3A_1284, %sign3A_1287 : i32
        %sign3A_1289 = arith.extui %sign3A_1288 : i1 to i32
        %sign3A_1290 = arith.constant 0 : i32
        %sign3A_1291 = arith.cmpi slt, %add3A_1284, %sign3A_1290 : i32
        %sign3A_1292 = arith.extui %sign3A_1291 : i1 to i32
        %sign3A_1293 = arith.subi %sign3A_1289, %sign3A_1292 : i32
        %sign3A_1294 = arith.constant 0 : i32
        %sign3A_1295 = arith.cmpi sgt, %jit3A_1285, %sign3A_1294 : i32
        %sign3A_1296 = arith.extui %sign3A_1295 : i1 to i32
        %sign3A_1297 = arith.constant 0 : i32
        %sign3A_1298 = arith.cmpi slt, %jit3A_1285, %sign3A_1297 : i32
        %sign3A_1299 = arith.extui %sign3A_1298 : i1 to i32
        %sign3A_1300 = arith.subi %sign3A_1296, %sign3A_1299 : i32
        %ne3A_1301 = arith.cmpi ne, %sign3A_1293, %sign3A_1300 : i32
        %rem3A_1302 = arith.remsi %add3A_1284, %jit3A_1285 : i32
        %ne3A_1303 = arith.constant 0 : i32
        %ne3A_1304 = arith.cmpi ne, %rem3A_1302, %ne3A_1303 : i32
        %and3A_1305 = arith.andi %ne3A_1301, %ne3A_1304 : i1
        %sub3A_1306 = arith.constant 1 : i32
        %sub3A_1307 = arith.subi %div3A_1286, %sub3A_1306 : i32
        %select_n3A_1308 = arith.select %and3A_1305, %sub3A_1307, %div3A_1286 : i32
        %dma_start3A_1309 = arith.constant 0 : i32
        %dma_start3A_1310 = arith.constant 0 : i32
        %dma_start3A_1311 = tpu.memref_slice %arg2[%select_n3A_1308, %dma_start3A_1309, %dma_start3A_1310] : memref<50176x2x128xi32, #tpu.memory_space<hbm>> -> memref<16x2x128xi32, #tpu.memory_space<hbm>>
        %dma_start3A_1312 = arith.constant 0 : i32
        %dma_start3A_1313 = arith.constant 0 : i32
        %dma_start3A_1314 = tpu.memref_slice %arg2[%select_n3A_1308, %dma_start3A_1312, %dma_start3A_1313] : memref<50176x2x128xi32, #tpu.memory_space<hbm>> -> memref<16x2x128xi32, #tpu.memory_space<hbm>>
        tpu.enqueue_dma source(%dma_start3A_1314 : memref<16x2x128xi32, #tpu.memory_space<hbm>>) target(%arg9 : memref<16x2x128xi32, #tpu.memory_space<vmem>>) target_semaphore(%arg21 : memref<!tpu.dma_semaphore, #tpu.memory_space<semaphore_mem>>)
      } else {
      }
      %dma_wait3A_860 = arith.constant 0 : i32
      %dma_wait3A_861 = arith.constant 0 : i32
      %dma_wait3A_862 = tpu.memref_slice %arg3[%dma_wait3A_860, %dma_wait3A_861] : memref<100000x8xf32, #tpu.memory_space<hbm>> -> memref<2048x8xf32, #tpu.memory_space<hbm>>
      %dma_wait3A_863 = arith.constant 0 : i32
      %dma_wait3A_864 = arith.constant 0 : i32
      %dma_wait3A_865 = tpu.memref_slice %arg3[%dma_wait3A_863, %dma_wait3A_864] : memref<100000x8xf32, #tpu.memory_space<hbm>> -> memref<2048x8xf32, #tpu.memory_space<hbm>>
      tpu.wait_dma2 semaphore(%arg24 : memref<!tpu.dma_semaphore, #tpu.memory_space<semaphore_mem>>) src(%dma_wait3A_865 : memref<2048x8xf32, #tpu.memory_space<hbm>>) dst(%arg12 : memref<2048x8xf32, #tpu.memory_space<vmem>>)
      %dma_wait3A_866 = arith.constant 0 : i32
      %dma_wait3A_867 = arith.constant 0 : i32
      %dma_wait3A_868 = tpu.memref_slice %arg3[%dma_wait3A_866, %dma_wait3A_867] : memref<100000x8xf32, #tpu.memory_space<hbm>> -> memref<2048x8xf32, #tpu.memory_space<hbm>>
      %dma_wait3A_869 = arith.constant 0 : i32
      %dma_wait3A_870 = arith.constant 0 : i32
      %dma_wait3A_871 = tpu.memref_slice %arg3[%dma_wait3A_869, %dma_wait3A_870] : memref<100000x8xf32, #tpu.memory_space<hbm>> -> memref<2048x8xf32, #tpu.memory_space<hbm>>
      tpu.wait_dma2 semaphore(%arg25 : memref<!tpu.dma_semaphore, #tpu.memory_space<semaphore_mem>>) src(%dma_wait3A_871 : memref<2048x8xf32, #tpu.memory_space<hbm>>) dst(%arg13 : memref<2048x8xf32, #tpu.memory_space<vmem>>)
      %ge3A_872 = arith.constant 2 : i32
      %ge3A_873 = arith.cmpi sge, %add3A_470, %ge3A_872 : i32
      %convert_element_type3A_874 = arith.extui %ge3A_873 : i1 to i32
      %cond3A_875 = arith.constant 0 : i32
      %cond3A_876 = arith.cmpi ne, %convert_element_type3A_874, %cond3A_875 : i32
      scf.if %cond3A_876 {
        %dma_wait3A_885 = arith.constant 0 : i32
        %dma_wait3A_886 = tpu.memref_slice %arg7[%dma_wait3A_885] : memref<6422528xf32, #tpu.memory_space<hbm>> -> memref<2048xf32, #tpu.memory_space<hbm>>
        %dma_wait3A_887 = arith.constant 0 : i32
        %dma_wait3A_888 = tpu.memref_slice %arg7[%dma_wait3A_887] : memref<6422528xf32, #tpu.memory_space<hbm>> -> memref<2048xf32, #tpu.memory_space<hbm>>
        tpu.wait_dma2 semaphore(%arg27 : memref<!tpu.dma_semaphore, #tpu.memory_space<semaphore_mem>>) src(%arg15 : memref<2048xf32, #tpu.memory_space<vmem>>) dst(%dma_wait3A_888 : memref<2048xf32, #tpu.memory_space<hbm>>)
      } else {
      }
      %parallel_loop3A_877 = arith.constant 0 : i32
      %parallel_loop3A_878 = arith.constant 128 : i32
      %parallel_loop3A_879 = arith.constant 1 : i32
      scf.for %parallel_loop3A_885 = %parallel_loop3A_877 to %parallel_loop3A_878 step %parallel_loop3A_879  : i32 {
        %parallel_loop3A_886 = arith.constant 16 : i32
        %parallel_loop3A_887 = arith.muli %parallel_loop3A_885, %parallel_loop3A_886 : i32
        %parallel_loop3A_888 = vector.broadcast %parallel_loop3A_887 : i32 to vector<16xi32>
        %parallel_loop3A_889 = arith.addi %iota3A, %parallel_loop3A_888 : vector<16xi32>
        %parallel_loop3A_890 = tpu.vector_load_idx %arg12[%parallel_loop3A_889, %broadcast_in_dim3A_26] : memref<2048x8xf32, #tpu.memory_space<vmem>>[vector<16xi32>, vector<16xi32>], vector<16xf32>,
        %parallel_loop3A_891 = tpu.vector_load_idx %arg12[%parallel_loop3A_889, %add3A_29] : memref<2048x8xf32, #tpu.memory_space<vmem>>[vector<16xi32>, vector<16xi32>], vector<16xf32>,
        %parallel_loop3A_892 = tpu.vector_load_idx %arg12[%parallel_loop3A_889, %add3A_32] : memref<2048x8xf32, #tpu.memory_space<vmem>>[vector<16xi32>, vector<16xi32>], vector<16xf32>,
        %parallel_loop3A_893 = tpu.vector_load_idx %arg12[%parallel_loop3A_889, %add3A_35] : memref<2048x8xf32, #tpu.memory_space<vmem>>[vector<16xi32>, vector<16xi32>], vector<16xf32>,
        %parallel_loop3A_894 = tpu.vector_load_idx %arg13[%parallel_loop3A_889, %broadcast_in_dim3A_26] : memref<2048x8xf32, #tpu.memory_space<vmem>>[vector<16xi32>, vector<16xi32>], vector<16xf32>,
        %parallel_loop3A_895 = tpu.vector_load_idx %arg13[%parallel_loop3A_889, %add3A_29] : memref<2048x8xf32, #tpu.memory_space<vmem>>[vector<16xi32>, vector<16xi32>], vector<16xf32>,
        %parallel_loop3A_896 = tpu.vector_load_idx %arg13[%parallel_loop3A_889, %add3A_32] : memref<2048x8xf32, #tpu.memory_space<vmem>>[vector<16xi32>, vector<16xi32>], vector<16xf32>,
        %parallel_loop3A_897 = tpu.vector_load_idx %arg13[%parallel_loop3A_889, %add3A_35] : memref<2048x8xf32, #tpu.memory_space<vmem>>[vector<16xi32>, vector<16xi32>], vector<16xf32>,
        %parallel_loop3A_898 = arith.subf %parallel_loop3A_894, %parallel_loop3A_890 : vector<16xf32>
        %parallel_loop3A_899 = vector.bitcast %parallel_loop3A_898 : vector<16xf32> to vector<16xi32>
        %parallel_loop3A_900 = arith.constant 16 : i32
        %parallel_loop3A_901 = vector.broadcast %parallel_loop3A_900 : i32 to vector<16xi32>
        %parallel_loop3A_902 = arith.shrui %parallel_loop3A_899, %parallel_loop3A_901 : vector<16xi32>
        %parallel_loop3A_903 = arith.constant 1 : i32
        %parallel_loop3A_904 = vector.broadcast %parallel_loop3A_903 : i32 to vector<16xi32>
        %parallel_loop3A_905 = arith.andi %parallel_loop3A_902, %parallel_loop3A_904 : vector<16xi32>
        %parallel_loop3A_906 = arith.addi %parallel_loop3A_899, %parallel_loop3A_905 : vector<16xi32>
        %parallel_loop3A_907 = arith.constant 32767 : i32
        %parallel_loop3A_908 = vector.broadcast %parallel_loop3A_907 : i32 to vector<16xi32>
        %parallel_loop3A_909 = arith.addi %parallel_loop3A_906, %parallel_loop3A_908 : vector<16xi32>
        %parallel_loop3A_910 = arith.constant -65536 : i32
        %parallel_loop3A_911 = vector.broadcast %parallel_loop3A_910 : i32 to vector<16xi32>
        %parallel_loop3A_912 = arith.andi %parallel_loop3A_909, %parallel_loop3A_911 : vector<16xi32>
        %parallel_loop3A_913 = vector.bitcast %parallel_loop3A_912 : vector<16xi32> to vector<16xf32>
        %parallel_loop3A_914 = arith.mulf %parallel_loop3A_913, %get3A_5 : vector<16xf32>
        %parallel_loop3A_915 = arith.constant 0x4B400000 : f32
        %parallel_loop3A_916 = vector.broadcast %parallel_loop3A_915 : f32 to vector<16xf32>
        %parallel_loop3A_917 = arith.addf %parallel_loop3A_914, %parallel_loop3A_916 : vector<16xf32>
        %parallel_loop3A_918 = arith.constant 0x4B400000 : f32
        %parallel_loop3A_919 = vector.broadcast %parallel_loop3A_918 : f32 to vector<16xf32>
        %parallel_loop3A_920 = arith.subf %parallel_loop3A_917, %parallel_loop3A_919 : vector<16xf32>
        %parallel_loop3A_921 = arith.subf %parallel_loop3A_914, %parallel_loop3A_920 : vector<16xf32>
        %parallel_loop3A_922 = vector.bitcast %parallel_loop3A_921 : vector<16xf32> to vector<16xi32>
        %parallel_loop3A_923 = arith.constant 16 : i32
        %parallel_loop3A_924 = vector.broadcast %parallel_loop3A_923 : i32 to vector<16xi32>
        %parallel_loop3A_925 = arith.shrui %parallel_loop3A_922, %parallel_loop3A_924 : vector<16xi32>
        %parallel_loop3A_926 = arith.constant 1 : i32
        %parallel_loop3A_927 = vector.broadcast %parallel_loop3A_926 : i32 to vector<16xi32>
        %parallel_loop3A_928 = arith.andi %parallel_loop3A_925, %parallel_loop3A_927 : vector<16xi32>
        %parallel_loop3A_929 = arith.addi %parallel_loop3A_922, %parallel_loop3A_928 : vector<16xi32>
        %parallel_loop3A_930 = arith.constant 32767 : i32
        %parallel_loop3A_931 = vector.broadcast %parallel_loop3A_930 : i32 to vector<16xi32>
        %parallel_loop3A_932 = arith.addi %parallel_loop3A_929, %parallel_loop3A_931 : vector<16xi32>
        %parallel_loop3A_933 = arith.constant -65536 : i32
        %parallel_loop3A_934 = vector.broadcast %parallel_loop3A_933 : i32 to vector<16xi32>
        %parallel_loop3A_935 = arith.andi %parallel_loop3A_932, %parallel_loop3A_934 : vector<16xi32>
        %parallel_loop3A_936 = vector.bitcast %parallel_loop3A_935 : vector<16xi32> to vector<16xf32>
        %parallel_loop3A_937 = arith.mulf %parallel_loop3A_936, %get3A_11 : vector<16xf32>
        %parallel_loop3A_938 = arith.subf %parallel_loop3A_895, %parallel_loop3A_891 : vector<16xf32>
        %parallel_loop3A_939 = vector.bitcast %parallel_loop3A_938 : vector<16xf32> to vector<16xi32>
        %parallel_loop3A_940 = arith.constant 16 : i32
        %parallel_loop3A_941 = vector.broadcast %parallel_loop3A_940 : i32 to vector<16xi32>
        %parallel_loop3A_942 = arith.shrui %parallel_loop3A_939, %parallel_loop3A_941 : vector<16xi32>
        %parallel_loop3A_943 = arith.constant 1 : i32
        %parallel_loop3A_944 = vector.broadcast %parallel_loop3A_943 : i32 to vector<16xi32>
        %parallel_loop3A_945 = arith.andi %parallel_loop3A_942, %parallel_loop3A_944 : vector<16xi32>
        %parallel_loop3A_946 = arith.addi %parallel_loop3A_939, %parallel_loop3A_945 : vector<16xi32>
        %parallel_loop3A_947 = arith.constant 32767 : i32
        %parallel_loop3A_948 = vector.broadcast %parallel_loop3A_947 : i32 to vector<16xi32>
        %parallel_loop3A_949 = arith.addi %parallel_loop3A_946, %parallel_loop3A_948 : vector<16xi32>
        %parallel_loop3A_950 = arith.constant -65536 : i32
        %parallel_loop3A_951 = vector.broadcast %parallel_loop3A_950 : i32 to vector<16xi32>
        %parallel_loop3A_952 = arith.andi %parallel_loop3A_949, %parallel_loop3A_951 : vector<16xi32>
        %parallel_loop3A_953 = vector.bitcast %parallel_loop3A_952 : vector<16xi32> to vector<16xf32>
        %parallel_loop3A_954 = arith.mulf %parallel_loop3A_953, %get3A_7 : vector<16xf32>
        %parallel_loop3A_955 = arith.constant 0x4B400000 : f32
        %parallel_loop3A_956 = vector.broadcast %parallel_loop3A_955 : f32 to vector<16xf32>
        %parallel_loop3A_957 = arith.addf %parallel_loop3A_954, %parallel_loop3A_956 : vector<16xf32>
        %parallel_loop3A_958 = arith.constant 0x4B400000 : f32
        %parallel_loop3A_959 = vector.broadcast %parallel_loop3A_958 : f32 to vector<16xf32>
        %parallel_loop3A_960 = arith.subf %parallel_loop3A_957, %parallel_loop3A_959 : vector<16xf32>
        %parallel_loop3A_961 = arith.subf %parallel_loop3A_954, %parallel_loop3A_960 : vector<16xf32>
        %parallel_loop3A_962 = vector.bitcast %parallel_loop3A_961 : vector<16xf32> to vector<16xi32>
        %parallel_loop3A_963 = arith.constant 16 : i32
        %parallel_loop3A_964 = vector.broadcast %parallel_loop3A_963 : i32 to vector<16xi32>
        %parallel_loop3A_965 = arith.shrui %parallel_loop3A_962, %parallel_loop3A_964 : vector<16xi32>
        %parallel_loop3A_966 = arith.constant 1 : i32
        %parallel_loop3A_967 = vector.broadcast %parallel_loop3A_966 : i32 to vector<16xi32>
        %parallel_loop3A_968 = arith.andi %parallel_loop3A_965, %parallel_loop3A_967 : vector<16xi32>
        %parallel_loop3A_969 = arith.addi %parallel_loop3A_962, %parallel_loop3A_968 : vector<16xi32>
        %parallel_loop3A_970 = arith.constant 32767 : i32
        %parallel_loop3A_971 = vector.broadcast %parallel_loop3A_970 : i32 to vector<16xi32>
        %parallel_loop3A_972 = arith.addi %parallel_loop3A_969, %parallel_loop3A_971 : vector<16xi32>
        %parallel_loop3A_973 = arith.constant -65536 : i32
        %parallel_loop3A_974 = vector.broadcast %parallel_loop3A_973 : i32 to vector<16xi32>
        %parallel_loop3A_975 = arith.andi %parallel_loop3A_972, %parallel_loop3A_974 : vector<16xi32>
        %parallel_loop3A_976 = vector.bitcast %parallel_loop3A_975 : vector<16xi32> to vector<16xf32>
        %parallel_loop3A_977 = arith.mulf %parallel_loop3A_976, %get3A_13 : vector<16xf32>
        %parallel_loop3A_978 = arith.subf %parallel_loop3A_896, %parallel_loop3A_892 : vector<16xf32>
        %parallel_loop3A_979 = vector.bitcast %parallel_loop3A_978 : vector<16xf32> to vector<16xi32>
        %parallel_loop3A_980 = arith.constant 16 : i32
        %parallel_loop3A_981 = vector.broadcast %parallel_loop3A_980 : i32 to vector<16xi32>
        %parallel_loop3A_982 = arith.shrui %parallel_loop3A_979, %parallel_loop3A_981 : vector<16xi32>
        %parallel_loop3A_983 = arith.constant 1 : i32
        %parallel_loop3A_984 = vector.broadcast %parallel_loop3A_983 : i32 to vector<16xi32>
        %parallel_loop3A_985 = arith.andi %parallel_loop3A_982, %parallel_loop3A_984 : vector<16xi32>
        %parallel_loop3A_986 = arith.addi %parallel_loop3A_979, %parallel_loop3A_985 : vector<16xi32>
        %parallel_loop3A_987 = arith.constant 32767 : i32
        %parallel_loop3A_988 = vector.broadcast %parallel_loop3A_987 : i32 to vector<16xi32>
        %parallel_loop3A_989 = arith.addi %parallel_loop3A_986, %parallel_loop3A_988 : vector<16xi32>
        %parallel_loop3A_990 = arith.constant -65536 : i32
        %parallel_loop3A_991 = vector.broadcast %parallel_loop3A_990 : i32 to vector<16xi32>
        %parallel_loop3A_992 = arith.andi %parallel_loop3A_989, %parallel_loop3A_991 : vector<16xi32>
        %parallel_loop3A_993 = vector.bitcast %parallel_loop3A_992 : vector<16xi32> to vector<16xf32>
        %parallel_loop3A_994 = arith.mulf %parallel_loop3A_993, %get3A_9 : vector<16xf32>
        %parallel_loop3A_995 = arith.constant 0x4B400000 : f32
        %parallel_loop3A_996 = vector.broadcast %parallel_loop3A_995 : f32 to vector<16xf32>
        %parallel_loop3A_997 = arith.addf %parallel_loop3A_994, %parallel_loop3A_996 : vector<16xf32>
        %parallel_loop3A_998 = arith.constant 0x4B400000 : f32
        %parallel_loop3A_999 = vector.broadcast %parallel_loop3A_998 : f32 to vector<16xf32>
        %parallel_loop3A_1000 = arith.subf %parallel_loop3A_997, %parallel_loop3A_999 : vector<16xf32>
        %parallel_loop3A_1001 = arith.subf %parallel_loop3A_994, %parallel_loop3A_1000 : vector<16xf32>
        %parallel_loop3A_1002 = vector.bitcast %parallel_loop3A_1001 : vector<16xf32> to vector<16xi32>
        %parallel_loop3A_1003 = arith.constant 16 : i32
        %parallel_loop3A_1004 = vector.broadcast %parallel_loop3A_1003 : i32 to vector<16xi32>
        %parallel_loop3A_1005 = arith.shrui %parallel_loop3A_1002, %parallel_loop3A_1004 : vector<16xi32>
        %parallel_loop3A_1006 = arith.constant 1 : i32
        %parallel_loop3A_1007 = vector.broadcast %parallel_loop3A_1006 : i32 to vector<16xi32>
        %parallel_loop3A_1008 = arith.andi %parallel_loop3A_1005, %parallel_loop3A_1007 : vector<16xi32>
        %parallel_loop3A_1009 = arith.addi %parallel_loop3A_1002, %parallel_loop3A_1008 : vector<16xi32>
        %parallel_loop3A_1010 = arith.constant 32767 : i32
        %parallel_loop3A_1011 = vector.broadcast %parallel_loop3A_1010 : i32 to vector<16xi32>
        %parallel_loop3A_1012 = arith.addi %parallel_loop3A_1009, %parallel_loop3A_1011 : vector<16xi32>
        %parallel_loop3A_1013 = arith.constant -65536 : i32
        %parallel_loop3A_1014 = vector.broadcast %parallel_loop3A_1013 : i32 to vector<16xi32>
        %parallel_loop3A_1015 = arith.andi %parallel_loop3A_1012, %parallel_loop3A_1014 : vector<16xi32>
        %parallel_loop3A_1016 = vector.bitcast %parallel_loop3A_1015 : vector<16xi32> to vector<16xf32>
        %parallel_loop3A_1017 = arith.mulf %parallel_loop3A_1016, %get3A_15 : vector<16xf32>
        %parallel_loop3A_1018 = arith.mulf %parallel_loop3A_937, %parallel_loop3A_937 : vector<16xf32>
        %parallel_loop3A_1019 = arith.mulf %parallel_loop3A_977, %parallel_loop3A_977 : vector<16xf32>
        %parallel_loop3A_1020 = arith.mulf %parallel_loop3A_1017, %parallel_loop3A_1017 : vector<16xf32>
        %parallel_loop3A_1021 = arith.addf %parallel_loop3A_1019, %parallel_loop3A_1020 : vector<16xf32>
        %parallel_loop3A_1022 = arith.addf %parallel_loop3A_1018, %parallel_loop3A_1021 : vector<16xf32>
        %parallel_loop3A_1023 = vector.bitcast %parallel_loop3A_1022 : vector<16xf32> to vector<16xi32>
        %parallel_loop3A_1024 = arith.constant 1 : i32
        %parallel_loop3A_1025 = vector.broadcast %parallel_loop3A_1024 : i32 to vector<16xi32>
        %parallel_loop3A_1026 = arith.shrui %parallel_loop3A_1023, %parallel_loop3A_1025 : vector<16xi32>
        %parallel_loop3A_1027 = arith.constant 1597463007 : i32
        %parallel_loop3A_1028 = vector.broadcast %parallel_loop3A_1027 : i32 to vector<16xi32>
        %parallel_loop3A_1029 = arith.subi %parallel_loop3A_1028, %parallel_loop3A_1026 : vector<16xi32>
        %parallel_loop3A_1030 = vector.bitcast %parallel_loop3A_1029 : vector<16xi32> to vector<16xf32>
        %parallel_loop3A_1031 = arith.constant 5.000000e-01 : f32
        %parallel_loop3A_1032 = vector.broadcast %parallel_loop3A_1031 : f32 to vector<16xf32>
        %parallel_loop3A_1033 = arith.mulf %parallel_loop3A_1032, %parallel_loop3A_1022 : vector<16xf32>
        %parallel_loop3A_1034 = arith.mulf %parallel_loop3A_1033, %parallel_loop3A_1030 : vector<16xf32>
        %parallel_loop3A_1035 = arith.mulf %parallel_loop3A_1034, %parallel_loop3A_1030 : vector<16xf32>
        %parallel_loop3A_1036 = arith.constant 1.500000e+00 : f32
        %parallel_loop3A_1037 = vector.broadcast %parallel_loop3A_1036 : f32 to vector<16xf32>
        %parallel_loop3A_1038 = arith.subf %parallel_loop3A_1037, %parallel_loop3A_1035 : vector<16xf32>
        %parallel_loop3A_1039 = arith.mulf %parallel_loop3A_1030, %parallel_loop3A_1038 : vector<16xf32>
        %parallel_loop3A_1040 = arith.mulf %parallel_loop3A_1033, %parallel_loop3A_1039 : vector<16xf32>
        %parallel_loop3A_1041 = arith.mulf %parallel_loop3A_1040, %parallel_loop3A_1039 : vector<16xf32>
        %parallel_loop3A_1042 = arith.constant 1.500000e+00 : f32
        %parallel_loop3A_1043 = vector.broadcast %parallel_loop3A_1042 : f32 to vector<16xf32>
        %parallel_loop3A_1044 = arith.subf %parallel_loop3A_1043, %parallel_loop3A_1041 : vector<16xf32>
        %parallel_loop3A_1045 = arith.mulf %parallel_loop3A_1039, %parallel_loop3A_1044 : vector<16xf32>
        %parallel_loop3A_1046 = arith.mulf %parallel_loop3A_1022, %parallel_loop3A_1045 : vector<16xf32>
        %parallel_loop3A_1047 = arith.constant 1.600000e+01 : f32
        %parallel_loop3A_1048 = vector.broadcast %parallel_loop3A_1047 : f32 to vector<16xf32>
        %parallel_loop3A_1049 = arith.mulf %parallel_loop3A_893, %parallel_loop3A_1048 : vector<16xf32>
        %parallel_loop3A_1050 = arith.addf %parallel_loop3A_1049, %parallel_loop3A_897 : vector<16xf32>
        %parallel_loop3A_1051 = arith.fptosi %parallel_loop3A_1050 : vector<16xf32> to vector<16xi32>
        %parallel_loop3A_1052 = tpu.vector_load_idx %arg17[%parallel_loop3A_1051] : memref<256xf32, #tpu.memory_space<vmem>>[vector<16xi32>], vector<16xf32>,
        %parallel_loop3A_1053 = tpu.vector_load_idx %arg18[%parallel_loop3A_1051] : memref<256xf32, #tpu.memory_space<vmem>>[vector<16xi32>], vector<16xf32>,
        %parallel_loop3A_1054 = arith.mulf %parallel_loop3A_1053, %parallel_loop3A_1046 : vector<16xf32>
        %parallel_loop3A_1055 = arith.constant 0.333333343 : f32
        %parallel_loop3A_1056 = vector.broadcast %parallel_loop3A_1055 : f32 to vector<16xf32>
        %parallel_loop3A_1057 = arith.mulf %parallel_loop3A_1054, %parallel_loop3A_1056 : vector<16xf32>
        %parallel_loop3A_1058 = arith.constant 1.000000e+00 : f32
        %parallel_loop3A_1059 = vector.broadcast %parallel_loop3A_1058 : f32 to vector<16xf32>
        %parallel_loop3A_1060 = arith.addf %parallel_loop3A_1057, %parallel_loop3A_1059 : vector<16xf32>
        %parallel_loop3A_1061 = arith.mulf %parallel_loop3A_1054, %parallel_loop3A_1060 : vector<16xf32>
        %parallel_loop3A_1062 = arith.constant 1.000000e+00 : f32
        %parallel_loop3A_1063 = vector.broadcast %parallel_loop3A_1062 : f32 to vector<16xf32>
        %parallel_loop3A_1064 = arith.addf %parallel_loop3A_1061, %parallel_loop3A_1063 : vector<16xf32>
        %parallel_loop3A_1065 = arith.mulf %parallel_loop3A_1052, %parallel_loop3A_1064 : vector<16xf32>
        %parallel_loop3A_1066 = arith.constant 0.000000e+00 : f32
        %parallel_loop3A_1067 = vector.broadcast %parallel_loop3A_1066 : f32 to vector<16xf32>
        %parallel_loop3A_1068 = arith.subf %parallel_loop3A_1067, %parallel_loop3A_1054 : vector<16xf32>
        %parallel_loop3A_1069 = math.exp %parallel_loop3A_1068 : vector<16xf32>
        %parallel_loop3A_1070 = arith.mulf %parallel_loop3A_1065, %parallel_loop3A_1069 : vector<16xf32>
        %parallel_loop3A_1071 = arith.cmpf ole, %parallel_loop3A_1046, %get3A_17 : vector<16xf32>
        %parallel_loop3A_1072 = arith.select %parallel_loop3A_1071, %parallel_loop3A_1070, %broadcast_in_dim3A_18 : vector<16xi1>, vector<16xf32>
        %parallel_loop3A_1073 = arith.index_cast %parallel_loop3A_887 : i32 to index
        %parallel_loop3A_1074 = tpu.vector_load %arg15[%parallel_loop3A_1073] {strides = array<i32>} : memref<2048xf32, #tpu.memory_space<vmem>>, vector<16xf32>,
        tpu.vector_store %arg15[%parallel_loop3A_1073], %parallel_loop3A_1072 {strides = array<i32>} : memref<2048xf32, #tpu.memory_space<vmem>>, vector<16xf32>,
      } {sc.loop_unroll_factor = 4 : i64, sc.parallel_access}
      %mul3A_880 = arith.constant 2048 : i32
      %mul3A_881 = arith.muli %add3A_470, %mul3A_880 : i32
      %add3A_882 = arith.addi %mul3A_2, %mul3A_881 : i32
      %dma_start3A_883 = tpu.memref_slice %arg7[%add3A_882] : memref<6422528xf32, #tpu.memory_space<hbm>> -> memref<2048xf32, #tpu.memory_space<hbm>>
      %dma_start3A_884 = tpu.memref_slice %arg7[%add3A_882] : memref<6422528xf32, #tpu.memory_space<hbm>> -> memref<2048xf32, #tpu.memory_space<hbm>>
      tpu.enqueue_dma source(%arg15 : memref<2048xf32, #tpu.memory_space<vmem>>) target(%dma_start3A_884 : memref<2048xf32, #tpu.memory_space<hbm>>) target_semaphore(%arg27 : memref<!tpu.dma_semaphore, #tpu.memory_space<semaphore_mem>>)
    }
    %scan3A_453 = arith.constant 49 : i32
    %dma_wait3A_454 = arith.constant 0 : i32
    %dma_wait3A_455 = tpu.memref_slice %arg7[%dma_wait3A_454] : memref<6422528xf32, #tpu.memory_space<hbm>> -> memref<2048xf32, #tpu.memory_space<hbm>>
    %dma_wait3A_456 = arith.constant 0 : i32
    %dma_wait3A_457 = tpu.memref_slice %arg7[%dma_wait3A_456] : memref<6422528xf32, #tpu.memory_space<hbm>> -> memref<2048xf32, #tpu.memory_space<hbm>>
    tpu.wait_dma2 semaphore(%arg26 : memref<!tpu.dma_semaphore, #tpu.memory_space<semaphore_mem>>) src(%arg14 : memref<2048xf32, #tpu.memory_space<vmem>>) dst(%dma_wait3A_457 : memref<2048xf32, #tpu.memory_space<hbm>>)
    %dma_wait3A_458 = arith.constant 0 : i32
    %dma_wait3A_459 = tpu.memref_slice %arg7[%dma_wait3A_458] : memref<6422528xf32, #tpu.memory_space<hbm>> -> memref<2048xf32, #tpu.memory_space<hbm>>
    %dma_wait3A_460 = arith.constant 0 : i32
    %dma_wait3A_461 = tpu.memref_slice %arg7[%dma_wait3A_460] : memref<6422528xf32, #tpu.memory_space<hbm>> -> memref<2048xf32, #tpu.memory_space<hbm>>
    tpu.wait_dma2 semaphore(%arg27 : memref<!tpu.dma_semaphore, #tpu.memory_space<semaphore_mem>>) src(%arg15 : memref<2048xf32, #tpu.memory_space<vmem>>) dst(%dma_wait3A_461 : memref<2048xf32, #tpu.memory_space<hbm>>)
    return
  }
}

</mosaic_0001>

<sc_bundles>
// kernel: kernel.3.cloned.1.call-start
scs
__scs_entry_jumppad:
0x0: {  	(pc) =	sbr.rel $0x88, $3  }
0x1: {  	(tag) =	ssettag $0x0;
	lr =	simm.s32 $0x1  }
0x2: {  	[smem:$0x3F9A] =	sst lr;
	_ =	strace $0xD0000000  }
0x3: {  	_ = 	snop  }
0x4: {  	_ = 	snop  }
0x5: {  	_ = 	snop  }
0x6: {  	_ = 	snop  }
0x7: {  	_ = 	snop  }
__scs_overlays_trampoline_lowered:
0x8: {  	[smem:$0x3FA9] =	sst s0  }
0x9: {  	[smem:$0x3FAA] =	sst s1  }
0xa: {  	[smem:$0x3FAB] =	sst s2  }
0xb: {  	[smem:$0x3FAC] =	sst s3  }
0xc: {  	[smem:$0x3FAD] =	sst s4  }
0xd: {  	[smem:$0x3FAE] =	sst s5  }
0xe: {  	[smem:$0x3FAF] =	sst s6  }
0xf: {  	[smem:$0x3FB0] =	sst s7  }
0x10: {  	[smem:$0x3FB1] =	sst s8  }
0x11: {  	[smem:$0x3FB2] =	sst s9;
	s0 =	simm.s32 @!p0 $0x0  }
0x12: {  	s1 =	sld [smem:$0x3F98];
	s0 =	simm.s32 @p0 $0x1  }
0x13: {  	[smem:$0x3FB3] =	sst s0;
	s0 =	simm.s32 @!p1 $0x0  }
0x14: {  	s2 =	sld [smem:$0x3F97];
	s0 =	simm.s32 @p1 $0x1  }
0x15: {  	[smem:$0x3FB4] =	sst s0;
	s0 =	simm.s32 @!p2 $0x0  }
0x16: {  	s3 =	sld [smem:$0x3FDB];
	s0 =	simm.s32 @p2 $0x1  }
0x17: {  	s4 =	simm.s32 $0x1BF5;
	[smem:$0x3FB6] =	sst s0  }
0x18: {  	s0 =	sld [smem:$0x3F99];
	_ =	swait.ge [sflag:s4], $0x0  }
0x19: {  	s7 =	sld [smem:$0x3F9A]  }
0x1a: {  	s8 =	sadd.s32 $0xFFFFE003, lr  }
0x1b: {  	s9 =	sadd.s32 $0xFFFFFEF7, lr;
	s5 =	simm.s32 $0xFFFFFFFF;
	p2 =	slt.u32 s8, $0xFFFFF086  }
0x1c: {  	p1 =	slt.u32 s9, $0xF7A;
	s5 =	simm.s32 @!p2 $0x0  }
0x1d: {  	s5 =	simm.s32 @p1 $0x1;
	p0 =	seq.s32 s7, s2  }
0x1e: {  	s7 =	smul.u32 @!p0 $0xF7A, s2;
	p2 =	seq.s32 @!p0 s5, $0x0  }
0x1f: {  	s9 =	smul.u32 $0xF7A, s1;
	s8 =	simm.s32 @!p0 $0x1BF5;
	p2 =	por !p2, p0  }
0x20: {  	[sflag:s8] =	ssyncset.s32 @!p0 $0xFFFFF086;
	s6 =	sadd.s32 @!p0 s3, s7;
	s7 =	simm.s32 @!p0 $0x108  }
0x21: {  	s3 =	sadd.s32 s3, s9;
	s6 =	sadd.s32 @!p0 $0x88, s6;
	s7 =	simm.s32 @p2 $0x1082  }
0x22: {  	[simem:s7], [sflag:s8] =	dma.local @!p0 [hbm:s6], $0xF7A  }
0x23: {  	s9 =	sor.u32 $0xD0000000, s2;
	s6 =	simm.s32 $0x108;
	_ =	swait.ge @!p0 [sflag:s8], $0x0  }
0x24: {  	s3 =	sadd.s32 $0x88, s3;
	s6 =	simm.s32 @!p1 $0x1082;
	[sflag:s4] =	ssyncset.s32 $0xFFFFF086  }
0x25: {  	[simem:s6], [sflag:s4] =	dma.local [hbm:s3], $0xF7A  }
0x26: {  	[smem:$0x3F9A] =	sst s1;
	(tag) =	ssettag s2;
	_ =	strace s9  }
0x27: {  	s1 =	sld [smem:$0x3FAA]  }
0x28: {  	s2 =	sld [smem:$0x3FAB]  }
0x29: {  	s4 =	sld [smem:$0x3FAD]  }
0x2a: {  	p0 =	seq.s32 s5, $0x0;
	s5 =	sld [smem:$0x3FAE]  }
0x2b: {  	s6 =	sld [smem:$0x3FAF]  }
0x2c: {  	s7 =	sld [smem:$0x3FB0]  }
0x2d: {  	s3 =	simm.s32 $0x108;
	s8 =	sld [smem:$0x3FB1]  }
0x2e: {  	s3 =	simm.s32 @!p0 $0x1082;
	s9 =	sld [smem:$0x3FB2]  }
0x2f: {  	lr =	sadd.s32 s0, s3;
	s0 =	sld [smem:$0x3FA9]  }
0x30: {  	s3 =	sld [smem:$0x3FAC]  }
0x31: {  	[smem:$0x3FB5] =	sst s10  }
0x32: {  	s10 =	sld [smem:$0x3FB3];
	_ =	sdelay $0x3  }
0x33: {  	p0 =	seq.s32 s10, $0x1;
	s10 =	sld [smem:$0x3FB5];
	_ =	sdelay $0x3  }
0x34: {  	[smem:$0x3FB5] =	sst s10  }
0x35: {  	s10 =	sld [smem:$0x3FB4];
	_ =	sdelay $0x3  }
0x36: {  	p1 =	seq.s32 s10, $0x1;
	s10 =	sld [smem:$0x3FB5];
	_ =	sdelay $0x3  }
0x37: {  	[smem:$0x3FB5] =	sst s10  }
0x38: {  	s10 =	sld [smem:$0x3FB6]  }
0x39: {  	_ = 	snop;
	(pc) =	sbr.ind lr, $3  }
0x3a: {  	_ = 	snop  }
0x3b: {  	_ = 	snop  }
0x3c: {  	p2 =	seq.s32 s10, $0x1;
	s10 =	sld [smem:$0x3FB5]  }
0x3d: {  	_ =	shalt  }
0x3e: {  	_ =	shalt  }
0x3f: {  	_ =	shalt  }
0x40: {  	_ =	shalt  }
0x41: {  	_ =	shalt  }
0x42: {  	_ =	shalt  }
0x43: {  	_ =	shalt  }
0x44: {  	_ =	shalt  }
0x45: {  	_ =	shalt  }
0x46: {  	_ =	shalt  }
0x47: {  	_ =	shalt  }
0x48: {  	_ =	shalt  }
0x49: {  	_ =	shalt  }
0x4a: {  	_ =	shalt  }
0x4b: {  	_ =	shalt  }
0x4c: {  	_ =	shalt  }
0x4d: {  	_ =	shalt  }
0x4e: {  	_ =	shalt  }
0x4f: {  	_ =	shalt  }
0x50: {  	_ =	shalt  }
0x51: {  	_ =	shalt  }
0x52: {  	_ =	shalt  }
0x53: {  	_ =	shalt  }
0x54: {  	_ =	shalt  }
0x55: {  	_ =	shalt  }
0x56: {  	_ =	shalt  }
0x57: {  	_ =	shalt  }
0x58: {  	_ =	shalt  }
0x59: {  	_ =	shalt  }
0x5a: {  	_ =	shalt  }
0x5b: {  	_ =	shalt  }
0x5c: {  	_ =	shalt  }
0x5d: {  	_ =	shalt  }
0x5e: {  	_ =	shalt  }
0x5f: {  	_ =	shalt  }
0x60: {  	_ =	shalt  }
0x61: {  	_ =	shalt  }
0x62: {  	_ =	shalt  }
0x63: {  	_ =	shalt  }
0x64: {  	_ =	shalt  }
0x65: {  	_ =	shalt  }
0x66: {  	_ =	shalt  }
0x67: {  	_ =	shalt  }
0x68: {  	_ =	shalt  }
0x69: {  	_ =	shalt  }
0x6a: {  	_ =	shalt  }
0x6b: {  	_ =	shalt  }
0x6c: {  	_ =	shalt  }
0x6d: {  	_ =	shalt  }
0x6e: {  	_ =	shalt  }
0x6f: {  	_ =	shalt  }
0x70: {  	_ =	shalt  }
0x71: {  	_ =	shalt  }
0x72: {  	_ =	shalt  }
0x73: {  	_ =	shalt  }
0x74: {  	_ =	shalt  }
0x75: {  	_ =	shalt  }
0x76: {  	_ =	shalt  }
0x77: {  	_ =	shalt  }
0x78: {  	_ =	shalt  }
0x79: {  	_ =	shalt  }
0x7a: {  	_ =	shalt  }
0x7b: {  	_ =	shalt  }
0x7c: {  	_ =	shalt  }
0x7d: {  	_ =	shalt  }
0x7e: {  	_ =	shalt  }
0x7f: {  	_ =	shalt  }
0x80: {  	_ =	shalt  }
0x81: {  	_ =	shalt  }
0x82: {  	_ =	shalt  }
0x83: {  	_ =	shalt  }
0x84: {  	_ =	shalt  }
0x85: {  	_ =	shalt  }
0x86: {  	_ =	shalt  }
0x87: {  	_ =	shalt  }
.Lfunc_end0:
.L_simem_size_0:
called_computation_lowered:
.L_overlay_start_0:
0x88: {  	s2 =	sld [smem:$0x3FD9]  }
0x89: {  	s3 =	sld [smem:$0x3FFE];
	_ =	sdelay $0x1  }
0x8a: {  	s1 =	srdreg.scid  }
0x8b: {  	s0 =	sand.u32 $0x1, s1  }
0x8c: {  	s17 =	sshll.u32 s0, $0xA;
	s2 =	sadd.s32 s3, s2  }
0x8d: {  	s2 =	sadd.s32 s2, s17  }
0x8e: {  	[smem:$0x3FC1] =	sst s2  }
0x8f: {  	_ = 	snop  }
0x90: {  	s2 =	sld [smem:$0x3FD0];
	(tm) =	ssettm $0x1  }
0x91: {  	s18 =	sld [smem:$0x3FFB];
	_ =	sdelay $0x3  }
0x92: {  	_ =	strace s18  }
0x93: {  	s3 =	sld [smem:$0x3FFC];
	_ =	sdelay $0x3  }
0x94: {  	_ =	strace s3  }
0x95: {  	s3 =	sld [smem:$0x3FFD];
	_ =	sdelay $0x3  }
0x96: {  	_ =	strace s3  }
0x97: {  	_ =	strace $0x8FFFFFFF  }
0x98: {  	s19 =	sld [smem:$0x3FDB];
	_ =	sdelay $0x1  }
0x99: {  	s4 =	simm.s32 $_scs_section_size  }
0x9a: {  	s5 =	simm.s32 $_size__tile_overlayer_lowered;
	s6 =	simm.s32 $_tile_overlayer_lowered  }
0x9b: {  	s22 =	simm.s32 $0x1BFF;
	s21 =	sshll.u32 s6, $0x1;
	s3 =	sadd.s32 s4, s19  }
0x9c: {  	s7 =	simm.s32 $0x0;
	s20 =	sshll.u32 s5, $0x1;
	s5 =	sadd.s32 s21, s3  }
0x9d: {  	[timem:s7], [sflag:s22] =	dma.local [hbm:s5], s20  }
0x9e: {  	_ =	swait.ge [sflag:s22], s20  }
0x9f: {  	s4 =	ssub.s32 $0x0, s20;
	[sflag:s22] =	ssyncset.done $0x0  }
0xa0: {  	[sflag:s22] =	ssyncadd.s32 s4;
	_ =	sdelay $0x1  }
0xa1: {  	s23 =	simm.s32 $0x1B8B  }
0xa2: {  	_ =	swait.ge [sflag:s23], $0x1  }
0xa3: {  	[sflag:s23] =	ssyncset.done $0x0  }
0xa4: {  	s25 =	simm.s32 $0x1B8E;
	s24 =	sld [smem:$0x3FFE];
	[sflag:s23] =	ssyncadd.s32 $0xFFFFFFFF  }
0xa5: {  	s26 =	simm.s32 $execute0_lowered;
	[smem:$0x3FD2] =	sst s25  }
0xa6: {  	s5 =	sshll.u32 s26, $0x1;
	_ =	strace $0x80000046;
	[dreg:$0x1] =	wrdreg $0xFFFFFFFF  }
0xa7: {  	s28 =	simm.s32 $_size_execute0_lowered;
	s3 =	sadd.s32 s3, s5;
	[dreg:$0x0] =	wrdreg $0x0  }
0xa8: {  	s5 =	sshll.u32 s28, $0x1;
	[dreg:$0x2] =	wrdreg s3  }
0xa9: {  	[dreg:$0x3] =	wrdreg s5  }
0xaa: {  	[dreg:$0x4] =	wrdreg $0xC0  }
0xab: {  	_ =	task [dreg:s7], $0x5FFFF  }
0xac: {  	[dreg:$0x1] =	wrdreg $0xFFFFFFFF  }
0xad: {  	[dreg:$0x0] =	wrdreg $0x60  }
0xae: {  	[dreg:$0x2] =	wrdreg s24  }
0xaf: {  	[dreg:$0x3] =	wrdreg s2  }
0xb0: {  	[dreg:$0x4] =	wrdreg $0x132800  }
0xb1: {  	[dreg:$0x5] =	wrdreg $0x9  }
0xb2: {  	_ =	task.clear_ibuf [dreg:s7], $0x6FFFF;
	_ =	strace $0x90000046  }
0xb3: {  	s29 =	simm.s32 $0x9;
	_ =	strace $0x80000048  }
0xb4: {  	_ =	swait.ge [sflag:s29], $0x1  }
0xb5: {  	[sflag:s29] =	ssyncadd.s32 $0xFFFFFFFF  }
0xb6: {  	_ =	strace $0x90000048  }
0xb7: {  	_ =	sfence  }
0xb8: {  	s30 =	sld [smem:$0x0];
	_ =	sdelay $0x2  }
0xb9: {  	s31 =	sshll.u32 s1, $0xD;
	s1 =	sshrl.u32 s1, $0x2  }
0xba: {  	s3 =	sand.u32 $0x4000, s31;
	s1 =	sadd.s32 s1, s30  }
0xbb: {  	s0 =	sor.u32 s3, s0;
	s1 =	sshll.u32 s1, $0x11  }
0xbc: {  	s0 =	sor.u32 s1, s0  }
0xbd: {  	s0 =	sadd.s32 $0x8F2B, s0  }
0xbe: {  	[sflag:s0] =	ssyncadd.remote.s32 $0x1  }
0xbf: {  	_ =	sfence.sel $0xFFFF  }
0xc0: {  	[dreg:$0x0] =	wrdreg $0xFFFFFFFF;
	(pc) =	sbr.abs _section_cstart, $3  }
0xc1: {  	[dreg:$0x1] =	wrdreg $0xFFFFFFFF  }
0xc2: {  	_ =	task.clear_ibuf [dreg:s7], $0x2FFFF;
	_ =	strace $0x9FFFFFFF  }
0xc3: {  	(tm) =	ssettm $0x7FFFFFFF  }
tec
execute0_lowered:
.L_overlay_start_1:
0x0: {  	(tag) =	ssettag $0x1  }
0x1: {  	s0 =	rddreg [dreg:$0x0]  }
0x2: {  	s2 =	rddreg [dreg:$0x2];
	s3 =	simm.s32 $0x0  }
0x3: {  	s1 =	srdreg.scid;
	s5 =	stileid.u32;
	s19 =	simm.s32 $0x13080  }
0x4: {  	s20 =	simm.s32 $0x13180;
	s21 =	simm.s32 $0x1;
	s22 =	simm.s32 $0x80  }
0x5: {  	s15 =	simm.s32 $0xE000;
	s16 =	simm.s32 $0x3;
	s28 =	simm.s32 $0x12800  }
0x6: {  	s11 =	simm.s32 $0x0;
	[smem:$0x7FF] =	sst s3;
	s1 =	sand.u32 $0x1, s1  }
0x7: {  	s6 =	sshll.u32 s5, $0x1;
	s4 =	sadd.s32 $0xC5A00, s0;
	s7 =	sadd.s32 $0xC5400, s0  }
0x8: {  	s23 =	sadd.s32 $0xC5600, s0;
	s24 =	sadd.s32 $0xC5800, s0;
	s8 =	sadd.s32 $0x1400, s0  }
0x9: {  	p0 =	sne.s32 s5, $0x0;
	_ =	strace $0x80000047;
	[dreg:$0x4] =	wrdreg s7  }
0xa: {  	s5 =	simm.s32 $0x1000;
	s6 =	sor.u32 s1, s6;
	[dreg:$0x5] =	wrdreg s23  }
0xb: {  	[dreg:$0x6] =	wrdreg s24;
	s26 =	ssub.s32 $0x2, s1;
	s25 =	smul.u32 $0xC400, s6  }
0xc: {  	s23 =	simm.s32 $0x2000;
	s24 =	simm.s32 $0x6000;
	s29 =	smul.u32 $0x62000, s6  }
0xd: {  	s7 =	simm.s32 $0xA000;
	s9 =	smul.u32 $0x31000, s6;
	s30 =	sadd.s32 s4, s25  }
0xe: {  	s10 =	sshrl.u32 s26, $0x1;
	s1 =	sadd.s32 $0x2000, s29;
	[dreg:$0x7] =	wrdreg s30  }
0xf: {  	s0 =	ssub.s32 s26, s10;
	s31 =	sadd.s32 $0x1800, s9;
	[dreg:$0x9] =	wrdreg s1  }
0x10: {  	s10 =	simm.s32 $0x4;
	s0 =	smax.u32 s0, $0x1;
	[dreg:$0xa] =	wrdreg s31  }
0x11: {  	s26 =	simm.s32 $0x6;
	s6 =	sadd.s32 $0x200, s30;
	[dreg:$0xb] =	wrdreg s0  }
0x12: {  	v0 =	vlaneseq.u32;
	s14 =	sor.u32 $0x800, s9;
	s0 =	sshrl.u32 @!p0 s2, $0x3;
	[dreg:$0x8] =	wrdreg s6  }
0x13: {  	v0 =	vmul.u32 $0x8, v0;
	s25 =	simm.s32 $0x5;
	[dreg:$0xc] =	wrdreg s0;
	s6 =	simm.s32 $0x2  }
.LBB2_1:
0x14: {  	[dreg:$0xd] =	wrdreg s11  }
0x15: {  	s1 =	rddreg [dreg:$0x1]  }
0x16: {  	s0 =	simm.s32 @!p0 $0x1C09;
	s11 =	rddreg [dreg:$0xc]  }
0x17: {  	[spmem:s11], [sflag:s0] =	dma.local @!p0 [hbm:s1], $0x186A0  }
0x18: {  	s0 =	simm.s32 @!p0 $0x9  }
0x19: {  	_ =	swait.ge @!p0 [sflag:s0], $0x186A0  }
0x1a: {  	[sflag:s0] =	ssyncset.done @!p0 $0x0  }
0x1b: {  	[sflag:s0] =	ssyncadd.s32 @!p0 $0xFFFE7960  }
0x1c: {  	[bflag:$0x0] =	sbarrier.arrive $0xFFFF  }
0x1d: {  	s17 =	simm.s32 $0x13000;
	s18 =	simm.s32 $0x9;
	s13 =	rddreg [dreg:$0x6]  }
0x1e: {  	[tilespmem:s17], [sflag:$0x9] =	stream.linear.gather [hbm4b:s13+s3], $0x80, $0x38;
	[tilespmem:$0x1F5D0] =	vst v63  }
0x1f: {  	_ =	swait.ge [sflag:s18], $0x80  }
0x20: {  	[sflag:s18] =	ssyncset.done $0x0  }
0x21: {  	s30 =	rddreg [dreg:$0x4];
	[sflag:s18] =	ssyncadd.s32 $0xFFFFFF80  }
0x22: {  	[tilespmem:s19], [sflag:$0x9] =	stream.linear.gather [hbm4b:s30+s3], $0x100, $0x38;
	[tilespmem:$0x1F5D0] =	vst v63  }
0x23: {  	_ =	swait.ge [sflag:s18], $0x100  }
0x24: {  	[sflag:s18] =	ssyncset.done $0x0  }
0x25: {  	s31 =	rddreg [dreg:$0x5];
	[sflag:s18] =	ssyncadd.s32 $0xFFFFFF00  }
0x26: {  	[tilespmem:s20], [sflag:$0x9] =	stream.linear.gather [hbm4b:s31+s3], $0x100, $0x38;
	[tilespmem:$0x1F5D0] =	vst v63  }
0x27: {  	_ =	swait.ge [sflag:s18], $0x100  }
0x28: {  	[sflag:s18] =	ssyncset.done $0x0  }
0x29: {  	[sflag:s18] =	ssyncadd.s32 $0xFFFFFF00  }
0x2a: {  	v1 =	vld [tilespmem:$0x13000]  }
0x2b: {  	v2 =	vld [tilespmem:$0x13010]  }
0x2c: {  	v3 =	vld [tilespmem:$0x13020]  }
0x2d: {  	v4 =	vld [tilespmem:$0x13030]  }
0x2e: {  	v5 =	vld [tilespmem:$0x13040]  }
0x2f: {  	s11 =	rddreg [dreg:$0x7];
	v6 =	vld [tilespmem:$0x13050]  }
0x30: {  	v7 =	vld [tilespmem:$0x13060];
	[tilespmem:s3], [sflag:$0x1] =	stream.linear.gather [hbm4b:s11+s3], $0x1000, $0x38  }
0x31: {  	_ =	swait.ge [sflag:s21], $0x1000  }
0x32: {  	[sflag:s21] =	ssyncset.done $0x0  }
0x33: {  	[sflag:s21] =	ssyncadd.s32 $0xFFFFF000  }
0x34: {  	[tilespmem:s23], [sflag:$0x3] =	stream.indirect.gather [spmem:s2], $0x8, s3, s22, $0xb8;
	[tilespmem:$0x1F5D0] =	vst v63  }
0x35: {  	_ = 	snop  }
0x36: {  	[tilespmem:s24], [sflag:$0x4] =	stream.indirect.gather [spmem:s2], $0x8, s22, s22, $0xb8;
	[tilespmem:$0x1F5D0] =	vst v63  }
0x37: {  	s12 =	simm.s32 $0x100;
	s13 =	simm.s32 $0x2400  }
0x38: {  	[tilespmem:s13], [sflag:$0x3] =	stream.indirect.gather [spmem:s2], $0x8, s12, s22, $0xb8;
	[tilespmem:$0x1F5D0] =	vst v63  }
0x39: {  	s17 =	simm.s32 $0x180;
	s18 =	simm.s32 $0x6400  }
0x3a: {  	[tilespmem:s18], [sflag:$0x4] =	stream.indirect.gather [spmem:s2], $0x8, s17, s22, $0xb8;
	[tilespmem:$0x1F5D0] =	vst v63  }
0x3b: {  	s30 =	simm.s32 $0x200;
	s31 =	simm.s32 $0x2800  }
0x3c: {  	[tilespmem:s31], [sflag:$0x3] =	stream.indirect.gather [spmem:s2], $0x8, s30, s22, $0xb8;
	[tilespmem:$0x1F5D0] =	vst v63  }
0x3d: {  	s1 =	simm.s32 $0x280;
	s11 =	simm.s32 $0x6800  }
0x3e: {  	[tilespmem:s11], [sflag:$0x4] =	stream.indirect.gather [spmem:s2], $0x8, s1, s22, $0xb8;
	[tilespmem:$0x1F5D0] =	vst v63  }
0x3f: {  	s12 =	simm.s32 $0x300;
	s13 =	simm.s32 $0x2C00  }
0x40: {  	[tilespmem:s13], [sflag:$0x3] =	stream.indirect.gather [spmem:s2], $0x8, s12, s22, $0xb8;
	[tilespmem:$0x1F5D0] =	vst v63  }
0x41: {  	s17 =	simm.s32 $0x380;
	s18 =	simm.s32 $0x6C00  }
0x42: {  	[tilespmem:s18], [sflag:$0x4] =	stream.indirect.gather [spmem:s2], $0x8, s17, s22, $0xb8;
	[tilespmem:$0x1F5D0] =	vst v63  }
0x43: {  	s30 =	simm.s32 $0x400;
	s31 =	simm.s32 $0x3000  }
0x44: {  	[tilespmem:s31], [sflag:$0x3] =	stream.indirect.gather [spmem:s2], $0x8, s30, s22, $0xb8;
	[tilespmem:$0x1F5D0] =	vst v63  }
0x45: {  	s1 =	simm.s32 $0x480;
	s11 =	simm.s32 $0x7000  }
0x46: {  	[tilespmem:s11], [sflag:$0x4] =	stream.indirect.gather [spmem:s2], $0x8, s1, s22, $0xb8;
	[tilespmem:$0x1F5D0] =	vst v63  }
0x47: {  	s12 =	simm.s32 $0x500;
	s13 =	simm.s32 $0x3400  }
0x48: {  	[tilespmem:s13], [sflag:$0x3] =	stream.indirect.gather [spmem:s2], $0x8, s12, s22, $0xb8;
	[tilespmem:$0x1F5D0] =	vst v63  }
0x49: {  	s17 =	simm.s32 $0x580;
	s18 =	simm.s32 $0x7400  }
0x4a: {  	[tilespmem:s18], [sflag:$0x4] =	stream.indirect.gather [spmem:s2], $0x8, s17, s22, $0xb8;
	[tilespmem:$0x1F5D0] =	vst v63  }
0x4b: {  	s30 =	simm.s32 $0x600;
	s31 =	simm.s32 $0x3800  }
0x4c: {  	[tilespmem:s31], [sflag:$0x3] =	stream.indirect.gather [spmem:s2], $0x8, s30, s22, $0xb8;
	[tilespmem:$0x1F5D0] =	vst v63  }
0x4d: {  	s1 =	simm.s32 $0x680;
	s11 =	simm.s32 $0x7800  }
0x4e: {  	[tilespmem:s11], [sflag:$0x4] =	stream.indirect.gather [spmem:s2], $0x8, s1, s22, $0xb8;
	[tilespmem:$0x1F5D0] =	vst v63  }
0x4f: {  	s12 =	simm.s32 $0x700;
	s13 =	simm.s32 $0x3C00  }
0x50: {  	[tilespmem:s13], [sflag:$0x3] =	stream.indirect.gather [spmem:s2], $0x8, s12, s22, $0xb8;
	[tilespmem:$0x1F5D0] =	vst v63  }
0x51: {  	s17 =	simm.s32 $0x780;
	s18 =	simm.s32 $0x7C00  }
0x52: {  	[tilespmem:s18], [sflag:$0x4] =	stream.indirect.gather [spmem:s2], $0x8, s17, s22, $0xb8;
	[tilespmem:$0x1F5D0] =	vst v63  }
0x53: {  	s30 =	simm.s32 $0x800;
	s31 =	simm.s32 $0x4000  }
0x54: {  	[tilespmem:s31], [sflag:$0x3] =	stream.indirect.gather [spmem:s2], $0x8, s30, s22, $0xb8;
	[tilespmem:$0x1F5D0] =	vst v63  }
0x55: {  	s1 =	simm.s32 $0x880;
	s11 =	simm.s32 $0x8000  }
0x56: {  	[tilespmem:s11], [sflag:$0x4] =	stream.indirect.gather [spmem:s2], $0x8, s1, s22, $0xb8;
	[tilespmem:$0x1F5D0] =	vst v63  }
0x57: {  	s12 =	simm.s32 $0x900;
	s13 =	simm.s32 $0x4400  }
0x58: {  	[tilespmem:s13], [sflag:$0x3] =	stream.indirect.gather [spmem:s2], $0x8, s12, s22, $0xb8;
	[tilespmem:$0x1F5D0] =	vst v63  }
0x59: {  	s17 =	simm.s32 $0x980;
	s18 =	simm.s32 $0x8400  }
0x5a: {  	[tilespmem:s18], [sflag:$0x4] =	stream.indirect.gather [spmem:s2], $0x8, s17, s22, $0xb8;
	[tilespmem:$0x1F5D0] =	vst v63  }
0x5b: {  	s30 =	simm.s32 $0xA00;
	s31 =	simm.s32 $0x4800  }
0x5c: {  	[tilespmem:s31], [sflag:$0x3] =	stream.indirect.gather [spmem:s2], $0x8, s30, s22, $0xb8;
	[tilespmem:$0x1F5D0] =	vst v63  }
0x5d: {  	s1 =	simm.s32 $0xA80;
	s11 =	simm.s32 $0x8800  }
0x5e: {  	[tilespmem:s11], [sflag:$0x4] =	stream.indirect.gather [spmem:s2], $0x8, s1, s22, $0xb8;
	[tilespmem:$0x1F5D0] =	vst v63  }
0x5f: {  	s12 =	simm.s32 $0xB00;
	s13 =	simm.s32 $0x4C00  }
0x60: {  	[tilespmem:s13], [sflag:$0x3] =	stream.indirect.gather [spmem:s2], $0x8, s12, s22, $0xb8;
	[tilespmem:$0x1F5D0] =	vst v63  }
0x61: {  	s17 =	simm.s32 $0xB80;
	s18 =	simm.s32 $0x8C00  }
0x62: {  	[tilespmem:s18], [sflag:$0x4] =	stream.indirect.gather [spmem:s2], $0x8, s17, s22, $0xb8;
	[tilespmem:$0x1F5D0] =	vst v63  }
0x63: {  	s30 =	simm.s32 $0xC00;
	s31 =	simm.s32 $0x5000  }
0x64: {  	[tilespmem:s31], [sflag:$0x3] =	stream.indirect.gather [spmem:s2], $0x8, s30, s22, $0xb8;
	[tilespmem:$0x1F5D0] =	vst v63  }
0x65: {  	s1 =	simm.s32 $0xC80;
	s11 =	simm.s32 $0x9000  }
0x66: {  	[tilespmem:s11], [sflag:$0x4] =	stream.indirect.gather [spmem:s2], $0x8, s1, s22, $0xb8;
	[tilespmem:$0x1F5D0] =	vst v63  }
0x67: {  	s12 =	simm.s32 $0xD00;
	s13 =	simm.s32 $0x5400  }
0x68: {  	[tilespmem:s13], [sflag:$0x3] =	stream.indirect.gather [spmem:s2], $0x8, s12, s22, $0xb8;
	[tilespmem:$0x1F5D0] =	vst v63  }
0x69: {  	s17 =	simm.s32 $0xD80;
	s18 =	simm.s32 $0x9400  }
0x6a: {  	[tilespmem:s18], [sflag:$0x4] =	stream.indirect.gather [spmem:s2], $0x8, s17, s22, $0xb8;
	[tilespmem:$0x1F5D0] =	vst v63  }
0x6b: {  	s30 =	simm.s32 $0xE00;
	s31 =	simm.s32 $0x5800  }
0x6c: {  	[tilespmem:s31], [sflag:$0x3] =	stream.indirect.gather [spmem:s2], $0x8, s30, s22, $0xb8;
	[tilespmem:$0x1F5D0] =	vst v63  }
0x6d: {  	s11 =	simm.s32 $0xE80;
	s12 =	simm.s32 $0x9800  }
0x6e: {  	[tilespmem:s12], [sflag:$0x4] =	stream.indirect.gather [spmem:s2], $0x8, s11, s22, $0xb8;
	[tilespmem:$0x1F5D0] =	vst v63  }
0x6f: {  	s13 =	simm.s32 $0xF00;
	s17 =	simm.s32 $0x5C00  }
0x70: {  	[tilespmem:s17], [sflag:$0x3] =	stream.indirect.gather [spmem:s2], $0x8, s13, s22, $0xb8;
	[tilespmem:$0x1F5D0] =	vst v63  }
0x71: {  	s18 =	simm.s32 $0xF80;
	s30 =	simm.s32 $0x9C00  }
0x72: {  	[tilespmem:s30], [sflag:$0x4] =	stream.indirect.gather [spmem:s2], $0x8, s18, s22, $0xb8;
	[tilespmem:$0x1F5D0] =	vst v63  }
0x73: {  	s29 =	simm.s32 $0x0;
	s31 =	rddreg [dreg:$0x8]  }
0x74: {  	[tilespmem:s5], [sflag:$0x2] =	stream.linear.gather [hbm4b:s31+s3], $0x1000, $0x38;
	[tilespmem:$0x1F5D0] =	vst v63  }
.LBB2_2:
0x75: {  	_ =	swait.ge [sflag:s6], $0x1000  }
0x76: {  	[sflag:s6] =	ssyncset.done $0x0  }
0x77: {  	[sflag:s6] =	ssyncadd.s32 $0xFFFFF000  }
0x78: {  	[tilespmem:s7], [sflag:$0x5] =	stream.indirect.gather [spmem:s2], $0x8, s5, s22, $0xb8;
	[tilespmem:$0x1F5D0] =	vst v63  }
0x79: {  	s0 =	simm.s32 $0x1080  }
0x7a: {  	[tilespmem:s15], [sflag:$0x6] =	stream.indirect.gather [spmem:s2], $0x8, s0, s22, $0xb8;
	[tilespmem:$0x1F5D0] =	vst v63  }
0x7b: {  	s18 =	simm.s32 $0x1100;
	s1 =	simm.s32 $0xA400  }
0x7c: {  	[tilespmem:s1], [sflag:$0x5] =	stream.indirect.gather [spmem:s2], $0x8, s18, s22, $0xb8;
	[tilespmem:$0x1F5D0] =	vst v63  }
0x7d: {  	s11 =	simm.s32 $0xE400;
	s1 =	simm.s32 $0x1180  }
0x7e: {  	[tilespmem:s11], [sflag:$0x6] =	stream.indirect.gather [spmem:s2], $0x8, s1, s22, $0xb8;
	[tilespmem:$0x1F5D0] =	vst v63  }
0x7f: {  	s12 =	simm.s32 $0x1200;
	s13 =	simm.s32 $0xA800  }
0x80: {  	[tilespmem:s13], [sflag:$0x5] =	stream.indirect.gather [spmem:s2], $0x8, s12, s22, $0xb8;
	[tilespmem:$0x1F5D0] =	vst v63  }
0x81: {  	s17 =	simm.s32 $0x1280;
	s18 =	simm.s32 $0xE800  }
0x82: {  	[tilespmem:s18], [sflag:$0x6] =	stream.indirect.gather [spmem:s2], $0x8, s17, s22, $0xb8;
	[tilespmem:$0x1F5D0] =	vst v63  }
0x83: {  	s1 =	simm.s32 $0x1300;
	s11 =	simm.s32 $0xAC00  }
0x84: {  	[tilespmem:s11], [sflag:$0x5] =	stream.indirect.gather [spmem:s2], $0x8, s1, s22, $0xb8;
	[tilespmem:$0x1F5D0] =	vst v63  }
0x85: {  	s12 =	simm.s32 $0x1380;
	s13 =	simm.s32 $0xEC00  }
0x86: {  	[tilespmem:s13], [sflag:$0x6] =	stream.indirect.gather [spmem:s2], $0x8, s12, s22, $0xb8;
	[tilespmem:$0x1F5D0] =	vst v63  }
0x87: {  	s17 =	simm.s32 $0x1400;
	s18 =	simm.s32 $0xB000  }
0x88: {  	[tilespmem:s18], [sflag:$0x5] =	stream.indirect.gather [spmem:s2], $0x8, s17, s22, $0xb8;
	[tilespmem:$0x1F5D0] =	vst v63  }
0x89: {  	s1 =	simm.s32 $0x1480;
	s11 =	simm.s32 $0xF000  }
0x8a: {  	[tilespmem:s11], [sflag:$0x6] =	stream.indirect.gather [spmem:s2], $0x8, s1, s22, $0xb8;
	[tilespmem:$0x1F5D0] =	vst v63  }
0x8b: {  	s12 =	simm.s32 $0x1500;
	s13 =	simm.s32 $0xB400  }
0x8c: {  	[tilespmem:s13], [sflag:$0x5] =	stream.indirect.gather [spmem:s2], $0x8, s12, s22, $0xb8;
	[tilespmem:$0x1F5D0] =	vst v63  }
0x8d: {  	s17 =	simm.s32 $0x1580;
	s18 =	simm.s32 $0xF400  }
0x8e: {  	[tilespmem:s18], [sflag:$0x6] =	stream.indirect.gather [spmem:s2], $0x8, s17, s22, $0xb8;
	[tilespmem:$0x1F5D0] =	vst v63  }
0x8f: {  	s1 =	simm.s32 $0x1600;
	s11 =	simm.s32 $0xB800  }
0x90: {  	[tilespmem:s11], [sflag:$0x5] =	stream.indirect.gather [spmem:s2], $0x8, s1, s22, $0xb8;
	[tilespmem:$0x1F5D0] =	vst v63  }
0x91: {  	s12 =	simm.s32 $0x1680;
	s13 =	simm.s32 $0xF800  }
0x92: {  	[tilespmem:s13], [sflag:$0x6] =	stream.indirect.gather [spmem:s2], $0x8, s12, s22, $0xb8;
	[tilespmem:$0x1F5D0] =	vst v63  }
0x93: {  	s17 =	simm.s32 $0x1700;
	s18 =	simm.s32 $0xBC00  }
0x94: {  	[tilespmem:s18], [sflag:$0x5] =	stream.indirect.gather [spmem:s2], $0x8, s17, s22, $0xb8;
	[tilespmem:$0x1F5D0] =	vst v63  }
0x95: {  	s1 =	simm.s32 $0x1780;
	s11 =	simm.s32 $0xFC00  }
0x96: {  	[tilespmem:s11], [sflag:$0x6] =	stream.indirect.gather [spmem:s2], $0x8, s1, s22, $0xb8;
	[tilespmem:$0x1F5D0] =	vst v63  }
0x97: {  	s12 =	simm.s32 $0x1800;
	s13 =	simm.s32 $0xC000  }
0x98: {  	[tilespmem:s13], [sflag:$0x5] =	stream.indirect.gather [spmem:s2], $0x8, s12, s22, $0xb8;
	[tilespmem:$0x1F5D0] =	vst v63  }
0x99: {  	s17 =	simm.s32 $0x1880;
	s18 =	simm.s32 $0x10000  }
0x9a: {  	[tilespmem:s18], [sflag:$0x6] =	stream.indirect.gather [spmem:s2], $0x8, s17, s22, $0xb8;
	[tilespmem:$0x1F5D0] =	vst v63  }
0x9b: {  	s1 =	simm.s32 $0x1900;
	s11 =	simm.s32 $0xC400  }
0x9c: {  	[tilespmem:s11], [sflag:$0x5] =	stream.indirect.gather [spmem:s2], $0x8, s1, s22, $0xb8;
	[tilespmem:$0x1F5D0] =	vst v63  }
0x9d: {  	s12 =	simm.s32 $0x1980;
	s13 =	simm.s32 $0x10400  }
0x9e: {  	[tilespmem:s13], [sflag:$0x6] =	stream.indirect.gather [spmem:s2], $0x8, s12, s22, $0xb8;
	[tilespmem:$0x1F5D0] =	vst v63  }
0x9f: {  	s17 =	simm.s32 $0x1A00;
	s18 =	simm.s32 $0xC800  }
0xa0: {  	[tilespmem:s18], [sflag:$0x5] =	stream.indirect.gather [spmem:s2], $0x8, s17, s22, $0xb8;
	[tilespmem:$0x1F5D0] =	vst v63  }
0xa1: {  	s1 =	simm.s32 $0x1A80;
	s11 =	simm.s32 $0x10800  }
0xa2: {  	[tilespmem:s11], [sflag:$0x6] =	stream.indirect.gather [spmem:s2], $0x8, s1, s22, $0xb8;
	[tilespmem:$0x1F5D0] =	vst v63  }
0xa3: {  	s12 =	simm.s32 $0x1B00;
	s13 =	simm.s32 $0xCC00  }
0xa4: {  	[tilespmem:s13], [sflag:$0x5] =	stream.indirect.gather [spmem:s2], $0x8, s12, s22, $0xb8;
	[tilespmem:$0x1F5D0] =	vst v63  }
0xa5: {  	s17 =	simm.s32 $0x1B80;
	s18 =	simm.s32 $0x10C00  }
0xa6: {  	[tilespmem:s18], [sflag:$0x6] =	stream.indirect.gather [spmem:s2], $0x8, s17, s22, $0xb8;
	[tilespmem:$0x1F5D0] =	vst v63  }
0xa7: {  	s1 =	simm.s32 $0x1C00;
	s11 =	simm.s32 $0xD000  }
0xa8: {  	[tilespmem:s11], [sflag:$0x5] =	stream.indirect.gather [spmem:s2], $0x8, s1, s22, $0xb8;
	[tilespmem:$0x1F5D0] =	vst v63  }
0xa9: {  	s12 =	simm.s32 $0x1C80;
	s13 =	simm.s32 $0x11000  }
0xaa: {  	[tilespmem:s13], [sflag:$0x6] =	stream.indirect.gather [spmem:s2], $0x8, s12, s22, $0xb8;
	[tilespmem:$0x1F5D0] =	vst v63  }
0xab: {  	s17 =	simm.s32 $0x1D00;
	s18 =	simm.s32 $0xD400  }
0xac: {  	[tilespmem:s18], [sflag:$0x5] =	stream.indirect.gather [spmem:s2], $0x8, s17, s22, $0xb8;
	[tilespmem:$0x1F5D0] =	vst v63  }
0xad: {  	s1 =	simm.s32 $0x1D80;
	s11 =	simm.s32 $0x11400  }
0xae: {  	[tilespmem:s11], [sflag:$0x6] =	stream.indirect.gather [spmem:s2], $0x8, s1, s22, $0xb8;
	[tilespmem:$0x1F5D0] =	vst v63  }
0xaf: {  	s12 =	simm.s32 $0x1E00;
	s13 =	simm.s32 $0xD800  }
0xb0: {  	[tilespmem:s13], [sflag:$0x5] =	stream.indirect.gather [spmem:s2], $0x8, s12, s22, $0xb8;
	[tilespmem:$0x1F5D0] =	vst v63  }
0xb1: {  	s17 =	simm.s32 $0x1E80;
	s18 =	simm.s32 $0x11800  }
0xb2: {  	[tilespmem:s18], [sflag:$0x6] =	stream.indirect.gather [spmem:s2], $0x8, s17, s22, $0xb8;
	[tilespmem:$0x1F5D0] =	vst v63  }
0xb3: {  	s1 =	simm.s32 $0x1F00;
	s11 =	simm.s32 $0xDC00  }
0xb4: {  	[tilespmem:s11], [sflag:$0x5] =	stream.indirect.gather [spmem:s2], $0x8, s1, s22, $0xb8;
	[tilespmem:$0x1F5D0] =	vst v63  }
0xb5: {  	s12 =	simm.s32 $0x1F80;
	s13 =	simm.s32 $0x11C00  }
0xb6: {  	[tilespmem:s13], [sflag:$0x6] =	stream.indirect.gather [spmem:s2], $0x8, s12, s22, $0xb8;
	[tilespmem:$0x1F5D0] =	vst v63  }
0xb7: {  	_ =	swait.ge [sflag:s16], $0x4000  }
0xb8: {  	s17 =	simm.s32 $0x30;
	[sflag:s16] =	ssyncset.done $0x0  }
0xb9: {  	v8 =	vmov s17;
	[sflag:s16] =	ssyncadd.s32 $0xFFFFC000  }
0xba: {  	v8 =	vshll.u32 v8, $0x3;
	_ =	swait.ge [sflag:s10], $0x4000  }
0xbb: {  	p1 =	seq.s32 s29, $0x0;
	v11 =	vor.u32 v0, v8;
	[sflag:s10] =	ssyncset.done $0x0  }
0xbc: {  	s0 =	simm.s32 @!p1 $0x7;
	v8 =	vor.u32 $0x1, v11;
	[sflag:s10] =	ssyncadd.s32 $0xFFFFC000  }
0xbd: {  	s18 =	simm.s32 $0x10;
	v9 =	vor.u32 $0x2, v11;
	_ =	swait.ge @!p1 [sflag:s0], $0x800  }
0xbe: {  	v10 =	vmov s18;
	[sflag:s0] =	ssyncset.done @!p1 $0x0  }
0xbf: {  	v10 =	vshll.u32 v10, $0x3;
	[sflag:s0] =	ssyncadd.s32 @!p1 $0xFFFFF800  }
0xc0: {  	v15 =	vor.u32 v0, v10;
	v12 =	vld.idx.msk [tilespmem:v11+s23+$0x0], $0xffff  }
0xc1: {  	s1 =	simm.s32 $0x20;
	v16 =	vor.u32 $0x1, v15;
	v13 =	vld.idx.msk [tilespmem:v8+s23+$0x0], $0xffff  }
0xc2: {  	v10 =	vmov s1;
	v17 =	vor.u32 $0x2, v15;
	v14 =	vld.idx.msk [tilespmem:v9+s23+$0x0], $0xffff  }
0xc3: {  	s11 =	simm.s32 $0x0;
	v10 =	vshll.u32 v10, $0x3;
	v8 =	vld.idx.msk [tilespmem:v8+s24+$0x0], $0xffff  }
0xc4: {  	v19 =	vmov s11;
	v20 =	vor.u32 v0, v10;
	v9 =	vld.idx.msk [tilespmem:v9+s24+$0x0], $0xffff  }
0xc5: {  	v10 =	vshll.u32 v19, $0x3;
	v19 =	vor.u32 $0x1, v20;
	v18 =	vld.idx.msk [tilespmem:v11+s24+$0x0], $0xffff  }
0xc6: {  	v21 =	vld.idx.msk [tilespmem:v16+s23+$0x0], $0xffff  }
0xc7: {  	v22 =	vld.idx.msk [tilespmem:v17+s23+$0x0], $0xffff  }
0xc8: {  	v16 =	vld.idx.msk [tilespmem:v16+s24+$0x0], $0xffff  }
0xc9: {  	v17 =	vld.idx.msk [tilespmem:v17+s24+$0x0], $0xffff  }
0xca: {  	v26 =	vld.idx.msk [tilespmem:v19+s23+$0x0], $0xffff  }
0xcb: {  	v19 =	vld.idx.msk [tilespmem:v19+s24+$0x0], $0xffff  }
0xcc: {  	v9 =	vsub.f32 v9, v14;
	v14 =	vor.u32 $0x2, v20  }
0xcd: {  	v10 =	vor.u32 v0, v10;
	v11 =	vor.u32 $0x3, v11;
	v8 =	vsub.f32 v8, v13  }
0xce: {  	v13 =	vor.u32 $0x1, v10;
	v12 =	vsub.f32 v18, v12;
	v18 =	vor.u32 $0x2, v10  }
0xcf: {  	v16 =	vsub.f32 v16, v21;
	v17 =	vsub.f32 v17, v22;
	v23 =	vshrl.u32 v8, $0x10  }
0xd0: {  	v19 =	vsub.f32 v19, v26;
	v24 =	vshrl.u32 v9, $0x10;
	v23 =	vand.u32 $0x1, v23  }
0xd1: {  	v25 =	vshrl.u32 v12, $0x10;
	v24 =	vand.u32 $0x1, v24;
	v8 =	vadd.s32 v23, v8;
	v23 =	vld.idx.msk [tilespmem:v14+s23+$0x0], $0xffff  }
0xd2: {  	v28 =	vshrl.u32 v16, $0x10;
	v25 =	vand.u32 $0x1, v25;
	v9 =	vadd.s32 v24, v9;
	v14 =	vld.idx.msk [tilespmem:v14+s24+$0x0], $0xffff  }
0xd3: {  	v12 =	vadd.s32 v25, v12;
	v8 =	vadd.s32 $0x7FFF, v8;
	v9 =	vadd.s32 $0x7FFF, v9;
	v21 =	vld.idx.msk [tilespmem:v13+s23+$0x0], $0xffff  }
0xd4: {  	v12 =	vadd.s32 $0x7FFF, v12;
	v13 =	vld.idx.msk [tilespmem:v13+s24+$0x0], $0xffff;
	v8 =	vand.u32 $0xFFFF0000, v8;
	v9 =	vand.u32 $0xFFFF0000, v9  }
0xd5: {  	v30 =	vld.idx.msk [tilespmem:v18+s23+$0x0], $0xffff;
	v12 =	vand.u32 $0xFFFF0000, v12;
	v24 =	vmul.f32 v8, v2;
	v25 =	vmul.f32 v9, v3  }
0xd6: {  	v29 =	vshrl.u32 v17, $0x10;
	v31 =	vshrl.u32 v19, $0x10;
	v18 =	vld.idx.msk [tilespmem:v18+s24+$0x0], $0xffff;
	v12 =	vmul.f32 v12, v1  }
0xd7: {  	v9 =	vor.u32 $0x3, v15;
	v22 =	vadd.f32 $1.258291200e+07, v24;
	v27 =	vadd.f32 $1.258291200e+07, v25  }
0xd8: {  	v8 =	vor.u32 $0x3, v20;
	v26 =	vadd.f32 $1.258291200e+07, v12;
	v14 =	vsub.f32 v14, v23  }
0xd9: {  	v23 =	vand.u32 $0x1, v28;
	v13 =	vsub.f32 v13, v21;
	v22 =	vadd.f32 $-1.258291200e+07, v22  }
0xda: {  	v27 =	vadd.f32 $-1.258291200e+07, v27;
	v26 =	vadd.f32 $-1.258291200e+07, v26;
	v16 =	vadd.s32 v23, v16  }
0xdb: {  	v18 =	vsub.f32 v18, v30;
	v16 =	vadd.s32 $0x7FFF, v16;
	v22 =	vsub.f32 v24, v22  }
0xdc: {  	v24 =	vsub.f32 v25, v27;
	v12 =	vsub.f32 v12, v26;
	v25 =	vld.idx.msk [tilespmem:v15+s23+$0x0], $0xffff;
	v16 =	vand.u32 $0xFFFF0000, v16  }
0xdd: {  	v30 =	vshrl.u32 v13, $0x10;
	v15 =	vld.idx.msk [tilespmem:v15+s24+$0x0], $0xffff;
	v16 =	vmul.f32 v16, v2;
	v21 =	vshrl.u32 v22, $0x10  }
0xde: {  	v26 =	vshrl.u32 v24, $0x10;
	v27 =	vshrl.u32 v12, $0x10;
	v21 =	vand.u32 $0x1, v21  }
0xdf: {  	v26 =	vand.u32 $0x1, v26;
	v27 =	vand.u32 $0x1, v27;
	v21 =	vadd.s32 v21, v22  }
0xe0: {  	v28 =	vld.idx.msk [tilespmem:v10+s23+$0x0], $0xffff;
	v22 =	vadd.s32 v26, v24;
	v12 =	vadd.s32 v27, v12;
	v27 =	vshrl.u32 v14, $0x10  }
0xe1: {  	v24 =	vld.idx.msk [tilespmem:v10+s24+$0x0], $0xffff;
	v10 =	vor.u32 $0x3, v10;
	v21 =	vadd.s32 $0x7FFF, v21;
	v22 =	vadd.s32 $0x7FFF, v22  }
0xe2: {  	v12 =	vadd.s32 $0x7FFF, v12;
	v15 =	vsub.f32 v15, v25;
	v25 =	vshrl.u32 v18, $0x10  }
0xe3: {  	v26 =	vld.idx.msk [tilespmem:v20+s23+$0x0], $0xffff;
	v27 =	vand.u32 $0x1, v27;
	v21 =	vand.u32 $0xFFFF0000, v21;
	v22 =	vand.u32 $0xFFFF0000, v22  }
0xe4: {  	v20 =	vld.idx.msk [tilespmem:v20+s24+$0x0], $0xffff;
	v12 =	vand.u32 $0xFFFF0000, v12;
	v21 =	vmul.f32 v21, v5;
	v22 =	vmul.f32 v22, v6  }
0xe5: {  	v25 =	vand.u32 $0x1, v25;
	v14 =	vadd.s32 v27, v14;
	v12 =	vmul.f32 v12, v4  }
0xe6: {  	v18 =	vadd.s32 v25, v18;
	v21 =	vmul.f32 v21, v21;
	v22 =	vmul.f32 v22, v22  }
0xe7: {  	v25 =	vshrl.u32 v15, $0x10;
	v14 =	vadd.s32 $0x7FFF, v14;
	v18 =	vadd.s32 $0x7FFF, v18  }
0xe8: {  	v25 =	vand.u32 $0x1, v25;
	v12 =	vmul.f32 v12, v12;
	v21 =	vadd.f32 v22, v21  }
0xe9: {  	v14 =	vand.u32 $0xFFFF0000, v14;
	v24 =	vsub.f32 v24, v28;
	v20 =	vsub.f32 v20, v26  }
0xea: {  	v26 =	vand.u32 $0x1, v30;
	v28 =	vand.u32 $0x1, v31;
	v12 =	vadd.f32 v21, v12  }
0xeb: {  	v18 =	vand.u32 $0xFFFF0000, v18;
	v15 =	vadd.s32 v25, v15;
	v22 =	vand.u32 $0x1, v29;
	v21 =	vld.idx.msk [tilespmem:v11+s23+$0x0], $0xffff  }
0xec: {  	v29 =	vld.idx.msk [tilespmem:v9+s23+$0x0], $0xffff;
	v17 =	vadd.s32 v22, v17;
	v22 =	vshrl.u32 v12, $0x1;
	v23 =	vmul.f32 $5.000000000e-01, v12  }
0xed: {  	v14 =	vmul.f32 v14, v3;
	v19 =	vadd.s32 v28, v19;
	v11 =	vld.idx.msk [tilespmem:v11+s24+$0x0], $0xffff;
	v22 =	vsub.s32 $0x5F3759DF, v22  }
0xee: {  	v13 =	vadd.s32 v26, v13;
	v15 =	vadd.s32 $0x7FFF, v15;
	v9 =	vld.idx.msk [tilespmem:v9+s24+$0x0], $0xffff;
	v26 =	vmul.f32 v22, v23  }
0xef: {  	v27 =	vshrl.u32 v24, $0x10;
	v28 =	vshrl.u32 v20, $0x10;
	v19 =	vadd.s32 $0x7FFF, v19  }
0xf0: {  	v13 =	vadd.s32 $0x7FFF, v13;
	v21 =	vmul.f32 $1.600000000e+01, v21;
	v26 =	vmul.f32 v22, v26  }
0xf1: {  	v27 =	vand.u32 $0x1, v27;
	v17 =	vadd.s32 $0x7FFF, v17;
	v29 =	vmul.f32 $1.600000000e+01, v29  }
0xf2: {  	v17 =	vand.u32 $0xFFFF0000, v17;
	v11 =	vadd.f32 v11, v21;
	v21 =	vsub.f32 $1.500000000e+00, v26  }
0xf3: {  	v17 =	vmul.f32 v17, v3;
	v9 =	vadd.f32 v9, v29;
	v26 =	vand.u32 $0x1, v28  }
0xf4: {  	v11 =	vtrunc.f32 v11;
	v20 =	vadd.s32 v26, v20;
	v21 =	vmul.f32 v22, v21  }
0xf5: {  	v22 =	vcvt.f32.s32 v11;
	v11 =	vand.u32 $0xFFFF0000, v13;
	v13 =	vand.u32 $0xFFFF0000, v19  }
0xf6: {  	v26 =	vadd.f32 $1.258291200e+07, v17;
	v20 =	vadd.s32 $0x7FFF, v20;
	v13 =	vmul.f32 v13, v2  }
0xf7: {  	v20 =	vand.u32 $0xFFFF0000, v20;
	v19 =	vmul.f32 v21, v23;
	v23 =	vadd.s32 v27, v24  }
0xf8: {  	v26 =	vadd.f32 $-1.258291200e+07, v26;
	v24 =	vmul.f32 v11, v2;
	v11 =	vadd.s32 $0x7FFF, v23  }
0xf9: {  	v23 =	vadd.f32 $1.258291200e+07, v16;
	v27 =	vadd.f32 $1.258291200e+07, v13;
	v19 =	vmul.f32 v19, v21  }
0xfa: {  	v20 =	vmul.f32 v20, v1;
	v17 =	vsub.f32 v17, v26;
	v28 =	vadd.f32 $1.258291200e+07, v24  }
0xfb: {  	v18 =	vmul.f32 v18, v3;
	v23 =	vadd.f32 $-1.258291200e+07, v23;
	v19 =	vsub.f32 $1.500000000e+00, v19  }
0xfc: {  	v15 =	vand.u32 $0xFFFF0000, v15;
	v33 =	vadd.f32 $1.258291200e+07, v20;
	v27 =	vadd.f32 $-1.258291200e+07, v27;
	v25 =	vld.idx.msk [tilespmem:v22+s20+$0x0], $0xffff  }
0xfd: {  	v28 =	vadd.f32 $-1.258291200e+07, v28;
	v16 =	vsub.f32 v16, v23;
	v19 =	vmul.f32 v19, v21  }
0xfe: {  	v13 =	vsub.f32 v13, v27;
	v27 =	vadd.f32 $-1.258291200e+07, v33;
	v21 =	vand.u32 $0xFFFF0000, v11  }
0xff: {  	v24 =	vsub.f32 v24, v28;
	v21 =	vmul.f32 v21, v1;
	v11 =	vmul.f32 v19, v12  }
0x100: {  	v12 =	vmul.f32 v15, v1;
	v15 =	vadd.f32 $1.258291200e+07, v14;
	v19 =	vadd.f32 $1.258291200e+07, v18  }
0x101: {  	v26 =	vshrl.u32 v16, $0x10;
	v20 =	vsub.f32 v20, v27;
	v25 =	vmul.f32 v11, v25  }
0x102: {  	v28 =	vshrl.u32 v13, $0x10;
	v15 =	vadd.f32 $-1.258291200e+07, v15;
	v19 =	vadd.f32 $-1.258291200e+07, v19  }
0x103: {  	v31 =	vadd.f32 $1.258291200e+07, v12;
	v30 =	vsub.f32 $0.0e+00, v25;
	v23 =	vmul.f32 $3.333333430e-01, v25  }
0x104: {  	v14 =	vsub.f32 v14, v15;
	v15 =	vsub.f32 v18, v19;
	v18 =	vshrl.u32 v17, $0x10  }
0x105: {  	v32 =	vadd.f32 $1.258291200e+07, v21;
	v18 =	vand.u32 $0x1, v18;
	v30 =	vmul.f32 $1.442695020e+00, v30  }
0x106: {  	v19 =	vadd.f32 $1.000000000e+00, v23;
	v23 =	vadd.f32 $-1.258291200e+07, v31;
	v31 =	vshrl.u32 v14, $0x10  }
0x107: {  	v57 =	vshrl.u32 v15, $0x10;
	v17 =	vadd.s32 v18, v17;
	v27 =	vand.u32 $0x1, v31  }
0x108: {  	v17 =	vadd.s32 $0x7FFF, v17;
	(erf) = vpow2.f32 v30;
	v30 =	vadd.f32 $-1.258291200e+07, v32  }
0x109: {  	v19 =	vmul.f32 v19, v25;
	v25 =	vshrl.u32 v24, $0x10;
	v12 =	vsub.f32 v12, v23  }
0x10a: {  	v23 =	vand.u32 $0x1, v26;
	v26 =	vand.u32 $0x1, v28;
	v28 =	vand.u32 $0x1, v57  }
0x10b: {  	v14 =	vadd.s32 v27, v14;
	v17 =	vand.u32 $0xFFFF0000, v17;
	v25 =	vand.u32 $0x1, v25  }
0x10c: {  	v16 =	vadd.s32 v23, v16;
	v13 =	vadd.s32 v26, v13;
	v15 =	vadd.s32 v28, v15  }
0x10d: {  	v14 =	vadd.s32 $0x7FFF, v14;
	v17 =	vmul.f32 v17, v6;
	v21 =	vsub.f32 v21, v30  }
0x10e: {  	v18 =	vadd.s32 v25, v24;
	v23 =	vshrl.u32 v12, $0x10;
	v24 =	vshrl.u32 v20, $0x10  }
0x10f: {  	v16 =	vadd.s32 $0x7FFF, v16;
	v13 =	vadd.s32 $0x7FFF, v13;
	v15 =	vadd.s32 $0x7FFF, v15  }
0x110: {  	v14 =	vand.u32 $0xFFFF0000, v14;
	v19 =	vadd.f32 $1.000000000e+00, v19;
	v18 =	vadd.s32 $0x7FFF, v18  }
0x111: {  	v23 =	vand.u32 $0x1, v23;
	v24 =	vand.u32 $0x1, v24;
	v16 =	vand.u32 $0xFFFF0000, v16  }
0x112: {  	v13 =	vand.u32 $0xFFFF0000, v13;
	v15 =	vand.u32 $0xFFFF0000, v15;
	v14 =	vmul.f32 v14, v6  }
0x113: {  	v17 =	vmul.f32 v17, v17;
	v25 =	vshrl.u32 v21, $0x10;
	v18 =	vand.u32 $0xFFFF0000, v18  }
0x114: {  	v12 =	vadd.s32 v23, v12;
	v20 =	vadd.s32 v24, v20;
	v16 =	vmul.f32 v16, v5  }
0x115: {  	v13 =	vmul.f32 v13, v5;
	v15 =	vmul.f32 v15, v6;
	v25 =	vand.u32 $0x1, v25  }
0x116: {  	v12 =	vadd.s32 $0x7FFF, v12;
	v18 =	vmul.f32 v18, v5;
	v20 =	vadd.s32 $0x7FFF, v20  }
0x117: {  	v14 =	vmul.f32 v14, v14;
	v21 =	vadd.s32 v25, v21;
	v16 =	vmul.f32 v16, v16  }
0x118: {  	v22 =	vld.idx.msk [tilespmem:v22+s19+$0x0], $0xffff;
	v12 =	vand.u32 $0xFFFF0000, v12;
	v13 =	vmul.f32 v13, v13;
	v20 =	vand.u32 $0xFFFF0000, v20  }
0x119: {  	v23 =	vld.idx.msk [tilespmem:v8+s23+$0x0], $0xffff;
	v15 =	vmul.f32 v15, v15;
	v21 =	vadd.s32 $0x7FFF, v21;
	v18 =	vmul.f32 v18, v18  }
0x11a: {  	v24 =	vld.idx.msk [tilespmem:v10+s23+$0x0], $0xffff;
	v12 =	vmul.f32 v12, v4;
	v20 =	vmul.f32 v20, v4;
	v21 =	vand.u32 $0xFFFF0000, v21  }
0x11b: {  	v16 =	vadd.f32 v17, v16;
	v13 =	vadd.f32 v14, v13;
	v21 =	vmul.f32 v21, v4  }
0x11c: {  	v12 =	vmul.f32 v12, v12;
	v14 =	vadd.f32 v15, v18;
	v15 =	vmul.f32 v20, v20  }
0x11d: {  	vm0 =	vle.f32 v11, v7;
	v19 =	vmul.f32 v19, v22;
	v17 =	vmul.f32 v21, v21  }
0x11e: {  	v8 =	vld.idx.msk [tilespmem:v8+s24+$0x0], $0xffff;
	v18 =	vmul.f32 $1.600000000e+01, v23;
	v16 =	vadd.f32 v16, v12;
	v20 =	vpop (erf);
	v13 =	vadd.f32 v13, v15  }
0x11f: {  	v10 =	vld.idx.msk [tilespmem:v10+s24+$0x0], $0xffff;
	v12 =	vmul.f32 $1.600000000e+01, v24;
	v15 =	vmul.f32 v19, v20;
	v14 =	vadd.f32 v14, v17  }
0x120: {  	v17 =	vshrl.u32 v16, $0x1;
	v19 =	vmul.f32 $5.000000000e-01, v16;
	v20 =	vshrl.u32 v13, $0x1  }
0x121: {  	v23 =	vmul.f32 $5.000000000e-01, v13;
	v17 =	vsub.s32 $0x5F3759DF, v17;
	v20 =	vsub.s32 $0x5F3759DF, v20  }
0x122: {  	v21 =	vshrl.u32 v14, $0x1;
	v22 =	vmul.f32 $5.000000000e-01, v14;
	v24 =	vmul.f32 v17, v19  }
0x123: {  	v8 =	vadd.f32 v8, v18;
	v18 =	vmul.f32 v20, v23;
	v21 =	vsub.s32 $0x5F3759DF, v21  }
0x124: {  	v10 =	vadd.f32 v10, v12;
	v25 =	vmul.f32 v21, v22;
	v12 =	vmul.f32 v17, v24  }
0x125: {  	v9 =	vtrunc.f32 v9;
	v11 =	vnsel vm0, $0x0, v15;
	v18 =	vmul.f32 v20, v18  }
0x126: {  	v26 =	vtrunc.f32 v10;
	v24 =	vmul.f32 v21, v25;
	v12 =	vsub.f32 $1.500000000e+00, v12  }
0x127: {  	v25 =	vtrunc.f32 v8;
	v8 =	vcvt.f32.s32 v9;
	v9 =	vsub.f32 $1.500000000e+00, v18  }
0x128: {  	s18 =	simm.s32 $0x60;
	v10 =	vcvt.f32.s32 v25;
	v18 =	vsub.f32 $1.500000000e+00, v24;
	v17 =	vmul.f32 v17, v12  }
0x129: {  	v9 =	vmul.f32 v20, v9;
	v12 =	vcvt.f32.s32 v26;
	v24 =	vmov s18  }
0x12a: {  	s12 =	simm.s32 $0x70;
	v24 =	vshll.u32 v24, $0x3;
	v15 =	vmul.f32 v21, v18;
	v18 =	vmul.f32 v17, v19  }
0x12b: {  	v19 =	vmov s12;
	v20 =	vmul.f32 v9, v23;
	v31 =	vor.u32 v0, v24  }
0x12c: {  	s17 =	simm.s32 $0x50;
	v19 =	vshll.u32 v19, $0x3;
	v36 =	vor.u32 $0x1, v31  }
0x12d: {  	v25 =	vor.u32 v0, v19;
	v19 =	vmul.f32 v20, v9;
	v20 =	vmov s17;
	v26 =	vld.idx.msk [tilespmem:v8+s20+$0x0], $0xffff  }
0x12e: {  	v37 =	vor.u32 $0x2, v31;
	v20 =	vshll.u32 v20, $0x3;
	v28 =	vld.idx.msk [tilespmem:v10+s20+$0x0], $0xffff  }
0x12f: {  	v29 =	vor.u32 v0, v20;
	v20 =	vld.idx.msk [tilespmem:v12+s20+$0x0], $0xffff  }
0x130: {  	v56 =	vld.idx.msk [tilespmem:v31+s23+$0x0], $0xffff  }
0x131: {  	v23 =	vor.u32 $0x1, v25;
	v43 =	vld.idx.msk [tilespmem:v36+s23+$0x0], $0xffff  }
0x132: {  	v27 =	vor.u32 $0x2, v25;
	v36 =	vld.idx.msk [tilespmem:v36+s24+$0x0], $0xffff  }
0x133: {  	v21 =	vmul.f32 v15, v22;
	v18 =	vmul.f32 v18, v17;
	v62 =	vld.idx.msk [tilespmem:v37+s23+$0x0], $0xffff  }
0x134: {  	v37 =	vld.idx.msk [tilespmem:v37+s24+$0x0], $0xffff  }
0x135: {  	v21 =	vmul.f32 v21, v15;
	v18 =	vsub.f32 $1.500000000e+00, v18;
	v58 =	vld.idx.msk [tilespmem:v25+s23+$0x0], $0xffff  }
0x136: {  	s13 =	simm.s32 $0x40;
	v19 =	vsub.f32 $1.500000000e+00, v19;
	v34 =	vld.idx.msk [tilespmem:v23+s23+$0x0], $0xffff  }
0x137: {  	v22 =	vmov s13;
	v21 =	vsub.f32 $1.500000000e+00, v21;
	v17 =	vmul.f32 v18, v17;
	v18 =	vld.idx.msk [tilespmem:v27+s23+$0x0], $0xffff  }
0x138: {  	v22 =	vshll.u32 v22, $0x3;
	v9 =	vmul.f32 v19, v9;
	v19 =	vld.idx.msk [tilespmem:v23+s24+$0x0], $0xffff  }
0x139: {  	v30 =	vor.u32 v0, v22;
	v22 =	vor.u32 $0x1, v29;
	v15 =	vmul.f32 v21, v15;
	v21 =	vld.idx.msk [tilespmem:v27+s24+$0x0], $0xffff  }
0x13a: {  	v59 =	vor.u32 $0x2, v29;
	v38 =	vor.u32 $0x2, v30;
	v27 =	vld.idx.msk [tilespmem:v25+s24+$0x0], $0xffff  }
0x13b: {  	v17 =	vmul.f32 v17, v16;
	v13 =	vmul.f32 v9, v13;
	v9 =	vor.u32 $0x3, v31;
	v31 =	vld.idx.msk [tilespmem:v31+s24+$0x0], $0xffff  }
0x13c: {  	v35 =	vor.u32 $0x1, v30;
	v24 =	vor.u32 $0x3, v29;
	v23 =	vor.u32 $0x3, v30;
	v54 =	vld.idx.msk [tilespmem:v29+s23+$0x0], $0xffff  }
0x13d: {  	v25 =	vor.u32 $0x3, v25;
	v29 =	vld.idx.msk [tilespmem:v29+s24+$0x0], $0xffff;
	v14 =	vmul.f32 v15, v14;
	v16 =	vmul.f32 v17, v26  }
0x13e: {  	vm1 =	vle.f32 v17, v7;
	v15 =	vmul.f32 v13, v28;
	vm0 =	vle.f32 v13, v7;
	v39 =	vld.idx.msk [tilespmem:v22+s23+$0x0], $0xffff  }
0x13f: {  	v22 =	vld.idx.msk [tilespmem:v22+s24+$0x0], $0xffff;
	v36 =	vsub.f32 v36, v43;
	v37 =	vsub.f32 v37, v62;
	v13 =	vmul.f32 v14, v20  }
0x140: {  	v44 =	vld.idx.msk [tilespmem:v38+s23+$0x0], $0xffff;
	v26 =	vsub.f32 $0.0e+00, v16;
	v20 =	vmul.f32 $3.333333430e-01, v16;
	v28 =	vsub.f32 $0.0e+00, v15  }
0x141: {  	v38 =	vld.idx.msk [tilespmem:v38+s24+$0x0], $0xffff;
	v17 =	vmul.f32 $3.333333430e-01, v15;
	v34 =	vsub.f32 v19, v34;
	v40 =	vsub.f32 v21, v18  }
0x142: {  	v27 =	vsub.f32 v27, v58;
	v46 =	vshrl.u32 v36, $0x10;
	v55 =	vshrl.u32 v37, $0x10  }
0x143: {  	v31 =	vsub.f32 v31, v56;
	v18 =	vmul.f32 $1.442695020e+00, v26;
	v60 =	vsub.f32 $0.0e+00, v13  }
0x144: {  	v21 =	vmul.f32 $1.442695020e+00, v28;
	v19 =	vmul.f32 $3.333333430e-01, v13;
	v29 =	vsub.f32 v29, v54  }
0x145: {  	v33 =	vld.idx.msk [tilespmem:v59+s24+$0x0], $0xffff;
	v62 =	vand.u32 $0x1, v46;
	v28 =	vshrl.u32 v34, $0x10;
	v41 =	vshrl.u32 v40, $0x10  }
0x146: {  	v63 =	vld.idx.msk [tilespmem:v35+s23+$0x0], $0xffff;
	v42 =	vshrl.u32 v27, $0x10;
	v39 =	vsub.f32 v22, v39;
	v38 =	vsub.f32 v38, v44  }
0x147: {  	v26 =	vld.idx.msk [tilespmem:v59+s23+$0x0], $0xffff;
	v28 =	vand.u32 $0x1, v28;
	v41 =	vand.u32 $0x1, v41;
	v42 =	vand.u32 $0x1, v42  }
0x148: {  	v48 =	vld.idx.msk [tilespmem:v35+s24+$0x0], $0xffff;
	v22 =	vmul.f32 $1.442695020e+00, v60;
	(erf) = vpow2.f32 v18;
	v28 =	vadd.s32 v28, v34  }
0x149: {  	v61 =	vadd.s32 v41, v40;
	v27 =	vadd.s32 v42, v27;
	v51 =	vshrl.u32 v39, $0x10  }
0x14a: {  	v59 =	vshrl.u32 v38, $0x10;
	v28 =	vadd.s32 $0x7FFF, v28;
	v34 =	vadd.s32 $0x7FFF, v61  }
0x14b: {  	v27 =	vadd.s32 $0x7FFF, v27;
	v32 =	vand.u32 $0x1, v51;
	v28 =	vand.u32 $0xFFFF0000, v28  }
0x14c: {  	v34 =	vand.u32 $0xFFFF0000, v34;
	v27 =	vand.u32 $0xFFFF0000, v27;
	v26 =	vsub.f32 v33, v26  }
0x14d: {  	v33 =	vsub.f32 v48, v63;
	v48 =	vld.idx.msk [tilespmem:v30+s23+$0x0], $0xffff;
	v32 =	vadd.s32 v32, v39;
	v28 =	vmul.f32 v28, v2  }
0x14e: {  	v30 =	vld.idx.msk [tilespmem:v30+s24+$0x0], $0xffff;
	v34 =	vmul.f32 v34, v3;
	v27 =	vmul.f32 v27, v1;
	v32 =	vadd.s32 $0x7FFF, v32  }
0x14f: {  	v63 =	vld.idx.msk [tilespmem:v25+s23+$0x0], $0xffff;
	v45 =	vshrl.u32 v26, $0x10;
	v58 =	vshrl.u32 v33, $0x10;
	v49 =	vadd.f32 $1.258291200e+07, v28  }
0x150: {  	v32 =	vand.u32 $0xFFFF0000, v32;
	v50 =	vadd.f32 $1.258291200e+07, v34;
	v52 =	vadd.f32 $1.258291200e+07, v27  }
0x151: {  	v60 =	vand.u32 $0x1, v45;
	v61 =	vand.u32 $0x1, v58;
	v32 =	vmul.f32 v32, v2  }
0x152: {  	v26 =	vadd.s32 v60, v26;
	v35 =	vadd.f32 $-1.258291200e+07, v49;
	v42 =	vadd.f32 $-1.258291200e+07, v50  }
0x153: {  	v25 =	vld.idx.msk [tilespmem:v25+s24+$0x0], $0xffff;
	v33 =	vadd.s32 v61, v33;
	v53 =	vadd.f32 $-1.258291200e+07, v52;
	v30 =	vsub.f32 v30, v48  }
0x154: {  	v49 =	vshrl.u32 v31, $0x10;
	v26 =	vadd.s32 $0x7FFF, v26;
	v51 =	vmul.f32 $1.600000000e+01, v63  }
0x155: {  	v33 =	vadd.s32 $0x7FFF, v33;
	v54 =	vadd.f32 $1.258291200e+07, v32;
	v40 =	vand.u32 $0x1, v49  }
0x156: {  	v26 =	vand.u32 $0xFFFF0000, v26;
	v33 =	vand.u32 $0xFFFF0000, v33;
	v28 =	vsub.f32 v28, v35  }
0x157: {  	v34 =	vsub.f32 v34, v42;
	v27 =	vsub.f32 v27, v53;
	v35 =	vand.u32 $0x1, v55  }
0x158: {  	v48 =	vshrl.u32 v30, $0x10;
	v25 =	vadd.f32 v25, v51;
	v31 =	vadd.s32 v40, v31  }
0x159: {  	v26 =	vmul.f32 v26, v3;
	v33 =	vmul.f32 v33, v2;
	v40 =	vadd.f32 $-1.258291200e+07, v54  }
0x15a: {  	v35 =	vadd.s32 v35, v37;
	v57 =	vshrl.u32 v28, $0x10;
	v42 =	vshrl.u32 v34, $0x10  }
0x15b: {  	v58 =	vld.idx.msk [tilespmem:v23+s23+$0x0], $0xffff;
	v47 =	vshrl.u32 v27, $0x10;
	v41 =	vand.u32 $0x1, v57;
	v42 =	vand.u32 $0x1, v42  }
0x15c: {  	v47 =	vand.u32 $0x1, v47;
	v28 =	vadd.s32 v41, v28;
	v34 =	vadd.s32 v42, v34  }
0x15d: {  	v27 =	vadd.s32 v47, v27;
	v28 =	vadd.s32 $0x7FFF, v28;
	v34 =	vadd.s32 $0x7FFF, v34  }
0x15e: {  	v27 =	vadd.s32 $0x7FFF, v27;
	v28 =	vand.u32 $0xFFFF0000, v28;
	v34 =	vand.u32 $0xFFFF0000, v34  }
0x15f: {  	v27 =	vand.u32 $0xFFFF0000, v27;
	v28 =	vmul.f32 v28, v5;
	v34 =	vmul.f32 v34, v6  }
0x160: {  	v39 =	vand.u32 $0x1, v48;
	v43 =	vmul.f32 $1.600000000e+01, v58;
	v27 =	vmul.f32 v27, v4  }
0x161: {  	v23 =	vld.idx.msk [tilespmem:v23+s24+$0x0], $0xffff;
	v31 =	vadd.s32 $0x7FFF, v31;
	v28 =	vmul.f32 v28, v28;
	v34 =	vmul.f32 v34, v34  }
0x162: {  	v35 =	vadd.s32 $0x7FFF, v35;
	v25 =	vtrunc.f32 v25;
	v30 =	vadd.s32 v39, v30  }
0x163: {  	v31 =	vand.u32 $0xFFFF0000, v31;
	v27 =	vmul.f32 v27, v27;
	v28 =	vadd.f32 v34, v28  }
0x164: {  	v56 =	vadd.f32 $1.258291200e+07, v26;
	v32 =	vsub.f32 v32, v40;
	v25 =	vcvt.f32.s32 v25  }
0x165: {  	v35 =	vand.u32 $0xFFFF0000, v35;
	v30 =	vadd.s32 $0x7FFF, v30;
	v27 =	vadd.f32 v28, v27  }
0x166: {  	v53 =	vld.idx.msk [tilespmem:v24+s23+$0x0], $0xffff;
	v31 =	vmul.f32 v31, v1;
	v23 =	vadd.f32 v23, v43;
	v42 =	vand.u32 $0x1, v59  }
0x167: {  	v47 =	vshrl.u32 v29, $0x10;
	v44 =	vshrl.u32 v27, $0x1;
	v45 =	vmul.f32 $5.000000000e-01, v27  }
0x168: {  	v35 =	vmul.f32 v35, v3;
	v30 =	vand.u32 $0xFFFF0000, v30;
	v34 =	vsub.s32 $0x5F3759DF, v44  }
0x169: {  	v59 =	vadd.f32 $1.258291200e+07, v33;
	v40 =	vshrl.u32 v32, $0x10;
	v50 =	vmul.f32 v34, v45  }
0x16a: {  	v46 =	vadd.s32 v42, v38;
	v38 =	vand.u32 $0x1, v47;
	v30 =	vmul.f32 v30, v1  }
0x16b: {  	v39 =	vmul.f32 $1.600000000e+01, v53;
	v49 =	vadd.f32 $1.258291200e+07, v31;
	v41 =	vmul.f32 v34, v50  }
0x16c: {  	v40 =	vand.u32 $0x1, v40;
	v23 =	vtrunc.f32 v23;
	v29 =	vadd.s32 v38, v29  }
0x16d: {  	v29 =	vadd.s32 $0x7FFF, v29;
	v28 =	vadd.s32 v62, v36;
	v41 =	vsub.f32 $1.500000000e+00, v41  }
0x16e: {  	v37 =	vadd.s32 $0x7FFF, v46;
	v29 =	vand.u32 $0xFFFF0000, v29;
	v28 =	vadd.s32 $0x7FFF, v28  }
0x16f: {  	v29 =	vmul.f32 v29, v1;
	v28 =	vand.u32 $0xFFFF0000, v28;
	v34 =	vmul.f32 v34, v41  }
0x170: {  	v60 =	vadd.f32 $1.258291200e+07, v35;
	v37 =	vand.u32 $0xFFFF0000, v37;
	v28 =	vmul.f32 v28, v2  }
0x171: {  	v37 =	vmul.f32 v37, v3;
	v63 =	vadd.f32 $1.258291200e+07, v29;
	v36 =	vmul.f32 v34, v45  }
0x172: {  	v32 =	vadd.s32 v40, v32;
	v44 =	vadd.f32 $-1.258291200e+07, v59;
	v57 =	vadd.f32 $1.258291200e+07, v28  }
0x173: {  	v55 =	vld.idx.msk [tilespmem:v9+s23+$0x0], $0xffff;
	v61 =	vadd.f32 $1.258291200e+07, v37;
	v54 =	vadd.f32 $-1.258291200e+07, v63;
	v36 =	vmul.f32 v36, v34  }
0x174: {  	v32 =	vadd.s32 $0x7FFF, v32;
	v33 =	vsub.f32 v33, v44;
	v42 =	vadd.f32 $-1.258291200e+07, v57  }
0x175: {  	v9 =	vld.idx.msk [tilespmem:v9+s24+$0x0], $0xffff;
	v32 =	vand.u32 $0xFFFF0000, v32;
	v41 =	vadd.f32 $-1.258291200e+07, v56;
	v36 =	vsub.f32 $1.500000000e+00, v36  }
0x176: {  	v52 =	vld.idx.msk [tilespmem:v25+s20+$0x0], $0xffff;
	v29 =	vsub.f32 v29, v54;
	v59 =	vshrl.u32 v33, $0x10;
	v45 =	vadd.f32 $-1.258291200e+07, v60  }
0x177: {  	v28 =	vsub.f32 v28, v42;
	v26 =	vsub.f32 v26, v41;
	v34 =	vmul.f32 v36, v34  }
0x178: {  	v35 =	vsub.f32 v35, v45;
	v36 =	vmul.f32 $1.600000000e+01, v55;
	v55 =	vadd.f32 $-1.258291200e+07, v49  }
0x179: {  	v56 =	vshrl.u32 v28, $0x10;
	v53 =	vshrl.u32 v26, $0x10;
	v27 =	vmul.f32 v34, v27  }
0x17a: {  	v58 =	vshrl.u32 v35, $0x10;
	v34 =	vadd.f32 $-1.258291200e+07, v61;
	v31 =	vsub.f32 v31, v55  }
0x17b: {  	v61 =	vand.u32 $0x1, v56;
	v9 =	vadd.f32 v9, v36;
	v38 =	vmul.f32 v27, v52  }
0x17c: {  	v28 =	vadd.s32 v61, v28;
	v52 =	vadd.f32 $1.258291200e+07, v30;
	v34 =	vsub.f32 v37, v34  }
0x17d: {  	v37 =	vand.u32 $0x1, v53;
	vm2 =	vle.f32 v27, v7;
	v62 =	vsub.f32 $0.0e+00, v38  }
0x17e: {  	v27 =	vshrl.u32 v29, $0x10;
	v50 =	vshrl.u32 v31, $0x10;
	v9 =	vtrunc.f32 v9  }
0x17f: {  	v28 =	vadd.s32 $0x7FFF, v28;
	v18 =	vmul.f32 $3.333333430e-01, v38;
	v46 =	vmul.f32 $1.442695020e+00, v62  }
0x180: {  	v26 =	vadd.s32 v37, v26;
	v27 =	vand.u32 $0x1, v27;
	v28 =	vand.u32 $0xFFFF0000, v28  }
0x181: {  	v57 =	vadd.f32 $-1.258291200e+07, v52;
	v18 =	vadd.f32 $1.000000000e+00, v18;
	(erf) = vpow2.f32 v46  }
0x182: {  	v60 =	vshrl.u32 v34, $0x10;
	v26 =	vadd.s32 $0x7FFF, v26;
	v27 =	vadd.s32 v27, v29  }
0x183: {  	v28 =	vmul.f32 v28, v5;
	v63 =	vand.u32 $0x1, v60;
	v18 =	vmul.f32 v18, v38  }
0x184: {  	v25 =	vld.idx.msk [tilespmem:v25+s19+$0x0], $0xffff;
	v26 =	vand.u32 $0xFFFF0000, v26;
	v27 =	vadd.s32 $0x7FFF, v27;
	v30 =	vsub.f32 v30, v57  }
0x185: {  	v62 =	vand.u32 $0x1, v58;
	v49 =	vadd.s32 v63, v34;
	v18 =	vadd.f32 $1.000000000e+00, v18  }
0x186: {  	v34 =	vand.u32 $0x1, v50;
	v26 =	vmul.f32 v26, v6;
	v27 =	vand.u32 $0xFFFF0000, v27  }
0x187: {  	v28 =	vmul.f32 v28, v28;
	v35 =	vadd.s32 v62, v35;
	v29 =	vadd.s32 v34, v31  }
0x188: {  	v31 =	vmul.f32 v32, v5;
	v27 =	vmul.f32 v27, v4;
	v38 =	vand.u32 $0x1, v59  }
0x189: {  	v51 =	vshrl.u32 v30, $0x10;
	v35 =	vadd.s32 $0x7FFF, v35;
	v25 =	vmul.f32 v18, v25;
	v18 =	vpop (erf)  }
0x18a: {  	v29 =	vadd.s32 $0x7FFF, v29;
	v26 =	vmul.f32 v26, v26;
	v35 =	vand.u32 $0xFFFF0000, v35;
	v48 =	vpop (erf)  }
0x18b: {  	v31 =	vmul.f32 v31, v31;
	v37 =	vmul.f32 v25, v48;
	v25 =	vadd.s32 v38, v33  }
0x18c: {  	v24 =	vld.idx.msk [tilespmem:v24+s24+$0x0], $0xffff;
	v29 =	vand.u32 $0xFFFF0000, v29;
	v33 =	vadd.s32 $0x7FFF, v49;
	v25 =	vadd.s32 $0x7FFF, v25  }
0x18d: {  	v38 =	vand.u32 $0x1, v51;
	v33 =	vand.u32 $0xFFFF0000, v33;
	v25 =	vand.u32 $0xFFFF0000, v25  }
0x18e: {  	v30 =	vadd.s32 v38, v30;
	v33 =	vmul.f32 v33, v6;
	v25 =	vmul.f32 v25, v5  }
0x18f: {  	v52 =	vmul.f32 v35, v6;
	v29 =	vmul.f32 v29, v4;
	v30 =	vadd.s32 $0x7FFF, v30  }
0x190: {  	v30 =	vand.u32 $0xFFFF0000, v30;
	v33 =	vmul.f32 v33, v33;
	v25 =	vmul.f32 v25, v25  }
0x191: {  	v24 =	vadd.f32 v24, v39;
	v32 =	vmul.f32 v52, v52;
	v30 =	vmul.f32 v30, v4  }
0x192: {  	v26 =	vadd.f32 v26, v31;
	v31 =	vadd.f32 v33, v25;
	v25 =	vmul.f32 v27, v27  }
0x193: {  	v28 =	vadd.f32 v32, v28;
	v27 =	vmul.f32 v29, v29;
	v29 =	vmul.f32 v30, v30  }
0x194: {  	v60 =	vadd.f32 $1.000000000e+00, v20;
	v59 =	vcvt.f32.s32 v9;
	v26 =	vadd.f32 v26, v25  }
0x195: {  	v30 =	vtrunc.f32 v24;
	v25 =	vadd.f32 v28, v27;
	v24 =	vadd.f32 v31, v29  }
0x196: {  	v28 =	vcvt.f32.s32 v30;
	v27 =	vshrl.u32 v26, $0x1;
	v29 =	vmul.f32 $5.000000000e-01, v26  }
0x197: {  	v30 =	vshrl.u32 v25, $0x1;
	v31 =	vshrl.u32 v24, $0x1;
	v53 =	vmul.f32 $5.000000000e-01, v25  }
0x198: {  	v54 =	vmul.f32 $5.000000000e-01, v24;
	v55 =	vsub.s32 $0x5F3759DF, v27;
	v30 =	vsub.s32 $0x5F3759DF, v30  }
0x199: {  	v31 =	vsub.s32 $0x5F3759DF, v31;
	v27 =	vmul.f32 v55, v29;
	v56 =	vmul.f32 v30, v53  }
0x19a: {  	v62 =	vmul.f32 v60, v16;
	v58 =	vmul.f32 v31, v54  }
0x19b: {  	v10 =	vld.idx.msk [tilespmem:v10+s19+$0x0], $0xffff;
	v61 =	vadd.f32 $1.000000000e+00, v17;
	v20 =	vmul.f32 v55, v27;
	v35 =	vmul.f32 v30, v56  }
0x19c: {  	v63 =	vadd.f32 $1.000000000e+00, v19;
	v9 =	vld.idx.msk [tilespmem:v8+s19+$0x0], $0xffff;
	v17 =	vmul.f32 v31, v58;
	v27 =	vcvt.f32.s32 v23  }
0x19d: {  	s30 =	simm.s32 $0x12020;
	v8 =	vld.idx.msk [tilespmem:v12+s19+$0x0], $0xffff;
	(erf) = vpow2.f32 v21;
	v12 =	vsub.f32 $1.500000000e+00, v20;
	v23 =	vsub.f32 $1.500000000e+00, v35  }
0x19e: {  	[tilespmem:s30+$0x10] =	vst v11;
	v11 =	vmul.f32 v63, v13;
	v19 =	vld.idx.msk [tilespmem:v59+s20+$0x0], $0xffff;
	(erf) = vpow2.f32 v22;
	v21 =	vsub.f32 $1.500000000e+00, v17  }
0x19f: {  	v20 =	vld.idx.msk [tilespmem:v28+s20+$0x0], $0xffff;
	v22 =	vmul.f32 v55, v12;
	v16 =	vmul.f32 v30, v23  }
0x1a0: {  	vm5 =	vle.f32 v14, v7;
	v17 =	vld.idx.msk [tilespmem:v28+s19+$0x0], $0xffff;
	v14 =	vmul.f32 v31, v21;
	v30 =	vmul.f32 v61, v15  }
0x1a1: {  	s0 =	simm.s32 $0x12060;
	v57 =	vnsel vm2, $0x0, v37;
	v12 =	vld.idx.msk [tilespmem:v59+s19+$0x0], $0xffff;
	v28 =	vmul.f32 v22, v29;
	v29 =	vmul.f32 v16, v53  }
0x1a2: {  	s31 =	simm.s32 $0x12060;
	s1 =	simm.s32 $0x4;
	s17 =	simm.s32 $0x80;
	[tilespmem:s0+$0x10] =	vst v57;
	v15 =	vadd.f32 $1.000000000e+00, v62;
	v23 =	vmul.f32 v14, v54;
	v21 =	vld.idx.msk [tilespmem:v27+s20+$0x0], $0xffff;
	v13 =	vadd.f32 $1.000000000e+00, v30  }
.LBB2_3:
0x1a3: {  	v30 =	vmov s17;
	s12 =	sadd.s32 $0x10, s17;
	s13 =	sadd.s32 $0x20, s17;
	s11 =	sadd.s32 $0x30, s17;
	v33 =	vld.idx.msk [tilespmem:v27+s19+$0x0], $0xffff;
	v34 =	vmul.f32 v28, v22;
	v35 =	vmul.f32 v29, v16  }
0x1a4: {  	v27 =	vmov s12;
	v28 =	vmov s13;
	v29 =	vmov s11  }
0x1a5: {  	v27 =	vshll.u32 v27, $0x3;
	v31 =	vshll.u32 v28, $0x3;
	v28 =	vshll.u32 v29, $0x3  }
0x1a6: {  	s1 =	sadd.s32 $0x4, s1;
	v29 =	vshll.u32 v30, $0x3;
	v30 =	vor.u32 v0, v27;
	v27 =	vor.u32 v0, v28;
	v36 =	vpop (erf)  }
0x1a7: {  	p2 =	slt.u32 s1, $0x7C;
	v28 =	vor.u32 v0, v29;
	v37 =	vor.u32 v0, v31;
	v38 =	vor.u32 $0x1, v27;
	v39 =	vpop (erf)  }
0x1a8: {  	v40 =	vor.u32 $0x1, v30;
	v41 =	vor.u32 $0x2, v30;
	v42 =	vor.u32 $0x2, v27  }
0x1a9: {  	v43 =	vor.u32 $0x1, v28;
	v44 =	vor.u32 $0x1, v37;
	v45 =	vor.u32 $0x2, v37  }
0x1aa: {  	v46 =	vor.u32 $0x2, v28;
	v32 =	vor.u32 $0x3, v30;
	v31 =	vor.u32 $0x3, v37  }
0x1ab: {  	v23 =	vmul.f32 v23, v14;
	v34 =	vsub.f32 $1.500000000e+00, v34;
	v29 =	vor.u32 $0x3, v28;
	v47 =	vld.idx.msk [tilespmem:v27+s23+$0x0], $0xffff  }
0x1ac: {  	v15 =	vmul.f32 v15, v9;
	v9 =	vmovc v17;
	v11 =	vadd.f32 $1.000000000e+00, v11;
	v35 =	vsub.f32 $1.500000000e+00, v35;
	v48 =	vld.idx.msk [tilespmem:v38+s23+$0x0], $0xffff  }
0x1ad: {  	v13 =	vmul.f32 v13, v10;
	v17 =	vsub.f32 $1.500000000e+00, v23;
	v10 =	vmovc v12;
	v22 =	vmul.f32 v34, v22;
	v49 =	vld.idx.msk [tilespmem:v42+s23+$0x0], $0xffff  }
0x1ae: {  	vm4 =	vmmov vm1;
	v12 =	vmul.f32 v35, v16;
	v34 =	vmul.f32 v11, v8;
	v8 =	vmovc v33;
	v23 =	vld.idx.msk [tilespmem:v38+s24+$0x0], $0xffff  }
0x1af: {  	vm3 =	vmmov vm0;
	v11 =	vmul.f32 v17, v14;
	v22 =	vmul.f32 v22, v26;
	v33 =	vld.idx.msk [tilespmem:v42+s24+$0x0], $0xffff  }
0x1b0: {  	vm2 =	vmmov vm5;
	v16 =	vmul.f32 v15, v18;
	v25 =	vmul.f32 v12, v25;
	v26 =	vld.idx.msk [tilespmem:v27+s24+$0x0], $0xffff  }
0x1b1: {  	v17 =	vmul.f32 v11, v24;
	v14 =	vmul.f32 v22, v20;
	vm1 =	vle.f32 v22, v7;
	v35 =	vld.idx.msk [tilespmem:v40+s23+$0x0], $0xffff  }
0x1b2: {  	v15 =	vmul.f32 v13, v36;
	v12 =	vmul.f32 v25, v19;
	vm0 =	vle.f32 v25, v7;
	v24 =	vld.idx.msk [tilespmem:v41+s23+$0x0], $0xffff  }
0x1b3: {  	v11 =	vmul.f32 v17, v21;
	v22 =	vmul.f32 $3.333333430e-01, v14;
	v18 =	vsub.f32 $0.0e+00, v14;
	v25 =	vld.idx.msk [tilespmem:v40+s24+$0x0], $0xffff  }
0x1b4: {  	v13 =	vmul.f32 v34, v39;
	v20 =	vmul.f32 $3.333333430e-01, v12;
	v19 =	vsub.f32 $0.0e+00, v12;
	v36 =	vld.idx.msk [tilespmem:v41+s24+$0x0], $0xffff  }
0x1b5: {  	v18 =	vmul.f32 $1.442695020e+00, v18;
	v23 =	vsub.f32 v23, v48;
	v33 =	vsub.f32 v33, v49;
	v34 =	vld.idx.msk [tilespmem:v44+s23+$0x0], $0xffff  }
0x1b6: {  	v39 =	vsub.f32 $0.0e+00, v11;
	v19 =	vmul.f32 $1.442695020e+00, v19;
	v26 =	vsub.f32 v26, v47;
	v38 =	vld.idx.msk [tilespmem:v45+s23+$0x0], $0xffff  }
0x1b7: {  	v21 =	vmul.f32 $3.333333430e-01, v11;
	v41 =	vshrl.u32 v23, $0x10;
	v42 =	vshrl.u32 v33, $0x10;
	v40 =	vld.idx.msk [tilespmem:v44+s24+$0x0], $0xffff  }
0x1b8: {  	v41 =	vand.u32 $0x1, v41;
	v42 =	vand.u32 $0x1, v42;
	v44 =	vld.idx.msk [tilespmem:v45+s24+$0x0], $0xffff;
	v45 =	vshrl.u32 v26, $0x10  }
0x1b9: {  	v23 =	vadd.s32 v41, v23;
	v33 =	vadd.s32 v42, v33;
	v47 =	vld.idx.msk [tilespmem:v43+s23+$0x0], $0xffff;
	v45 =	vand.u32 $0x1, v45  }
0x1ba: {  	v23 =	vadd.s32 $0x7FFF, v23;
	v33 =	vadd.s32 $0x7FFF, v33;
	v41 =	vld.idx.msk [tilespmem:v46+s23+$0x0], $0xffff;
	v26 =	vadd.s32 v45, v26  }
0x1bb: {  	v23 =	vand.u32 $0xFFFF0000, v23;
	v33 =	vand.u32 $0xFFFF0000, v33;
	v42 =	vld.idx.msk [tilespmem:v43+s24+$0x0], $0xffff;
	v26 =	vadd.s32 $0x7FFF, v26  }
0x1bc: {  	v45 =	vmul.f32 v23, v2;
	v33 =	vmul.f32 v33, v3;
	v43 =	vld.idx.msk [tilespmem:v46+s24+$0x0], $0xffff;
	v26 =	vand.u32 $0xFFFF0000, v26  }
0x1bd: {  	v35 =	vsub.f32 v25, v35;
	v36 =	vsub.f32 v36, v24;
	v46 =	vld.idx.msk [tilespmem:v30+s23+$0x0], $0xffff;
	v24 =	vmul.f32 v26, v1  }
0x1be: {  	v23 =	vmul.f32 $1.442695020e+00, v39;
	v25 =	vadd.f32 $1.258291200e+07, v45;
	v26 =	vadd.f32 $1.258291200e+07, v33;
	v48 =	vld.idx.msk [tilespmem:v30+s24+$0x0], $0xffff  }
0x1bf: {  	v34 =	vsub.f32 v40, v34;
	v30 =	vshrl.u32 v35, $0x10;
	v39 =	vld.idx.msk [tilespmem:v37+s23+$0x0], $0xffff;
	v40 =	vadd.f32 $1.258291200e+07, v24  }
0x1c0: {  	v49 =	vshrl.u32 v36, $0x10;
	v25 =	vadd.f32 $-1.258291200e+07, v25;
	v26 =	vadd.f32 $-1.258291200e+07, v26;
	v37 =	vld.idx.msk [tilespmem:v37+s24+$0x0], $0xffff  }
0x1c1: {  	v38 =	vsub.f32 v44, v38;
	v51 =	vshrl.u32 v34, $0x10;
	v50 =	vld.idx.msk [tilespmem:v28+s23+$0x0], $0xffff;
	v40 =	vadd.f32 $-1.258291200e+07, v40  }
0x1c2: {  	v52 =	vand.u32 $0x1, v30;
	v25 =	vsub.f32 v45, v25;
	v33 =	vsub.f32 v33, v26;
	v44 =	vld.idx.msk [tilespmem:v28+s24+$0x0], $0xffff  }
0x1c3: {  	v42 =	vsub.f32 v42, v47;
	v45 =	vshrl.u32 v38, $0x10;
	v30 =	vld.idx.msk [tilespmem:v32+s23+$0x0], $0xffff;
	v40 =	vsub.f32 v24, v40  }
0x1c4: {  	v47 =	vor.u32 $0x3, v27;
	v24 =	vshrl.u32 v25, $0x10;
	v26 =	vshrl.u32 v33, $0x10;
	v28 =	vld.idx.msk [tilespmem:v31+s23+$0x0], $0xffff  }
0x1c5: {  	v24 =	vand.u32 $0x1, v24;
	v54 =	vand.u32 $0x1, v26;
	v27 =	vld.idx.msk [tilespmem:v29+s23+$0x0], $0xffff;
	v53 =	vshrl.u32 v40, $0x10  }
0x1c6: {  	v25 =	vadd.s32 v24, v25;
	v33 =	vadd.s32 v54, v33;
	v26 =	vld.idx.msk [tilespmem:v32+s24+$0x0], $0xffff;
	v32 =	vand.u32 $0x1, v53  }
0x1c7: {  	v33 =	vadd.s32 $0x7FFF, v33;
	v24 =	vld.idx.msk [tilespmem:v31+s24+$0x0], $0xffff;
	v31 =	vadd.s32 v32, v40;
	v32 =	vadd.s32 $0x7FFF, v25  }
0x1c8: {  	v25 =	vld.idx.msk [tilespmem:v29+s24+$0x0], $0xffff;
	v29 =	vadd.s32 $0x7FFF, v31;
	v31 =	vand.u32 $0xFFFF0000, v32;
	v32 =	vand.u32 $0xFFFF0000, v33  }
0x1c9: {  	v29 =	vand.u32 $0xFFFF0000, v29;
	v31 =	vmul.f32 v31, v5;
	v32 =	vmul.f32 v32, v6  }
0x1ca: {  	v40 =	vsub.f32 v43, v41;
	v33 =	vshrl.u32 v42, $0x10;
	v29 =	vmul.f32 v29, v4  }
0x1cb: {  	v41 =	vsub.f32 v48, v46;
	v31 =	vmul.f32 v31, v31;
	v32 =	vmul.f32 v32, v32  }
0x1cc: {  	v37 =	vsub.f32 v37, v39;
	v43 =	vsub.f32 v44, v50;
	v44 =	vshrl.u32 v40, $0x10  }
0x1cd: {  	v39 =	vand.u32 $0x1, v49;
	v29 =	vmul.f32 v29, v29;
	v31 =	vadd.f32 v32, v31  }
0x1ce: {  	v45 =	vand.u32 $0x1, v45;
	v32 =	vand.u32 $0x1, v33;
	v33 =	vand.u32 $0x1, v51;
	v46 =	vld.idx.msk [tilespmem:v47+s23+$0x0], $0xffff  }
0x1cf: {  	v35 =	vadd.s32 v52, v35;
	v44 =	vand.u32 $0x1, v44;
	v29 =	vadd.f32 v31, v29  }
0x1d0: {  	v33 =	vadd.s32 v33, v34;
	v34 =	vadd.s32 v45, v38;
	v31 =	vadd.s32 v39, v36;
	v36 =	vld.idx.msk [tilespmem:v47+s24+$0x0], $0xffff  }
0x1d1: {  	v32 =	vadd.s32 v32, v42;
	v38 =	vshrl.u32 v29, $0x1;
	v39 =	vmul.f32 $5.000000000e-01, v29  }
0x1d2: {  	v40 =	vadd.s32 v44, v40;
	v42 =	vshrl.u32 v41, $0x10;
	v38 =	vsub.s32 $0x5F3759DF, v38  }
0x1d3: {  	v44 =	vshrl.u32 v43, $0x10;
	v45 =	vshrl.u32 v37, $0x10;
	v47 =	vmul.f32 v38, v39  }
0x1d4: {  	v35 =	vadd.s32 $0x7FFF, v35;
	v31 =	vadd.s32 $0x7FFF, v31;
	v46 =	vmul.f32 $1.600000000e+01, v46  }
0x1d5: {  	v33 =	vadd.s32 $0x7FFF, v33;
	v34 =	vadd.s32 $0x7FFF, v34;
	v47 =	vmul.f32 v38, v47  }
0x1d6: {  	v40 =	vadd.s32 $0x7FFF, v40;
	v32 =	vadd.s32 $0x7FFF, v32;
	v36 =	vadd.f32 v36, v46  }
0x1d7: {  	v42 =	vand.u32 $0x1, v42;
	v45 =	vand.u32 $0x1, v45;
	v46 =	vsub.f32 $1.500000000e+00, v47  }
0x1d8: {  	v35 =	vand.u32 $0xFFFF0000, v35;
	v44 =	vand.u32 $0x1, v44;
	v36 =	vtrunc.f32 v36  }
0x1d9: {  	v31 =	vand.u32 $0xFFFF0000, v31;
	v36 =	vcvt.f32.s32 v36;
	v38 =	vmul.f32 v38, v46  }
0x1da: {  	v32 =	vand.u32 $0xFFFF0000, v32;
	v33 =	vand.u32 $0xFFFF0000, v33;
	v34 =	vand.u32 $0xFFFF0000, v34  }
0x1db: {  	v40 =	vand.u32 $0xFFFF0000, v40;
	v41 =	vadd.s32 v42, v41;
	v39 =	vmul.f32 v38, v39  }
0x1dc: {  	v35 =	vmul.f32 v35, v2;
	v42 =	vadd.s32 v44, v43;
	v37 =	vadd.s32 v45, v37  }
0x1dd: {  	v41 =	vadd.s32 $0x7FFF, v41;
	v31 =	vmul.f32 v31, v3;
	v39 =	vmul.f32 v39, v38  }
0x1de: {  	v37 =	vadd.s32 $0x7FFF, v37;
	v33 =	vmul.f32 v33, v2;
	v34 =	vmul.f32 v34, v3  }
0x1df: {  	v40 =	vmul.f32 v40, v3;
	v32 =	vmul.f32 v32, v2;
	v39 =	vsub.f32 $1.500000000e+00, v39;
	v43 =	vld.idx.msk [tilespmem:v36+s20+$0x0], $0xffff  }
0x1e0: {  	v42 =	vadd.s32 $0x7FFF, v42;
	v41 =	vand.u32 $0xFFFF0000, v41;
	v37 =	vand.u32 $0xFFFF0000, v37  }
0x1e1: {  	v44 =	vadd.f32 $1.258291200e+07, v35;
	v42 =	vand.u32 $0xFFFF0000, v42;
	v38 =	vmul.f32 v39, v38  }
0x1e2: {  	v45 =	vadd.f32 $1.258291200e+07, v33;
	v39 =	vmul.f32 v41, v1;
	v41 =	vadd.f32 $1.258291200e+07, v31  }
0x1e3: {  	v47 =	vadd.f32 $1.258291200e+07, v34;
	v46 =	vadd.f32 $1.258291200e+07, v32;
	v29 =	vmul.f32 v38, v29  }
0x1e4: {  	v37 =	vmul.f32 v37, v1;
	v38 =	vmul.f32 v42, v1;
	v42 =	vadd.f32 $1.258291200e+07, v40  }
0x1e5: {  	v44 =	vadd.f32 $-1.258291200e+07, v44;
	v41 =	vadd.f32 $-1.258291200e+07, v41;
	v43 =	vmul.f32 v29, v43  }
0x1e6: {  	v30 =	vmul.f32 $1.600000000e+01, v30;
	v45 =	vadd.f32 $-1.258291200e+07, v45;
	v47 =	vadd.f32 $-1.258291200e+07, v47  }
0x1e7: {  	v28 =	vmul.f32 $1.600000000e+01, v28;
	v46 =	vadd.f32 $-1.258291200e+07, v46;
	v48 =	vsub.f32 $0.0e+00, v43  }
0x1e8: {  	v27 =	vmul.f32 $1.600000000e+01, v27;
	v49 =	vadd.f32 $1.258291200e+07, v39;
	v42 =	vadd.f32 $-1.258291200e+07, v42  }
0x1e9: {  	v51 =	vadd.f32 $1.258291200e+07, v37;
	v50 =	vadd.f32 $1.258291200e+07, v38;
	v48 =	vmul.f32 $1.442695020e+00, v48  }
0x1ea: {  	v35 =	vsub.f32 v35, v44;
	v31 =	vsub.f32 v31, v41;
	(erf) = vpow2.f32 v18  }
0x1eb: {  	v33 =	vsub.f32 v33, v45;
	v18 =	vmul.f32 $3.333333430e-01, v43;
	(erf) = vpow2.f32 v48  }
0x1ec: {  	v34 =	vsub.f32 v34, v47;
	v32 =	vsub.f32 v32, v46;
	v41 =	vshrl.u32 v35, $0x10  }
0x1ed: {  	v40 =	vsub.f32 v40, v42;
	v42 =	vshrl.u32 v31, $0x10;
	v18 =	vadd.f32 $1.000000000e+00, v18;
	v36 =	vld.idx.msk [tilespmem:v36+s19+$0x0], $0xffff  }
0x1ee: {  	v45 =	vadd.f32 $-1.258291200e+07, v51;
	v46 =	vshrl.u32 v33, $0x10;
	v44 =	vadd.f32 $-1.258291200e+07, v49  }
0x1ef: {  	v47 =	vadd.f32 $-1.258291200e+07, v50;
	v48 =	vshrl.u32 v34, $0x10;
	v18 =	vmul.f32 v18, v43  }
0x1f0: {  	v39 =	vsub.f32 v39, v44;
	v49 =	vshrl.u32 v40, $0x10;
	v43 =	vshrl.u32 v32, $0x10  }
0x1f1: {  	v37 =	vsub.f32 v37, v45;
	v41 =	vand.u32 $0x1, v41;
	v50 =	vadd.f32 $1.000000000e+00, v18  }
0x1f2: {  	v44 =	vand.u32 $0x1, v46;
	v42 =	vand.u32 $0x1, v42;
	v38 =	vsub.f32 v38, v47  }
0x1f3: {  	v45 =	vand.u32 $0x1, v48;
	v43 =	vand.u32 $0x1, v43;
	v36 =	vmul.f32 v50, v36;
	v18 =	vpop (erf)  }
0x1f4: {  	v35 =	vadd.s32 v41, v35;
	v31 =	vadd.s32 v42, v31;
	v46 =	vand.u32 $0x1, v49;
	v41 =	vpop (erf)  }
0x1f5: {  	v33 =	vadd.s32 v44, v33;
	v34 =	vadd.s32 v45, v34;
	v36 =	vmul.f32 v36, v41  }
0x1f6: {  	vm5 =	vle.f32 v29, v7;
	v40 =	vadd.s32 v46, v40;
	v32 =	vadd.s32 v43, v32  }
0x1f7: {  	s0 =	sadd.s32 $0x40, s0;
	v29 =	vshrl.u32 v39, $0x10;
	v41 =	vshrl.u32 v37, $0x10;
	v36 =	vnsel vm5, $0x0, v36  }
0x1f8: {  	v35 =	vadd.s32 $0x7FFF, v35;
	v31 =	vadd.s32 $0x7FFF, v31;
	v42 =	vshrl.u32 v38, $0x10;
	[tilespmem:s0+$0x10] =	vst v36  }
0x1f9: {  	v33 =	vadd.s32 $0x7FFF, v33;
	v34 =	vadd.s32 $0x7FFF, v34;
	v32 =	vadd.s32 $0x7FFF, v32  }
0x1fa: {  	v29 =	vand.u32 $0x1, v29;
	v36 =	vadd.s32 $0x7FFF, v40;
	v40 =	vand.u32 $0x1, v41  }
0x1fb: {  	v35 =	vand.u32 $0xFFFF0000, v35;
	v31 =	vand.u32 $0xFFFF0000, v31;
	v41 =	vand.u32 $0x1, v42  }
0x1fc: {  	v33 =	vand.u32 $0xFFFF0000, v33;
	v34 =	vand.u32 $0xFFFF0000, v34;
	v32 =	vand.u32 $0xFFFF0000, v32  }
0x1fd: {  	v29 =	vadd.s32 v29, v39;
	v36 =	vand.u32 $0xFFFF0000, v36;
	v37 =	vadd.s32 v40, v37  }
0x1fe: {  	v35 =	vmul.f32 v35, v5;
	v31 =	vmul.f32 v31, v6;
	v38 =	vadd.s32 v41, v38  }
0x1ff: {  	v33 =	vmul.f32 v33, v5;
	v29 =	vadd.s32 $0x7FFF, v29;
	v34 =	vmul.f32 v34, v6  }
0x200: {  	v32 =	vmul.f32 v32, v5;
	v36 =	vmul.f32 v36, v6;
	v37 =	vadd.s32 $0x7FFF, v37  }
0x201: {  	v29 =	vand.u32 $0xFFFF0000, v29;
	v38 =	vadd.s32 $0x7FFF, v38;
	v37 =	vand.u32 $0xFFFF0000, v37  }
0x202: {  	v35 =	vmul.f32 v35, v35;
	v31 =	vmul.f32 v31, v31;
	v38 =	vand.u32 $0xFFFF0000, v38  }
0x203: {  	v26 =	vadd.f32 v26, v30;
	v30 =	vmul.f32 v33, v33;
	v33 =	vmul.f32 v34, v34  }
0x204: {  	v31 =	vadd.f32 v31, v35;
	v32 =	vmul.f32 v32, v32;
	v34 =	vmul.f32 v36, v36  }
0x205: {  	v29 =	vmul.f32 v29, v4;
	v30 =	vadd.f32 v33, v30;
	v35 =	vmul.f32 v37, v4  }
0x206: {  	v24 =	vadd.f32 v24, v28;
	v33 =	vmul.f32 v38, v4;
	v32 =	vadd.f32 v34, v32  }
0x207: {  	v27 =	vadd.f32 v25, v27;
	v25 =	vmul.f32 v29, v29;
	v28 =	vmul.f32 v35, v35  }
0x208: {  	v22 =	vadd.f32 $1.000000000e+00, v22;
	v29 =	vmul.f32 v33, v33;
	v33 =	vtrunc.f32 v26  }
0x209: {  	v26 =	vadd.f32 v31, v25;
	v25 =	vadd.f32 v30, v28;
	v28 =	vtrunc.f32 v24  }
0x20a: {  	v27 =	vtrunc.f32 v27;
	v24 =	vadd.f32 v32, v29;
	v29 =	vcvt.f32.s32 v33  }
0x20b: {  	v30 =	vshrl.u32 v26, $0x1;
	v31 =	vmul.f32 $5.000000000e-01, v26;
	v32 =	vshrl.u32 v25, $0x1  }
0x20c: {  	v33 =	vshrl.u32 v24, $0x1;
	v34 =	vmul.f32 $5.000000000e-01, v24;
	v35 =	vmul.f32 $5.000000000e-01, v25  }
0x20d: {  	v30 =	vsub.s32 $0x5F3759DF, v30;
	v33 =	vsub.s32 $0x5F3759DF, v33;
	v32 =	vsub.s32 $0x5F3759DF, v32  }
0x20e: {  	v38 =	vadd.f32 $1.000000000e+00, v20;
	v36 =	vmul.f32 v30, v31;
	v37 =	vmul.f32 v32, v35  }
0x20f: {  	v41 =	vadd.f32 $1.000000000e+00, v21;
	v40 =	vcvt.f32.s32 v28;
	v39 =	vmul.f32 v33, v34  }
0x210: {  	vm5 =	vle.f32 v17, v7;
	v21 =	vmul.f32 v30, v36;
	v28 =	vmul.f32 v32, v37;
	v20 =	vld.idx.msk [tilespmem:v29+s20+$0x0], $0xffff  }
0x211: {  	v16 =	vnsel vm4, $0x0, v16;
	v27 =	vcvt.f32.s32 v27;
	v36 =	vmul.f32 v33, v39;
	v17 =	vld.idx.msk [tilespmem:v29+s19+$0x0], $0xffff  }
0x212: {  	v21 =	vsub.f32 $1.500000000e+00, v21;
	v28 =	vsub.f32 $1.500000000e+00, v28;
	(erf) = vpow2.f32 v19;
	[tilespmem:s30+$0xFFFFFFF0] =	vst v16  }
.Ltmp0:
0x213: {  	v29 =	vmul.f32 v22, v14;
	v19 =	vsub.f32 $1.500000000e+00, v36;
	(erf) = vpow2.f32 v23;
	(pc) =	sbr.rel @p2 .LBB2_3-.Ltmp0, $4  }
0x214: {  	v22 =	vmul.f32 v30, v21;
	v21 =	vnsel vm3, $0x0, v15;
	v16 =	vmul.f32 v32, v28  }
0x215: {  	v30 =	vmul.f32 v38, v12;
	v15 =	vadd.f32 $1.000000000e+00, v29;
	v14 =	vmul.f32 v33, v19;
	v19 =	vld.idx.msk [tilespmem:v40+s20+$0x0], $0xffff;
	[tilespmem:s30+$0x0] =	vst v21  }
0x216: {  	v28 =	vmul.f32 v22, v31;
	v31 =	vnsel vm2, $0x0, v13;
	v29 =	vmul.f32 v16, v35;
	v12 =	vld.idx.msk [tilespmem:v40+s19+$0x0], $0xffff  }
0x217: {  	s17 =	sadd.s32 $0x40, s17;
	v11 =	vmul.f32 v41, v11;
	v13 =	vadd.f32 $1.000000000e+00, v30;
	v23 =	vmul.f32 v14, v34;
	v21 =	vld.idx.msk [tilespmem:v27+s20+$0x0], $0xffff;
	[tilespmem:s30+$0xFFFFFFE0] =	vst v31;
	s30 =	smov.u32 s31;
	s31 =	smov.u32 s0  }
0x218: {  	v28 =	vmul.f32 v28, v22  }
0x219: {  	v29 =	vmul.f32 v29, v16  }
0x21a: {  	v23 =	vmul.f32 v23, v14;
	v28 =	vsub.f32 $1.500000000e+00, v28  }
0x21b: {  	v29 =	vsub.f32 $1.500000000e+00, v29  }
0x21c: {  	v23 =	vsub.f32 $1.500000000e+00, v23;
	v40 =	vmul.f32 v28, v22  }
0x21d: {  	v41 =	vmul.f32 v29, v16  }
0x21e: {  	v42 =	vmul.f32 v23, v14;
	v22 =	vmul.f32 v40, v26  }
0x21f: {  	v16 =	vmul.f32 v41, v25  }
0x220: {  	v14 =	vmul.f32 v42, v24;
	v20 =	vmul.f32 v22, v20  }
0x221: {  	v19 =	vmul.f32 v16, v19  }
0x222: {  	v21 =	vmul.f32 v14, v21;
	v43 =	vsub.f32 $0.0e+00, v20  }
0x223: {  	v44 =	vsub.f32 $0.0e+00, v19  }
0x224: {  	v9 =	vmul.f32 v15, v9;
	v46 =	vsub.f32 $0.0e+00, v21;
	v45 =	vmul.f32 $1.442695020e+00, v43  }
0x225: {  	v47 =	vmul.f32 $3.333333430e-01, v20;
	v15 =	vmul.f32 $1.442695020e+00, v44  }
0x226: {  	vm1 =	vmmov vm1;
	v23 =	vmul.f32 $1.442695020e+00, v46;
	(erf) = vpow2.f32 v45  }
0x227: {  	vm0 =	vmmov vm0;
	v48 =	vmul.f32 $3.333333430e-01, v19;
	(erf) = vpow2.f32 v15  }
0x228: {  	v49 =	vmul.f32 $3.333333430e-01, v21;
	v24 =	vadd.f32 $1.000000000e+00, v47;
	(erf) = vpow2.f32 v23  }
0x229: {  	v10 =	vmul.f32 v13, v10;
	v11 =	vadd.f32 $1.000000000e+00, v11;
	v50 =	vadd.f32 $1.000000000e+00, v48  }
0x22a: {  	v9 =	vmul.f32 v9, v18;
	v51 =	vadd.f32 $1.000000000e+00, v49;
	v52 =	vmul.f32 v24, v20  }
0x22b: {  	v53 =	vld.idx.msk [tilespmem:v27+s19+$0x0], $0xffff;
	vm2 =	vmmov vm5;
	v8 =	vmul.f32 v11, v8;
	v54 =	vpop (erf);
	v11 =	vmul.f32 v50, v19  }
0x22c: {  	v55 =	vpop (erf);
	v10 =	vmul.f32 v10, v54;
	v13 =	vmul.f32 v51, v21;
	v15 =	vadd.f32 $1.000000000e+00, v52  }
0x22d: {  	v9 =	vnsel vm1, $0x0, v9;
	v8 =	vmul.f32 v8, v55;
	v11 =	vadd.f32 $1.000000000e+00, v11  }
0x22e: {  	v57 =	vnsel vm0, $0x0, v10;
	v13 =	vadd.f32 $1.000000000e+00, v13;
	v15 =	vmul.f32 v15, v17  }
0x22f: {  	v8 =	vnsel vm2, $0x0, v8;
	vm3 =	vle.f32 v22, v7;
	v11 =	vmul.f32 v11, v12;
	v56 =	vpop (erf)  }
0x230: {  	[tilespmem:s30+$0xFFFFFFF0] =	vst v9;
	vm4 =	vle.f32 v16, v7;
	v59 =	vmul.f32 v13, v53;
	v58 =	vpop (erf);
	v60 =	vmul.f32 v15, v56  }
0x231: {  	p2 =	seq.s32 s29, $0x30;
	[tilespmem:s30+$0x0] =	vst v57;
	vm12 =	vle.f32 v14, v7;
	vm13 =	vmmov vm3;
	v61 =	vpop (erf);
	v10 =	vmul.f32 v11, v58  }
.Ltmp1:
0x232: {  	[tilespmem:s30+$0xFFFFFFE0] =	vst v8;
	s30 =	sshll.u32 s29, $0xC;
	vm14 =	vmmov vm4;
	v8 =	vmul.f32 v59, v61;
	v62 =	vnsel vm13, $0x0, v60;
	(pc) =	sbr.rel @p2 .LBB2_6-.Ltmp1, $4  }
0x233: {  	s0 =	sadd.s32 s9, s30;
	vm15 =	vmmov vm12;
	[tilespmem:s31+$0xFFFFFFF0] =	vst v62;
	v63 =	vnsel vm14, $0x0, v10  }
0x234: {  	s0 =	sshrl.u32 s0, $0x3;
	[tilespmem:s31+$0x0] =	vst v63;
	v8 =	vnsel vm15, $0x0, v8  }
0x235: {  	s1 =	simm.s32 $0x12000;
	s0 =	sadd.s32 s8, s0;
	[tilespmem:s31+$0xFFFFFFE0] =	vst v8  }
0x236: {  	[hbm4b:s0+s3] =	stream.linear.scatter [tilespmem:s1], [sflag:$0x7], $0x800, $0x38;
	[tilespmem:$0x1F5D0] =	vst v63  }
0x237: {  	s0 =	sshll.u32 s29, $0xD;
	s1 =	rddreg [dreg:$0x9]  }
0x238: {  	s0 =	sadd.s32 s0, s1  }
0x239: {  	s0 =	sshrl.u32 s0, $0x3  }
0x23a: {  	s0 =	sadd.s32 s4, s0  }
0x23b: {  	[tilespmem:s3], [sflag:$0x1] =	stream.linear.gather [hbm4b:s0+s3], $0x1000, $0x38;
	[tilespmem:$0x1F5D0] =	vst v63  }
0x23c: {  	_ =	swait.ge [sflag:s21], $0x1000  }
0x23d: {  	[sflag:s21] =	ssyncset.done $0x0  }
0x23e: {  	[sflag:s21] =	ssyncadd.s32 $0xFFFFF000  }
0x23f: {  	[tilespmem:s23], [sflag:$0x3] =	stream.indirect.gather [spmem:s2], $0x8, s3, s22, $0xb8;
	[tilespmem:$0x1F5D0] =	vst v63  }
0x240: {  	_ = 	snop  }
0x241: {  	[tilespmem:s24], [sflag:$0x4] =	stream.indirect.gather [spmem:s2], $0x8, s22, s22, $0xb8;
	[tilespmem:$0x1F5D0] =	vst v63  }
0x242: {  	s11 =	simm.s32 $0x100;
	s12 =	simm.s32 $0x2400  }
0x243: {  	[tilespmem:s12], [sflag:$0x3] =	stream.indirect.gather [spmem:s2], $0x8, s11, s22, $0xb8;
	[tilespmem:$0x1F5D0] =	vst v63  }
0x244: {  	s13 =	simm.s32 $0x180;
	s17 =	simm.s32 $0x6400  }
0x245: {  	[tilespmem:s17], [sflag:$0x4] =	stream.indirect.gather [spmem:s2], $0x8, s13, s22, $0xb8;
	[tilespmem:$0x1F5D0] =	vst v63  }
0x246: {  	s18 =	simm.s32 $0x200;
	s31 =	simm.s32 $0x2800  }
0x247: {  	[tilespmem:s31], [sflag:$0x3] =	stream.indirect.gather [spmem:s2], $0x8, s18, s22, $0xb8;
	[tilespmem:$0x1F5D0] =	vst v63  }
0x248: {  	s11 =	simm.s32 $0x280;
	s12 =	simm.s32 $0x6800  }
0x249: {  	[tilespmem:s12], [sflag:$0x4] =	stream.indirect.gather [spmem:s2], $0x8, s11, s22, $0xb8;
	[tilespmem:$0x1F5D0] =	vst v63  }
0x24a: {  	s13 =	simm.s32 $0x300;
	s17 =	simm.s32 $0x2C00  }
0x24b: {  	[tilespmem:s17], [sflag:$0x3] =	stream.indirect.gather [spmem:s2], $0x8, s13, s22, $0xb8;
	[tilespmem:$0x1F5D0] =	vst v63  }
0x24c: {  	s18 =	simm.s32 $0x380;
	s31 =	simm.s32 $0x6C00  }
0x24d: {  	[tilespmem:s31], [sflag:$0x4] =	stream.indirect.gather [spmem:s2], $0x8, s18, s22, $0xb8;
	[tilespmem:$0x1F5D0] =	vst v63  }
0x24e: {  	s11 =	simm.s32 $0x400;
	s12 =	simm.s32 $0x3000  }
0x24f: {  	[tilespmem:s12], [sflag:$0x3] =	stream.indirect.gather [spmem:s2], $0x8, s11, s22, $0xb8;
	[tilespmem:$0x1F5D0] =	vst v63  }
0x250: {  	s13 =	simm.s32 $0x480;
	s17 =	simm.s32 $0x7000  }
0x251: {  	[tilespmem:s17], [sflag:$0x4] =	stream.indirect.gather [spmem:s2], $0x8, s13, s22, $0xb8;
	[tilespmem:$0x1F5D0] =	vst v63  }
0x252: {  	s18 =	simm.s32 $0x500;
	s31 =	simm.s32 $0x3400  }
0x253: {  	[tilespmem:s31], [sflag:$0x3] =	stream.indirect.gather [spmem:s2], $0x8, s18, s22, $0xb8;
	[tilespmem:$0x1F5D0] =	vst v63  }
0x254: {  	s11 =	simm.s32 $0x580;
	s12 =	simm.s32 $0x7400  }
0x255: {  	[tilespmem:s12], [sflag:$0x4] =	stream.indirect.gather [spmem:s2], $0x8, s11, s22, $0xb8;
	[tilespmem:$0x1F5D0] =	vst v63  }
0x256: {  	s13 =	simm.s32 $0x600;
	s17 =	simm.s32 $0x3800  }
0x257: {  	[tilespmem:s17], [sflag:$0x3] =	stream.indirect.gather [spmem:s2], $0x8, s13, s22, $0xb8;
	[tilespmem:$0x1F5D0] =	vst v63  }
0x258: {  	s18 =	simm.s32 $0x680;
	s31 =	simm.s32 $0x7800  }
0x259: {  	[tilespmem:s31], [sflag:$0x4] =	stream.indirect.gather [spmem:s2], $0x8, s18, s22, $0xb8;
	[tilespmem:$0x1F5D0] =	vst v63  }
0x25a: {  	s11 =	simm.s32 $0x700;
	s12 =	simm.s32 $0x3C00  }
0x25b: {  	[tilespmem:s12], [sflag:$0x3] =	stream.indirect.gather [spmem:s2], $0x8, s11, s22, $0xb8;
	[tilespmem:$0x1F5D0] =	vst v63  }
0x25c: {  	s13 =	simm.s32 $0x780;
	s17 =	simm.s32 $0x7C00  }
0x25d: {  	[tilespmem:s17], [sflag:$0x4] =	stream.indirect.gather [spmem:s2], $0x8, s13, s22, $0xb8;
	[tilespmem:$0x1F5D0] =	vst v63  }
0x25e: {  	s18 =	simm.s32 $0x800;
	s31 =	simm.s32 $0x4000  }
0x25f: {  	[tilespmem:s31], [sflag:$0x3] =	stream.indirect.gather [spmem:s2], $0x8, s18, s22, $0xb8;
	[tilespmem:$0x1F5D0] =	vst v63  }
0x260: {  	s11 =	simm.s32 $0x880;
	s12 =	simm.s32 $0x8000  }
0x261: {  	[tilespmem:s12], [sflag:$0x4] =	stream.indirect.gather [spmem:s2], $0x8, s11, s22, $0xb8;
	[tilespmem:$0x1F5D0] =	vst v63  }
0x262: {  	s13 =	simm.s32 $0x900;
	s17 =	simm.s32 $0x4400  }
0x263: {  	[tilespmem:s17], [sflag:$0x3] =	stream.indirect.gather [spmem:s2], $0x8, s13, s22, $0xb8;
	[tilespmem:$0x1F5D0] =	vst v63  }
0x264: {  	s18 =	simm.s32 $0x980;
	s31 =	simm.s32 $0x8400  }
0x265: {  	[tilespmem:s31], [sflag:$0x4] =	stream.indirect.gather [spmem:s2], $0x8, s18, s22, $0xb8;
	[tilespmem:$0x1F5D0] =	vst v63  }
0x266: {  	s11 =	simm.s32 $0xA00;
	s12 =	simm.s32 $0x4800  }
0x267: {  	[tilespmem:s12], [sflag:$0x3] =	stream.indirect.gather [spmem:s2], $0x8, s11, s22, $0xb8;
	[tilespmem:$0x1F5D0] =	vst v63  }
0x268: {  	s13 =	simm.s32 $0xA80;
	s17 =	simm.s32 $0x8800  }
0x269: {  	[tilespmem:s17], [sflag:$0x4] =	stream.indirect.gather [spmem:s2], $0x8, s13, s22, $0xb8;
	[tilespmem:$0x1F5D0] =	vst v63  }
0x26a: {  	s18 =	simm.s32 $0xB00;
	s31 =	simm.s32 $0x4C00  }
0x26b: {  	[tilespmem:s31], [sflag:$0x3] =	stream.indirect.gather [spmem:s2], $0x8, s18, s22, $0xb8;
	[tilespmem:$0x1F5D0] =	vst v63  }
0x26c: {  	s11 =	simm.s32 $0xB80;
	s12 =	simm.s32 $0x8C00  }
0x26d: {  	[tilespmem:s12], [sflag:$0x4] =	stream.indirect.gather [spmem:s2], $0x8, s11, s22, $0xb8;
	[tilespmem:$0x1F5D0] =	vst v63  }
0x26e: {  	s13 =	simm.s32 $0xC00;
	s17 =	simm.s32 $0x5000  }
0x26f: {  	[tilespmem:s17], [sflag:$0x3] =	stream.indirect.gather [spmem:s2], $0x8, s13, s22, $0xb8;
	[tilespmem:$0x1F5D0] =	vst v63  }
0x270: {  	s18 =	simm.s32 $0xC80;
	s31 =	simm.s32 $0x9000  }
0x271: {  	[tilespmem:s31], [sflag:$0x4] =	stream.indirect.gather [spmem:s2], $0x8, s18, s22, $0xb8;
	[tilespmem:$0x1F5D0] =	vst v63  }
0x272: {  	s11 =	simm.s32 $0xD00;
	s12 =	simm.s32 $0x5400  }
0x273: {  	[tilespmem:s12], [sflag:$0x3] =	stream.indirect.gather [spmem:s2], $0x8, s11, s22, $0xb8;
	[tilespmem:$0x1F5D0] =	vst v63  }
0x274: {  	s13 =	simm.s32 $0xD80;
	s17 =	simm.s32 $0x9400  }
0x275: {  	[tilespmem:s17], [sflag:$0x4] =	stream.indirect.gather [spmem:s2], $0x8, s13, s22, $0xb8;
	[tilespmem:$0x1F5D0] =	vst v63  }
0x276: {  	s18 =	simm.s32 $0xE00;
	s31 =	simm.s32 $0x5800  }
0x277: {  	[tilespmem:s31], [sflag:$0x3] =	stream.indirect.gather [spmem:s2], $0x8, s18, s22, $0xb8;
	[tilespmem:$0x1F5D0] =	vst v63  }
0x278: {  	s1 =	simm.s32 $0xE80;
	s11 =	simm.s32 $0x9800;
	s31 =	rddreg [dreg:$0xa]  }
0x279: {  	[tilespmem:s11], [sflag:$0x4] =	stream.indirect.gather [spmem:s2], $0x8, s1, s22, $0xb8;
	[tilespmem:$0x1F5D0] =	vst v63  }
0x27a: {  	s12 =	simm.s32 $0xF00;
	s13 =	simm.s32 $0x5C00;
	s0 =	sadd.s32 s30, s31  }
0x27b: {  	[tilespmem:s13], [sflag:$0x3] =	stream.indirect.gather [spmem:s2], $0x8, s12, s22, $0xb8;
	[tilespmem:$0x1F5D0] =	vst v63  }
0x27c: {  	s17 =	simm.s32 $0xF80;
	s18 =	simm.s32 $0x9C00;
	s0 =	sshrl.u32 s0, $0x2  }
0x27d: {  	[tilespmem:s18], [sflag:$0x4] =	stream.indirect.gather [spmem:s2], $0x8, s17, s22, $0xb8;
	[tilespmem:$0x1F5D0] =	vst v63  }
0x27e: {  	s0 =	sadd.s32 s4, s0  }
0x27f: {  	[tilespmem:s5], [sflag:$0x2] =	stream.linear.gather [hbm4b:s0+s3], $0x1000, $0x38;
	[tilespmem:$0x1F5D0] =	vst v63  }
.LBB2_6:
0x280: {  	_ =	swait.ge [sflag:s25], $0x4000  }
0x281: {  	s0 =	simm.s32 $0x30;
	[sflag:s25] =	ssyncset.done $0x0  }
0x282: {  	v8 =	vmov s0;
	[sflag:s25] =	ssyncadd.s32 $0xFFFFC000  }
0x283: {  	v8 =	vshll.u32 v8, $0x3;
	_ =	swait.ge [sflag:s26], $0x4000  }
0x284: {  	v11 =	vor.u32 v0, v8;
	[sflag:s26] =	ssyncset.done $0x0  }
0x285: {  	s0 =	simm.s32 @!p1 $0x8;
	v8 =	vor.u32 $0x1, v11;
	[sflag:s26] =	ssyncadd.s32 $0xFFFFC000  }
0x286: {  	s1 =	simm.s32 $0x10;
	v9 =	vor.u32 $0x2, v11;
	_ =	swait.ge @!p1 [sflag:s0], $0x800  }
0x287: {  	v10 =	vmov s1;
	[sflag:s0] =	ssyncset.done @!p1 $0x0  }
0x288: {  	v10 =	vshll.u32 v10, $0x3;
	[sflag:s0] =	ssyncadd.s32 @!p1 $0xFFFFF800  }
0x289: {  	v15 =	vor.u32 v0, v10;
	v12 =	vld.idx.msk [tilespmem:v11+s7+$0x0], $0xffff  }
0x28a: {  	s11 =	simm.s32 $0x20;
	v16 =	vor.u32 $0x1, v15;
	v13 =	vld.idx.msk [tilespmem:v8+s7+$0x0], $0xffff  }
0x28b: {  	v10 =	vmov s11;
	v17 =	vor.u32 $0x2, v15;
	v14 =	vld.idx.msk [tilespmem:v9+s7+$0x0], $0xffff  }
0x28c: {  	s12 =	simm.s32 $0x0;
	v10 =	vshll.u32 v10, $0x3;
	v8 =	vld.idx.msk [tilespmem:v8+s15+$0x0], $0xffff  }
0x28d: {  	v19 =	vmov s12;
	v20 =	vor.u32 v0, v10;
	v9 =	vld.idx.msk [tilespmem:v9+s15+$0x0], $0xffff  }
0x28e: {  	v10 =	vshll.u32 v19, $0x3;
	v19 =	vor.u32 $0x1, v20;
	v18 =	vld.idx.msk [tilespmem:v11+s15+$0x0], $0xffff  }
0x28f: {  	v21 =	vld.idx.msk [tilespmem:v16+s7+$0x0], $0xffff  }
0x290: {  	v22 =	vld.idx.msk [tilespmem:v17+s7+$0x0], $0xffff  }
0x291: {  	v16 =	vld.idx.msk [tilespmem:v16+s15+$0x0], $0xffff  }
0x292: {  	v17 =	vld.idx.msk [tilespmem:v17+s15+$0x0], $0xffff  }
0x293: {  	v26 =	vld.idx.msk [tilespmem:v19+s7+$0x0], $0xffff  }
0x294: {  	v19 =	vld.idx.msk [tilespmem:v19+s15+$0x0], $0xffff;
	v9 =	vsub.f32 v9, v14;
	v14 =	vor.u32 $0x2, v20  }
0x295: {  	v10 =	vor.u32 v0, v10;
	v11 =	vor.u32 $0x3, v11;
	v8 =	vsub.f32 v8, v13  }
0x296: {  	v13 =	vor.u32 $0x1, v10;
	v12 =	vsub.f32 v18, v12;
	v18 =	vor.u32 $0x2, v10  }
0x297: {  	v16 =	vsub.f32 v16, v21;
	v17 =	vsub.f32 v17, v22;
	v23 =	vshrl.u32 v8, $0x10  }
0x298: {  	v24 =	vshrl.u32 v9, $0x10;
	v25 =	vshrl.u32 v12, $0x10;
	v23 =	vand.u32 $0x1, v23  }
0x299: {  	v19 =	vsub.f32 v19, v26;
	v24 =	vand.u32 $0x1, v24;
	v8 =	vadd.s32 v23, v8;
	v23 =	vld.idx.msk [tilespmem:v14+s7+$0x0], $0xffff  }
0x29a: {  	v28 =	vshrl.u32 v16, $0x10;
	v25 =	vand.u32 $0x1, v25;
	v9 =	vadd.s32 v24, v9;
	v14 =	vld.idx.msk [tilespmem:v14+s15+$0x0], $0xffff  }
0x29b: {  	v12 =	vadd.s32 v25, v12;
	v8 =	vadd.s32 $0x7FFF, v8;
	v9 =	vadd.s32 $0x7FFF, v9;
	v21 =	vld.idx.msk [tilespmem:v13+s7+$0x0], $0xffff  }
0x29c: {  	v12 =	vadd.s32 $0x7FFF, v12;
	v13 =	vld.idx.msk [tilespmem:v13+s15+$0x0], $0xffff;
	v8 =	vand.u32 $0xFFFF0000, v8;
	v9 =	vand.u32 $0xFFFF0000, v9  }
0x29d: {  	v30 =	vld.idx.msk [tilespmem:v18+s7+$0x0], $0xffff;
	v12 =	vand.u32 $0xFFFF0000, v12;
	v24 =	vmul.f32 v8, v2;
	v25 =	vmul.f32 v9, v3  }
0x29e: {  	v29 =	vshrl.u32 v17, $0x10;
	v31 =	vshrl.u32 v19, $0x10;
	v18 =	vld.idx.msk [tilespmem:v18+s15+$0x0], $0xffff;
	v12 =	vmul.f32 v12, v1  }
0x29f: {  	v9 =	vor.u32 $0x3, v15;
	v22 =	vadd.f32 $1.258291200e+07, v24;
	v27 =	vadd.f32 $1.258291200e+07, v25  }
0x2a0: {  	v8 =	vor.u32 $0x3, v20;
	v26 =	vadd.f32 $1.258291200e+07, v12;
	v14 =	vsub.f32 v14, v23  }
0x2a1: {  	v23 =	vand.u32 $0x1, v28;
	v13 =	vsub.f32 v13, v21;
	v22 =	vadd.f32 $-1.258291200e+07, v22  }
0x2a2: {  	v27 =	vadd.f32 $-1.258291200e+07, v27;
	v26 =	vadd.f32 $-1.258291200e+07, v26;
	v16 =	vadd.s32 v23, v16  }
0x2a3: {  	v18 =	vsub.f32 v18, v30;
	v16 =	vadd.s32 $0x7FFF, v16;
	v22 =	vsub.f32 v24, v22  }
0x2a4: {  	v24 =	vsub.f32 v25, v27;
	v12 =	vsub.f32 v12, v26;
	v25 =	vld.idx.msk [tilespmem:v15+s7+$0x0], $0xffff;
	v16 =	vand.u32 $0xFFFF0000, v16  }
0x2a5: {  	v30 =	vshrl.u32 v13, $0x10;
	v15 =	vld.idx.msk [tilespmem:v15+s15+$0x0], $0xffff;
	v16 =	vmul.f32 v16, v2;
	v21 =	vshrl.u32 v22, $0x10  }
0x2a6: {  	v26 =	vshrl.u32 v24, $0x10;
	v27 =	vshrl.u32 v12, $0x10;
	v21 =	vand.u32 $0x1, v21  }
0x2a7: {  	v26 =	vand.u32 $0x1, v26;
	v27 =	vand.u32 $0x1, v27;
	v21 =	vadd.s32 v21, v22  }
0x2a8: {  	v28 =	vld.idx.msk [tilespmem:v10+s7+$0x0], $0xffff;
	v22 =	vadd.s32 v26, v24;
	v12 =	vadd.s32 v27, v12;
	v27 =	vshrl.u32 v14, $0x10  }
0x2a9: {  	v24 =	vld.idx.msk [tilespmem:v10+s15+$0x0], $0xffff;
	v10 =	vor.u32 $0x3, v10;
	v21 =	vadd.s32 $0x7FFF, v21;
	v22 =	vadd.s32 $0x7FFF, v22  }
0x2aa: {  	v12 =	vadd.s32 $0x7FFF, v12;
	v15 =	vsub.f32 v15, v25;
	v25 =	vshrl.u32 v18, $0x10  }
0x2ab: {  	v26 =	vld.idx.msk [tilespmem:v20+s7+$0x0], $0xffff;
	v27 =	vand.u32 $0x1, v27;
	v21 =	vand.u32 $0xFFFF0000, v21;
	v22 =	vand.u32 $0xFFFF0000, v22  }
0x2ac: {  	v20 =	vld.idx.msk [tilespmem:v20+s15+$0x0], $0xffff;
	v12 =	vand.u32 $0xFFFF0000, v12;
	v21 =	vmul.f32 v21, v5;
	v22 =	vmul.f32 v22, v6  }
0x2ad: {  	v25 =	vand.u32 $0x1, v25;
	v14 =	vadd.s32 v27, v14;
	v12 =	vmul.f32 v12, v4  }
0x2ae: {  	v18 =	vadd.s32 v25, v18;
	v21 =	vmul.f32 v21, v21;
	v22 =	vmul.f32 v22, v22  }
0x2af: {  	v25 =	vshrl.u32 v15, $0x10;
	v14 =	vadd.s32 $0x7FFF, v14;
	v18 =	vadd.s32 $0x7FFF, v18  }
0x2b0: {  	v25 =	vand.u32 $0x1, v25;
	v12 =	vmul.f32 v12, v12;
	v21 =	vadd.f32 v22, v21  }
0x2b1: {  	v14 =	vand.u32 $0xFFFF0000, v14;
	v24 =	vsub.f32 v24, v28;
	v20 =	vsub.f32 v20, v26  }
0x2b2: {  	v26 =	vand.u32 $0x1, v30;
	v28 =	vand.u32 $0x1, v31;
	v12 =	vadd.f32 v21, v12  }
0x2b3: {  	v18 =	vand.u32 $0xFFFF0000, v18;
	v15 =	vadd.s32 v25, v15;
	v22 =	vand.u32 $0x1, v29;
	v21 =	vld.idx.msk [tilespmem:v11+s7+$0x0], $0xffff  }
0x2b4: {  	v29 =	vld.idx.msk [tilespmem:v9+s7+$0x0], $0xffff;
	v17 =	vadd.s32 v22, v17;
	v22 =	vshrl.u32 v12, $0x1;
	v23 =	vmul.f32 $5.000000000e-01, v12  }
0x2b5: {  	v14 =	vmul.f32 v14, v3;
	v19 =	vadd.s32 v28, v19;
	v11 =	vld.idx.msk [tilespmem:v11+s15+$0x0], $0xffff;
	v22 =	vsub.s32 $0x5F3759DF, v22  }
0x2b6: {  	v13 =	vadd.s32 v26, v13;
	v15 =	vadd.s32 $0x7FFF, v15;
	v9 =	vld.idx.msk [tilespmem:v9+s15+$0x0], $0xffff;
	v26 =	vmul.f32 v22, v23  }
0x2b7: {  	v27 =	vshrl.u32 v24, $0x10;
	v28 =	vshrl.u32 v20, $0x10;
	v19 =	vadd.s32 $0x7FFF, v19  }
0x2b8: {  	v13 =	vadd.s32 $0x7FFF, v13;
	v21 =	vmul.f32 $1.600000000e+01, v21;
	v26 =	vmul.f32 v22, v26  }
0x2b9: {  	v27 =	vand.u32 $0x1, v27;
	v17 =	vadd.s32 $0x7FFF, v17;
	v29 =	vmul.f32 $1.600000000e+01, v29  }
0x2ba: {  	v17 =	vand.u32 $0xFFFF0000, v17;
	v11 =	vadd.f32 v11, v21;
	v21 =	vsub.f32 $1.500000000e+00, v26  }
0x2bb: {  	v17 =	vmul.f32 v17, v3;
	v9 =	vadd.f32 v9, v29;
	v26 =	vand.u32 $0x1, v28  }
0x2bc: {  	v11 =	vtrunc.f32 v11;
	v20 =	vadd.s32 v26, v20;
	v21 =	vmul.f32 v22, v21  }
0x2bd: {  	v22 =	vcvt.f32.s32 v11;
	v11 =	vand.u32 $0xFFFF0000, v13;
	v13 =	vand.u32 $0xFFFF0000, v19  }
0x2be: {  	v26 =	vadd.f32 $1.258291200e+07, v17;
	v20 =	vadd.s32 $0x7FFF, v20;
	v13 =	vmul.f32 v13, v2  }
0x2bf: {  	v20 =	vand.u32 $0xFFFF0000, v20;
	v19 =	vmul.f32 v21, v23;
	v23 =	vadd.s32 v27, v24  }
0x2c0: {  	v26 =	vadd.f32 $-1.258291200e+07, v26;
	v24 =	vmul.f32 v11, v2;
	v11 =	vadd.s32 $0x7FFF, v23  }
0x2c1: {  	v23 =	vadd.f32 $1.258291200e+07, v16;
	v27 =	vadd.f32 $1.258291200e+07, v13;
	v19 =	vmul.f32 v19, v21  }
0x2c2: {  	v20 =	vmul.f32 v20, v1;
	v17 =	vsub.f32 v17, v26;
	v28 =	vadd.f32 $1.258291200e+07, v24  }
0x2c3: {  	v18 =	vmul.f32 v18, v3;
	v23 =	vadd.f32 $-1.258291200e+07, v23;
	v19 =	vsub.f32 $1.500000000e+00, v19  }
0x2c4: {  	v15 =	vand.u32 $0xFFFF0000, v15;
	v33 =	vadd.f32 $1.258291200e+07, v20;
	v27 =	vadd.f32 $-1.258291200e+07, v27;
	v25 =	vld.idx.msk [tilespmem:v22+s20+$0x0], $0xffff  }
0x2c5: {  	v28 =	vadd.f32 $-1.258291200e+07, v28;
	v16 =	vsub.f32 v16, v23;
	v19 =	vmul.f32 v19, v21  }
0x2c6: {  	v13 =	vsub.f32 v13, v27;
	v27 =	vadd.f32 $-1.258291200e+07, v33;
	v21 =	vand.u32 $0xFFFF0000, v11  }
0x2c7: {  	v24 =	vsub.f32 v24, v28;
	v21 =	vmul.f32 v21, v1;
	v11 =	vmul.f32 v19, v12  }
0x2c8: {  	v12 =	vmul.f32 v15, v1;
	v15 =	vadd.f32 $1.258291200e+07, v14;
	v19 =	vadd.f32 $1.258291200e+07, v18  }
0x2c9: {  	v26 =	vshrl.u32 v16, $0x10;
	v20 =	vsub.f32 v20, v27;
	v25 =	vmul.f32 v11, v25  }
0x2ca: {  	v28 =	vshrl.u32 v13, $0x10;
	v15 =	vadd.f32 $-1.258291200e+07, v15;
	v19 =	vadd.f32 $-1.258291200e+07, v19  }
0x2cb: {  	v31 =	vadd.f32 $1.258291200e+07, v12;
	v30 =	vsub.f32 $0.0e+00, v25;
	v23 =	vmul.f32 $3.333333430e-01, v25  }
0x2cc: {  	v14 =	vsub.f32 v14, v15;
	v15 =	vsub.f32 v18, v19;
	v18 =	vshrl.u32 v17, $0x10  }
0x2cd: {  	v32 =	vadd.f32 $1.258291200e+07, v21;
	v18 =	vand.u32 $0x1, v18;
	v30 =	vmul.f32 $1.442695020e+00, v30  }
0x2ce: {  	v19 =	vadd.f32 $1.000000000e+00, v23;
	v23 =	vadd.f32 $-1.258291200e+07, v31;
	v31 =	vshrl.u32 v14, $0x10  }
0x2cf: {  	v57 =	vshrl.u32 v15, $0x10;
	v17 =	vadd.s32 v18, v17;
	v27 =	vand.u32 $0x1, v31  }
0x2d0: {  	v17 =	vadd.s32 $0x7FFF, v17;
	(erf) = vpow2.f32 v30;
	v30 =	vadd.f32 $-1.258291200e+07, v32  }
0x2d1: {  	v19 =	vmul.f32 v19, v25;
	v25 =	vshrl.u32 v24, $0x10;
	v12 =	vsub.f32 v12, v23  }
0x2d2: {  	v23 =	vand.u32 $0x1, v26;
	v26 =	vand.u32 $0x1, v28;
	v28 =	vand.u32 $0x1, v57  }
0x2d3: {  	v14 =	vadd.s32 v27, v14;
	v17 =	vand.u32 $0xFFFF0000, v17;
	v25 =	vand.u32 $0x1, v25  }
0x2d4: {  	v16 =	vadd.s32 v23, v16;
	v13 =	vadd.s32 v26, v13;
	v15 =	vadd.s32 v28, v15  }
0x2d5: {  	v14 =	vadd.s32 $0x7FFF, v14;
	v17 =	vmul.f32 v17, v6;
	v21 =	vsub.f32 v21, v30  }
0x2d6: {  	v18 =	vadd.s32 v25, v24;
	v23 =	vshrl.u32 v12, $0x10;
	v24 =	vshrl.u32 v20, $0x10  }
0x2d7: {  	v16 =	vadd.s32 $0x7FFF, v16;
	v13 =	vadd.s32 $0x7FFF, v13;
	v15 =	vadd.s32 $0x7FFF, v15  }
0x2d8: {  	v14 =	vand.u32 $0xFFFF0000, v14;
	v19 =	vadd.f32 $1.000000000e+00, v19;
	v18 =	vadd.s32 $0x7FFF, v18  }
0x2d9: {  	v23 =	vand.u32 $0x1, v23;
	v24 =	vand.u32 $0x1, v24;
	v16 =	vand.u32 $0xFFFF0000, v16  }
0x2da: {  	v13 =	vand.u32 $0xFFFF0000, v13;
	v15 =	vand.u32 $0xFFFF0000, v15;
	v14 =	vmul.f32 v14, v6  }
0x2db: {  	v17 =	vmul.f32 v17, v17;
	v25 =	vshrl.u32 v21, $0x10;
	v18 =	vand.u32 $0xFFFF0000, v18  }
0x2dc: {  	v12 =	vadd.s32 v23, v12;
	v20 =	vadd.s32 v24, v20;
	v16 =	vmul.f32 v16, v5  }
0x2dd: {  	v13 =	vmul.f32 v13, v5;
	v15 =	vmul.f32 v15, v6;
	v25 =	vand.u32 $0x1, v25  }
0x2de: {  	v12 =	vadd.s32 $0x7FFF, v12;
	v18 =	vmul.f32 v18, v5;
	v20 =	vadd.s32 $0x7FFF, v20  }
0x2df: {  	v14 =	vmul.f32 v14, v14;
	v21 =	vadd.s32 v25, v21;
	v16 =	vmul.f32 v16, v16  }
0x2e0: {  	v22 =	vld.idx.msk [tilespmem:v22+s19+$0x0], $0xffff;
	v12 =	vand.u32 $0xFFFF0000, v12;
	v13 =	vmul.f32 v13, v13;
	v20 =	vand.u32 $0xFFFF0000, v20  }
0x2e1: {  	v23 =	vld.idx.msk [tilespmem:v8+s7+$0x0], $0xffff;
	v15 =	vmul.f32 v15, v15;
	v21 =	vadd.s32 $0x7FFF, v21;
	v18 =	vmul.f32 v18, v18  }
0x2e2: {  	v24 =	vld.idx.msk [tilespmem:v10+s7+$0x0], $0xffff;
	v12 =	vmul.f32 v12, v4;
	v20 =	vmul.f32 v20, v4;
	v21 =	vand.u32 $0xFFFF0000, v21  }
0x2e3: {  	v16 =	vadd.f32 v17, v16;
	v13 =	vadd.f32 v14, v13;
	v21 =	vmul.f32 v21, v4  }
0x2e4: {  	v12 =	vmul.f32 v12, v12;
	v14 =	vadd.f32 v15, v18;
	v15 =	vmul.f32 v20, v20  }
0x2e5: {  	vm0 =	vle.f32 v11, v7;
	v19 =	vmul.f32 v19, v22;
	v17 =	vmul.f32 v21, v21  }
0x2e6: {  	v8 =	vld.idx.msk [tilespmem:v8+s15+$0x0], $0xffff;
	v18 =	vmul.f32 $1.600000000e+01, v23;
	v16 =	vadd.f32 v16, v12;
	v20 =	vpop (erf);
	v13 =	vadd.f32 v13, v15  }
0x2e7: {  	v10 =	vld.idx.msk [tilespmem:v10+s15+$0x0], $0xffff;
	v12 =	vmul.f32 $1.600000000e+01, v24;
	v15 =	vmul.f32 v19, v20;
	v14 =	vadd.f32 v14, v17  }
0x2e8: {  	v17 =	vshrl.u32 v16, $0x1;
	v19 =	vmul.f32 $5.000000000e-01, v16;
	v20 =	vshrl.u32 v13, $0x1  }
0x2e9: {  	v23 =	vmul.f32 $5.000000000e-01, v13;
	v17 =	vsub.s32 $0x5F3759DF, v17;
	v20 =	vsub.s32 $0x5F3759DF, v20  }
0x2ea: {  	v21 =	vshrl.u32 v14, $0x1;
	v22 =	vmul.f32 $5.000000000e-01, v14;
	v24 =	vmul.f32 v17, v19  }
0x2eb: {  	v8 =	vadd.f32 v8, v18;
	v18 =	vmul.f32 v20, v23;
	v21 =	vsub.s32 $0x5F3759DF, v21  }
0x2ec: {  	v10 =	vadd.f32 v10, v12;
	v25 =	vmul.f32 v21, v22;
	v12 =	vmul.f32 v17, v24  }
0x2ed: {  	v9 =	vtrunc.f32 v9;
	v11 =	vnsel vm0, $0x0, v15;
	v18 =	vmul.f32 v20, v18  }
0x2ee: {  	v26 =	vtrunc.f32 v10;
	v24 =	vmul.f32 v21, v25;
	v12 =	vsub.f32 $1.500000000e+00, v12  }
0x2ef: {  	v25 =	vtrunc.f32 v8;
	v8 =	vcvt.f32.s32 v9;
	v9 =	vsub.f32 $1.500000000e+00, v18  }
0x2f0: {  	s1 =	simm.s32 $0x60;
	v10 =	vcvt.f32.s32 v25;
	v18 =	vsub.f32 $1.500000000e+00, v24;
	v17 =	vmul.f32 v17, v12  }
0x2f1: {  	v9 =	vmul.f32 v20, v9;
	v12 =	vcvt.f32.s32 v26;
	v24 =	vmov s1  }
0x2f2: {  	s13 =	simm.s32 $0x70;
	v24 =	vshll.u32 v24, $0x3;
	v15 =	vmul.f32 v21, v18;
	v18 =	vmul.f32 v17, v19  }
0x2f3: {  	v19 =	vmov s13;
	v20 =	vmul.f32 v9, v23;
	v31 =	vor.u32 v0, v24  }
0x2f4: {  	s18 =	simm.s32 $0x50;
	v19 =	vshll.u32 v19, $0x3;
	v36 =	vor.u32 $0x1, v31  }
0x2f5: {  	v25 =	vor.u32 v0, v19;
	v19 =	vmul.f32 v20, v9;
	v20 =	vmov s18;
	v26 =	vld.idx.msk [tilespmem:v8+s20+$0x0], $0xffff  }
0x2f6: {  	v37 =	vor.u32 $0x2, v31;
	v20 =	vshll.u32 v20, $0x3;
	v28 =	vld.idx.msk [tilespmem:v10+s20+$0x0], $0xffff  }
0x2f7: {  	v29 =	vor.u32 v0, v20;
	v20 =	vld.idx.msk [tilespmem:v12+s20+$0x0], $0xffff  }
0x2f8: {  	v56 =	vld.idx.msk [tilespmem:v31+s7+$0x0], $0xffff  }
0x2f9: {  	v23 =	vor.u32 $0x1, v25;
	v43 =	vld.idx.msk [tilespmem:v36+s7+$0x0], $0xffff  }
0x2fa: {  	v27 =	vor.u32 $0x2, v25;
	v36 =	vld.idx.msk [tilespmem:v36+s15+$0x0], $0xffff  }
0x2fb: {  	v21 =	vmul.f32 v15, v22;
	v18 =	vmul.f32 v18, v17;
	v62 =	vld.idx.msk [tilespmem:v37+s7+$0x0], $0xffff  }
0x2fc: {  	v37 =	vld.idx.msk [tilespmem:v37+s15+$0x0], $0xffff  }
0x2fd: {  	v21 =	vmul.f32 v21, v15;
	v18 =	vsub.f32 $1.500000000e+00, v18;
	v58 =	vld.idx.msk [tilespmem:v25+s7+$0x0], $0xffff  }
0x2fe: {  	s17 =	simm.s32 $0x40;
	v19 =	vsub.f32 $1.500000000e+00, v19;
	v34 =	vld.idx.msk [tilespmem:v23+s7+$0x0], $0xffff  }
0x2ff: {  	v22 =	vmov s17;
	v21 =	vsub.f32 $1.500000000e+00, v21;
	v17 =	vmul.f32 v18, v17;
	v18 =	vld.idx.msk [tilespmem:v27+s7+$0x0], $0xffff  }
0x300: {  	v22 =	vshll.u32 v22, $0x3;
	v9 =	vmul.f32 v19, v9;
	v19 =	vld.idx.msk [tilespmem:v23+s15+$0x0], $0xffff  }
0x301: {  	v30 =	vor.u32 v0, v22;
	v22 =	vor.u32 $0x1, v29;
	v15 =	vmul.f32 v21, v15;
	v21 =	vld.idx.msk [tilespmem:v27+s15+$0x0], $0xffff  }
0x302: {  	v59 =	vor.u32 $0x2, v29;
	v38 =	vor.u32 $0x2, v30;
	v27 =	vld.idx.msk [tilespmem:v25+s15+$0x0], $0xffff  }
0x303: {  	v17 =	vmul.f32 v17, v16;
	v13 =	vmul.f32 v9, v13;
	v9 =	vor.u32 $0x3, v31;
	v31 =	vld.idx.msk [tilespmem:v31+s15+$0x0], $0xffff  }
0x304: {  	v35 =	vor.u32 $0x1, v30;
	v24 =	vor.u32 $0x3, v29;
	v23 =	vor.u32 $0x3, v30;
	v54 =	vld.idx.msk [tilespmem:v29+s7+$0x0], $0xffff  }
0x305: {  	v25 =	vor.u32 $0x3, v25;
	v29 =	vld.idx.msk [tilespmem:v29+s15+$0x0], $0xffff;
	v14 =	vmul.f32 v15, v14;
	v16 =	vmul.f32 v17, v26  }
0x306: {  	vm1 =	vle.f32 v17, v7;
	v15 =	vmul.f32 v13, v28;
	vm0 =	vle.f32 v13, v7;
	v39 =	vld.idx.msk [tilespmem:v22+s7+$0x0], $0xffff  }
0x307: {  	v22 =	vld.idx.msk [tilespmem:v22+s15+$0x0], $0xffff;
	v36 =	vsub.f32 v36, v43;
	v37 =	vsub.f32 v37, v62;
	v13 =	vmul.f32 v14, v20  }
0x308: {  	v44 =	vld.idx.msk [tilespmem:v38+s7+$0x0], $0xffff;
	v26 =	vsub.f32 $0.0e+00, v16;
	v20 =	vmul.f32 $3.333333430e-01, v16;
	v28 =	vsub.f32 $0.0e+00, v15  }
0x309: {  	v38 =	vld.idx.msk [tilespmem:v38+s15+$0x0], $0xffff;
	v17 =	vmul.f32 $3.333333430e-01, v15;
	v34 =	vsub.f32 v19, v34;
	v40 =	vsub.f32 v21, v18  }
0x30a: {  	v27 =	vsub.f32 v27, v58;
	v46 =	vshrl.u32 v36, $0x10;
	v55 =	vshrl.u32 v37, $0x10  }
0x30b: {  	v31 =	vsub.f32 v31, v56;
	v18 =	vmul.f32 $1.442695020e+00, v26;
	v60 =	vsub.f32 $0.0e+00, v13  }
0x30c: {  	v21 =	vmul.f32 $1.442695020e+00, v28;
	v19 =	vmul.f32 $3.333333430e-01, v13;
	v29 =	vsub.f32 v29, v54  }
0x30d: {  	v33 =	vld.idx.msk [tilespmem:v59+s15+$0x0], $0xffff;
	v62 =	vand.u32 $0x1, v46;
	v28 =	vshrl.u32 v34, $0x10;
	v41 =	vshrl.u32 v40, $0x10  }
0x30e: {  	v63 =	vld.idx.msk [tilespmem:v35+s7+$0x0], $0xffff;
	v42 =	vshrl.u32 v27, $0x10;
	v39 =	vsub.f32 v22, v39;
	v38 =	vsub.f32 v38, v44  }
0x30f: {  	v26 =	vld.idx.msk [tilespmem:v59+s7+$0x0], $0xffff;
	v28 =	vand.u32 $0x1, v28;
	v41 =	vand.u32 $0x1, v41;
	v42 =	vand.u32 $0x1, v42  }
0x310: {  	v48 =	vld.idx.msk [tilespmem:v35+s15+$0x0], $0xffff;
	v22 =	vmul.f32 $1.442695020e+00, v60;
	(erf) = vpow2.f32 v18;
	v28 =	vadd.s32 v28, v34  }
0x311: {  	v61 =	vadd.s32 v41, v40;
	v27 =	vadd.s32 v42, v27;
	v51 =	vshrl.u32 v39, $0x10  }
0x312: {  	v59 =	vshrl.u32 v38, $0x10;
	v28 =	vadd.s32 $0x7FFF, v28;
	v34 =	vadd.s32 $0x7FFF, v61  }
0x313: {  	v27 =	vadd.s32 $0x7FFF, v27;
	v32 =	vand.u32 $0x1, v51;
	v28 =	vand.u32 $0xFFFF0000, v28  }
0x314: {  	v34 =	vand.u32 $0xFFFF0000, v34;
	v27 =	vand.u32 $0xFFFF0000, v27;
	v26 =	vsub.f32 v33, v26  }
0x315: {  	v33 =	vsub.f32 v48, v63;
	v48 =	vld.idx.msk [tilespmem:v30+s7+$0x0], $0xffff;
	v32 =	vadd.s32 v32, v39;
	v28 =	vmul.f32 v28, v2  }
0x316: {  	v30 =	vld.idx.msk [tilespmem:v30+s15+$0x0], $0xffff;
	v34 =	vmul.f32 v34, v3;
	v27 =	vmul.f32 v27, v1;
	v32 =	vadd.s32 $0x7FFF, v32  }
0x317: {  	v63 =	vld.idx.msk [tilespmem:v25+s7+$0x0], $0xffff;
	v45 =	vshrl.u32 v26, $0x10;
	v58 =	vshrl.u32 v33, $0x10;
	v49 =	vadd.f32 $1.258291200e+07, v28  }
0x318: {  	v32 =	vand.u32 $0xFFFF0000, v32;
	v50 =	vadd.f32 $1.258291200e+07, v34;
	v52 =	vadd.f32 $1.258291200e+07, v27  }
0x319: {  	v60 =	vand.u32 $0x1, v45;
	v61 =	vand.u32 $0x1, v58;
	v32 =	vmul.f32 v32, v2  }
0x31a: {  	v26 =	vadd.s32 v60, v26;
	v35 =	vadd.f32 $-1.258291200e+07, v49;
	v42 =	vadd.f32 $-1.258291200e+07, v50  }
0x31b: {  	v25 =	vld.idx.msk [tilespmem:v25+s15+$0x0], $0xffff;
	v33 =	vadd.s32 v61, v33;
	v53 =	vadd.f32 $-1.258291200e+07, v52;
	v30 =	vsub.f32 v30, v48  }
0x31c: {  	v49 =	vshrl.u32 v31, $0x10;
	v26 =	vadd.s32 $0x7FFF, v26;
	v51 =	vmul.f32 $1.600000000e+01, v63  }
0x31d: {  	v33 =	vadd.s32 $0x7FFF, v33;
	v54 =	vadd.f32 $1.258291200e+07, v32;
	v40 =	vand.u32 $0x1, v49  }
0x31e: {  	v26 =	vand.u32 $0xFFFF0000, v26;
	v33 =	vand.u32 $0xFFFF0000, v33;
	v28 =	vsub.f32 v28, v35  }
0x31f: {  	v34 =	vsub.f32 v34, v42;
	v27 =	vsub.f32 v27, v53;
	v35 =	vand.u32 $0x1, v55  }
0x320: {  	v48 =	vshrl.u32 v30, $0x10;
	v25 =	vadd.f32 v25, v51;
	v31 =	vadd.s32 v40, v31  }
0x321: {  	v26 =	vmul.f32 v26, v3;
	v33 =	vmul.f32 v33, v2;
	v40 =	vadd.f32 $-1.258291200e+07, v54  }
0x322: {  	v35 =	vadd.s32 v35, v37;
	v57 =	vshrl.u32 v28, $0x10;
	v42 =	vshrl.u32 v34, $0x10  }
0x323: {  	v58 =	vld.idx.msk [tilespmem:v23+s7+$0x0], $0xffff;
	v47 =	vshrl.u32 v27, $0x10;
	v41 =	vand.u32 $0x1, v57;
	v42 =	vand.u32 $0x1, v42  }
0x324: {  	v47 =	vand.u32 $0x1, v47;
	v28 =	vadd.s32 v41, v28;
	v34 =	vadd.s32 v42, v34  }
0x325: {  	v27 =	vadd.s32 v47, v27;
	v28 =	vadd.s32 $0x7FFF, v28;
	v34 =	vadd.s32 $0x7FFF, v34  }
0x326: {  	v27 =	vadd.s32 $0x7FFF, v27;
	v28 =	vand.u32 $0xFFFF0000, v28;
	v34 =	vand.u32 $0xFFFF0000, v34  }
0x327: {  	v27 =	vand.u32 $0xFFFF0000, v27;
	v28 =	vmul.f32 v28, v5;
	v34 =	vmul.f32 v34, v6  }
0x328: {  	v39 =	vand.u32 $0x1, v48;
	v43 =	vmul.f32 $1.600000000e+01, v58;
	v27 =	vmul.f32 v27, v4  }
0x329: {  	v23 =	vld.idx.msk [tilespmem:v23+s15+$0x0], $0xffff;
	v31 =	vadd.s32 $0x7FFF, v31;
	v28 =	vmul.f32 v28, v28;
	v34 =	vmul.f32 v34, v34  }
0x32a: {  	v35 =	vadd.s32 $0x7FFF, v35;
	v25 =	vtrunc.f32 v25;
	v30 =	vadd.s32 v39, v30  }
0x32b: {  	v31 =	vand.u32 $0xFFFF0000, v31;
	v27 =	vmul.f32 v27, v27;
	v28 =	vadd.f32 v34, v28  }
0x32c: {  	v56 =	vadd.f32 $1.258291200e+07, v26;
	v32 =	vsub.f32 v32, v40;
	v25 =	vcvt.f32.s32 v25  }
0x32d: {  	v35 =	vand.u32 $0xFFFF0000, v35;
	v30 =	vadd.s32 $0x7FFF, v30;
	v27 =	vadd.f32 v28, v27  }
0x32e: {  	v53 =	vld.idx.msk [tilespmem:v24+s7+$0x0], $0xffff;
	v31 =	vmul.f32 v31, v1;
	v23 =	vadd.f32 v23, v43;
	v42 =	vand.u32 $0x1, v59  }
0x32f: {  	v47 =	vshrl.u32 v29, $0x10;
	v44 =	vshrl.u32 v27, $0x1;
	v45 =	vmul.f32 $5.000000000e-01, v27  }
0x330: {  	v35 =	vmul.f32 v35, v3;
	v30 =	vand.u32 $0xFFFF0000, v30;
	v34 =	vsub.s32 $0x5F3759DF, v44  }
0x331: {  	v59 =	vadd.f32 $1.258291200e+07, v33;
	v40 =	vshrl.u32 v32, $0x10;
	v50 =	vmul.f32 v34, v45  }
0x332: {  	v46 =	vadd.s32 v42, v38;
	v38 =	vand.u32 $0x1, v47;
	v30 =	vmul.f32 v30, v1  }
0x333: {  	v39 =	vmul.f32 $1.600000000e+01, v53;
	v49 =	vadd.f32 $1.258291200e+07, v31;
	v41 =	vmul.f32 v34, v50  }
0x334: {  	v40 =	vand.u32 $0x1, v40;
	v23 =	vtrunc.f32 v23;
	v29 =	vadd.s32 v38, v29  }
0x335: {  	v29 =	vadd.s32 $0x7FFF, v29;
	v28 =	vadd.s32 v62, v36;
	v41 =	vsub.f32 $1.500000000e+00, v41  }
0x336: {  	v37 =	vadd.s32 $0x7FFF, v46;
	v29 =	vand.u32 $0xFFFF0000, v29;
	v28 =	vadd.s32 $0x7FFF, v28  }
0x337: {  	v29 =	vmul.f32 v29, v1;
	v28 =	vand.u32 $0xFFFF0000, v28;
	v34 =	vmul.f32 v34, v41  }
0x338: {  	v60 =	vadd.f32 $1.258291200e+07, v35;
	v37 =	vand.u32 $0xFFFF0000, v37;
	v28 =	vmul.f32 v28, v2  }
0x339: {  	v37 =	vmul.f32 v37, v3;
	v63 =	vadd.f32 $1.258291200e+07, v29;
	v36 =	vmul.f32 v34, v45  }
0x33a: {  	v32 =	vadd.s32 v40, v32;
	v44 =	vadd.f32 $-1.258291200e+07, v59;
	v57 =	vadd.f32 $1.258291200e+07, v28  }
0x33b: {  	v55 =	vld.idx.msk [tilespmem:v9+s7+$0x0], $0xffff;
	v61 =	vadd.f32 $1.258291200e+07, v37;
	v54 =	vadd.f32 $-1.258291200e+07, v63;
	v36 =	vmul.f32 v36, v34  }
0x33c: {  	v32 =	vadd.s32 $0x7FFF, v32;
	v33 =	vsub.f32 v33, v44;
	v42 =	vadd.f32 $-1.258291200e+07, v57  }
0x33d: {  	v9 =	vld.idx.msk [tilespmem:v9+s15+$0x0], $0xffff;
	v32 =	vand.u32 $0xFFFF0000, v32;
	v41 =	vadd.f32 $-1.258291200e+07, v56;
	v36 =	vsub.f32 $1.500000000e+00, v36  }
0x33e: {  	v52 =	vld.idx.msk [tilespmem:v25+s20+$0x0], $0xffff;
	v29 =	vsub.f32 v29, v54;
	v59 =	vshrl.u32 v33, $0x10;
	v45 =	vadd.f32 $-1.258291200e+07, v60  }
0x33f: {  	v28 =	vsub.f32 v28, v42;
	v26 =	vsub.f32 v26, v41;
	v34 =	vmul.f32 v36, v34  }
0x340: {  	v35 =	vsub.f32 v35, v45;
	v36 =	vmul.f32 $1.600000000e+01, v55;
	v55 =	vadd.f32 $-1.258291200e+07, v49  }
0x341: {  	v56 =	vshrl.u32 v28, $0x10;
	v53 =	vshrl.u32 v26, $0x10;
	v27 =	vmul.f32 v34, v27  }
0x342: {  	v58 =	vshrl.u32 v35, $0x10;
	v34 =	vadd.f32 $-1.258291200e+07, v61;
	v31 =	vsub.f32 v31, v55  }
0x343: {  	v61 =	vand.u32 $0x1, v56;
	v9 =	vadd.f32 v9, v36;
	v38 =	vmul.f32 v27, v52  }
0x344: {  	v28 =	vadd.s32 v61, v28;
	v52 =	vadd.f32 $1.258291200e+07, v30;
	v34 =	vsub.f32 v37, v34  }
0x345: {  	v37 =	vand.u32 $0x1, v53;
	vm2 =	vle.f32 v27, v7;
	v62 =	vsub.f32 $0.0e+00, v38  }
0x346: {  	v27 =	vshrl.u32 v29, $0x10;
	v50 =	vshrl.u32 v31, $0x10;
	v9 =	vtrunc.f32 v9  }
0x347: {  	v28 =	vadd.s32 $0x7FFF, v28;
	v18 =	vmul.f32 $3.333333430e-01, v38;
	v46 =	vmul.f32 $1.442695020e+00, v62  }
0x348: {  	v26 =	vadd.s32 v37, v26;
	v27 =	vand.u32 $0x1, v27;
	v28 =	vand.u32 $0xFFFF0000, v28  }
0x349: {  	v57 =	vadd.f32 $-1.258291200e+07, v52;
	v18 =	vadd.f32 $1.000000000e+00, v18;
	(erf) = vpow2.f32 v46  }
0x34a: {  	v60 =	vshrl.u32 v34, $0x10;
	v26 =	vadd.s32 $0x7FFF, v26;
	v27 =	vadd.s32 v27, v29  }
0x34b: {  	v28 =	vmul.f32 v28, v5;
	v63 =	vand.u32 $0x1, v60;
	v18 =	vmul.f32 v18, v38  }
0x34c: {  	v25 =	vld.idx.msk [tilespmem:v25+s19+$0x0], $0xffff;
	v26 =	vand.u32 $0xFFFF0000, v26;
	v27 =	vadd.s32 $0x7FFF, v27;
	v30 =	vsub.f32 v30, v57  }
0x34d: {  	v62 =	vand.u32 $0x1, v58;
	v49 =	vadd.s32 v63, v34;
	v18 =	vadd.f32 $1.000000000e+00, v18  }
0x34e: {  	v34 =	vand.u32 $0x1, v50;
	v26 =	vmul.f32 v26, v6;
	v27 =	vand.u32 $0xFFFF0000, v27  }
0x34f: {  	v28 =	vmul.f32 v28, v28;
	v35 =	vadd.s32 v62, v35;
	v29 =	vadd.s32 v34, v31  }
0x350: {  	v31 =	vmul.f32 v32, v5;
	v27 =	vmul.f32 v27, v4;
	v38 =	vand.u32 $0x1, v59  }
0x351: {  	v51 =	vshrl.u32 v30, $0x10;
	v35 =	vadd.s32 $0x7FFF, v35;
	v25 =	vmul.f32 v18, v25;
	v18 =	vpop (erf)  }
0x352: {  	v29 =	vadd.s32 $0x7FFF, v29;
	v26 =	vmul.f32 v26, v26;
	v35 =	vand.u32 $0xFFFF0000, v35;
	v48 =	vpop (erf)  }
0x353: {  	v31 =	vmul.f32 v31, v31;
	v37 =	vmul.f32 v25, v48;
	v25 =	vadd.s32 v38, v33  }
0x354: {  	v24 =	vld.idx.msk [tilespmem:v24+s15+$0x0], $0xffff;
	v29 =	vand.u32 $0xFFFF0000, v29;
	v33 =	vadd.s32 $0x7FFF, v49;
	v25 =	vadd.s32 $0x7FFF, v25  }
0x355: {  	v38 =	vand.u32 $0x1, v51;
	v33 =	vand.u32 $0xFFFF0000, v33;
	v25 =	vand.u32 $0xFFFF0000, v25  }
0x356: {  	v30 =	vadd.s32 v38, v30;
	v33 =	vmul.f32 v33, v6;
	v25 =	vmul.f32 v25, v5  }
0x357: {  	v52 =	vmul.f32 v35, v6;
	v29 =	vmul.f32 v29, v4;
	v30 =	vadd.s32 $0x7FFF, v30  }
0x358: {  	v30 =	vand.u32 $0xFFFF0000, v30;
	v33 =	vmul.f32 v33, v33;
	v25 =	vmul.f32 v25, v25  }
0x359: {  	v24 =	vadd.f32 v24, v39;
	v32 =	vmul.f32 v52, v52;
	v30 =	vmul.f32 v30, v4  }
0x35a: {  	v26 =	vadd.f32 v26, v31;
	v31 =	vadd.f32 v33, v25;
	v25 =	vmul.f32 v27, v27  }
0x35b: {  	v28 =	vadd.f32 v32, v28;
	v27 =	vmul.f32 v29, v29;
	v29 =	vmul.f32 v30, v30  }
0x35c: {  	v60 =	vadd.f32 $1.000000000e+00, v20;
	v59 =	vcvt.f32.s32 v9;
	v26 =	vadd.f32 v26, v25  }
0x35d: {  	v30 =	vtrunc.f32 v24;
	v25 =	vadd.f32 v28, v27;
	v24 =	vadd.f32 v31, v29  }
0x35e: {  	v28 =	vcvt.f32.s32 v30;
	v27 =	vshrl.u32 v26, $0x1;
	v29 =	vmul.f32 $5.000000000e-01, v26  }
0x35f: {  	v30 =	vshrl.u32 v25, $0x1;
	v31 =	vshrl.u32 v24, $0x1;
	v53 =	vmul.f32 $5.000000000e-01, v25  }
0x360: {  	v54 =	vmul.f32 $5.000000000e-01, v24;
	v55 =	vsub.s32 $0x5F3759DF, v27;
	v30 =	vsub.s32 $0x5F3759DF, v30  }
0x361: {  	v31 =	vsub.s32 $0x5F3759DF, v31;
	v27 =	vmul.f32 v55, v29;
	v56 =	vmul.f32 v30, v53  }
0x362: {  	v62 =	vmul.f32 v60, v16;
	v58 =	vmul.f32 v31, v54  }
0x363: {  	v10 =	vld.idx.msk [tilespmem:v10+s19+$0x0], $0xffff;
	v61 =	vadd.f32 $1.000000000e+00, v17;
	v20 =	vmul.f32 v55, v27;
	v35 =	vmul.f32 v30, v56  }
0x364: {  	v63 =	vadd.f32 $1.000000000e+00, v19;
	v9 =	vld.idx.msk [tilespmem:v8+s19+$0x0], $0xffff;
	v17 =	vmul.f32 v31, v58;
	v27 =	vcvt.f32.s32 v23  }
0x365: {  	s31 =	simm.s32 $0x12820;
	v8 =	vld.idx.msk [tilespmem:v12+s19+$0x0], $0xffff;
	(erf) = vpow2.f32 v21;
	v12 =	vsub.f32 $1.500000000e+00, v20;
	v23 =	vsub.f32 $1.500000000e+00, v35  }
0x366: {  	[tilespmem:s31+$0x10] =	vst v11;
	v11 =	vmul.f32 v63, v13;
	v19 =	vld.idx.msk [tilespmem:v59+s20+$0x0], $0xffff;
	(erf) = vpow2.f32 v22;
	v21 =	vsub.f32 $1.500000000e+00, v17  }
0x367: {  	v20 =	vld.idx.msk [tilespmem:v28+s20+$0x0], $0xffff;
	v22 =	vmul.f32 v55, v12;
	v16 =	vmul.f32 v30, v23  }
0x368: {  	vm5 =	vle.f32 v14, v7;
	v17 =	vld.idx.msk [tilespmem:v28+s19+$0x0], $0xffff;
	v14 =	vmul.f32 v31, v21;
	v30 =	vmul.f32 v61, v15  }
0x369: {  	s1 =	simm.s32 $0x12860;
	v57 =	vnsel vm2, $0x0, v37;
	v12 =	vld.idx.msk [tilespmem:v59+s19+$0x0], $0xffff;
	v28 =	vmul.f32 v22, v29;
	v29 =	vmul.f32 v16, v53  }
0x36a: {  	s12 =	simm.s32 $0x80;
	s0 =	simm.s32 $0x12860;
	s17 =	simm.s32 $0x4;
	[tilespmem:s1+$0x10] =	vst v57;
	v15 =	vadd.f32 $1.000000000e+00, v62;
	v23 =	vmul.f32 v14, v54;
	v21 =	vld.idx.msk [tilespmem:v27+s20+$0x0], $0xffff;
	v13 =	vadd.f32 $1.000000000e+00, v30  }
.LBB2_7:
0x36b: {  	v30 =	vmov s12;
	s11 =	sadd.s32 $0x10, s12;
	s13 =	sadd.s32 $0x20, s12;
	s18 =	sadd.s32 $0x30, s12;
	v33 =	vld.idx.msk [tilespmem:v27+s19+$0x0], $0xffff;
	v34 =	vmul.f32 v28, v22;
	v35 =	vmul.f32 v29, v16  }
0x36c: {  	v27 =	vmov s11;
	v28 =	vmov s13;
	v29 =	vmov s18  }
0x36d: {  	v27 =	vshll.u32 v27, $0x3;
	v31 =	vshll.u32 v28, $0x3;
	v28 =	vshll.u32 v29, $0x3  }
0x36e: {  	s17 =	sadd.s32 $0x4, s17;
	v29 =	vshll.u32 v30, $0x3;
	v30 =	vor.u32 v0, v27;
	v27 =	vor.u32 v0, v28;
	v36 =	vpop (erf)  }
0x36f: {  	p1 =	slt.u32 s17, $0x7C;
	v28 =	vor.u32 v0, v29;
	v37 =	vor.u32 v0, v31;
	v38 =	vor.u32 $0x1, v27;
	v39 =	vpop (erf)  }
0x370: {  	v40 =	vor.u32 $0x1, v30;
	v41 =	vor.u32 $0x2, v30;
	v42 =	vor.u32 $0x2, v27  }
0x371: {  	v43 =	vor.u32 $0x1, v28;
	v44 =	vor.u32 $0x1, v37;
	v45 =	vor.u32 $0x2, v37  }
0x372: {  	v46 =	vor.u32 $0x2, v28;
	v32 =	vor.u32 $0x3, v30;
	v31 =	vor.u32 $0x3, v37  }
0x373: {  	v23 =	vmul.f32 v23, v14;
	v34 =	vsub.f32 $1.500000000e+00, v34;
	v29 =	vor.u32 $0x3, v28;
	v47 =	vld.idx.msk [tilespmem:v27+s7+$0x0], $0xffff  }
0x374: {  	v15 =	vmul.f32 v15, v9;
	v9 =	vmovc v17;
	v11 =	vadd.f32 $1.000000000e+00, v11;
	v35 =	vsub.f32 $1.500000000e+00, v35;
	v48 =	vld.idx.msk [tilespmem:v38+s7+$0x0], $0xffff  }
0x375: {  	v13 =	vmul.f32 v13, v10;
	v17 =	vsub.f32 $1.500000000e+00, v23;
	v10 =	vmovc v12;
	v22 =	vmul.f32 v34, v22;
	v49 =	vld.idx.msk [tilespmem:v42+s7+$0x0], $0xffff  }
0x376: {  	vm4 =	vmmov vm1;
	v12 =	vmul.f32 v35, v16;
	v34 =	vmul.f32 v11, v8;
	v8 =	vmovc v33;
	v23 =	vld.idx.msk [tilespmem:v38+s15+$0x0], $0xffff  }
0x377: {  	vm3 =	vmmov vm0;
	v11 =	vmul.f32 v17, v14;
	v22 =	vmul.f32 v22, v26;
	v33 =	vld.idx.msk [tilespmem:v42+s15+$0x0], $0xffff  }
0x378: {  	vm2 =	vmmov vm5;
	v16 =	vmul.f32 v15, v18;
	v25 =	vmul.f32 v12, v25;
	v26 =	vld.idx.msk [tilespmem:v27+s15+$0x0], $0xffff  }
0x379: {  	v17 =	vmul.f32 v11, v24;
	v14 =	vmul.f32 v22, v20;
	vm1 =	vle.f32 v22, v7;
	v35 =	vld.idx.msk [tilespmem:v40+s7+$0x0], $0xffff  }
0x37a: {  	v15 =	vmul.f32 v13, v36;
	v12 =	vmul.f32 v25, v19;
	vm0 =	vle.f32 v25, v7;
	v24 =	vld.idx.msk [tilespmem:v41+s7+$0x0], $0xffff  }
0x37b: {  	v11 =	vmul.f32 v17, v21;
	v22 =	vmul.f32 $3.333333430e-01, v14;
	v18 =	vsub.f32 $0.0e+00, v14;
	v25 =	vld.idx.msk [tilespmem:v40+s15+$0x0], $0xffff  }
0x37c: {  	v13 =	vmul.f32 v34, v39;
	v20 =	vmul.f32 $3.333333430e-01, v12;
	v19 =	vsub.f32 $0.0e+00, v12;
	v36 =	vld.idx.msk [tilespmem:v41+s15+$0x0], $0xffff  }
0x37d: {  	v18 =	vmul.f32 $1.442695020e+00, v18;
	v23 =	vsub.f32 v23, v48;
	v33 =	vsub.f32 v33, v49;
	v34 =	vld.idx.msk [tilespmem:v44+s7+$0x0], $0xffff  }
0x37e: {  	v39 =	vsub.f32 $0.0e+00, v11;
	v19 =	vmul.f32 $1.442695020e+00, v19;
	v26 =	vsub.f32 v26, v47;
	v38 =	vld.idx.msk [tilespmem:v45+s7+$0x0], $0xffff  }
0x37f: {  	v21 =	vmul.f32 $3.333333430e-01, v11;
	v41 =	vshrl.u32 v23, $0x10;
	v42 =	vshrl.u32 v33, $0x10;
	v40 =	vld.idx.msk [tilespmem:v44+s15+$0x0], $0xffff  }
0x380: {  	v41 =	vand.u32 $0x1, v41;
	v42 =	vand.u32 $0x1, v42;
	v44 =	vld.idx.msk [tilespmem:v45+s15+$0x0], $0xffff;
	v45 =	vshrl.u32 v26, $0x10  }
0x381: {  	v23 =	vadd.s32 v41, v23;
	v33 =	vadd.s32 v42, v33;
	v47 =	vld.idx.msk [tilespmem:v43+s7+$0x0], $0xffff;
	v45 =	vand.u32 $0x1, v45  }
0x382: {  	v23 =	vadd.s32 $0x7FFF, v23;
	v33 =	vadd.s32 $0x7FFF, v33;
	v41 =	vld.idx.msk [tilespmem:v46+s7+$0x0], $0xffff;
	v26 =	vadd.s32 v45, v26  }
0x383: {  	v23 =	vand.u32 $0xFFFF0000, v23;
	v33 =	vand.u32 $0xFFFF0000, v33;
	v42 =	vld.idx.msk [tilespmem:v43+s15+$0x0], $0xffff;
	v26 =	vadd.s32 $0x7FFF, v26  }
0x384: {  	v45 =	vmul.f32 v23, v2;
	v33 =	vmul.f32 v33, v3;
	v43 =	vld.idx.msk [tilespmem:v46+s15+$0x0], $0xffff;
	v26 =	vand.u32 $0xFFFF0000, v26  }
0x385: {  	v35 =	vsub.f32 v25, v35;
	v36 =	vsub.f32 v36, v24;
	v46 =	vld.idx.msk [tilespmem:v30+s7+$0x0], $0xffff;
	v24 =	vmul.f32 v26, v1  }
0x386: {  	v23 =	vmul.f32 $1.442695020e+00, v39;
	v25 =	vadd.f32 $1.258291200e+07, v45;
	v26 =	vadd.f32 $1.258291200e+07, v33;
	v48 =	vld.idx.msk [tilespmem:v30+s15+$0x0], $0xffff  }
0x387: {  	v34 =	vsub.f32 v40, v34;
	v30 =	vshrl.u32 v35, $0x10;
	v39 =	vld.idx.msk [tilespmem:v37+s7+$0x0], $0xffff;
	v40 =	vadd.f32 $1.258291200e+07, v24  }
0x388: {  	v49 =	vshrl.u32 v36, $0x10;
	v25 =	vadd.f32 $-1.258291200e+07, v25;
	v26 =	vadd.f32 $-1.258291200e+07, v26;
	v37 =	vld.idx.msk [tilespmem:v37+s15+$0x0], $0xffff  }
0x389: {  	v38 =	vsub.f32 v44, v38;
	v51 =	vshrl.u32 v34, $0x10;
	v50 =	vld.idx.msk [tilespmem:v28+s7+$0x0], $0xffff;
	v40 =	vadd.f32 $-1.258291200e+07, v40  }
0x38a: {  	v52 =	vand.u32 $0x1, v30;
	v25 =	vsub.f32 v45, v25;
	v33 =	vsub.f32 v33, v26;
	v44 =	vld.idx.msk [tilespmem:v28+s15+$0x0], $0xffff  }
0x38b: {  	v42 =	vsub.f32 v42, v47;
	v45 =	vshrl.u32 v38, $0x10;
	v30 =	vld.idx.msk [tilespmem:v32+s7+$0x0], $0xffff;
	v40 =	vsub.f32 v24, v40  }
0x38c: {  	v47 =	vor.u32 $0x3, v27;
	v24 =	vshrl.u32 v25, $0x10;
	v26 =	vshrl.u32 v33, $0x10;
	v28 =	vld.idx.msk [tilespmem:v31+s7+$0x0], $0xffff  }
0x38d: {  	v24 =	vand.u32 $0x1, v24;
	v54 =	vand.u32 $0x1, v26;
	v27 =	vld.idx.msk [tilespmem:v29+s7+$0x0], $0xffff;
	v53 =	vshrl.u32 v40, $0x10  }
0x38e: {  	v25 =	vadd.s32 v24, v25;
	v33 =	vadd.s32 v54, v33;
	v26 =	vld.idx.msk [tilespmem:v32+s15+$0x0], $0xffff;
	v32 =	vand.u32 $0x1, v53  }
0x38f: {  	v33 =	vadd.s32 $0x7FFF, v33;
	v24 =	vld.idx.msk [tilespmem:v31+s15+$0x0], $0xffff;
	v31 =	vadd.s32 v32, v40;
	v32 =	vadd.s32 $0x7FFF, v25  }
0x390: {  	v25 =	vld.idx.msk [tilespmem:v29+s15+$0x0], $0xffff;
	v29 =	vadd.s32 $0x7FFF, v31;
	v31 =	vand.u32 $0xFFFF0000, v32;
	v32 =	vand.u32 $0xFFFF0000, v33  }
0x391: {  	v29 =	vand.u32 $0xFFFF0000, v29;
	v31 =	vmul.f32 v31, v5;
	v32 =	vmul.f32 v32, v6  }
0x392: {  	v40 =	vsub.f32 v43, v41;
	v33 =	vshrl.u32 v42, $0x10;
	v29 =	vmul.f32 v29, v4  }
0x393: {  	v41 =	vsub.f32 v48, v46;
	v31 =	vmul.f32 v31, v31;
	v32 =	vmul.f32 v32, v32  }
0x394: {  	v37 =	vsub.f32 v37, v39;
	v43 =	vsub.f32 v44, v50;
	v44 =	vshrl.u32 v40, $0x10  }
0x395: {  	v39 =	vand.u32 $0x1, v49;
	v29 =	vmul.f32 v29, v29;
	v31 =	vadd.f32 v32, v31  }
0x396: {  	v45 =	vand.u32 $0x1, v45;
	v32 =	vand.u32 $0x1, v33;
	v33 =	vand.u32 $0x1, v51;
	v46 =	vld.idx.msk [tilespmem:v47+s7+$0x0], $0xffff  }
0x397: {  	v35 =	vadd.s32 v52, v35;
	v44 =	vand.u32 $0x1, v44;
	v29 =	vadd.f32 v31, v29  }
0x398: {  	v33 =	vadd.s32 v33, v34;
	v34 =	vadd.s32 v45, v38;
	v31 =	vadd.s32 v39, v36;
	v36 =	vld.idx.msk [tilespmem:v47+s15+$0x0], $0xffff  }
0x399: {  	v32 =	vadd.s32 v32, v42;
	v38 =	vshrl.u32 v29, $0x1;
	v39 =	vmul.f32 $5.000000000e-01, v29  }
0x39a: {  	v40 =	vadd.s32 v44, v40;
	v42 =	vshrl.u32 v41, $0x10;
	v38 =	vsub.s32 $0x5F3759DF, v38  }
0x39b: {  	v44 =	vshrl.u32 v43, $0x10;
	v45 =	vshrl.u32 v37, $0x10;
	v47 =	vmul.f32 v38, v39  }
0x39c: {  	v35 =	vadd.s32 $0x7FFF, v35;
	v31 =	vadd.s32 $0x7FFF, v31;
	v46 =	vmul.f32 $1.600000000e+01, v46  }
0x39d: {  	v33 =	vadd.s32 $0x7FFF, v33;
	v34 =	vadd.s32 $0x7FFF, v34;
	v47 =	vmul.f32 v38, v47  }
0x39e: {  	v40 =	vadd.s32 $0x7FFF, v40;
	v32 =	vadd.s32 $0x7FFF, v32;
	v36 =	vadd.f32 v36, v46  }
0x39f: {  	v42 =	vand.u32 $0x1, v42;
	v45 =	vand.u32 $0x1, v45;
	v46 =	vsub.f32 $1.500000000e+00, v47  }
0x3a0: {  	v35 =	vand.u32 $0xFFFF0000, v35;
	v44 =	vand.u32 $0x1, v44;
	v36 =	vtrunc.f32 v36  }
0x3a1: {  	v31 =	vand.u32 $0xFFFF0000, v31;
	v36 =	vcvt.f32.s32 v36;
	v38 =	vmul.f32 v38, v46  }
0x3a2: {  	v32 =	vand.u32 $0xFFFF0000, v32;
	v33 =	vand.u32 $0xFFFF0000, v33;
	v34 =	vand.u32 $0xFFFF0000, v34  }
0x3a3: {  	v40 =	vand.u32 $0xFFFF0000, v40;
	v41 =	vadd.s32 v42, v41;
	v39 =	vmul.f32 v38, v39  }
0x3a4: {  	v35 =	vmul.f32 v35, v2;
	v42 =	vadd.s32 v44, v43;
	v37 =	vadd.s32 v45, v37  }
0x3a5: {  	v41 =	vadd.s32 $0x7FFF, v41;
	v31 =	vmul.f32 v31, v3;
	v39 =	vmul.f32 v39, v38  }
0x3a6: {  	v37 =	vadd.s32 $0x7FFF, v37;
	v33 =	vmul.f32 v33, v2;
	v34 =	vmul.f32 v34, v3  }
0x3a7: {  	v40 =	vmul.f32 v40, v3;
	v32 =	vmul.f32 v32, v2;
	v39 =	vsub.f32 $1.500000000e+00, v39;
	v43 =	vld.idx.msk [tilespmem:v36+s20+$0x0], $0xffff  }
0x3a8: {  	v42 =	vadd.s32 $0x7FFF, v42;
	v41 =	vand.u32 $0xFFFF0000, v41;
	v37 =	vand.u32 $0xFFFF0000, v37  }
0x3a9: {  	v44 =	vadd.f32 $1.258291200e+07, v35;
	v42 =	vand.u32 $0xFFFF0000, v42;
	v38 =	vmul.f32 v39, v38  }
0x3aa: {  	v45 =	vadd.f32 $1.258291200e+07, v33;
	v39 =	vmul.f32 v41, v1;
	v41 =	vadd.f32 $1.258291200e+07, v31  }
0x3ab: {  	v47 =	vadd.f32 $1.258291200e+07, v34;
	v46 =	vadd.f32 $1.258291200e+07, v32;
	v29 =	vmul.f32 v38, v29  }
0x3ac: {  	v37 =	vmul.f32 v37, v1;
	v38 =	vmul.f32 v42, v1;
	v42 =	vadd.f32 $1.258291200e+07, v40  }
0x3ad: {  	v44 =	vadd.f32 $-1.258291200e+07, v44;
	v41 =	vadd.f32 $-1.258291200e+07, v41;
	v43 =	vmul.f32 v29, v43  }
0x3ae: {  	v30 =	vmul.f32 $1.600000000e+01, v30;
	v45 =	vadd.f32 $-1.258291200e+07, v45;
	v47 =	vadd.f32 $-1.258291200e+07, v47  }
0x3af: {  	v28 =	vmul.f32 $1.600000000e+01, v28;
	v46 =	vadd.f32 $-1.258291200e+07, v46;
	v48 =	vsub.f32 $0.0e+00, v43  }
0x3b0: {  	v27 =	vmul.f32 $1.600000000e+01, v27;
	v49 =	vadd.f32 $1.258291200e+07, v39;
	v42 =	vadd.f32 $-1.258291200e+07, v42  }
0x3b1: {  	v51 =	vadd.f32 $1.258291200e+07, v37;
	v50 =	vadd.f32 $1.258291200e+07, v38;
	v48 =	vmul.f32 $1.442695020e+00, v48  }
0x3b2: {  	v35 =	vsub.f32 v35, v44;
	v31 =	vsub.f32 v31, v41;
	(erf) = vpow2.f32 v18  }
0x3b3: {  	v33 =	vsub.f32 v33, v45;
	v18 =	vmul.f32 $3.333333430e-01, v43;
	(erf) = vpow2.f32 v48  }
0x3b4: {  	v34 =	vsub.f32 v34, v47;
	v32 =	vsub.f32 v32, v46;
	v41 =	vshrl.u32 v35, $0x10  }
0x3b5: {  	v40 =	vsub.f32 v40, v42;
	v42 =	vshrl.u32 v31, $0x10;
	v18 =	vadd.f32 $1.000000000e+00, v18;
	v36 =	vld.idx.msk [tilespmem:v36+s19+$0x0], $0xffff  }
0x3b6: {  	v45 =	vadd.f32 $-1.258291200e+07, v51;
	v46 =	vshrl.u32 v33, $0x10;
	v44 =	vadd.f32 $-1.258291200e+07, v49  }
0x3b7: {  	v47 =	vadd.f32 $-1.258291200e+07, v50;
	v48 =	vshrl.u32 v34, $0x10;
	v18 =	vmul.f32 v18, v43  }
0x3b8: {  	v39 =	vsub.f32 v39, v44;
	v49 =	vshrl.u32 v40, $0x10;
	v43 =	vshrl.u32 v32, $0x10  }
0x3b9: {  	v37 =	vsub.f32 v37, v45;
	v41 =	vand.u32 $0x1, v41;
	v50 =	vadd.f32 $1.000000000e+00, v18  }
0x3ba: {  	v44 =	vand.u32 $0x1, v46;
	v42 =	vand.u32 $0x1, v42;
	v38 =	vsub.f32 v38, v47  }
0x3bb: {  	v45 =	vand.u32 $0x1, v48;
	v43 =	vand.u32 $0x1, v43;
	v36 =	vmul.f32 v50, v36;
	v18 =	vpop (erf)  }
0x3bc: {  	v35 =	vadd.s32 v41, v35;
	v31 =	vadd.s32 v42, v31;
	v46 =	vand.u32 $0x1, v49;
	v41 =	vpop (erf)  }
0x3bd: {  	v33 =	vadd.s32 v44, v33;
	v34 =	vadd.s32 v45, v34;
	v36 =	vmul.f32 v36, v41  }
0x3be: {  	vm5 =	vle.f32 v29, v7;
	v40 =	vadd.s32 v46, v40;
	v32 =	vadd.s32 v43, v32  }
0x3bf: {  	s1 =	sadd.s32 $0x40, s1;
	v29 =	vshrl.u32 v39, $0x10;
	v41 =	vshrl.u32 v37, $0x10;
	v36 =	vnsel vm5, $0x0, v36  }
0x3c0: {  	v35 =	vadd.s32 $0x7FFF, v35;
	v31 =	vadd.s32 $0x7FFF, v31;
	v42 =	vshrl.u32 v38, $0x10;
	[tilespmem:s1+$0x10] =	vst v36  }
0x3c1: {  	v33 =	vadd.s32 $0x7FFF, v33;
	v34 =	vadd.s32 $0x7FFF, v34;
	v32 =	vadd.s32 $0x7FFF, v32  }
0x3c2: {  	v29 =	vand.u32 $0x1, v29;
	v36 =	vadd.s32 $0x7FFF, v40;
	v40 =	vand.u32 $0x1, v41  }
0x3c3: {  	v35 =	vand.u32 $0xFFFF0000, v35;
	v31 =	vand.u32 $0xFFFF0000, v31;
	v41 =	vand.u32 $0x1, v42  }
0x3c4: {  	v33 =	vand.u32 $0xFFFF0000, v33;
	v34 =	vand.u32 $0xFFFF0000, v34;
	v32 =	vand.u32 $0xFFFF0000, v32  }
0x3c5: {  	v29 =	vadd.s32 v29, v39;
	v36 =	vand.u32 $0xFFFF0000, v36;
	v37 =	vadd.s32 v40, v37  }
0x3c6: {  	v35 =	vmul.f32 v35, v5;
	v31 =	vmul.f32 v31, v6;
	v38 =	vadd.s32 v41, v38  }
0x3c7: {  	v33 =	vmul.f32 v33, v5;
	v29 =	vadd.s32 $0x7FFF, v29;
	v34 =	vmul.f32 v34, v6  }
0x3c8: {  	v32 =	vmul.f32 v32, v5;
	v36 =	vmul.f32 v36, v6;
	v37 =	vadd.s32 $0x7FFF, v37  }
0x3c9: {  	v29 =	vand.u32 $0xFFFF0000, v29;
	v38 =	vadd.s32 $0x7FFF, v38;
	v37 =	vand.u32 $0xFFFF0000, v37  }
0x3ca: {  	v35 =	vmul.f32 v35, v35;
	v31 =	vmul.f32 v31, v31;
	v38 =	vand.u32 $0xFFFF0000, v38  }
0x3cb: {  	v26 =	vadd.f32 v26, v30;
	v30 =	vmul.f32 v33, v33;
	v33 =	vmul.f32 v34, v34  }
0x3cc: {  	v31 =	vadd.f32 v31, v35;
	v32 =	vmul.f32 v32, v32;
	v34 =	vmul.f32 v36, v36  }
0x3cd: {  	v29 =	vmul.f32 v29, v4;
	v30 =	vadd.f32 v33, v30;
	v35 =	vmul.f32 v37, v4  }
0x3ce: {  	v24 =	vadd.f32 v24, v28;
	v33 =	vmul.f32 v38, v4;
	v32 =	vadd.f32 v34, v32  }
0x3cf: {  	v27 =	vadd.f32 v25, v27;
	v25 =	vmul.f32 v29, v29;
	v28 =	vmul.f32 v35, v35  }
0x3d0: {  	v22 =	vadd.f32 $1.000000000e+00, v22;
	v29 =	vmul.f32 v33, v33;
	v33 =	vtrunc.f32 v26  }
0x3d1: {  	v26 =	vadd.f32 v31, v25;
	v25 =	vadd.f32 v30, v28;
	v28 =	vtrunc.f32 v24  }
0x3d2: {  	v27 =	vtrunc.f32 v27;
	v24 =	vadd.f32 v32, v29;
	v29 =	vcvt.f32.s32 v33  }
0x3d3: {  	v30 =	vshrl.u32 v26, $0x1;
	v31 =	vmul.f32 $5.000000000e-01, v26;
	v32 =	vshrl.u32 v25, $0x1  }
0x3d4: {  	v33 =	vshrl.u32 v24, $0x1;
	v34 =	vmul.f32 $5.000000000e-01, v24;
	v35 =	vmul.f32 $5.000000000e-01, v25  }
0x3d5: {  	v30 =	vsub.s32 $0x5F3759DF, v30;
	v33 =	vsub.s32 $0x5F3759DF, v33;
	v32 =	vsub.s32 $0x5F3759DF, v32  }
0x3d6: {  	v38 =	vadd.f32 $1.000000000e+00, v20;
	v36 =	vmul.f32 v30, v31;
	v37 =	vmul.f32 v32, v35  }
0x3d7: {  	v41 =	vadd.f32 $1.000000000e+00, v21;
	v40 =	vcvt.f32.s32 v28;
	v39 =	vmul.f32 v33, v34  }
0x3d8: {  	vm5 =	vle.f32 v17, v7;
	v21 =	vmul.f32 v30, v36;
	v28 =	vmul.f32 v32, v37;
	v20 =	vld.idx.msk [tilespmem:v29+s20+$0x0], $0xffff  }
0x3d9: {  	v16 =	vnsel vm4, $0x0, v16;
	v27 =	vcvt.f32.s32 v27;
	v36 =	vmul.f32 v33, v39;
	v17 =	vld.idx.msk [tilespmem:v29+s19+$0x0], $0xffff  }
0x3da: {  	v21 =	vsub.f32 $1.500000000e+00, v21;
	v28 =	vsub.f32 $1.500000000e+00, v28;
	(erf) = vpow2.f32 v19;
	[tilespmem:s31+$0xFFFFFFF0] =	vst v16  }
.Ltmp2:
0x3db: {  	v29 =	vmul.f32 v22, v14;
	v19 =	vsub.f32 $1.500000000e+00, v36;
	(erf) = vpow2.f32 v23;
	(pc) =	sbr.rel @p1 .LBB2_7-.Ltmp2, $4  }
0x3dc: {  	v22 =	vmul.f32 v30, v21;
	v21 =	vnsel vm3, $0x0, v15;
	v16 =	vmul.f32 v32, v28  }
0x3dd: {  	v30 =	vmul.f32 v38, v12;
	v15 =	vadd.f32 $1.000000000e+00, v29;
	v14 =	vmul.f32 v33, v19;
	v19 =	vld.idx.msk [tilespmem:v40+s20+$0x0], $0xffff;
	[tilespmem:s31+$0x0] =	vst v21  }
0x3de: {  	v28 =	vmul.f32 v22, v31;
	v31 =	vnsel vm2, $0x0, v13;
	v29 =	vmul.f32 v16, v35;
	v12 =	vld.idx.msk [tilespmem:v40+s19+$0x0], $0xffff  }
0x3df: {  	s12 =	sadd.s32 $0x40, s12;
	v11 =	vmul.f32 v41, v11;
	v13 =	vadd.f32 $1.000000000e+00, v30;
	v23 =	vmul.f32 v14, v34;
	v21 =	vld.idx.msk [tilespmem:v27+s20+$0x0], $0xffff;
	[tilespmem:s31+$0xFFFFFFE0] =	vst v31;
	s31 =	smov.u32 s0;
	s0 =	smov.u32 s1  }
0x3e0: {  	v28 =	vmul.f32 v28, v22  }
0x3e1: {  	v29 =	vmul.f32 v29, v16  }
0x3e2: {  	v23 =	vmul.f32 v23, v14;
	v28 =	vsub.f32 $1.500000000e+00, v28  }
0x3e3: {  	v29 =	vsub.f32 $1.500000000e+00, v29  }
0x3e4: {  	v23 =	vsub.f32 $1.500000000e+00, v23;
	v40 =	vmul.f32 v28, v22  }
0x3e5: {  	v41 =	vmul.f32 v29, v16  }
0x3e6: {  	v42 =	vmul.f32 v23, v14;
	v22 =	vmul.f32 v40, v26  }
0x3e7: {  	v16 =	vmul.f32 v41, v25  }
0x3e8: {  	v14 =	vmul.f32 v42, v24;
	v20 =	vmul.f32 v22, v20  }
0x3e9: {  	v19 =	vmul.f32 v16, v19  }
0x3ea: {  	v21 =	vmul.f32 v14, v21;
	v43 =	vsub.f32 $0.0e+00, v20  }
0x3eb: {  	v44 =	vsub.f32 $0.0e+00, v19  }
0x3ec: {  	v9 =	vmul.f32 v15, v9;
	v46 =	vsub.f32 $0.0e+00, v21;
	v45 =	vmul.f32 $1.442695020e+00, v43  }
0x3ed: {  	v47 =	vmul.f32 $3.333333430e-01, v20;
	v15 =	vmul.f32 $1.442695020e+00, v44  }
0x3ee: {  	vm1 =	vmmov vm1;
	v23 =	vmul.f32 $1.442695020e+00, v46;
	(erf) = vpow2.f32 v45  }
0x3ef: {  	vm0 =	vmmov vm0;
	v48 =	vmul.f32 $3.333333430e-01, v19;
	(erf) = vpow2.f32 v15  }
0x3f0: {  	v49 =	vmul.f32 $3.333333430e-01, v21;
	v24 =	vadd.f32 $1.000000000e+00, v47;
	(erf) = vpow2.f32 v23  }
0x3f1: {  	v10 =	vmul.f32 v13, v10;
	v11 =	vadd.f32 $1.000000000e+00, v11;
	v50 =	vadd.f32 $1.000000000e+00, v48  }
0x3f2: {  	v9 =	vmul.f32 v9, v18;
	v51 =	vadd.f32 $1.000000000e+00, v49;
	v52 =	vmul.f32 v24, v20  }
0x3f3: {  	v53 =	vld.idx.msk [tilespmem:v27+s19+$0x0], $0xffff;
	vm2 =	vmmov vm5;
	v8 =	vmul.f32 v11, v8;
	v54 =	vpop (erf);
	v11 =	vmul.f32 v50, v19  }
0x3f4: {  	v55 =	vpop (erf);
	v10 =	vmul.f32 v10, v54;
	v13 =	vmul.f32 v51, v21;
	v15 =	vadd.f32 $1.000000000e+00, v52  }
0x3f5: {  	v9 =	vnsel vm1, $0x0, v9;
	v8 =	vmul.f32 v8, v55;
	v11 =	vadd.f32 $1.000000000e+00, v11  }
0x3f6: {  	v57 =	vnsel vm0, $0x0, v10;
	v13 =	vadd.f32 $1.000000000e+00, v13;
	v15 =	vmul.f32 v15, v17  }
0x3f7: {  	v8 =	vnsel vm2, $0x0, v8;
	vm3 =	vle.f32 v22, v7;
	v11 =	vmul.f32 v11, v12;
	v56 =	vpop (erf)  }
0x3f8: {  	s29 =	sadd.s32 $0x1, s29;
	[tilespmem:s31+$0xFFFFFFF0] =	vst v9;
	vm4 =	vle.f32 v16, v7;
	v59 =	vmul.f32 v13, v53;
	v58 =	vpop (erf);
	v60 =	vmul.f32 v15, v56  }
0x3f9: {  	p1 =	sne.s32 s29, $0x31;
	[tilespmem:s31+$0x0] =	vst v57;
	vm12 =	vle.f32 v14, v7;
	vm13 =	vmmov vm3;
	v61 =	vpop (erf);
	v10 =	vmul.f32 v11, v58  }
.Ltmp3:
0x3fa: {  	[tilespmem:s31+$0xFFFFFFE0] =	vst v8;
	vm14 =	vmmov vm4;
	v8 =	vmul.f32 v59, v61;
	v62 =	vnsel vm13, $0x0, v60;
	(pc) =	sbr.rel @p1 .LBB2_2-.Ltmp3, $4  }
0x3fb: {  	s1 =	sadd.s32 s30, s14;
	vm15 =	vmmov vm12;
	[tilespmem:s0+$0xFFFFFFF0] =	vst v62;
	v63 =	vnsel vm14, $0x0, v10  }
0x3fc: {  	s1 =	sshrl.u32 s1, $0x3;
	[tilespmem:s0+$0x0] =	vst v63;
	v8 =	vnsel vm15, $0x0, v8  }
0x3fd: {  	s31 =	sadd.s32 s8, s1;
	[tilespmem:s0+$0xFFFFFFE0] =	vst v8  }
0x3fe: {  	[hbm4b:s31+s3] =	stream.linear.scatter [tilespmem:s28], [sflag:$0x8], $0x800, $0x38;
	[tilespmem:$0x1F5D0] =	vst v63  }
0x3ff: {  	s0 =	simm.s32 $0x7  }
0x400: {  	_ =	swait.ge [sflag:s0], $0x800  }
0x401: {  	[sflag:s0] =	ssyncset.done $0x0  }
0x402: {  	s1 =	simm.s32 $0x8;
	[sflag:s0] =	ssyncadd.s32 $0xFFFFF800  }
0x403: {  	_ =	swait.ge [sflag:s1], $0x800  }
0x404: {  	s11 =	rddreg [dreg:$0xd]  }
0x405: {  	s31 =	rddreg [dreg:$0xb];
	s11 =	sadd.s32 $0x1, s11  }
0x406: {  	p1 =	sne.s32 s11, s31  }
.Ltmp4:
0x407: {  	_ = 	snop;
	(pc) =	sbr.rel @p1 .LBB2_1-.Ltmp4, $3  }
0x408: {  	_ =	sdelay $0x1  }
0x409: {  	[sflag:s1] =	ssyncset.done $0x0  }
0x40a: {  	[sflag:s1] =	ssyncadd.s32 $0xFFFFF800  }
0x40b: {  	_ =	sfence.sel $0x180000  }
0x40c: {  	[bflag:$0x0] =	sbarrier.arrive $0xFFFF  }
0x40d: {  	_ =	strace $0x90000047  }
0x40e: {  	[bflag:$0x2] =	sbarrier.arrive $0xFFFF  }
0x40f: {  	s0 =	rddreg [dreg:$0x3]  }
0x410: {  	s0 =	sadd.s32 @!p0 $0x100000, s0  }
0x411: {  	[sflag:s0] =	ssyncadd.tile.s32 @!p0 $0x1;
	_ =	shalt  }
.Lfunc_end2:
_tile_overlayer_lowered:
.L_overlay_start_2:
0x412: {  	(tag) =	ssettag $0x2  }
0x413: {  	s0 =	rddreg [dreg:$0x0];
	s2 =	stileid.u32  }
0x414: {  	s1 =	rddreg [dreg:$0x1];
	p0 =	sne.s32 s2, $0x0  }
0x415: {  	s3 =	rddreg [dreg:$0x2];
	[bflag:$0x3] =	sbarrier.arrive $0xFFFF;
	s2 =	simm.s32 @!p0 $0x1C09  }
0x416: {  	[timem:s3], [sflag:s2] =	dma.local @!p0 [hbm:s0], s1  }
0x417: {  	s0 =	simm.s32 @!p0 $0x9  }
0x418: {  	_ =	swait.ge @!p0 [sflag:s0], s1  }
0x419: {  	s1 =	ssub.s32 @!p0 $0x0, s1;
	[sflag:s0] =	ssyncset.done @!p0 $0x0  }
0x41a: {  	[sflag:s0] =	ssyncadd.s32 @!p0 s1  }
0x41b: {  	[bflag:$0x3] =	sbarrier.arrive $0xFFFF  }
0x41c: {  	_ =	shalt  }

</sc_bundles>
